<compile_context>
chip_gen: v7x
topology: tpu7x:2x2x1
jax: 0.10.2.dev20260603
libtpu: 0.0.44.dev20260713+nightly
codegen_flags: <defaults>
</compile_context>

<pallas_src>
import jax
import jax.numpy as jnp
from jax import lax
from jax.experimental import pallas as pl
from jax.experimental.pallas import tpu as pltpu
from jax.experimental.pallas import tpu_sc as plsc

N = 100000
E = 1600000
D = 16
H = 32

NSUB = 16
NCORE = 2
NW = NSUB * NCORE
NPAD = 100096
RPS = NPAD // NSUB
WROWS = NPAD // 8
WPS = RPS // 8
EROWS = E // 128
K = 5
F = 78
ZR = RPS // NSUB
CB = 352
WCH = 368


def _worker_rows(wid):
    r0 = 390 * wid + jnp.minimum(wid, 20)
    cnt = jnp.where(wid < 20, 391, 390)
    return r0, cnt


def _sc_agg_body(table, edge3, out_acc,
                 acc_sh, idx_sa, idx_da, idx_sb, idx_db,
                 rows_a, rows_b, wbuf, sg, ss, si):
    c = lax.axis_index("c")
    s = lax.axis_index("s")
    wid = s * NCORE + c

    def _zfill(i, carry):
        rows_a[i, :] = jnp.zeros((16,), jnp.float32)
        return carry
    lax.fori_loop(0, K * 128, _zfill, 0)
    base = s * RPS
    def _zcopy(k, carry):
        pltpu.sync_copy(rows_a, acc_sh.at[pl.ds(base + k * K * 128, K * 128)])
        return carry
    lax.fori_loop(0, RPS // (K * 128), _zcopy, 0)
    zt = (RPS // (K * 128)) * K * 128
    pltpu.sync_copy(rows_a.at[pl.ds(0, RPS - zt)],
                    acc_sh.at[pl.ds(base + zt, RPS - zt)])
    plsc.subcore_barrier()

    r0, cnt = _worker_rows(wid)

    def _idx(i, idx_s, idx_d):
        rb = r0 + i * K
        pltpu.async_copy(edge3.at[0].at[pl.ds(rb, K)], idx_s, si)
        pltpu.async_copy(edge3.at[1].at[pl.ds(rb, K)], idx_d, si)

    def _gath(idx_s, rows):
        for j in range(K):
            pltpu.async_copy(table.at[idx_s.at[j]],
                             rows.at[pl.ds(j * 128, 128)], sg)

    def _fire(i, idx_s, idx_d, rows):
        rb = r0 + i * K
        pltpu.sync_copy(edge3.at[0].at[pl.ds(rb, K)], idx_s)
        pltpu.sync_copy(edge3.at[1].at[pl.ds(rb, K)], idx_d)
        _gath(idx_s, rows)

    def _drain(sem, nstreams):
        if sem is si:
            for j in range(nstreams):
                pltpu.make_async_copy(edge3.at[0].at[pl.ds(0, K)],
                                      idx_sa, sem).wait()
        else:
            for j in range(nstreams):
                pltpu.make_async_copy(table.at[pl.ds(0, 128)],
                                      rows_a.at[pl.ds(0, 128)], sem).wait()

    def _scat(idx_d, rows):
        for j in range(K):
            pltpu.async_copy(rows.at[pl.ds(j * 128, 128)],
                             acc_sh.at[idx_d.at[j]], ss, add=True)

    _fire(0, idx_sa, idx_da, rows_a)
    def _pair(t, carry):
        @pl.when(t > 0)
        def _():
            _drain(ss, K)
        _idx(2 * t + 1, idx_sb, idx_db)
        _drain(sg, K)
        _scat(idx_da, rows_a)
        _drain(si, 2)
        _gath(idx_sb, rows_b)
        _drain(ss, K)
        @pl.when(t < F // 2 - 1)
        def _():
            _idx(2 * t + 2, idx_sa, idx_da)
        _drain(sg, K)
        _scat(idx_db, rows_b)
        @pl.when(t < F // 2 - 1)
        def _():
            _drain(si, 2)
            _gath(idx_sa, rows_a)
        return carry
    lax.fori_loop(0, F // 2, _pair, 0)
    _drain(ss, K)

    def _tail(t, carry):
        r = r0 + t
        pltpu.sync_copy(edge3.at[0].at[pl.ds(r, 1)], idx_sa.at[pl.ds(0, 1)])
        pltpu.sync_copy(edge3.at[1].at[pl.ds(r, 1)], idx_da.at[pl.ds(0, 1)])
        pltpu.async_copy(table.at[idx_sa.at[0]],
                         rows_a.at[pl.ds(0, 128)], sg).wait()
        pltpu.sync_copy(rows_a.at[pl.ds(0, 128)],
                        acc_sh.at[idx_da.at[0]], add=True)
        return carry
    lax.fori_loop(K * F, cnt, _tail, 0)
    plsc.subcore_barrier()

    def _wb(h, carry):
        pltpu.sync_copy(acc_sh.at[pl.ds(base + h * WCH, WCH)],
                        rows_a.at[pl.ds(0, WCH)])
        def _rep(w, carry2):
            for n in range(8):
                wbuf[w, pl.ds(16 * n, 16)] = rows_a[8 * w + n, :]
            return carry2
        lax.fori_loop(0, WCH // 8, _rep, 0)
        pltpu.sync_copy(wbuf,
                        out_acc.at[c].at[pl.ds(s * WPS + h * (WCH // 8),
                                               WCH // 8)])
        return carry
    lax.fori_loop(0, RPS // WCH, _wb, 0)


def _sc_deg_body(edge3, out_degw, deg_sh, idx_a, idx_b, ones_v, z1,
                 dtile, dbuf, ss, si):
    c = lax.axis_index("c")
    s = lax.axis_index("s")
    wid = s * NCORE + c

    def _zfill(i, carry):
        z1[pl.ds(i * 16, 16)] = jnp.zeros((16,), jnp.float32)
        return carry
    lax.fori_loop(0, ZR, _zfill, 0)
    base = s * RPS
    pltpu.sync_copy(z1, deg_sh.at[pl.ds(base, RPS)])
    for k in range(8):
        ones_v[pl.ds(k * 16, 16)] = jnp.ones((16,), jnp.float32)
    plsc.subcore_barrier()

    r0, cnt = _worker_rows(wid)

    def _load(i, idx):
        pltpu.sync_copy(edge3.at[1].at[pl.ds(r0 + i * K, K)], idx)

    def _loada(i, idx):
        pltpu.async_copy(edge3.at[1].at[pl.ds(r0 + i * K, K)], idx, si)

    def _scat(idx):
        for j in range(K):
            pltpu.async_copy(ones_v, deg_sh.at[idx.at[j]], ss, add=True)

    def _drain(n):
        for j in range(n):
            pltpu.make_async_copy(out_degw.at[c].at[0],
                                  ones_v, ss).wait()

    def _drain_si(n):
        for j in range(n):
            pltpu.make_async_copy(edge3.at[1].at[pl.ds(0, K)],
                                  idx_a, si).wait()

    _load(0, idx_a)
    def _pair(t, carry):
        @pl.when(t > 0)
        def _():
            _drain_si(1)
        _scat(idx_a)
        @pl.when(t > 0)
        def _():
            _drain(K)
        _loada(2 * t + 1, idx_b)
        _drain(K)
        _drain_si(1)
        _scat(idx_b)
        @pl.when(t < F // 2 - 1)
        def _():
            _loada(2 * t + 2, idx_a)
        return carry
    lax.fori_loop(0, F // 2, _pair, 0)
    _drain(K)

    def _tail(t, carry):
        pltpu.sync_copy(edge3.at[1].at[pl.ds(r0 + t, 1)],
                        idx_a.at[pl.ds(0, 1)])
        pltpu.sync_copy(ones_v, deg_sh.at[idx_a.at[0]], add=True)
        return carry
    lax.fori_loop(K * F, cnt, _tail, 0)
    plsc.subcore_barrier()

    pltpu.sync_copy(deg_sh.at[pl.ds(base, RPS)], dtile)

    def _fill(roff, ng):
        def _g(g, carry2):
            v = dtile[pl.ds(roff + g * 16, 16)]
            for n in range(8):
                dbuf[2 * g, pl.ds(16 * n, 16)] = jnp.full((16,), v[n],
                                                          jnp.float32)
            for n in range(8):
                dbuf[2 * g + 1, pl.ds(16 * n, 16)] = jnp.full(
                    (16,), v[8 + n], jnp.float32)
            return carry2
        lax.fori_loop(0, ng, _g, 0)

    def _bq(q, carry):
        _fill(q * CB, CB // 16)
        pltpu.sync_copy(dbuf, out_degw.at[c].at[pl.ds(s * WPS + q * (CB // 8),
                                                      CB // 8)])
        return carry
    lax.fori_loop(0, 17, _bq, 0)
    tb = 17 * CB
    _fill(tb, (RPS - tb) // 16)
    pltpu.sync_copy(dbuf.at[pl.ds(0, (RPS - tb) // 8)],
                    out_degw.at[c].at[pl.ds(s * WPS + tb // 8,
                                            (RPS - tb) // 8)])


_MESH = plsc.VectorSubcoreMesh(core_axis_name="c", subcore_axis_name="s")
_SC_PARAMS = pltpu.CompilerParams(use_tc_tiling_on_sc=False)

_agg = pl.kernel(
    _sc_agg_body,
    compiler_params=_SC_PARAMS,
    out_type=jax.ShapeDtypeStruct((NCORE, WROWS, 128), jnp.float32),
    mesh=_MESH,
    scratch_types=[
        pltpu.VMEM_SHARED((NPAD, D), jnp.float32),
        pltpu.VMEM((K, 128), jnp.int32),
        pltpu.VMEM((K, 128), jnp.int32),
        pltpu.VMEM((K, 128), jnp.int32),
        pltpu.VMEM((K, 128), jnp.int32),
        pltpu.VMEM((K * 128, D), jnp.float32),
        pltpu.VMEM((K * 128, D), jnp.float32),
        pltpu.VMEM((WCH // 8, 128), jnp.float32),
        pltpu.SemaphoreType.DMA,
        pltpu.SemaphoreType.DMA,
        pltpu.SemaphoreType.DMA,
    ],
)

_deg_count = pl.kernel(
    _sc_deg_body,
    compiler_params=_SC_PARAMS,
    out_type=jax.ShapeDtypeStruct((NCORE, WROWS, 128), jnp.float32),
    mesh=_MESH,
    scratch_types=[
        pltpu.VMEM_SHARED((NPAD,), jnp.float32),
        pltpu.VMEM((K, 128), jnp.int32),
        pltpu.VMEM((K, 128), jnp.int32),
        pltpu.VMEM((128,), jnp.float32),
        pltpu.VMEM((RPS,), jnp.float32),
        pltpu.VMEM((RPS,), jnp.float32),
        pltpu.VMEM((CB // 8, 128), jnp.float32),
        pltpu.SemaphoreType.DMA,
        pltpu.SemaphoreType.DMA,
    ],
)

RB = 3128
G = WROWS // RB


def _dense1_body(p_ref, degw_ref, x_ref, w1l_ref, b1_ref, w1r_ref,
                 w2l_ref, w2r_ref, b2_ref, g_ref, r_ref):
    p = p_ref[0] + p_ref[1]
    d = degw_ref[0] + degw_ref[1]
    mean = p / jnp.clip(d, 1.0)
    h = jnp.maximum(
        mean @ w1l_ref[...] + b1_ref[...] + x_ref[...] @ w1r_ref[...], 0.0)
    g_ref[...] = h @ w2l_ref[...]
    r_ref[...] = h @ w2r_ref[...] + b2_ref[...]


_dense1 = pl.pallas_call(
    _dense1_body,
    grid=(G,),
    in_specs=[
        pl.BlockSpec((NCORE, RB, 128), lambda i: (0, i, 0)),
        pl.BlockSpec((NCORE, RB, 128), lambda i: (0, i, 0)),
        pl.BlockSpec((RB, 128), lambda i: (i, 0)),
        pl.BlockSpec((128, 8 * H), lambda i: (0, 0)),
        pl.BlockSpec((1, 8 * H), lambda i: (0, 0)),
        pl.BlockSpec((128, 8 * H), lambda i: (0, 0)),
        pl.BlockSpec((8 * H, 128), lambda i: (0, 0)),
        pl.BlockSpec((8 * H, 128), lambda i: (0, 0)),
        pl.BlockSpec((1, 128), lambda i: (0, 0)),
    ],
    out_specs=[
        pl.BlockSpec((RB, 128), lambda i: (i, 0)),
        pl.BlockSpec((RB, 128), lambda i: (i, 0)),
    ],
    out_shape=[
        jax.ShapeDtypeStruct((WROWS, 128), jnp.float32),
        jax.ShapeDtypeStruct((WROWS, 128), jnp.float32),
    ],
)


def _dense2_body(p_ref, degw_ref, r_ref, o_ref):
    p = p_ref[0] + p_ref[1]
    d = degw_ref[0] + degw_ref[1]
    o_ref[...] = p / jnp.clip(d, 1.0) + r_ref[...]


_dense2 = pl.pallas_call(
    _dense2_body,
    grid=(G,),
    in_specs=[
        pl.BlockSpec((NCORE, RB, 128), lambda i: (0, i, 0)),
        pl.BlockSpec((NCORE, RB, 128), lambda i: (0, i, 0)),
        pl.BlockSpec((RB, 128), lambda i: (i, 0)),
    ],
    out_specs=pl.BlockSpec((RB, 128), lambda i: (i, 0)),
    out_shape=jax.ShapeDtypeStruct((WROWS, 128), jnp.float32),
)


def kernel(x, edge_index, W1_l, b1_l, W1_r, W2_l, b2_l, W2_r):
    f32 = jnp.float32
    edge3 = edge_index.reshape(2, EROWS, 128)
    xw = jnp.pad(x.reshape(E // 128, 128), ((0, WROWS - E // 128), (0, 0)))

    eye8 = jnp.eye(8, dtype=f32)
    w1l_w = jnp.kron(eye8, W1_l)
    w1r_w = jnp.kron(eye8, W1_r)
    w2l_w = jnp.kron(eye8, W2_l)
    w2r_w = jnp.kron(eye8, W2_r)
    b1_w = jnp.tile(b1_l, 8).reshape(1, 8 * H)
    b2_w = jnp.tile(b2_l, 8).reshape(1, 128)

    p1 = _agg(x, edge3)
    degw = _deg_count(edge3)
    gw, rw = _dense1(p1, degw, xw, w1l_w, b1_w, w1r_w, w2l_w, w2r_w, b2_w)
    p2 = _agg(gw.reshape(NPAD, D), edge3)
    outw = _dense2(p2, degw, rw)
    return outw[:E // 128].reshape(N, D)

# --- scband reference (transcript-rebuilt; emitter-appended) ---
"""Pipeline reference for scband-gnnmodel-12558484373523 (READ-ONLY COPY).

The authoritative reference and input builder live on the scoring server;
editing this copy changes nothing except your own understanding.
"""

import jax, jax.numpy as jnp
import numpy as np

N = 100000
E = 1600000
D_IN = 16
D_HID = 32
D_OUT = 16


def setup_inputs(seed: int = 0) -> dict:
    key = jax.random.key(seed)
    ks = jax.random.split(key, 9)
    x = jax.random.normal(ks[0], (N, D_IN), dtype=jnp.float32)
    edge_index = jax.random.randint(ks[1], (2, E), 0, N, dtype=jnp.int32)
    # SAGEConv params: lin_l (neighbor aggregate, with bias), lin_r (root, no bias)
    s1 = 1.0 / np.sqrt(D_IN)
    s2 = 1.0 / np.sqrt(D_HID)
    W1_l = jax.random.uniform(ks[2], (D_IN, D_HID), jnp.float32, -s1, s1)
    b1_l = jax.random.uniform(ks[3], (D_HID,), jnp.float32, -s1, s1)
    W1_r = jax.random.uniform(ks[4], (D_IN, D_HID), jnp.float32, -s1, s1)
    W2_l = jax.random.uniform(ks[5], (D_HID, D_OUT), jnp.float32, -s2, s2)
    b2_l = jax.random.uniform(ks[6], (D_OUT,), jnp.float32, -s2, s2)
    W2_r = jax.random.uniform(ks[7], (D_HID, D_OUT), jnp.float32, -s2, s2)
    return {
        "x": x,
        "edge_index": edge_index,
        "W1_l": W1_l,
        "b1_l": b1_l,
        "W1_r": W1_r,
        "W2_l": W2_l,
        "b2_l": b2_l,
        "W2_r": W2_r,
    }


def _sage_conv(x, edge_index, W_l, b_l, W_r, num_nodes):
    # PyG SAGEConv with default mean aggregation:
    # out = lin_l(mean_{j in N(i)} x_j) + lin_r(x_i)
    src = edge_index[0]
    dst = edge_index[1]
    msgs = x[src]
    agg = jax.ops.segment_sum(msgs, dst, num_segments=num_nodes)
    deg = jax.ops.segment_sum(
        jnp.ones((edge_index.shape[1],), dtype=x.dtype), dst, num_segments=num_nodes
    )
    mean = agg / jnp.clip(deg, 1.0)[:, None]
    return mean @ W_l + b_l + x @ W_r


def reference(x, edge_index, W1_l, b1_l, W1_r, W2_l, b2_l, W2_r):
    n = x.shape[0]
    h = _sage_conv(x, edge_index, W1_l, b1_l, W1_r, n)
    h = jax.nn.relu(h)
    out = _sage_conv(h, edge_index, W2_l, b2_l, W2_r, n)
    return out

if __name__ == "__main__":
    import jax
    _d = setup_inputs()
    print(jax.jit(kernel)(*tuple(_d.values())))

</pallas_src>

<mosaic_0001>
#map = affine_map<(d0, d1) -> (0, 0, 0)>
module attributes {stable_mosaic.version = 14 : i64} {
  func.func @_sc_deg_body(%arg0: i32, %arg1: i32, %arg2: memref<2x12500x128xi32, #tpu.memory_space<hbm>>, %arg3: memref<2x12512x128xf32, #tpu.memory_space<hbm>>, %arg4: memref<100096xf32, #tpu.memory_space<vmem_shared>>, %arg5: memref<5x128xi32, #tpu.memory_space<vmem>>, %arg6: memref<5x128xi32, #tpu.memory_space<vmem>>, %arg7: memref<128xf32, #tpu.memory_space<vmem>>, %arg8: memref<6256xf32, #tpu.memory_space<vmem>>, %arg9: memref<6256xf32, #tpu.memory_space<vmem>>, %arg10: memref<44x128xf32, #tpu.memory_space<vmem>>, %arg11: memref<!tpu.dma_semaphore, #tpu.memory_space<semaphore_mem>>, %arg12: memref<!tpu.dma_semaphore, #tpu.memory_space<semaphore_mem>>) attributes {dimension_semantics = [#tpu.dimension_semantics<core_parallel>, #tpu.dimension_semantics<subcore_parallel>], iteration_bounds = array<i64: 2, 16>, scalar_prefetch = 0 : i64, scratch_operands = 9 : i64, tpu.core_type = #tpu.core_type<sc_vector_subcore>, window_params = [{transform_indices = #map}, {transform_indices = #map}]} {
    %mul3A = arith.constant 2 : i32
    %mul3A_0 = arith.muli %arg1, %mul3A : i32
    %add3A = arith.addi %mul3A_0, %arg0 : i32
    %scan3A = arith.constant 0 : i32
    %scan3A_1 = arith.constant 0 : i32
    %scan3A_2 = arith.constant 391 : i32
    %scan3A_3 = arith.addi %scan3A_1, %scan3A_2 : i32
    %scan3A_4 = arith.constant 1 : i32
    scf.for %scan3A_168 = %scan3A_1 to %scan3A_3 step %scan3A_4  : i32 {
      %broadcast_in_dim3A_169 = arith.constant 0.000000e+00 : f32
      %broadcast_in_dim3A_170 = vector.broadcast %broadcast_in_dim3A_169 : f32 to vector<16xf32>
      %mul3A_171 = arith.constant 16 : i32
      %mul3A_172 = arith.muli %scan3A_168, %mul3A_171 : i32
      %swap3A_173 = arith.index_cast %mul3A_172 : i32 to index
      %swap3A_174 = tpu.vector_load %arg8[%swap3A_173] {strides = array<i32>} : memref<6256xf32, #tpu.memory_space<vmem>>, vector<16xf32>,
      %swap3A_175 = vector.shape_cast %swap3A_174 : vector<16xf32> to vector<16xf32>
      %swap3A_176 = vector.shape_cast %broadcast_in_dim3A_170 : vector<16xf32> to vector<16xf32>
      tpu.vector_store %arg8[%swap3A_173], %swap3A_176 {strides = array<i32>} : memref<6256xf32, #tpu.memory_space<vmem>>, vector<16xf32>,
    }
    %scan3A_5 = arith.constant 391 : i32
    %mul3A_6 = arith.constant 6256 : i32
    %mul3A_7 = arith.muli %arg1, %mul3A_6 : i32
    "tpu.region"() ({
      %run_scoped3A_168 = tpu.sem_alloc : memref<!tpu.dma_semaphore, #tpu.memory_space<semaphore_mem>>
      %dma_start3A = tpu.memref_slice %arg4[%mul3A_7] : memref<100096xf32, #tpu.memory_space<vmem_shared>> -> memref<6256xf32, #tpu.memory_space<vmem_shared>>
      %dma_start3A_169 = tpu.memref_slice %arg4[%mul3A_7] : memref<100096xf32, #tpu.memory_space<vmem_shared>> -> memref<6256xf32, #tpu.memory_space<vmem_shared>>
      tpu.enqueue_dma source(%arg8 : memref<6256xf32, #tpu.memory_space<vmem>>) target(%dma_start3A_169 : memref<6256xf32, #tpu.memory_space<vmem_shared>>) target_semaphore(%run_scoped3A_168 : memref<!tpu.dma_semaphore, #tpu.memory_space<semaphore_mem>>)
      %dma_wait3A_170 = tpu.memref_slice %arg4[%mul3A_7] : memref<100096xf32, #tpu.memory_space<vmem_shared>> -> memref<6256xf32, #tpu.memory_space<vmem_shared>>
      %dma_wait3A_171 = tpu.memref_slice %arg4[%mul3A_7] : memref<100096xf32, #tpu.memory_space<vmem_shared>> -> memref<6256xf32, #tpu.memory_space<vmem_shared>>
      tpu.wait_dma2 semaphore(%run_scoped3A_168 : memref<!tpu.dma_semaphore, #tpu.memory_space<semaphore_mem>>) src(%arg8 : memref<6256xf32, #tpu.memory_space<vmem>>) dst(%dma_wait3A_171 : memref<6256xf32, #tpu.memory_space<vmem_shared>>)
      tpu.yield
    }) : () -> ()
    %broadcast_in_dim3A = arith.constant 1.000000e+00 : f32
    %broadcast_in_dim3A_8 = vector.broadcast %broadcast_in_dim3A : f32 to vector<16xf32>
    %swap3A = arith.constant 0 : index
    %swap3A_9 = tpu.vector_load %arg7[%swap3A] {strides = array<i32>} : memref<128xf32, #tpu.memory_space<vmem>>, vector<16xf32>,
    %swap3A_10 = vector.shape_cast %swap3A_9 : vector<16xf32> to vector<16xf32>
    %swap3A_11 = vector.shape_cast %broadcast_in_dim3A_8 : vector<16xf32> to vector<16xf32>
    tpu.vector_store %arg7[%swap3A], %swap3A_11 {strides = array<i32>} : memref<128xf32, #tpu.memory_space<vmem>>, vector<16xf32>,
    %broadcast_in_dim3A_12 = arith.constant 1.000000e+00 : f32
    %broadcast_in_dim3A_13 = vector.broadcast %broadcast_in_dim3A_12 : f32 to vector<16xf32>
    %swap3A_14 = arith.constant 16 : index
    %swap3A_15 = tpu.vector_load %arg7[%swap3A_14] {strides = array<i32>} : memref<128xf32, #tpu.memory_space<vmem>>, vector<16xf32>,
    %swap3A_16 = vector.shape_cast %swap3A_15 : vector<16xf32> to vector<16xf32>
    %swap3A_17 = vector.shape_cast %broadcast_in_dim3A_13 : vector<16xf32> to vector<16xf32>
    tpu.vector_store %arg7[%swap3A_14], %swap3A_17 {strides = array<i32>} : memref<128xf32, #tpu.memory_space<vmem>>, vector<16xf32>,
    %broadcast_in_dim3A_18 = arith.constant 1.000000e+00 : f32
    %broadcast_in_dim3A_19 = vector.broadcast %broadcast_in_dim3A_18 : f32 to vector<16xf32>
    %swap3A_20 = arith.constant 32 : index
    %swap3A_21 = tpu.vector_load %arg7[%swap3A_20] {strides = array<i32>} : memref<128xf32, #tpu.memory_space<vmem>>, vector<16xf32>,
    %swap3A_22 = vector.shape_cast %swap3A_21 : vector<16xf32> to vector<16xf32>
    %swap3A_23 = vector.shape_cast %broadcast_in_dim3A_19 : vector<16xf32> to vector<16xf32>
    tpu.vector_store %arg7[%swap3A_20], %swap3A_23 {strides = array<i32>} : memref<128xf32, #tpu.memory_space<vmem>>, vector<16xf32>,
    %broadcast_in_dim3A_24 = arith.constant 1.000000e+00 : f32
    %broadcast_in_dim3A_25 = vector.broadcast %broadcast_in_dim3A_24 : f32 to vector<16xf32>
    %swap3A_26 = arith.constant 48 : index
    %swap3A_27 = tpu.vector_load %arg7[%swap3A_26] {strides = array<i32>} : memref<128xf32, #tpu.memory_space<vmem>>, vector<16xf32>,
    %swap3A_28 = vector.shape_cast %swap3A_27 : vector<16xf32> to vector<16xf32>
    %swap3A_29 = vector.shape_cast %broadcast_in_dim3A_25 : vector<16xf32> to vector<16xf32>
    tpu.vector_store %arg7[%swap3A_26], %swap3A_29 {strides = array<i32>} : memref<128xf32, #tpu.memory_space<vmem>>, vector<16xf32>,
    %broadcast_in_dim3A_30 = arith.constant 1.000000e+00 : f32
    %broadcast_in_dim3A_31 = vector.broadcast %broadcast_in_dim3A_30 : f32 to vector<16xf32>
    %swap3A_32 = arith.constant 64 : index
    %swap3A_33 = tpu.vector_load %arg7[%swap3A_32] {strides = array<i32>} : memref<128xf32, #tpu.memory_space<vmem>>, vector<16xf32>,
    %swap3A_34 = vector.shape_cast %swap3A_33 : vector<16xf32> to vector<16xf32>
    %swap3A_35 = vector.shape_cast %broadcast_in_dim3A_31 : vector<16xf32> to vector<16xf32>
    tpu.vector_store %arg7[%swap3A_32], %swap3A_35 {strides = array<i32>} : memref<128xf32, #tpu.memory_space<vmem>>, vector<16xf32>,
    %broadcast_in_dim3A_36 = arith.constant 1.000000e+00 : f32
    %broadcast_in_dim3A_37 = vector.broadcast %broadcast_in_dim3A_36 : f32 to vector<16xf32>
    %swap3A_38 = arith.constant 80 : index
    %swap3A_39 = tpu.vector_load %arg7[%swap3A_38] {strides = array<i32>} : memref<128xf32, #tpu.memory_space<vmem>>, vector<16xf32>,
    %swap3A_40 = vector.shape_cast %swap3A_39 : vector<16xf32> to vector<16xf32>
    %swap3A_41 = vector.shape_cast %broadcast_in_dim3A_37 : vector<16xf32> to vector<16xf32>
    tpu.vector_store %arg7[%swap3A_38], %swap3A_41 {strides = array<i32>} : memref<128xf32, #tpu.memory_space<vmem>>, vector<16xf32>,
    %broadcast_in_dim3A_42 = arith.constant 1.000000e+00 : f32
    %broadcast_in_dim3A_43 = vector.broadcast %broadcast_in_dim3A_42 : f32 to vector<16xf32>
    %swap3A_44 = arith.constant 96 : index
    %swap3A_45 = tpu.vector_load %arg7[%swap3A_44] {strides = array<i32>} : memref<128xf32, #tpu.memory_space<vmem>>, vector<16xf32>,
    %swap3A_46 = vector.shape_cast %swap3A_45 : vector<16xf32> to vector<16xf32>
    %swap3A_47 = vector.shape_cast %broadcast_in_dim3A_43 : vector<16xf32> to vector<16xf32>
    tpu.vector_store %arg7[%swap3A_44], %swap3A_47 {strides = array<i32>} : memref<128xf32, #tpu.memory_space<vmem>>, vector<16xf32>,
    %broadcast_in_dim3A_48 = arith.constant 1.000000e+00 : f32
    %broadcast_in_dim3A_49 = vector.broadcast %broadcast_in_dim3A_48 : f32 to vector<16xf32>
    %swap3A_50 = arith.constant 112 : index
    %swap3A_51 = tpu.vector_load %arg7[%swap3A_50] {strides = array<i32>} : memref<128xf32, #tpu.memory_space<vmem>>, vector<16xf32>,
    %swap3A_52 = vector.shape_cast %swap3A_51 : vector<16xf32> to vector<16xf32>
    %swap3A_53 = vector.shape_cast %broadcast_in_dim3A_49 : vector<16xf32> to vector<16xf32>
    tpu.vector_store %arg7[%swap3A_50], %swap3A_53 {strides = array<i32>} : memref<128xf32, #tpu.memory_space<vmem>>, vector<16xf32>,
    %barrier3A = arith.constant 0 : index
    tpu.barrier barrier_id(%barrier3A)
    %mul3A_54 = arith.constant 390 : i32
    %mul3A_55 = arith.muli %mul3A_54, %add3A : i32
    %min3A = arith.constant 20 : i32
    %min3A_56 = arith.minsi %add3A, %min3A : i32
    %add3A_57 = arith.addi %mul3A_55, %min3A_56 : i32
    %lt3A = arith.constant 20 : i32
    %lt3A_58 = arith.cmpi slt, %add3A, %lt3A : i32
    %jit3A = arith.constant 391 : i32
    %jit3A_59 = arith.constant 390 : i32
    %select_n3A = arith.select %lt3A_58, %jit3A, %jit3A_59 : i32
    %add3A_60 = arith.constant 0 : i32
    %add3A_61 = arith.addi %add3A_57, %add3A_60 : i32
    %run_scoped3A = arith.constant 1 : i32
    "tpu.region"() ({
      %run_scoped3A_168 = tpu.sem_alloc : memref<!tpu.dma_semaphore, #tpu.memory_space<semaphore_mem>>
      %dma_start3A = arith.constant 0 : i32
      %dma_start3A_169 = arith.constant 0 : i32
      %dma_start3A_170 = tpu.memref_slice %arg2[%run_scoped3A, %dma_start3A, %dma_start3A_169] : memref<2x12500x128xi32, #tpu.memory_space<hbm>> -> memref<1x12500x128xi32, #tpu.memory_space<hbm>>
      %dma_start3A_171 = tpu.memref_squeeze %dma_start3A_170 : memref<1x12500x128xi32, #tpu.memory_space<hbm>> -> memref<12500x128xi32, #tpu.memory_space<hbm>>
      %dma_start3A_172 = arith.constant 0 : i32
      %dma_start3A_173 = tpu.memref_slice %dma_start3A_171[%add3A_61, %dma_start3A_172] : memref<12500x128xi32, #tpu.memory_space<hbm>> -> memref<5x128xi32, #tpu.memory_space<hbm>>
      %dma_start3A_174 = arith.constant 0 : i32
      %dma_start3A_175 = arith.constant 0 : i32
      %dma_start3A_176 = tpu.memref_slice %arg2[%run_scoped3A, %dma_start3A_174, %dma_start3A_175] : memref<2x12500x128xi32, #tpu.memory_space<hbm>> -> memref<1x12500x128xi32, #tpu.memory_space<hbm>>
      %dma_start3A_177 = tpu.memref_squeeze %dma_start3A_176 : memref<1x12500x128xi32, #tpu.memory_space<hbm>> -> memref<12500x128xi32, #tpu.memory_space<hbm>>
      %dma_start3A_178 = arith.constant 0 : i32
      %dma_start3A_179 = tpu.memref_slice %dma_start3A_177[%add3A_61, %dma_start3A_178] : memref<12500x128xi32, #tpu.memory_space<hbm>> -> memref<5x128xi32, #tpu.memory_space<hbm>>
      tpu.enqueue_dma source(%dma_start3A_179 : memref<5x128xi32, #tpu.memory_space<hbm>>) target(%arg5 : memref<5x128xi32, #tpu.memory_space<vmem>>) target_semaphore(%run_scoped3A_168 : memref<!tpu.dma_semaphore, #tpu.memory_space<semaphore_mem>>)
      %dma_wait3A_180 = arith.constant 0 : i32
      %dma_wait3A_181 = arith.constant 0 : i32
      %dma_wait3A_182 = tpu.memref_slice %arg2[%run_scoped3A, %dma_wait3A_180, %dma_wait3A_181] : memref<2x12500x128xi32, #tpu.memory_space<hbm>> -> memref<1x12500x128xi32, #tpu.memory_space<hbm>>
      %dma_wait3A_183 = tpu.memref_squeeze %dma_wait3A_182 : memref<1x12500x128xi32, #tpu.memory_space<hbm>> -> memref<12500x128xi32, #tpu.memory_space<hbm>>
      %dma_wait3A_184 = arith.constant 0 : i32
      %dma_wait3A_185 = tpu.memref_slice %dma_wait3A_183[%add3A_61, %dma_wait3A_184] : memref<12500x128xi32, #tpu.memory_space<hbm>> -> memref<5x128xi32, #tpu.memory_space<hbm>>
      %dma_wait3A_186 = arith.constant 0 : i32
      %dma_wait3A_187 = arith.constant 0 : i32
      %dma_wait3A_188 = tpu.memref_slice %arg2[%run_scoped3A, %dma_wait3A_186, %dma_wait3A_187] : memref<2x12500x128xi32, #tpu.memory_space<hbm>> -> memref<1x12500x128xi32, #tpu.memory_space<hbm>>
      %dma_wait3A_189 = tpu.memref_squeeze %dma_wait3A_188 : memref<1x12500x128xi32, #tpu.memory_space<hbm>> -> memref<12500x128xi32, #tpu.memory_space<hbm>>
      %dma_wait3A_190 = arith.constant 0 : i32
      %dma_wait3A_191 = tpu.memref_slice %dma_wait3A_189[%add3A_61, %dma_wait3A_190] : memref<12500x128xi32, #tpu.memory_space<hbm>> -> memref<5x128xi32, #tpu.memory_space<hbm>>
      tpu.wait_dma2 semaphore(%run_scoped3A_168 : memref<!tpu.dma_semaphore, #tpu.memory_space<semaphore_mem>>) src(%dma_wait3A_191 : memref<5x128xi32, #tpu.memory_space<hbm>>) dst(%arg5 : memref<5x128xi32, #tpu.memory_space<vmem>>)
      tpu.yield
    }) : () -> ()
    %scan3A_62 = arith.constant 0 : i32
    %scan3A_63 = arith.constant 0 : i32
    %scan3A_64 = arith.constant 39 : i32
    %scan3A_65 = arith.addi %scan3A_63, %scan3A_64 : i32
    %scan3A_66 = arith.constant 1 : i32
    scf.for %scan3A_168 = %scan3A_63 to %scan3A_65 step %scan3A_66  : i32 {
      %gt3A = arith.constant 0 : i32
      %gt3A_169 = arith.cmpi sgt, %scan3A_168, %gt3A : i32
      %convert_element_type3A = arith.extui %gt3A_169 : i1 to i32
      %cond3A = arith.constant 0 : i32
      %cond3A_170 = arith.cmpi ne, %convert_element_type3A, %cond3A : i32
      scf.if %cond3A_170 {
        %dma_wait3A_350 = arith.constant 1 : i32
        %dma_wait3A_351 = arith.constant 0 : i32
        %dma_wait3A_352 = arith.constant 0 : i32
        %dma_wait3A_353 = tpu.memref_slice %arg2[%dma_wait3A_350, %dma_wait3A_351, %dma_wait3A_352] : memref<2x12500x128xi32, #tpu.memory_space<hbm>> -> memref<1x12500x128xi32, #tpu.memory_space<hbm>>
        %dma_wait3A_354 = tpu.memref_squeeze %dma_wait3A_353 : memref<1x12500x128xi32, #tpu.memory_space<hbm>> -> memref<12500x128xi32, #tpu.memory_space<hbm>>
        %dma_wait3A_355 = arith.constant 0 : i32
        %dma_wait3A_356 = arith.constant 0 : i32
        %dma_wait3A_357 = tpu.memref_slice %dma_wait3A_354[%dma_wait3A_355, %dma_wait3A_356] : memref<12500x128xi32, #tpu.memory_space<hbm>> -> memref<5x128xi32, #tpu.memory_space<hbm>>
        %dma_wait3A_358 = arith.constant 0 : i32
        %dma_wait3A_359 = arith.constant 0 : i32
        %dma_wait3A_360 = tpu.memref_slice %arg2[%dma_wait3A_350, %dma_wait3A_358, %dma_wait3A_359] : memref<2x12500x128xi32, #tpu.memory_space<hbm>> -> memref<1x12500x128xi32, #tpu.memory_space<hbm>>
        %dma_wait3A_361 = tpu.memref_squeeze %dma_wait3A_360 : memref<1x12500x128xi32, #tpu.memory_space<hbm>> -> memref<12500x128xi32, #tpu.memory_space<hbm>>
        %dma_wait3A_362 = arith.constant 0 : i32
        %dma_wait3A_363 = arith.constant 0 : i32
        %dma_wait3A_364 = tpu.memref_slice %dma_wait3A_361[%dma_wait3A_362, %dma_wait3A_363] : memref<12500x128xi32, #tpu.memory_space<hbm>> -> memref<5x128xi32, #tpu.memory_space<hbm>>
        tpu.wait_dma2 semaphore(%arg12 : memref<!tpu.dma_semaphore, #tpu.memory_space<semaphore_mem>>) src(%dma_wait3A_364 : memref<5x128xi32, #tpu.memory_space<hbm>>) dst(%arg5 : memref<5x128xi32, #tpu.memory_space<vmem>>)
      } else {
      }
      %dma_start3A = arith.constant 0 : i32
      %dma_start3A_171 = arith.constant 0 : i32
      %dma_start3A_172 = tpu.memref_slice %arg5[%dma_start3A, %dma_start3A_171] : memref<5x128xi32, #tpu.memory_space<vmem>> -> memref<1x128xi32, #tpu.memory_space<vmem>>
      %dma_start3A_173 = tpu.memref_squeeze %dma_start3A_172 : memref<1x128xi32, #tpu.memory_space<vmem>> -> memref<128xi32, #tpu.memory_space<vmem>>
      %dma_start3A_174 = arith.constant 0 : i32
      %dma_start3A_175 = tpu.memref_slice %arg4[%dma_start3A_174] : memref<100096xf32, #tpu.memory_space<vmem_shared>> -> memref<100096xf32, #tpu.memory_space<vmem_shared>>
      tpu.enqueue_indirect_dma source(%arg7 : memref<128xf32, #tpu.memory_space<vmem>>) target(%dma_start3A_175 : memref<100096xf32, #tpu.memory_space<vmem_shared>>) offsets(%dma_start3A_173 : memref<128xi32, #tpu.memory_space<vmem>>) semaphore(%arg11 : memref<!tpu.dma_semaphore, #tpu.memory_space<semaphore_mem>>) {add = true}
      %dma_start3A_176 = arith.constant 1 : i32
      %dma_start3A_177 = arith.constant 0 : i32
      %dma_start3A_178 = tpu.memref_slice %arg5[%dma_start3A_176, %dma_start3A_177] : memref<5x128xi32, #tpu.memory_space<vmem>> -> memref<1x128xi32, #tpu.memory_space<vmem>>
      %dma_start3A_179 = tpu.memref_squeeze %dma_start3A_178 : memref<1x128xi32, #tpu.memory_space<vmem>> -> memref<128xi32, #tpu.memory_space<vmem>>
      %dma_start3A_180 = arith.constant 0 : i32
      %dma_start3A_181 = tpu.memref_slice %arg4[%dma_start3A_180] : memref<100096xf32, #tpu.memory_space<vmem_shared>> -> memref<100096xf32, #tpu.memory_space<vmem_shared>>
      tpu.enqueue_indirect_dma source(%arg7 : memref<128xf32, #tpu.memory_space<vmem>>) target(%dma_start3A_181 : memref<100096xf32, #tpu.memory_space<vmem_shared>>) offsets(%dma_start3A_179 : memref<128xi32, #tpu.memory_space<vmem>>) semaphore(%arg11 : memref<!tpu.dma_semaphore, #tpu.memory_space<semaphore_mem>>) {add = true}
      %dma_start3A_182 = arith.constant 2 : i32
      %dma_start3A_183 = arith.constant 0 : i32
      %dma_start3A_184 = tpu.memref_slice %arg5[%dma_start3A_182, %dma_start3A_183] : memref<5x128xi32, #tpu.memory_space<vmem>> -> memref<1x128xi32, #tpu.memory_space<vmem>>
      %dma_start3A_185 = tpu.memref_squeeze %dma_start3A_184 : memref<1x128xi32, #tpu.memory_space<vmem>> -> memref<128xi32, #tpu.memory_space<vmem>>
      %dma_start3A_186 = arith.constant 0 : i32
      %dma_start3A_187 = tpu.memref_slice %arg4[%dma_start3A_186] : memref<100096xf32, #tpu.memory_space<vmem_shared>> -> memref<100096xf32, #tpu.memory_space<vmem_shared>>
      tpu.enqueue_indirect_dma source(%arg7 : memref<128xf32, #tpu.memory_space<vmem>>) target(%dma_start3A_187 : memref<100096xf32, #tpu.memory_space<vmem_shared>>) offsets(%dma_start3A_185 : memref<128xi32, #tpu.memory_space<vmem>>) semaphore(%arg11 : memref<!tpu.dma_semaphore, #tpu.memory_space<semaphore_mem>>) {add = true}
      %dma_start3A_188 = arith.constant 3 : i32
      %dma_start3A_189 = arith.constant 0 : i32
      %dma_start3A_190 = tpu.memref_slice %arg5[%dma_start3A_188, %dma_start3A_189] : memref<5x128xi32, #tpu.memory_space<vmem>> -> memref<1x128xi32, #tpu.memory_space<vmem>>
      %dma_start3A_191 = tpu.memref_squeeze %dma_start3A_190 : memref<1x128xi32, #tpu.memory_space<vmem>> -> memref<128xi32, #tpu.memory_space<vmem>>
      %dma_start3A_192 = arith.constant 0 : i32
      %dma_start3A_193 = tpu.memref_slice %arg4[%dma_start3A_192] : memref<100096xf32, #tpu.memory_space<vmem_shared>> -> memref<100096xf32, #tpu.memory_space<vmem_shared>>
      tpu.enqueue_indirect_dma source(%arg7 : memref<128xf32, #tpu.memory_space<vmem>>) target(%dma_start3A_193 : memref<100096xf32, #tpu.memory_space<vmem_shared>>) offsets(%dma_start3A_191 : memref<128xi32, #tpu.memory_space<vmem>>) semaphore(%arg11 : memref<!tpu.dma_semaphore, #tpu.memory_space<semaphore_mem>>) {add = true}
      %dma_start3A_194 = arith.constant 4 : i32
      %dma_start3A_195 = arith.constant 0 : i32
      %dma_start3A_196 = tpu.memref_slice %arg5[%dma_start3A_194, %dma_start3A_195] : memref<5x128xi32, #tpu.memory_space<vmem>> -> memref<1x128xi32, #tpu.memory_space<vmem>>
      %dma_start3A_197 = tpu.memref_squeeze %dma_start3A_196 : memref<1x128xi32, #tpu.memory_space<vmem>> -> memref<128xi32, #tpu.memory_space<vmem>>
      %dma_start3A_198 = arith.constant 0 : i32
      %dma_start3A_199 = tpu.memref_slice %arg4[%dma_start3A_198] : memref<100096xf32, #tpu.memory_space<vmem_shared>> -> memref<100096xf32, #tpu.memory_space<vmem_shared>>
      tpu.enqueue_indirect_dma source(%arg7 : memref<128xf32, #tpu.memory_space<vmem>>) target(%dma_start3A_199 : memref<100096xf32, #tpu.memory_space<vmem_shared>>) offsets(%dma_start3A_197 : memref<128xi32, #tpu.memory_space<vmem>>) semaphore(%arg11 : memref<!tpu.dma_semaphore, #tpu.memory_space<semaphore_mem>>) {add = true}
      %gt3A_200 = arith.constant 0 : i32
      %gt3A_201 = arith.cmpi sgt, %scan3A_168, %gt3A_200 : i32
      %convert_element_type3A_202 = arith.extui %gt3A_201 : i1 to i32
      %cond3A_203 = arith.constant 0 : i32
      %cond3A_204 = arith.cmpi ne, %convert_element_type3A_202, %cond3A_203 : i32
      scf.if %cond3A_204 {
        %dma_wait3A_350 = arith.constant 0 : i32
        %dma_wait3A_351 = arith.constant 0 : i32
        %dma_wait3A_352 = arith.constant 0 : i32
        %dma_wait3A_353 = tpu.memref_slice %arg3[%arg0, %dma_wait3A_351, %dma_wait3A_352] : memref<2x12512x128xf32, #tpu.memory_space<hbm>> -> memref<1x12512x128xf32, #tpu.memory_space<hbm>>
        %dma_wait3A_354 = tpu.memref_squeeze %dma_wait3A_353 : memref<1x12512x128xf32, #tpu.memory_space<hbm>> -> memref<12512x128xf32, #tpu.memory_space<hbm>>
        %dma_wait3A_355 = arith.constant 0 : i32
        %dma_wait3A_356 = tpu.memref_slice %dma_wait3A_354[%dma_wait3A_350, %dma_wait3A_355] : memref<12512x128xf32, #tpu.memory_space<hbm>> -> memref<1x128xf32, #tpu.memory_space<hbm>>
        %dma_wait3A_357 = tpu.memref_squeeze %dma_wait3A_356 : memref<1x128xf32, #tpu.memory_space<hbm>> -> memref<128xf32, #tpu.memory_space<hbm>>
        %dma_wait3A_358 = arith.constant 0 : i32
        %dma_wait3A_359 = arith.constant 0 : i32
        %dma_wait3A_360 = tpu.memref_slice %arg3[%arg0, %dma_wait3A_358, %dma_wait3A_359] : memref<2x12512x128xf32, #tpu.memory_space<hbm>> -> memref<1x12512x128xf32, #tpu.memory_space<hbm>>
        %dma_wait3A_361 = tpu.memref_squeeze %dma_wait3A_360 : memref<1x12512x128xf32, #tpu.memory_space<hbm>> -> memref<12512x128xf32, #tpu.memory_space<hbm>>
        %dma_wait3A_362 = arith.constant 0 : i32
        %dma_wait3A_363 = tpu.memref_slice %dma_wait3A_361[%dma_wait3A_350, %dma_wait3A_362] : memref<12512x128xf32, #tpu.memory_space<hbm>> -> memref<1x128xf32, #tpu.memory_space<hbm>>
        %dma_wait3A_364 = tpu.memref_squeeze %dma_wait3A_363 : memref<1x128xf32, #tpu.memory_space<hbm>> -> memref<128xf32, #tpu.memory_space<hbm>>
        tpu.wait_dma2 semaphore(%arg11 : memref<!tpu.dma_semaphore, #tpu.memory_space<semaphore_mem>>) src(%dma_wait3A_364 : memref<128xf32, #tpu.memory_space<hbm>>) dst(%arg7 : memref<128xf32, #tpu.memory_space<vmem>>)
        %dma_wait3A_365 = arith.constant 0 : i32
        %dma_wait3A_366 = arith.constant 0 : i32
        %dma_wait3A_367 = arith.constant 0 : i32
        %dma_wait3A_368 = tpu.memref_slice %arg3[%arg0, %dma_wait3A_366, %dma_wait3A_367] : memref<2x12512x128xf32, #tpu.memory_space<hbm>> -> memref<1x12512x128xf32, #tpu.memory_space<hbm>>
        %dma_wait3A_369 = tpu.memref_squeeze %dma_wait3A_368 : memref<1x12512x128xf32, #tpu.memory_space<hbm>> -> memref<12512x128xf32, #tpu.memory_space<hbm>>
        %dma_wait3A_370 = arith.constant 0 : i32
        %dma_wait3A_371 = tpu.memref_slice %dma_wait3A_369[%dma_wait3A_365, %dma_wait3A_370] : memref<12512x128xf32, #tpu.memory_space<hbm>> -> memref<1x128xf32, #tpu.memory_space<hbm>>
        %dma_wait3A_372 = tpu.memref_squeeze %dma_wait3A_371 : memref<1x128xf32, #tpu.memory_space<hbm>> -> memref<128xf32, #tpu.memory_space<hbm>>
        %dma_wait3A_373 = arith.constant 0 : i32
        %dma_wait3A_374 = arith.constant 0 : i32
        %dma_wait3A_375 = tpu.memref_slice %arg3[%arg0, %dma_wait3A_373, %dma_wait3A_374] : memref<2x12512x128xf32, #tpu.memory_space<hbm>> -> memref<1x12512x128xf32, #tpu.memory_space<hbm>>
        %dma_wait3A_376 = tpu.memref_squeeze %dma_wait3A_375 : memref<1x12512x128xf32, #tpu.memory_space<hbm>> -> memref<12512x128xf32, #tpu.memory_space<hbm>>
        %dma_wait3A_377 = arith.constant 0 : i32
        %dma_wait3A_378 = tpu.memref_slice %dma_wait3A_376[%dma_wait3A_365, %dma_wait3A_377] : memref<12512x128xf32, #tpu.memory_space<hbm>> -> memref<1x128xf32, #tpu.memory_space<hbm>>
        %dma_wait3A_379 = tpu.memref_squeeze %dma_wait3A_378 : memref<1x128xf32, #tpu.memory_space<hbm>> -> memref<128xf32, #tpu.memory_space<hbm>>
        tpu.wait_dma2 semaphore(%arg11 : memref<!tpu.dma_semaphore, #tpu.memory_space<semaphore_mem>>) src(%dma_wait3A_379 : memref<128xf32, #tpu.memory_space<hbm>>) dst(%arg7 : memref<128xf32, #tpu.memory_space<vmem>>)
        %dma_wait3A_380 = arith.constant 0 : i32
        %dma_wait3A_381 = arith.constant 0 : i32
        %dma_wait3A_382 = arith.constant 0 : i32
        %dma_wait3A_383 = tpu.memref_slice %arg3[%arg0, %dma_wait3A_381, %dma_wait3A_382] : memref<2x12512x128xf32, #tpu.memory_space<hbm>> -> memref<1x12512x128xf32, #tpu.memory_space<hbm>>
        %dma_wait3A_384 = tpu.memref_squeeze %dma_wait3A_383 : memref<1x12512x128xf32, #tpu.memory_space<hbm>> -> memref<12512x128xf32, #tpu.memory_space<hbm>>
        %dma_wait3A_385 = arith.constant 0 : i32
        %dma_wait3A_386 = tpu.memref_slice %dma_wait3A_384[%dma_wait3A_380, %dma_wait3A_385] : memref<12512x128xf32, #tpu.memory_space<hbm>> -> memref<1x128xf32, #tpu.memory_space<hbm>>
        %dma_wait3A_387 = tpu.memref_squeeze %dma_wait3A_386 : memref<1x128xf32, #tpu.memory_space<hbm>> -> memref<128xf32, #tpu.memory_space<hbm>>
        %dma_wait3A_388 = arith.constant 0 : i32
        %dma_wait3A_389 = arith.constant 0 : i32
        %dma_wait3A_390 = tpu.memref_slice %arg3[%arg0, %dma_wait3A_388, %dma_wait3A_389] : memref<2x12512x128xf32, #tpu.memory_space<hbm>> -> memref<1x12512x128xf32, #tpu.memory_space<hbm>>
        %dma_wait3A_391 = tpu.memref_squeeze %dma_wait3A_390 : memref<1x12512x128xf32, #tpu.memory_space<hbm>> -> memref<12512x128xf32, #tpu.memory_space<hbm>>
        %dma_wait3A_392 = arith.constant 0 : i32
        %dma_wait3A_393 = tpu.memref_slice %dma_wait3A_391[%dma_wait3A_380, %dma_wait3A_392] : memref<12512x128xf32, #tpu.memory_space<hbm>> -> memref<1x128xf32, #tpu.memory_space<hbm>>
        %dma_wait3A_394 = tpu.memref_squeeze %dma_wait3A_393 : memref<1x128xf32, #tpu.memory_space<hbm>> -> memref<128xf32, #tpu.memory_space<hbm>>
        tpu.wait_dma2 semaphore(%arg11 : memref<!tpu.dma_semaphore, #tpu.memory_space<semaphore_mem>>) src(%dma_wait3A_394 : memref<128xf32, #tpu.memory_space<hbm>>) dst(%arg7 : memref<128xf32, #tpu.memory_space<vmem>>)
        %dma_wait3A_395 = arith.constant 0 : i32
        %dma_wait3A_396 = arith.constant 0 : i32
        %dma_wait3A_397 = arith.constant 0 : i32
        %dma_wait3A_398 = tpu.memref_slice %arg3[%arg0, %dma_wait3A_396, %dma_wait3A_397] : memref<2x12512x128xf32, #tpu.memory_space<hbm>> -> memref<1x12512x128xf32, #tpu.memory_space<hbm>>
        %dma_wait3A_399 = tpu.memref_squeeze %dma_wait3A_398 : memref<1x12512x128xf32, #tpu.memory_space<hbm>> -> memref<12512x128xf32, #tpu.memory_space<hbm>>
        %dma_wait3A_400 = arith.constant 0 : i32
        %dma_wait3A_401 = tpu.memref_slice %dma_wait3A_399[%dma_wait3A_395, %dma_wait3A_400] : memref<12512x128xf32, #tpu.memory_space<hbm>> -> memref<1x128xf32, #tpu.memory_space<hbm>>
        %dma_wait3A_402 = tpu.memref_squeeze %dma_wait3A_401 : memref<1x128xf32, #tpu.memory_space<hbm>> -> memref<128xf32, #tpu.memory_space<hbm>>
        %dma_wait3A_403 = arith.constant 0 : i32
        %dma_wait3A_404 = arith.constant 0 : i32
        %dma_wait3A_405 = tpu.memref_slice %arg3[%arg0, %dma_wait3A_403, %dma_wait3A_404] : memref<2x12512x128xf32, #tpu.memory_space<hbm>> -> memref<1x12512x128xf32, #tpu.memory_space<hbm>>
        %dma_wait3A_406 = tpu.memref_squeeze %dma_wait3A_405 : memref<1x12512x128xf32, #tpu.memory_space<hbm>> -> memref<12512x128xf32, #tpu.memory_space<hbm>>
        %dma_wait3A_407 = arith.constant 0 : i32
        %dma_wait3A_408 = tpu.memref_slice %dma_wait3A_406[%dma_wait3A_395, %dma_wait3A_407] : memref<12512x128xf32, #tpu.memory_space<hbm>> -> memref<1x128xf32, #tpu.memory_space<hbm>>
        %dma_wait3A_409 = tpu.memref_squeeze %dma_wait3A_408 : memref<1x128xf32, #tpu.memory_space<hbm>> -> memref<128xf32, #tpu.memory_space<hbm>>
        tpu.wait_dma2 semaphore(%arg11 : memref<!tpu.dma_semaphore, #tpu.memory_space<semaphore_mem>>) src(%dma_wait3A_409 : memref<128xf32, #tpu.memory_space<hbm>>) dst(%arg7 : memref<128xf32, #tpu.memory_space<vmem>>)
        %dma_wait3A_410 = arith.constant 0 : i32
        %dma_wait3A_411 = arith.constant 0 : i32
        %dma_wait3A_412 = arith.constant 0 : i32
        %dma_wait3A_413 = tpu.memref_slice %arg3[%arg0, %dma_wait3A_411, %dma_wait3A_412] : memref<2x12512x128xf32, #tpu.memory_space<hbm>> -> memref<1x12512x128xf32, #tpu.memory_space<hbm>>
        %dma_wait3A_414 = tpu.memref_squeeze %dma_wait3A_413 : memref<1x12512x128xf32, #tpu.memory_space<hbm>> -> memref<12512x128xf32, #tpu.memory_space<hbm>>
        %dma_wait3A_415 = arith.constant 0 : i32
        %dma_wait3A_416 = tpu.memref_slice %dma_wait3A_414[%dma_wait3A_410, %dma_wait3A_415] : memref<12512x128xf32, #tpu.memory_space<hbm>> -> memref<1x128xf32, #tpu.memory_space<hbm>>
        %dma_wait3A_417 = tpu.memref_squeeze %dma_wait3A_416 : memref<1x128xf32, #tpu.memory_space<hbm>> -> memref<128xf32, #tpu.memory_space<hbm>>
        %dma_wait3A_418 = arith.constant 0 : i32
        %dma_wait3A_419 = arith.constant 0 : i32
        %dma_wait3A_420 = tpu.memref_slice %arg3[%arg0, %dma_wait3A_418, %dma_wait3A_419] : memref<2x12512x128xf32, #tpu.memory_space<hbm>> -> memref<1x12512x128xf32, #tpu.memory_space<hbm>>
        %dma_wait3A_421 = tpu.memref_squeeze %dma_wait3A_420 : memref<1x12512x128xf32, #tpu.memory_space<hbm>> -> memref<12512x128xf32, #tpu.memory_space<hbm>>
        %dma_wait3A_422 = arith.constant 0 : i32
        %dma_wait3A_423 = tpu.memref_slice %dma_wait3A_421[%dma_wait3A_410, %dma_wait3A_422] : memref<12512x128xf32, #tpu.memory_space<hbm>> -> memref<1x128xf32, #tpu.memory_space<hbm>>
        %dma_wait3A_424 = tpu.memref_squeeze %dma_wait3A_423 : memref<1x128xf32, #tpu.memory_space<hbm>> -> memref<128xf32, #tpu.memory_space<hbm>>
        tpu.wait_dma2 semaphore(%arg11 : memref<!tpu.dma_semaphore, #tpu.memory_space<semaphore_mem>>) src(%dma_wait3A_424 : memref<128xf32, #tpu.memory_space<hbm>>) dst(%arg7 : memref<128xf32, #tpu.memory_space<vmem>>)
      } else {
      }
      %mul3A_205 = arith.constant 2 : i32
      %mul3A_206 = arith.muli %mul3A_205, %scan3A_168 : i32
      %add3A_207 = arith.constant 1 : i32
      %add3A_208 = arith.addi %mul3A_206, %add3A_207 : i32
      %mul3A_209 = arith.constant 5 : i32
      %mul3A_210 = arith.muli %add3A_208, %mul3A_209 : i32
      %add3A_211 = arith.addi %add3A_57, %mul3A_210 : i32
      %dma_start3A_212 = arith.constant 1 : i32
      %dma_start3A_213 = arith.constant 0 : i32
      %dma_start3A_214 = arith.constant 0 : i32
      %dma_start3A_215 = tpu.memref_slice %arg2[%dma_start3A_212, %dma_start3A_213, %dma_start3A_214] : memref<2x12500x128xi32, #tpu.memory_space<hbm>> -> memref<1x12500x128xi32, #tpu.memory_space<hbm>>
      %dma_start3A_216 = tpu.memref_squeeze %dma_start3A_215 : memref<1x12500x128xi32, #tpu.memory_space<hbm>> -> memref<12500x128xi32, #tpu.memory_space<hbm>>
      %dma_start3A_217 = arith.constant 0 : i32
      %dma_start3A_218 = tpu.memref_slice %dma_start3A_216[%add3A_211, %dma_start3A_217] : memref<12500x128xi32, #tpu.memory_space<hbm>> -> memref<5x128xi32, #tpu.memory_space<hbm>>
      %dma_start3A_219 = arith.constant 0 : i32
      %dma_start3A_220 = arith.constant 0 : i32
      %dma_start3A_221 = tpu.memref_slice %arg2[%dma_start3A_212, %dma_start3A_219, %dma_start3A_220] : memref<2x12500x128xi32, #tpu.memory_space<hbm>> -> memref<1x12500x128xi32, #tpu.memory_space<hbm>>
      %dma_start3A_222 = tpu.memref_squeeze %dma_start3A_221 : memref<1x12500x128xi32, #tpu.memory_space<hbm>> -> memref<12500x128xi32, #tpu.memory_space<hbm>>
      %dma_start3A_223 = arith.constant 0 : i32
      %dma_start3A_224 = tpu.memref_slice %dma_start3A_222[%add3A_211, %dma_start3A_223] : memref<12500x128xi32, #tpu.memory_space<hbm>> -> memref<5x128xi32, #tpu.memory_space<hbm>>
      tpu.enqueue_dma source(%dma_start3A_224 : memref<5x128xi32, #tpu.memory_space<hbm>>) target(%arg6 : memref<5x128xi32, #tpu.memory_space<vmem>>) target_semaphore(%arg12 : memref<!tpu.dma_semaphore, #tpu.memory_space<semaphore_mem>>)
      %dma_wait3A_225 = arith.constant 0 : i32
      %dma_wait3A_226 = arith.constant 0 : i32
      %dma_wait3A_227 = arith.constant 0 : i32
      %dma_wait3A_228 = tpu.memref_slice %arg3[%arg0, %dma_wait3A_226, %dma_wait3A_227] : memref<2x12512x128xf32, #tpu.memory_space<hbm>> -> memref<1x12512x128xf32, #tpu.memory_space<hbm>>
      %dma_wait3A_229 = tpu.memref_squeeze %dma_wait3A_228 : memref<1x12512x128xf32, #tpu.memory_space<hbm>> -> memref<12512x128xf32, #tpu.memory_space<hbm>>
      %dma_wait3A_230 = arith.constant 0 : i32
      %dma_wait3A_231 = tpu.memref_slice %dma_wait3A_229[%dma_wait3A_225, %dma_wait3A_230] : memref<12512x128xf32, #tpu.memory_space<hbm>> -> memref<1x128xf32, #tpu.memory_space<hbm>>
      %dma_wait3A_232 = tpu.memref_squeeze %dma_wait3A_231 : memref<1x128xf32, #tpu.memory_space<hbm>> -> memref<128xf32, #tpu.memory_space<hbm>>
      %dma_wait3A_233 = arith.constant 0 : i32
      %dma_wait3A_234 = arith.constant 0 : i32
      %dma_wait3A_235 = tpu.memref_slice %arg3[%arg0, %dma_wait3A_233, %dma_wait3A_234] : memref<2x12512x128xf32, #tpu.memory_space<hbm>> -> memref<1x12512x128xf32, #tpu.memory_space<hbm>>
      %dma_wait3A_236 = tpu.memref_squeeze %dma_wait3A_235 : memref<1x12512x128xf32, #tpu.memory_space<hbm>> -> memref<12512x128xf32, #tpu.memory_space<hbm>>
      %dma_wait3A_237 = arith.constant 0 : i32
      %dma_wait3A_238 = tpu.memref_slice %dma_wait3A_236[%dma_wait3A_225, %dma_wait3A_237] : memref<12512x128xf32, #tpu.memory_space<hbm>> -> memref<1x128xf32, #tpu.memory_space<hbm>>
      %dma_wait3A_239 = tpu.memref_squeeze %dma_wait3A_238 : memref<1x128xf32, #tpu.memory_space<hbm>> -> memref<128xf32, #tpu.memory_space<hbm>>
      tpu.wait_dma2 semaphore(%arg11 : memref<!tpu.dma_semaphore, #tpu.memory_space<semaphore_mem>>) src(%dma_wait3A_239 : memref<128xf32, #tpu.memory_space<hbm>>) dst(%arg7 : memref<128xf32, #tpu.memory_space<vmem>>)
      %dma_wait3A_240 = arith.constant 0 : i32
      %dma_wait3A_241 = arith.constant 0 : i32
      %dma_wait3A_242 = arith.constant 0 : i32
      %dma_wait3A_243 = tpu.memref_slice %arg3[%arg0, %dma_wait3A_241, %dma_wait3A_242] : memref<2x12512x128xf32, #tpu.memory_space<hbm>> -> memref<1x12512x128xf32, #tpu.memory_space<hbm>>
      %dma_wait3A_244 = tpu.memref_squeeze %dma_wait3A_243 : memref<1x12512x128xf32, #tpu.memory_space<hbm>> -> memref<12512x128xf32, #tpu.memory_space<hbm>>
      %dma_wait3A_245 = arith.constant 0 : i32
      %dma_wait3A_246 = tpu.memref_slice %dma_wait3A_244[%dma_wait3A_240, %dma_wait3A_245] : memref<12512x128xf32, #tpu.memory_space<hbm>> -> memref<1x128xf32, #tpu.memory_space<hbm>>
      %dma_wait3A_247 = tpu.memref_squeeze %dma_wait3A_246 : memref<1x128xf32, #tpu.memory_space<hbm>> -> memref<128xf32, #tpu.memory_space<hbm>>
      %dma_wait3A_248 = arith.constant 0 : i32
      %dma_wait3A_249 = arith.constant 0 : i32
      %dma_wait3A_250 = tpu.memref_slice %arg3[%arg0, %dma_wait3A_248, %dma_wait3A_249] : memref<2x12512x128xf32, #tpu.memory_space<hbm>> -> memref<1x12512x128xf32, #tpu.memory_space<hbm>>
      %dma_wait3A_251 = tpu.memref_squeeze %dma_wait3A_250 : memref<1x12512x128xf32, #tpu.memory_space<hbm>> -> memref<12512x128xf32, #tpu.memory_space<hbm>>
      %dma_wait3A_252 = arith.constant 0 : i32
      %dma_wait3A_253 = tpu.memref_slice %dma_wait3A_251[%dma_wait3A_240, %dma_wait3A_252] : memref<12512x128xf32, #tpu.memory_space<hbm>> -> memref<1x128xf32, #tpu.memory_space<hbm>>
      %dma_wait3A_254 = tpu.memref_squeeze %dma_wait3A_253 : memref<1x128xf32, #tpu.memory_space<hbm>> -> memref<128xf32, #tpu.memory_space<hbm>>
      tpu.wait_dma2 semaphore(%arg11 : memref<!tpu.dma_semaphore, #tpu.memory_space<semaphore_mem>>) src(%dma_wait3A_254 : memref<128xf32, #tpu.memory_space<hbm>>) dst(%arg7 : memref<128xf32, #tpu.memory_space<vmem>>)
      %dma_wait3A_255 = arith.constant 0 : i32
      %dma_wait3A_256 = arith.constant 0 : i32
      %dma_wait3A_257 = arith.constant 0 : i32
      %dma_wait3A_258 = tpu.memref_slice %arg3[%arg0, %dma_wait3A_256, %dma_wait3A_257] : memref<2x12512x128xf32, #tpu.memory_space<hbm>> -> memref<1x12512x128xf32, #tpu.memory_space<hbm>>
      %dma_wait3A_259 = tpu.memref_squeeze %dma_wait3A_258 : memref<1x12512x128xf32, #tpu.memory_space<hbm>> -> memref<12512x128xf32, #tpu.memory_space<hbm>>
      %dma_wait3A_260 = arith.constant 0 : i32
      %dma_wait3A_261 = tpu.memref_slice %dma_wait3A_259[%dma_wait3A_255, %dma_wait3A_260] : memref<12512x128xf32, #tpu.memory_space<hbm>> -> memref<1x128xf32, #tpu.memory_space<hbm>>
      %dma_wait3A_262 = tpu.memref_squeeze %dma_wait3A_261 : memref<1x128xf32, #tpu.memory_space<hbm>> -> memref<128xf32, #tpu.memory_space<hbm>>
      %dma_wait3A_263 = arith.constant 0 : i32
      %dma_wait3A_264 = arith.constant 0 : i32
      %dma_wait3A_265 = tpu.memref_slice %arg3[%arg0, %dma_wait3A_263, %dma_wait3A_264] : memref<2x12512x128xf32, #tpu.memory_space<hbm>> -> memref<1x12512x128xf32, #tpu.memory_space<hbm>>
      %dma_wait3A_266 = tpu.memref_squeeze %dma_wait3A_265 : memref<1x12512x128xf32, #tpu.memory_space<hbm>> -> memref<12512x128xf32, #tpu.memory_space<hbm>>
      %dma_wait3A_267 = arith.constant 0 : i32
      %dma_wait3A_268 = tpu.memref_slice %dma_wait3A_266[%dma_wait3A_255, %dma_wait3A_267] : memref<12512x128xf32, #tpu.memory_space<hbm>> -> memref<1x128xf32, #tpu.memory_space<hbm>>
      %dma_wait3A_269 = tpu.memref_squeeze %dma_wait3A_268 : memref<1x128xf32, #tpu.memory_space<hbm>> -> memref<128xf32, #tpu.memory_space<hbm>>
      tpu.wait_dma2 semaphore(%arg11 : memref<!tpu.dma_semaphore, #tpu.memory_space<semaphore_mem>>) src(%dma_wait3A_269 : memref<128xf32, #tpu.memory_space<hbm>>) dst(%arg7 : memref<128xf32, #tpu.memory_space<vmem>>)
      %dma_wait3A_270 = arith.constant 0 : i32
      %dma_wait3A_271 = arith.constant 0 : i32
      %dma_wait3A_272 = arith.constant 0 : i32
      %dma_wait3A_273 = tpu.memref_slice %arg3[%arg0, %dma_wait3A_271, %dma_wait3A_272] : memref<2x12512x128xf32, #tpu.memory_space<hbm>> -> memref<1x12512x128xf32, #tpu.memory_space<hbm>>
      %dma_wait3A_274 = tpu.memref_squeeze %dma_wait3A_273 : memref<1x12512x128xf32, #tpu.memory_space<hbm>> -> memref<12512x128xf32, #tpu.memory_space<hbm>>
      %dma_wait3A_275 = arith.constant 0 : i32
      %dma_wait3A_276 = tpu.memref_slice %dma_wait3A_274[%dma_wait3A_270, %dma_wait3A_275] : memref<12512x128xf32, #tpu.memory_space<hbm>> -> memref<1x128xf32, #tpu.memory_space<hbm>>
      %dma_wait3A_277 = tpu.memref_squeeze %dma_wait3A_276 : memref<1x128xf32, #tpu.memory_space<hbm>> -> memref<128xf32, #tpu.memory_space<hbm>>
      %dma_wait3A_278 = arith.constant 0 : i32
      %dma_wait3A_279 = arith.constant 0 : i32
      %dma_wait3A_280 = tpu.memref_slice %arg3[%arg0, %dma_wait3A_278, %dma_wait3A_279] : memref<2x12512x128xf32, #tpu.memory_space<hbm>> -> memref<1x12512x128xf32, #tpu.memory_space<hbm>>
      %dma_wait3A_281 = tpu.memref_squeeze %dma_wait3A_280 : memref<1x12512x128xf32, #tpu.memory_space<hbm>> -> memref<12512x128xf32, #tpu.memory_space<hbm>>
      %dma_wait3A_282 = arith.constant 0 : i32
      %dma_wait3A_283 = tpu.memref_slice %dma_wait3A_281[%dma_wait3A_270, %dma_wait3A_282] : memref<12512x128xf32, #tpu.memory_space<hbm>> -> memref<1x128xf32, #tpu.memory_space<hbm>>
      %dma_wait3A_284 = tpu.memref_squeeze %dma_wait3A_283 : memref<1x128xf32, #tpu.memory_space<hbm>> -> memref<128xf32, #tpu.memory_space<hbm>>
      tpu.wait_dma2 semaphore(%arg11 : memref<!tpu.dma_semaphore, #tpu.memory_space<semaphore_mem>>) src(%dma_wait3A_284 : memref<128xf32, #tpu.memory_space<hbm>>) dst(%arg7 : memref<128xf32, #tpu.memory_space<vmem>>)
      %dma_wait3A_285 = arith.constant 0 : i32
      %dma_wait3A_286 = arith.constant 0 : i32
      %dma_wait3A_287 = arith.constant 0 : i32
      %dma_wait3A_288 = tpu.memref_slice %arg3[%arg0, %dma_wait3A_286, %dma_wait3A_287] : memref<2x12512x128xf32, #tpu.memory_space<hbm>> -> memref<1x12512x128xf32, #tpu.memory_space<hbm>>
      %dma_wait3A_289 = tpu.memref_squeeze %dma_wait3A_288 : memref<1x12512x128xf32, #tpu.memory_space<hbm>> -> memref<12512x128xf32, #tpu.memory_space<hbm>>
      %dma_wait3A_290 = arith.constant 0 : i32
      %dma_wait3A_291 = tpu.memref_slice %dma_wait3A_289[%dma_wait3A_285, %dma_wait3A_290] : memref<12512x128xf32, #tpu.memory_space<hbm>> -> memref<1x128xf32, #tpu.memory_space<hbm>>
      %dma_wait3A_292 = tpu.memref_squeeze %dma_wait3A_291 : memref<1x128xf32, #tpu.memory_space<hbm>> -> memref<128xf32, #tpu.memory_space<hbm>>
      %dma_wait3A_293 = arith.constant 0 : i32
      %dma_wait3A_294 = arith.constant 0 : i32
      %dma_wait3A_295 = tpu.memref_slice %arg3[%arg0, %dma_wait3A_293, %dma_wait3A_294] : memref<2x12512x128xf32, #tpu.memory_space<hbm>> -> memref<1x12512x128xf32, #tpu.memory_space<hbm>>
      %dma_wait3A_296 = tpu.memref_squeeze %dma_wait3A_295 : memref<1x12512x128xf32, #tpu.memory_space<hbm>> -> memref<12512x128xf32, #tpu.memory_space<hbm>>
      %dma_wait3A_297 = arith.constant 0 : i32
      %dma_wait3A_298 = tpu.memref_slice %dma_wait3A_296[%dma_wait3A_285, %dma_wait3A_297] : memref<12512x128xf32, #tpu.memory_space<hbm>> -> memref<1x128xf32, #tpu.memory_space<hbm>>
      %dma_wait3A_299 = tpu.memref_squeeze %dma_wait3A_298 : memref<1x128xf32, #tpu.memory_space<hbm>> -> memref<128xf32, #tpu.memory_space<hbm>>
      tpu.wait_dma2 semaphore(%arg11 : memref<!tpu.dma_semaphore, #tpu.memory_space<semaphore_mem>>) src(%dma_wait3A_299 : memref<128xf32, #tpu.memory_space<hbm>>) dst(%arg7 : memref<128xf32, #tpu.memory_space<vmem>>)
      %dma_wait3A_300 = arith.constant 1 : i32
      %dma_wait3A_301 = arith.constant 0 : i32
      %dma_wait3A_302 = arith.constant 0 : i32
      %dma_wait3A_303 = tpu.memref_slice %arg2[%dma_wait3A_300, %dma_wait3A_301, %dma_wait3A_302] : memref<2x12500x128xi32, #tpu.memory_space<hbm>> -> memref<1x12500x128xi32, #tpu.memory_space<hbm>>
      %dma_wait3A_304 = tpu.memref_squeeze %dma_wait3A_303 : memref<1x12500x128xi32, #tpu.memory_space<hbm>> -> memref<12500x128xi32, #tpu.memory_space<hbm>>
      %dma_wait3A_305 = arith.constant 0 : i32
      %dma_wait3A_306 = arith.constant 0 : i32
      %dma_wait3A_307 = tpu.memref_slice %dma_wait3A_304[%dma_wait3A_305, %dma_wait3A_306] : memref<12500x128xi32, #tpu.memory_space<hbm>> -> memref<5x128xi32, #tpu.memory_space<hbm>>
      %dma_wait3A_308 = arith.constant 0 : i32
      %dma_wait3A_309 = arith.constant 0 : i32
      %dma_wait3A_310 = tpu.memref_slice %arg2[%dma_wait3A_300, %dma_wait3A_308, %dma_wait3A_309] : memref<2x12500x128xi32, #tpu.memory_space<hbm>> -> memref<1x12500x128xi32, #tpu.memory_space<hbm>>
      %dma_wait3A_311 = tpu.memref_squeeze %dma_wait3A_310 : memref<1x12500x128xi32, #tpu.memory_space<hbm>> -> memref<12500x128xi32, #tpu.memory_space<hbm>>
      %dma_wait3A_312 = arith.constant 0 : i32
      %dma_wait3A_313 = arith.constant 0 : i32
      %dma_wait3A_314 = tpu.memref_slice %dma_wait3A_311[%dma_wait3A_312, %dma_wait3A_313] : memref<12500x128xi32, #tpu.memory_space<hbm>> -> memref<5x128xi32, #tpu.memory_space<hbm>>
      tpu.wait_dma2 semaphore(%arg12 : memref<!tpu.dma_semaphore, #tpu.memory_space<semaphore_mem>>) src(%dma_wait3A_314 : memref<5x128xi32, #tpu.memory_space<hbm>>) dst(%arg5 : memref<5x128xi32, #tpu.memory_space<vmem>>)
      %dma_start3A_315 = arith.constant 0 : i32
      %dma_start3A_316 = arith.constant 0 : i32
      %dma_start3A_317 = tpu.memref_slice %arg6[%dma_start3A_315, %dma_start3A_316] : memref<5x128xi32, #tpu.memory_space<vmem>> -> memref<1x128xi32, #tpu.memory_space<vmem>>
      %dma_start3A_318 = tpu.memref_squeeze %dma_start3A_317 : memref<1x128xi32, #tpu.memory_space<vmem>> -> memref<128xi32, #tpu.memory_space<vmem>>
      %dma_start3A_319 = arith.constant 0 : i32
      %dma_start3A_320 = tpu.memref_slice %arg4[%dma_start3A_319] : memref<100096xf32, #tpu.memory_space<vmem_shared>> -> memref<100096xf32, #tpu.memory_space<vmem_shared>>
      tpu.enqueue_indirect_dma source(%arg7 : memref<128xf32, #tpu.memory_space<vmem>>) target(%dma_start3A_320 : memref<100096xf32, #tpu.memory_space<vmem_shared>>) offsets(%dma_start3A_318 : memref<128xi32, #tpu.memory_space<vmem>>) semaphore(%arg11 : memref<!tpu.dma_semaphore, #tpu.memory_space<semaphore_mem>>) {add = true}
      %dma_start3A_321 = arith.constant 1 : i32
      %dma_start3A_322 = arith.constant 0 : i32
      %dma_start3A_323 = tpu.memref_slice %arg6[%dma_start3A_321, %dma_start3A_322] : memref<5x128xi32, #tpu.memory_space<vmem>> -> memref<1x128xi32, #tpu.memory_space<vmem>>
      %dma_start3A_324 = tpu.memref_squeeze %dma_start3A_323 : memref<1x128xi32, #tpu.memory_space<vmem>> -> memref<128xi32, #tpu.memory_space<vmem>>
      %dma_start3A_325 = arith.constant 0 : i32
      %dma_start3A_326 = tpu.memref_slice %arg4[%dma_start3A_325] : memref<100096xf32, #tpu.memory_space<vmem_shared>> -> memref<100096xf32, #tpu.memory_space<vmem_shared>>
      tpu.enqueue_indirect_dma source(%arg7 : memref<128xf32, #tpu.memory_space<vmem>>) target(%dma_start3A_326 : memref<100096xf32, #tpu.memory_space<vmem_shared>>) offsets(%dma_start3A_324 : memref<128xi32, #tpu.memory_space<vmem>>) semaphore(%arg11 : memref<!tpu.dma_semaphore, #tpu.memory_space<semaphore_mem>>) {add = true}
      %dma_start3A_327 = arith.constant 2 : i32
      %dma_start3A_328 = arith.constant 0 : i32
      %dma_start3A_329 = tpu.memref_slice %arg6[%dma_start3A_327, %dma_start3A_328] : memref<5x128xi32, #tpu.memory_space<vmem>> -> memref<1x128xi32, #tpu.memory_space<vmem>>
      %dma_start3A_330 = tpu.memref_squeeze %dma_start3A_329 : memref<1x128xi32, #tpu.memory_space<vmem>> -> memref<128xi32, #tpu.memory_space<vmem>>
      %dma_start3A_331 = arith.constant 0 : i32
      %dma_start3A_332 = tpu.memref_slice %arg4[%dma_start3A_331] : memref<100096xf32, #tpu.memory_space<vmem_shared>> -> memref<100096xf32, #tpu.memory_space<vmem_shared>>
      tpu.enqueue_indirect_dma source(%arg7 : memref<128xf32, #tpu.memory_space<vmem>>) target(%dma_start3A_332 : memref<100096xf32, #tpu.memory_space<vmem_shared>>) offsets(%dma_start3A_330 : memref<128xi32, #tpu.memory_space<vmem>>) semaphore(%arg11 : memref<!tpu.dma_semaphore, #tpu.memory_space<semaphore_mem>>) {add = true}
      %dma_start3A_333 = arith.constant 3 : i32
      %dma_start3A_334 = arith.constant 0 : i32
      %dma_start3A_335 = tpu.memref_slice %arg6[%dma_start3A_333, %dma_start3A_334] : memref<5x128xi32, #tpu.memory_space<vmem>> -> memref<1x128xi32, #tpu.memory_space<vmem>>
      %dma_start3A_336 = tpu.memref_squeeze %dma_start3A_335 : memref<1x128xi32, #tpu.memory_space<vmem>> -> memref<128xi32, #tpu.memory_space<vmem>>
      %dma_start3A_337 = arith.constant 0 : i32
      %dma_start3A_338 = tpu.memref_slice %arg4[%dma_start3A_337] : memref<100096xf32, #tpu.memory_space<vmem_shared>> -> memref<100096xf32, #tpu.memory_space<vmem_shared>>
      tpu.enqueue_indirect_dma source(%arg7 : memref<128xf32, #tpu.memory_space<vmem>>) target(%dma_start3A_338 : memref<100096xf32, #tpu.memory_space<vmem_shared>>) offsets(%dma_start3A_336 : memref<128xi32, #tpu.memory_space<vmem>>) semaphore(%arg11 : memref<!tpu.dma_semaphore, #tpu.memory_space<semaphore_mem>>) {add = true}
      %dma_start3A_339 = arith.constant 4 : i32
      %dma_start3A_340 = arith.constant 0 : i32
      %dma_start3A_341 = tpu.memref_slice %arg6[%dma_start3A_339, %dma_start3A_340] : memref<5x128xi32, #tpu.memory_space<vmem>> -> memref<1x128xi32, #tpu.memory_space<vmem>>
      %dma_start3A_342 = tpu.memref_squeeze %dma_start3A_341 : memref<1x128xi32, #tpu.memory_space<vmem>> -> memref<128xi32, #tpu.memory_space<vmem>>
      %dma_start3A_343 = arith.constant 0 : i32
      %dma_start3A_344 = tpu.memref_slice %arg4[%dma_start3A_343] : memref<100096xf32, #tpu.memory_space<vmem_shared>> -> memref<100096xf32, #tpu.memory_space<vmem_shared>>
      tpu.enqueue_indirect_dma source(%arg7 : memref<128xf32, #tpu.memory_space<vmem>>) target(%dma_start3A_344 : memref<100096xf32, #tpu.memory_space<vmem_shared>>) offsets(%dma_start3A_342 : memref<128xi32, #tpu.memory_space<vmem>>) semaphore(%arg11 : memref<!tpu.dma_semaphore, #tpu.memory_space<semaphore_mem>>) {add = true}
      %lt3A_345 = arith.constant 38 : i32
      %lt3A_346 = arith.cmpi slt, %scan3A_168, %lt3A_345 : i32
      %convert_element_type3A_347 = arith.extui %lt3A_346 : i1 to i32
      %cond3A_348 = arith.constant 0 : i32
      %cond3A_349 = arith.cmpi ne, %convert_element_type3A_347, %cond3A_348 : i32
      scf.if %cond3A_349 {
        %mul3A_350 = arith.constant 2 : i32
        %mul3A_351 = arith.muli %mul3A_350, %scan3A_168 : i32
        %add3A_352 = arith.constant 2 : i32
        %add3A_353 = arith.addi %mul3A_351, %add3A_352 : i32
        %mul3A_354 = arith.constant 5 : i32
        %mul3A_355 = arith.muli %add3A_353, %mul3A_354 : i32
        %add3A_356 = arith.addi %add3A_57, %mul3A_355 : i32
        %dma_start3A_357 = arith.constant 1 : i32
        %dma_start3A_358 = arith.constant 0 : i32
        %dma_start3A_359 = arith.constant 0 : i32
        %dma_start3A_360 = tpu.memref_slice %arg2[%dma_start3A_357, %dma_start3A_358, %dma_start3A_359] : memref<2x12500x128xi32, #tpu.memory_space<hbm>> -> memref<1x12500x128xi32, #tpu.memory_space<hbm>>
        %dma_start3A_361 = tpu.memref_squeeze %dma_start3A_360 : memref<1x12500x128xi32, #tpu.memory_space<hbm>> -> memref<12500x128xi32, #tpu.memory_space<hbm>>
        %dma_start3A_362 = arith.constant 0 : i32
        %dma_start3A_363 = tpu.memref_slice %dma_start3A_361[%add3A_356, %dma_start3A_362] : memref<12500x128xi32, #tpu.memory_space<hbm>> -> memref<5x128xi32, #tpu.memory_space<hbm>>
        %dma_start3A_364 = arith.constant 0 : i32
        %dma_start3A_365 = arith.constant 0 : i32
        %dma_start3A_366 = tpu.memref_slice %arg2[%dma_start3A_357, %dma_start3A_364, %dma_start3A_365] : memref<2x12500x128xi32, #tpu.memory_space<hbm>> -> memref<1x12500x128xi32, #tpu.memory_space<hbm>>
        %dma_start3A_367 = tpu.memref_squeeze %dma_start3A_366 : memref<1x12500x128xi32, #tpu.memory_space<hbm>> -> memref<12500x128xi32, #tpu.memory_space<hbm>>
        %dma_start3A_368 = arith.constant 0 : i32
        %dma_start3A_369 = tpu.memref_slice %dma_start3A_367[%add3A_356, %dma_start3A_368] : memref<12500x128xi32, #tpu.memory_space<hbm>> -> memref<5x128xi32, #tpu.memory_space<hbm>>
        tpu.enqueue_dma source(%dma_start3A_369 : memref<5x128xi32, #tpu.memory_space<hbm>>) target(%arg5 : memref<5x128xi32, #tpu.memory_space<vmem>>) target_semaphore(%arg12 : memref<!tpu.dma_semaphore, #tpu.memory_space<semaphore_mem>>)
      } else {
      }
    }
    %scan3A_67 = arith.constant 39 : i32
    %dma_wait3A = arith.constant 0 : i32
    %dma_wait3A_68 = arith.constant 0 : i32
    %dma_wait3A_69 = arith.constant 0 : i32
    %dma_wait3A_70 = tpu.memref_slice %arg3[%arg0, %dma_wait3A_68, %dma_wait3A_69] : memref<2x12512x128xf32, #tpu.memory_space<hbm>> -> memref<1x12512x128xf32, #tpu.memory_space<hbm>>
    %dma_wait3A_71 = tpu.memref_squeeze %dma_wait3A_70 : memref<1x12512x128xf32, #tpu.memory_space<hbm>> -> memref<12512x128xf32, #tpu.memory_space<hbm>>
    %dma_wait3A_72 = arith.constant 0 : i32
    %dma_wait3A_73 = tpu.memref_slice %dma_wait3A_71[%dma_wait3A, %dma_wait3A_72] : memref<12512x128xf32, #tpu.memory_space<hbm>> -> memref<1x128xf32, #tpu.memory_space<hbm>>
    %dma_wait3A_74 = tpu.memref_squeeze %dma_wait3A_73 : memref<1x128xf32, #tpu.memory_space<hbm>> -> memref<128xf32, #tpu.memory_space<hbm>>
    %dma_wait3A_75 = arith.constant 0 : i32
    %dma_wait3A_76 = arith.constant 0 : i32
    %dma_wait3A_77 = tpu.memref_slice %arg3[%arg0, %dma_wait3A_75, %dma_wait3A_76] : memref<2x12512x128xf32, #tpu.memory_space<hbm>> -> memref<1x12512x128xf32, #tpu.memory_space<hbm>>
    %dma_wait3A_78 = tpu.memref_squeeze %dma_wait3A_77 : memref<1x12512x128xf32, #tpu.memory_space<hbm>> -> memref<12512x128xf32, #tpu.memory_space<hbm>>
    %dma_wait3A_79 = arith.constant 0 : i32
    %dma_wait3A_80 = tpu.memref_slice %dma_wait3A_78[%dma_wait3A, %dma_wait3A_79] : memref<12512x128xf32, #tpu.memory_space<hbm>> -> memref<1x128xf32, #tpu.memory_space<hbm>>
    %dma_wait3A_81 = tpu.memref_squeeze %dma_wait3A_80 : memref<1x128xf32, #tpu.memory_space<hbm>> -> memref<128xf32, #tpu.memory_space<hbm>>
    tpu.wait_dma2 semaphore(%arg11 : memref<!tpu.dma_semaphore, #tpu.memory_space<semaphore_mem>>) src(%dma_wait3A_81 : memref<128xf32, #tpu.memory_space<hbm>>) dst(%arg7 : memref<128xf32, #tpu.memory_space<vmem>>)
    %dma_wait3A_82 = arith.constant 0 : i32
    %dma_wait3A_83 = arith.constant 0 : i32
    %dma_wait3A_84 = arith.constant 0 : i32
    %dma_wait3A_85 = tpu.memref_slice %arg3[%arg0, %dma_wait3A_83, %dma_wait3A_84] : memref<2x12512x128xf32, #tpu.memory_space<hbm>> -> memref<1x12512x128xf32, #tpu.memory_space<hbm>>
    %dma_wait3A_86 = tpu.memref_squeeze %dma_wait3A_85 : memref<1x12512x128xf32, #tpu.memory_space<hbm>> -> memref<12512x128xf32, #tpu.memory_space<hbm>>
    %dma_wait3A_87 = arith.constant 0 : i32
    %dma_wait3A_88 = tpu.memref_slice %dma_wait3A_86[%dma_wait3A_82, %dma_wait3A_87] : memref<12512x128xf32, #tpu.memory_space<hbm>> -> memref<1x128xf32, #tpu.memory_space<hbm>>
    %dma_wait3A_89 = tpu.memref_squeeze %dma_wait3A_88 : memref<1x128xf32, #tpu.memory_space<hbm>> -> memref<128xf32, #tpu.memory_space<hbm>>
    %dma_wait3A_90 = arith.constant 0 : i32
    %dma_wait3A_91 = arith.constant 0 : i32
    %dma_wait3A_92 = tpu.memref_slice %arg3[%arg0, %dma_wait3A_90, %dma_wait3A_91] : memref<2x12512x128xf32, #tpu.memory_space<hbm>> -> memref<1x12512x128xf32, #tpu.memory_space<hbm>>
    %dma_wait3A_93 = tpu.memref_squeeze %dma_wait3A_92 : memref<1x12512x128xf32, #tpu.memory_space<hbm>> -> memref<12512x128xf32, #tpu.memory_space<hbm>>
    %dma_wait3A_94 = arith.constant 0 : i32
    %dma_wait3A_95 = tpu.memref_slice %dma_wait3A_93[%dma_wait3A_82, %dma_wait3A_94] : memref<12512x128xf32, #tpu.memory_space<hbm>> -> memref<1x128xf32, #tpu.memory_space<hbm>>
    %dma_wait3A_96 = tpu.memref_squeeze %dma_wait3A_95 : memref<1x128xf32, #tpu.memory_space<hbm>> -> memref<128xf32, #tpu.memory_space<hbm>>
    tpu.wait_dma2 semaphore(%arg11 : memref<!tpu.dma_semaphore, #tpu.memory_space<semaphore_mem>>) src(%dma_wait3A_96 : memref<128xf32, #tpu.memory_space<hbm>>) dst(%arg7 : memref<128xf32, #tpu.memory_space<vmem>>)
    %dma_wait3A_97 = arith.constant 0 : i32
    %dma_wait3A_98 = arith.constant 0 : i32
    %dma_wait3A_99 = arith.constant 0 : i32
    %dma_wait3A_100 = tpu.memref_slice %arg3[%arg0, %dma_wait3A_98, %dma_wait3A_99] : memref<2x12512x128xf32, #tpu.memory_space<hbm>> -> memref<1x12512x128xf32, #tpu.memory_space<hbm>>
    %dma_wait3A_101 = tpu.memref_squeeze %dma_wait3A_100 : memref<1x12512x128xf32, #tpu.memory_space<hbm>> -> memref<12512x128xf32, #tpu.memory_space<hbm>>
    %dma_wait3A_102 = arith.constant 0 : i32
    %dma_wait3A_103 = tpu.memref_slice %dma_wait3A_101[%dma_wait3A_97, %dma_wait3A_102] : memref<12512x128xf32, #tpu.memory_space<hbm>> -> memref<1x128xf32, #tpu.memory_space<hbm>>
    %dma_wait3A_104 = tpu.memref_squeeze %dma_wait3A_103 : memref<1x128xf32, #tpu.memory_space<hbm>> -> memref<128xf32, #tpu.memory_space<hbm>>
    %dma_wait3A_105 = arith.constant 0 : i32
    %dma_wait3A_106 = arith.constant 0 : i32
    %dma_wait3A_107 = tpu.memref_slice %arg3[%arg0, %dma_wait3A_105, %dma_wait3A_106] : memref<2x12512x128xf32, #tpu.memory_space<hbm>> -> memref<1x12512x128xf32, #tpu.memory_space<hbm>>
    %dma_wait3A_108 = tpu.memref_squeeze %dma_wait3A_107 : memref<1x12512x128xf32, #tpu.memory_space<hbm>> -> memref<12512x128xf32, #tpu.memory_space<hbm>>
    %dma_wait3A_109 = arith.constant 0 : i32
    %dma_wait3A_110 = tpu.memref_slice %dma_wait3A_108[%dma_wait3A_97, %dma_wait3A_109] : memref<12512x128xf32, #tpu.memory_space<hbm>> -> memref<1x128xf32, #tpu.memory_space<hbm>>
    %dma_wait3A_111 = tpu.memref_squeeze %dma_wait3A_110 : memref<1x128xf32, #tpu.memory_space<hbm>> -> memref<128xf32, #tpu.memory_space<hbm>>
    tpu.wait_dma2 semaphore(%arg11 : memref<!tpu.dma_semaphore, #tpu.memory_space<semaphore_mem>>) src(%dma_wait3A_111 : memref<128xf32, #tpu.memory_space<hbm>>) dst(%arg7 : memref<128xf32, #tpu.memory_space<vmem>>)
    %dma_wait3A_112 = arith.constant 0 : i32
    %dma_wait3A_113 = arith.constant 0 : i32
    %dma_wait3A_114 = arith.constant 0 : i32
    %dma_wait3A_115 = tpu.memref_slice %arg3[%arg0, %dma_wait3A_113, %dma_wait3A_114] : memref<2x12512x128xf32, #tpu.memory_space<hbm>> -> memref<1x12512x128xf32, #tpu.memory_space<hbm>>
    %dma_wait3A_116 = tpu.memref_squeeze %dma_wait3A_115 : memref<1x12512x128xf32, #tpu.memory_space<hbm>> -> memref<12512x128xf32, #tpu.memory_space<hbm>>
    %dma_wait3A_117 = arith.constant 0 : i32
    %dma_wait3A_118 = tpu.memref_slice %dma_wait3A_116[%dma_wait3A_112, %dma_wait3A_117] : memref<12512x128xf32, #tpu.memory_space<hbm>> -> memref<1x128xf32, #tpu.memory_space<hbm>>
    %dma_wait3A_119 = tpu.memref_squeeze %dma_wait3A_118 : memref<1x128xf32, #tpu.memory_space<hbm>> -> memref<128xf32, #tpu.memory_space<hbm>>
    %dma_wait3A_120 = arith.constant 0 : i32
    %dma_wait3A_121 = arith.constant 0 : i32
    %dma_wait3A_122 = tpu.memref_slice %arg3[%arg0, %dma_wait3A_120, %dma_wait3A_121] : memref<2x12512x128xf32, #tpu.memory_space<hbm>> -> memref<1x12512x128xf32, #tpu.memory_space<hbm>>
    %dma_wait3A_123 = tpu.memref_squeeze %dma_wait3A_122 : memref<1x12512x128xf32, #tpu.memory_space<hbm>> -> memref<12512x128xf32, #tpu.memory_space<hbm>>
    %dma_wait3A_124 = arith.constant 0 : i32
    %dma_wait3A_125 = tpu.memref_slice %dma_wait3A_123[%dma_wait3A_112, %dma_wait3A_124] : memref<12512x128xf32, #tpu.memory_space<hbm>> -> memref<1x128xf32, #tpu.memory_space<hbm>>
    %dma_wait3A_126 = tpu.memref_squeeze %dma_wait3A_125 : memref<1x128xf32, #tpu.memory_space<hbm>> -> memref<128xf32, #tpu.memory_space<hbm>>
    tpu.wait_dma2 semaphore(%arg11 : memref<!tpu.dma_semaphore, #tpu.memory_space<semaphore_mem>>) src(%dma_wait3A_126 : memref<128xf32, #tpu.memory_space<hbm>>) dst(%arg7 : memref<128xf32, #tpu.memory_space<vmem>>)
    %dma_wait3A_127 = arith.constant 0 : i32
    %dma_wait3A_128 = arith.constant 0 : i32
    %dma_wait3A_129 = arith.constant 0 : i32
    %dma_wait3A_130 = tpu.memref_slice %arg3[%arg0, %dma_wait3A_128, %dma_wait3A_129] : memref<2x12512x128xf32, #tpu.memory_space<hbm>> -> memref<1x12512x128xf32, #tpu.memory_space<hbm>>
    %dma_wait3A_131 = tpu.memref_squeeze %dma_wait3A_130 : memref<1x12512x128xf32, #tpu.memory_space<hbm>> -> memref<12512x128xf32, #tpu.memory_space<hbm>>
    %dma_wait3A_132 = arith.constant 0 : i32
    %dma_wait3A_133 = tpu.memref_slice %dma_wait3A_131[%dma_wait3A_127, %dma_wait3A_132] : memref<12512x128xf32, #tpu.memory_space<hbm>> -> memref<1x128xf32, #tpu.memory_space<hbm>>
    %dma_wait3A_134 = tpu.memref_squeeze %dma_wait3A_133 : memref<1x128xf32, #tpu.memory_space<hbm>> -> memref<128xf32, #tpu.memory_space<hbm>>
    %dma_wait3A_135 = arith.constant 0 : i32
    %dma_wait3A_136 = arith.constant 0 : i32
    %dma_wait3A_137 = tpu.memref_slice %arg3[%arg0, %dma_wait3A_135, %dma_wait3A_136] : memref<2x12512x128xf32, #tpu.memory_space<hbm>> -> memref<1x12512x128xf32, #tpu.memory_space<hbm>>
    %dma_wait3A_138 = tpu.memref_squeeze %dma_wait3A_137 : memref<1x12512x128xf32, #tpu.memory_space<hbm>> -> memref<12512x128xf32, #tpu.memory_space<hbm>>
    %dma_wait3A_139 = arith.constant 0 : i32
    %dma_wait3A_140 = tpu.memref_slice %dma_wait3A_138[%dma_wait3A_127, %dma_wait3A_139] : memref<12512x128xf32, #tpu.memory_space<hbm>> -> memref<1x128xf32, #tpu.memory_space<hbm>>
    %dma_wait3A_141 = tpu.memref_squeeze %dma_wait3A_140 : memref<1x128xf32, #tpu.memory_space<hbm>> -> memref<128xf32, #tpu.memory_space<hbm>>
    tpu.wait_dma2 semaphore(%arg11 : memref<!tpu.dma_semaphore, #tpu.memory_space<semaphore_mem>>) src(%dma_wait3A_141 : memref<128xf32, #tpu.memory_space<hbm>>) dst(%arg7 : memref<128xf32, #tpu.memory_space<vmem>>)
    %while3A = arith.constant 0 : i32
    %while3A_142 = arith.constant 390 : i32
    %while3A_143 = arith.subi %select_n3A, %while3A_142 : i32
    %while3A_144 = arith.addi %while3A_142, %while3A_143 : i32
    %while3A_145 = arith.constant 1 : i32
    %while3A_146 = arith.divsi %while3A_143, %while3A_145 : i32
    %while3A_147 = arith.muli %while3A_146, %while3A_145 : i32
    %while3A_148 = arith.addi %while3A_142, %while3A_147 : i32
    %while3A_149 = arith.constant 1 : i32
    scf.for %while3A_168 = %while3A_142 to %while3A_148 step %while3A_149  : i32 {
      %add3A_169 = arith.addi %add3A_57, %while3A_168 : i32
      %run_scoped3A_170 = arith.constant 1 : i32
      "tpu.region"() ({
        %run_scoped3A_172 = tpu.sem_alloc : memref<!tpu.dma_semaphore, #tpu.memory_space<semaphore_mem>>
        %dma_start3A = arith.constant 0 : i32
        %dma_start3A_173 = arith.constant 0 : i32
        %dma_start3A_174 = tpu.memref_slice %arg5[%dma_start3A, %dma_start3A_173] : memref<5x128xi32, #tpu.memory_space<vmem>> -> memref<1x128xi32, #tpu.memory_space<vmem>>
        %dma_start3A_175 = arith.constant 0 : i32
        %dma_start3A_176 = arith.constant 0 : i32
        %dma_start3A_177 = tpu.memref_slice %arg2[%run_scoped3A_170, %dma_start3A_175, %dma_start3A_176] : memref<2x12500x128xi32, #tpu.memory_space<hbm>> -> memref<1x12500x128xi32, #tpu.memory_space<hbm>>
        %dma_start3A_178 = tpu.memref_squeeze %dma_start3A_177 : memref<1x12500x128xi32, #tpu.memory_space<hbm>> -> memref<12500x128xi32, #tpu.memory_space<hbm>>
        %dma_start3A_179 = arith.constant 0 : i32
        %dma_start3A_180 = tpu.memref_slice %dma_start3A_178[%add3A_169, %dma_start3A_179] : memref<12500x128xi32, #tpu.memory_space<hbm>> -> memref<1x128xi32, #tpu.memory_space<hbm>>
        %dma_start3A_181 = arith.constant 0 : i32
        %dma_start3A_182 = arith.constant 0 : i32
        %dma_start3A_183 = tpu.memref_slice %arg5[%dma_start3A_181, %dma_start3A_182] : memref<5x128xi32, #tpu.memory_space<vmem>> -> memref<1x128xi32, #tpu.memory_space<vmem>>
        %dma_start3A_184 = arith.constant 0 : i32
        %dma_start3A_185 = arith.constant 0 : i32
        %dma_start3A_186 = tpu.memref_slice %arg2[%run_scoped3A_170, %dma_start3A_184, %dma_start3A_185] : memref<2x12500x128xi32, #tpu.memory_space<hbm>> -> memref<1x12500x128xi32, #tpu.memory_space<hbm>>
        %dma_start3A_187 = tpu.memref_squeeze %dma_start3A_186 : memref<1x12500x128xi32, #tpu.memory_space<hbm>> -> memref<12500x128xi32, #tpu.memory_space<hbm>>
        %dma_start3A_188 = arith.constant 0 : i32
        %dma_start3A_189 = tpu.memref_slice %dma_start3A_187[%add3A_169, %dma_start3A_188] : memref<12500x128xi32, #tpu.memory_space<hbm>> -> memref<1x128xi32, #tpu.memory_space<hbm>>
        tpu.enqueue_dma source(%dma_start3A_189 : memref<1x128xi32, #tpu.memory_space<hbm>>) target(%dma_start3A_183 : memref<1x128xi32, #tpu.memory_space<vmem>>) target_semaphore(%run_scoped3A_172 : memref<!tpu.dma_semaphore, #tpu.memory_space<semaphore_mem>>)
        %dma_wait3A_190 = arith.constant 0 : i32
        %dma_wait3A_191 = arith.constant 0 : i32
        %dma_wait3A_192 = tpu.memref_slice %arg5[%dma_wait3A_190, %dma_wait3A_191] : memref<5x128xi32, #tpu.memory_space<vmem>> -> memref<1x128xi32, #tpu.memory_space<vmem>>
        %dma_wait3A_193 = arith.constant 0 : i32
        %dma_wait3A_194 = arith.constant 0 : i32
        %dma_wait3A_195 = tpu.memref_slice %arg2[%run_scoped3A_170, %dma_wait3A_193, %dma_wait3A_194] : memref<2x12500x128xi32, #tpu.memory_space<hbm>> -> memref<1x12500x128xi32, #tpu.memory_space<hbm>>
        %dma_wait3A_196 = tpu.memref_squeeze %dma_wait3A_195 : memref<1x12500x128xi32, #tpu.memory_space<hbm>> -> memref<12500x128xi32, #tpu.memory_space<hbm>>
        %dma_wait3A_197 = arith.constant 0 : i32
        %dma_wait3A_198 = tpu.memref_slice %dma_wait3A_196[%add3A_169, %dma_wait3A_197] : memref<12500x128xi32, #tpu.memory_space<hbm>> -> memref<1x128xi32, #tpu.memory_space<hbm>>
        %dma_wait3A_199 = arith.constant 0 : i32
        %dma_wait3A_200 = arith.constant 0 : i32
        %dma_wait3A_201 = tpu.memref_slice %arg5[%dma_wait3A_199, %dma_wait3A_200] : memref<5x128xi32, #tpu.memory_space<vmem>> -> memref<1x128xi32, #tpu.memory_space<vmem>>
        %dma_wait3A_202 = arith.constant 0 : i32
        %dma_wait3A_203 = arith.constant 0 : i32
        %dma_wait3A_204 = tpu.memref_slice %arg2[%run_scoped3A_170, %dma_wait3A_202, %dma_wait3A_203] : memref<2x12500x128xi32, #tpu.memory_space<hbm>> -> memref<1x12500x128xi32, #tpu.memory_space<hbm>>
        %dma_wait3A_205 = tpu.memref_squeeze %dma_wait3A_204 : memref<1x12500x128xi32, #tpu.memory_space<hbm>> -> memref<12500x128xi32, #tpu.memory_space<hbm>>
        %dma_wait3A_206 = arith.constant 0 : i32
        %dma_wait3A_207 = tpu.memref_slice %dma_wait3A_205[%add3A_169, %dma_wait3A_206] : memref<12500x128xi32, #tpu.memory_space<hbm>> -> memref<1x128xi32, #tpu.memory_space<hbm>>
        tpu.wait_dma2 semaphore(%run_scoped3A_172 : memref<!tpu.dma_semaphore, #tpu.memory_space<semaphore_mem>>) src(%dma_wait3A_207 : memref<1x128xi32, #tpu.memory_space<hbm>>) dst(%dma_wait3A_201 : memref<1x128xi32, #tpu.memory_space<vmem>>)
        tpu.yield
      }) : () -> ()
      %run_scoped3A_171 = arith.constant 0 : i32
      "tpu.region"() ({
        %run_scoped3A_172 = tpu.sem_alloc : memref<!tpu.dma_semaphore, #tpu.memory_space<semaphore_mem>>
        %dma_start3A = arith.constant 0 : i32
        %dma_start3A_173 = tpu.memref_slice %arg5[%run_scoped3A_171, %dma_start3A] : memref<5x128xi32, #tpu.memory_space<vmem>> -> memref<1x128xi32, #tpu.memory_space<vmem>>
        %dma_start3A_174 = tpu.memref_squeeze %dma_start3A_173 : memref<1x128xi32, #tpu.memory_space<vmem>> -> memref<128xi32, #tpu.memory_space<vmem>>
        %dma_start3A_175 = arith.constant 0 : i32
        %dma_start3A_176 = tpu.memref_slice %arg4[%dma_start3A_175] : memref<100096xf32, #tpu.memory_space<vmem_shared>> -> memref<100096xf32, #tpu.memory_space<vmem_shared>>
        tpu.enqueue_indirect_dma source(%arg7 : memref<128xf32, #tpu.memory_space<vmem>>) target(%dma_start3A_176 : memref<100096xf32, #tpu.memory_space<vmem_shared>>) offsets(%dma_start3A_174 : memref<128xi32, #tpu.memory_space<vmem>>) semaphore(%run_scoped3A_172 : memref<!tpu.dma_semaphore, #tpu.memory_space<semaphore_mem>>) {add = true}
        %dma_wait3A_177 = arith.constant 0 : i32
        %dma_wait3A_178 = tpu.memref_slice %arg5[%run_scoped3A_171, %dma_wait3A_177] : memref<5x128xi32, #tpu.memory_space<vmem>> -> memref<1x128xi32, #tpu.memory_space<vmem>>
        %dma_wait3A_179 = tpu.memref_squeeze %dma_wait3A_178 : memref<1x128xi32, #tpu.memory_space<vmem>> -> memref<128xi32, #tpu.memory_space<vmem>>
        %dma_wait3A_180 = arith.constant 0 : i32
        %dma_wait3A_181 = tpu.memref_slice %arg4[%dma_wait3A_180] : memref<100096xf32, #tpu.memory_space<vmem_shared>> -> memref<100096xf32, #tpu.memory_space<vmem_shared>>
        tpu.wait_indirect_dma semaphore(%run_scoped3A_172 : memref<!tpu.dma_semaphore, #tpu.memory_space<semaphore_mem>>) src(%arg7 : memref<128xf32, #tpu.memory_space<vmem>>) dst(%dma_wait3A_181 : memref<100096xf32, #tpu.memory_space<vmem_shared>>)
        tpu.yield
      }) : () -> ()
    }
    %while3A_150 = arith.constant 1 : i32
    scf.for %while3A_168 = %while3A_148 to %while3A_144 step %while3A_150  : i32 {
      %add3A_169 = arith.addi %add3A_57, %while3A_168 : i32
      %run_scoped3A_170 = arith.constant 1 : i32
      "tpu.region"() ({
        %run_scoped3A_172 = tpu.sem_alloc : memref<!tpu.dma_semaphore, #tpu.memory_space<semaphore_mem>>
        %dma_start3A = arith.constant 0 : i32
        %dma_start3A_173 = arith.constant 0 : i32
        %dma_start3A_174 = tpu.memref_slice %arg5[%dma_start3A, %dma_start3A_173] : memref<5x128xi32, #tpu.memory_space<vmem>> -> memref<1x128xi32, #tpu.memory_space<vmem>>
        %dma_start3A_175 = arith.constant 0 : i32
        %dma_start3A_176 = arith.constant 0 : i32
        %dma_start3A_177 = tpu.memref_slice %arg2[%run_scoped3A_170, %dma_start3A_175, %dma_start3A_176] : memref<2x12500x128xi32, #tpu.memory_space<hbm>> -> memref<1x12500x128xi32, #tpu.memory_space<hbm>>
        %dma_start3A_178 = tpu.memref_squeeze %dma_start3A_177 : memref<1x12500x128xi32, #tpu.memory_space<hbm>> -> memref<12500x128xi32, #tpu.memory_space<hbm>>
        %dma_start3A_179 = arith.constant 0 : i32
        %dma_start3A_180 = tpu.memref_slice %dma_start3A_178[%add3A_169, %dma_start3A_179] : memref<12500x128xi32, #tpu.memory_space<hbm>> -> memref<1x128xi32, #tpu.memory_space<hbm>>
        %dma_start3A_181 = arith.constant 0 : i32
        %dma_start3A_182 = arith.constant 0 : i32
        %dma_start3A_183 = tpu.memref_slice %arg5[%dma_start3A_181, %dma_start3A_182] : memref<5x128xi32, #tpu.memory_space<vmem>> -> memref<1x128xi32, #tpu.memory_space<vmem>>
        %dma_start3A_184 = arith.constant 0 : i32
        %dma_start3A_185 = arith.constant 0 : i32
        %dma_start3A_186 = tpu.memref_slice %arg2[%run_scoped3A_170, %dma_start3A_184, %dma_start3A_185] : memref<2x12500x128xi32, #tpu.memory_space<hbm>> -> memref<1x12500x128xi32, #tpu.memory_space<hbm>>
        %dma_start3A_187 = tpu.memref_squeeze %dma_start3A_186 : memref<1x12500x128xi32, #tpu.memory_space<hbm>> -> memref<12500x128xi32, #tpu.memory_space<hbm>>
        %dma_start3A_188 = arith.constant 0 : i32
        %dma_start3A_189 = tpu.memref_slice %dma_start3A_187[%add3A_169, %dma_start3A_188] : memref<12500x128xi32, #tpu.memory_space<hbm>> -> memref<1x128xi32, #tpu.memory_space<hbm>>
        tpu.enqueue_dma source(%dma_start3A_189 : memref<1x128xi32, #tpu.memory_space<hbm>>) target(%dma_start3A_183 : memref<1x128xi32, #tpu.memory_space<vmem>>) target_semaphore(%run_scoped3A_172 : memref<!tpu.dma_semaphore, #tpu.memory_space<semaphore_mem>>)
        %dma_wait3A_190 = arith.constant 0 : i32
        %dma_wait3A_191 = arith.constant 0 : i32
        %dma_wait3A_192 = tpu.memref_slice %arg5[%dma_wait3A_190, %dma_wait3A_191] : memref<5x128xi32, #tpu.memory_space<vmem>> -> memref<1x128xi32, #tpu.memory_space<vmem>>
        %dma_wait3A_193 = arith.constant 0 : i32
        %dma_wait3A_194 = arith.constant 0 : i32
        %dma_wait3A_195 = tpu.memref_slice %arg2[%run_scoped3A_170, %dma_wait3A_193, %dma_wait3A_194] : memref<2x12500x128xi32, #tpu.memory_space<hbm>> -> memref<1x12500x128xi32, #tpu.memory_space<hbm>>
        %dma_wait3A_196 = tpu.memref_squeeze %dma_wait3A_195 : memref<1x12500x128xi32, #tpu.memory_space<hbm>> -> memref<12500x128xi32, #tpu.memory_space<hbm>>
        %dma_wait3A_197 = arith.constant 0 : i32
        %dma_wait3A_198 = tpu.memref_slice %dma_wait3A_196[%add3A_169, %dma_wait3A_197] : memref<12500x128xi32, #tpu.memory_space<hbm>> -> memref<1x128xi32, #tpu.memory_space<hbm>>
        %dma_wait3A_199 = arith.constant 0 : i32
        %dma_wait3A_200 = arith.constant 0 : i32
        %dma_wait3A_201 = tpu.memref_slice %arg5[%dma_wait3A_199, %dma_wait3A_200] : memref<5x128xi32, #tpu.memory_space<vmem>> -> memref<1x128xi32, #tpu.memory_space<vmem>>
        %dma_wait3A_202 = arith.constant 0 : i32
        %dma_wait3A_203 = arith.constant 0 : i32
        %dma_wait3A_204 = tpu.memref_slice %arg2[%run_scoped3A_170, %dma_wait3A_202, %dma_wait3A_203] : memref<2x12500x128xi32, #tpu.memory_space<hbm>> -> memref<1x12500x128xi32, #tpu.memory_space<hbm>>
        %dma_wait3A_205 = tpu.memref_squeeze %dma_wait3A_204 : memref<1x12500x128xi32, #tpu.memory_space<hbm>> -> memref<12500x128xi32, #tpu.memory_space<hbm>>
        %dma_wait3A_206 = arith.constant 0 : i32
        %dma_wait3A_207 = tpu.memref_slice %dma_wait3A_205[%add3A_169, %dma_wait3A_206] : memref<12500x128xi32, #tpu.memory_space<hbm>> -> memref<1x128xi32, #tpu.memory_space<hbm>>
        tpu.wait_dma2 semaphore(%run_scoped3A_172 : memref<!tpu.dma_semaphore, #tpu.memory_space<semaphore_mem>>) src(%dma_wait3A_207 : memref<1x128xi32, #tpu.memory_space<hbm>>) dst(%dma_wait3A_201 : memref<1x128xi32, #tpu.memory_space<vmem>>)
        tpu.yield
      }) : () -> ()
      %run_scoped3A_171 = arith.constant 0 : i32
      "tpu.region"() ({
        %run_scoped3A_172 = tpu.sem_alloc : memref<!tpu.dma_semaphore, #tpu.memory_space<semaphore_mem>>
        %dma_start3A = arith.constant 0 : i32
        %dma_start3A_173 = tpu.memref_slice %arg5[%run_scoped3A_171, %dma_start3A] : memref<5x128xi32, #tpu.memory_space<vmem>> -> memref<1x128xi32, #tpu.memory_space<vmem>>
        %dma_start3A_174 = tpu.memref_squeeze %dma_start3A_173 : memref<1x128xi32, #tpu.memory_space<vmem>> -> memref<128xi32, #tpu.memory_space<vmem>>
        %dma_start3A_175 = arith.constant 0 : i32
        %dma_start3A_176 = tpu.memref_slice %arg4[%dma_start3A_175] : memref<100096xf32, #tpu.memory_space<vmem_shared>> -> memref<100096xf32, #tpu.memory_space<vmem_shared>>
        tpu.enqueue_indirect_dma source(%arg7 : memref<128xf32, #tpu.memory_space<vmem>>) target(%dma_start3A_176 : memref<100096xf32, #tpu.memory_space<vmem_shared>>) offsets(%dma_start3A_174 : memref<128xi32, #tpu.memory_space<vmem>>) semaphore(%run_scoped3A_172 : memref<!tpu.dma_semaphore, #tpu.memory_space<semaphore_mem>>) {add = true}
        %dma_wait3A_177 = arith.constant 0 : i32
        %dma_wait3A_178 = tpu.memref_slice %arg5[%run_scoped3A_171, %dma_wait3A_177] : memref<5x128xi32, #tpu.memory_space<vmem>> -> memref<1x128xi32, #tpu.memory_space<vmem>>
        %dma_wait3A_179 = tpu.memref_squeeze %dma_wait3A_178 : memref<1x128xi32, #tpu.memory_space<vmem>> -> memref<128xi32, #tpu.memory_space<vmem>>
        %dma_wait3A_180 = arith.constant 0 : i32
        %dma_wait3A_181 = tpu.memref_slice %arg4[%dma_wait3A_180] : memref<100096xf32, #tpu.memory_space<vmem_shared>> -> memref<100096xf32, #tpu.memory_space<vmem_shared>>
        tpu.wait_indirect_dma semaphore(%run_scoped3A_172 : memref<!tpu.dma_semaphore, #tpu.memory_space<semaphore_mem>>) src(%arg7 : memref<128xf32, #tpu.memory_space<vmem>>) dst(%dma_wait3A_181 : memref<100096xf32, #tpu.memory_space<vmem_shared>>)
        tpu.yield
      }) : () -> ()
    }
    %barrier3A_151 = arith.constant 0 : index
    tpu.barrier barrier_id(%barrier3A_151)
    "tpu.region"() ({
      %run_scoped3A_168 = tpu.sem_alloc : memref<!tpu.dma_semaphore, #tpu.memory_space<semaphore_mem>>
      %dma_start3A = tpu.memref_slice %arg4[%mul3A_7] : memref<100096xf32, #tpu.memory_space<vmem_shared>> -> memref<6256xf32, #tpu.memory_space<vmem_shared>>
      %dma_start3A_169 = tpu.memref_slice %arg4[%mul3A_7] : memref<100096xf32, #tpu.memory_space<vmem_shared>> -> memref<6256xf32, #tpu.memory_space<vmem_shared>>
      tpu.enqueue_dma source(%dma_start3A_169 : memref<6256xf32, #tpu.memory_space<vmem_shared>>) target(%arg9 : memref<6256xf32, #tpu.memory_space<vmem>>) target_semaphore(%run_scoped3A_168 : memref<!tpu.dma_semaphore, #tpu.memory_space<semaphore_mem>>)
      %dma_wait3A_170 = tpu.memref_slice %arg4[%mul3A_7] : memref<100096xf32, #tpu.memory_space<vmem_shared>> -> memref<6256xf32, #tpu.memory_space<vmem_shared>>
      %dma_wait3A_171 = tpu.memref_slice %arg4[%mul3A_7] : memref<100096xf32, #tpu.memory_space<vmem_shared>> -> memref<6256xf32, #tpu.memory_space<vmem_shared>>
      tpu.wait_dma2 semaphore(%run_scoped3A_168 : memref<!tpu.dma_semaphore, #tpu.memory_space<semaphore_mem>>) src(%dma_wait3A_171 : memref<6256xf32, #tpu.memory_space<vmem_shared>>) dst(%arg9 : memref<6256xf32, #tpu.memory_space<vmem>>)
      tpu.yield
    }) : () -> ()
    %scan3A_152 = arith.constant 0 : i32
    %scan3A_153 = arith.constant 0 : i32
    %scan3A_154 = arith.constant 17 : i32
    %scan3A_155 = arith.addi %scan3A_153, %scan3A_154 : i32
    %scan3A_156 = arith.constant 1 : i32
    scf.for %scan3A_168 = %scan3A_153 to %scan3A_155 step %scan3A_156  : i32 {
      %mul3A_169 = arith.constant 352 : i32
      %mul3A_170 = arith.muli %scan3A_168, %mul3A_169 : i32
      %scan3A_171 = arith.constant 0 : i32
      %scan3A_172 = arith.constant 0 : i32
      %scan3A_173 = arith.constant 22 : i32
      %scan3A_174 = arith.addi %scan3A_172, %scan3A_173 : i32
      %scan3A_175 = arith.constant 1 : i32
      scf.for %scan3A_182 = %scan3A_172 to %scan3A_174 step %scan3A_175  : i32 {
        %mul3A_183 = arith.constant 16 : i32
        %mul3A_184 = arith.muli %scan3A_182, %mul3A_183 : i32
        %add3A_185 = arith.addi %mul3A_170, %mul3A_184 : i32
        %get3A = arith.index_cast %add3A_185 : i32 to index
        %get3A_186 = tpu.vector_load %arg9[%get3A] {strides = array<i32>} : memref<6256xf32, #tpu.memory_space<vmem>>, vector<16xf32>,
        %get3A_187 = vector.shape_cast %get3A_186 : vector<16xf32> to vector<16xf32>
        %slice3A = vector.extract_strided_slice %get3A_187 {offsets = [0], sizes = [1], strides = [1]} : vector<16xf32> to vector<1xf32>
        %squeeze3A = vector.extract %slice3A[0] : f32 from vector<1xf32>
        %broadcast_in_dim3A_188 = vector.broadcast %squeeze3A : f32 to vector<16xf32>
        %mul3A_189 = arith.constant 2 : i32
        %mul3A_190 = arith.muli %mul3A_189, %scan3A_182 : i32
        %swap3A_191 = arith.index_cast %mul3A_190 : i32 to index
        %swap3A_192 = arith.constant 0 : index
        %swap3A_193 = tpu.vector_load %arg10[%swap3A_191, %swap3A_192] {strides = array<i32>} : memref<44x128xf32, #tpu.memory_space<vmem>>, vector<1x16xf32>,
        %swap3A_194 = vector.shape_cast %swap3A_193 : vector<1x16xf32> to vector<16xf32>
        %swap3A_195 = vector.shape_cast %broadcast_in_dim3A_188 : vector<16xf32> to vector<1x16xf32>
        tpu.vector_store %arg10[%swap3A_191, %swap3A_192], %swap3A_195 {strides = array<i32>} : memref<44x128xf32, #tpu.memory_space<vmem>>, vector<1x16xf32>,
        %slice3A_196 = vector.extract_strided_slice %get3A_187 {offsets = [1], sizes = [1], strides = [1]} : vector<16xf32> to vector<1xf32>
        %squeeze3A_197 = vector.extract %slice3A_196[0] : f32 from vector<1xf32>
        %broadcast_in_dim3A_198 = vector.broadcast %squeeze3A_197 : f32 to vector<16xf32>
        %mul3A_199 = arith.constant 2 : i32
        %mul3A_200 = arith.muli %mul3A_199, %scan3A_182 : i32
        %swap3A_201 = arith.index_cast %mul3A_200 : i32 to index
        %swap3A_202 = arith.constant 16 : index
        %swap3A_203 = tpu.vector_load %arg10[%swap3A_201, %swap3A_202] {strides = array<i32>} : memref<44x128xf32, #tpu.memory_space<vmem>>, vector<1x16xf32>,
        %swap3A_204 = vector.shape_cast %swap3A_203 : vector<1x16xf32> to vector<16xf32>
        %swap3A_205 = vector.shape_cast %broadcast_in_dim3A_198 : vector<16xf32> to vector<1x16xf32>
        tpu.vector_store %arg10[%swap3A_201, %swap3A_202], %swap3A_205 {strides = array<i32>} : memref<44x128xf32, #tpu.memory_space<vmem>>, vector<1x16xf32>,
        %slice3A_206 = vector.extract_strided_slice %get3A_187 {offsets = [2], sizes = [1], strides = [1]} : vector<16xf32> to vector<1xf32>
        %squeeze3A_207 = vector.extract %slice3A_206[0] : f32 from vector<1xf32>
        %broadcast_in_dim3A_208 = vector.broadcast %squeeze3A_207 : f32 to vector<16xf32>
        %mul3A_209 = arith.constant 2 : i32
        %mul3A_210 = arith.muli %mul3A_209, %scan3A_182 : i32
        %swap3A_211 = arith.index_cast %mul3A_210 : i32 to index
        %swap3A_212 = arith.constant 32 : index
        %swap3A_213 = tpu.vector_load %arg10[%swap3A_211, %swap3A_212] {strides = array<i32>} : memref<44x128xf32, #tpu.memory_space<vmem>>, vector<1x16xf32>,
        %swap3A_214 = vector.shape_cast %swap3A_213 : vector<1x16xf32> to vector<16xf32>
        %swap3A_215 = vector.shape_cast %broadcast_in_dim3A_208 : vector<16xf32> to vector<1x16xf32>
        tpu.vector_store %arg10[%swap3A_211, %swap3A_212], %swap3A_215 {strides = array<i32>} : memref<44x128xf32, #tpu.memory_space<vmem>>, vector<1x16xf32>,
        %slice3A_216 = vector.extract_strided_slice %get3A_187 {offsets = [3], sizes = [1], strides = [1]} : vector<16xf32> to vector<1xf32>
        %squeeze3A_217 = vector.extract %slice3A_216[0] : f32 from vector<1xf32>
        %broadcast_in_dim3A_218 = vector.broadcast %squeeze3A_217 : f32 to vector<16xf32>
        %mul3A_219 = arith.constant 2 : i32
        %mul3A_220 = arith.muli %mul3A_219, %scan3A_182 : i32
        %swap3A_221 = arith.index_cast %mul3A_220 : i32 to index
        %swap3A_222 = arith.constant 48 : index
        %swap3A_223 = tpu.vector_load %arg10[%swap3A_221, %swap3A_222] {strides = array<i32>} : memref<44x128xf32, #tpu.memory_space<vmem>>, vector<1x16xf32>,
        %swap3A_224 = vector.shape_cast %swap3A_223 : vector<1x16xf32> to vector<16xf32>
        %swap3A_225 = vector.shape_cast %broadcast_in_dim3A_218 : vector<16xf32> to vector<1x16xf32>
        tpu.vector_store %arg10[%swap3A_221, %swap3A_222], %swap3A_225 {strides = array<i32>} : memref<44x128xf32, #tpu.memory_space<vmem>>, vector<1x16xf32>,
        %slice3A_226 = vector.extract_strided_slice %get3A_187 {offsets = [4], sizes = [1], strides = [1]} : vector<16xf32> to vector<1xf32>
        %squeeze3A_227 = vector.extract %slice3A_226[0] : f32 from vector<1xf32>
        %broadcast_in_dim3A_228 = vector.broadcast %squeeze3A_227 : f32 to vector<16xf32>
        %mul3A_229 = arith.constant 2 : i32
        %mul3A_230 = arith.muli %mul3A_229, %scan3A_182 : i32
        %swap3A_231 = arith.index_cast %mul3A_230 : i32 to index
        %swap3A_232 = arith.constant 64 : index
        %swap3A_233 = tpu.vector_load %arg10[%swap3A_231, %swap3A_232] {strides = array<i32>} : memref<44x128xf32, #tpu.memory_space<vmem>>, vector<1x16xf32>,
        %swap3A_234 = vector.shape_cast %swap3A_233 : vector<1x16xf32> to vector<16xf32>
        %swap3A_235 = vector.shape_cast %broadcast_in_dim3A_228 : vector<16xf32> to vector<1x16xf32>
        tpu.vector_store %arg10[%swap3A_231, %swap3A_232], %swap3A_235 {strides = array<i32>} : memref<44x128xf32, #tpu.memory_space<vmem>>, vector<1x16xf32>,
        %slice3A_236 = vector.extract_strided_slice %get3A_187 {offsets = [5], sizes = [1], strides = [1]} : vector<16xf32> to vector<1xf32>
        %squeeze3A_237 = vector.extract %slice3A_236[0] : f32 from vector<1xf32>
        %broadcast_in_dim3A_238 = vector.broadcast %squeeze3A_237 : f32 to vector<16xf32>
        %mul3A_239 = arith.constant 2 : i32
        %mul3A_240 = arith.muli %mul3A_239, %scan3A_182 : i32
        %swap3A_241 = arith.index_cast %mul3A_240 : i32 to index
        %swap3A_242 = arith.constant 80 : index
        %swap3A_243 = tpu.vector_load %arg10[%swap3A_241, %swap3A_242] {strides = array<i32>} : memref<44x128xf32, #tpu.memory_space<vmem>>, vector<1x16xf32>,
        %swap3A_244 = vector.shape_cast %swap3A_243 : vector<1x16xf32> to vector<16xf32>
        %swap3A_245 = vector.shape_cast %broadcast_in_dim3A_238 : vector<16xf32> to vector<1x16xf32>
        tpu.vector_store %arg10[%swap3A_241, %swap3A_242], %swap3A_245 {strides = array<i32>} : memref<44x128xf32, #tpu.memory_space<vmem>>, vector<1x16xf32>,
        %slice3A_246 = vector.extract_strided_slice %get3A_187 {offsets = [6], sizes = [1], strides = [1]} : vector<16xf32> to vector<1xf32>
        %squeeze3A_247 = vector.extract %slice3A_246[0] : f32 from vector<1xf32>
        %broadcast_in_dim3A_248 = vector.broadcast %squeeze3A_247 : f32 to vector<16xf32>
        %mul3A_249 = arith.constant 2 : i32
        %mul3A_250 = arith.muli %mul3A_249, %scan3A_182 : i32
        %swap3A_251 = arith.index_cast %mul3A_250 : i32 to index
        %swap3A_252 = arith.constant 96 : index
        %swap3A_253 = tpu.vector_load %arg10[%swap3A_251, %swap3A_252] {strides = array<i32>} : memref<44x128xf32, #tpu.memory_space<vmem>>, vector<1x16xf32>,
        %swap3A_254 = vector.shape_cast %swap3A_253 : vector<1x16xf32> to vector<16xf32>
        %swap3A_255 = vector.shape_cast %broadcast_in_dim3A_248 : vector<16xf32> to vector<1x16xf32>
        tpu.vector_store %arg10[%swap3A_251, %swap3A_252], %swap3A_255 {strides = array<i32>} : memref<44x128xf32, #tpu.memory_space<vmem>>, vector<1x16xf32>,
        %slice3A_256 = vector.extract_strided_slice %get3A_187 {offsets = [7], sizes = [1], strides = [1]} : vector<16xf32> to vector<1xf32>
        %squeeze3A_257 = vector.extract %slice3A_256[0] : f32 from vector<1xf32>
        %broadcast_in_dim3A_258 = vector.broadcast %squeeze3A_257 : f32 to vector<16xf32>
        %mul3A_259 = arith.constant 2 : i32
        %mul3A_260 = arith.muli %mul3A_259, %scan3A_182 : i32
        %swap3A_261 = arith.index_cast %mul3A_260 : i32 to index
        %swap3A_262 = arith.constant 112 : index
        %swap3A_263 = tpu.vector_load %arg10[%swap3A_261, %swap3A_262] {strides = array<i32>} : memref<44x128xf32, #tpu.memory_space<vmem>>, vector<1x16xf32>,
        %swap3A_264 = vector.shape_cast %swap3A_263 : vector<1x16xf32> to vector<16xf32>
        %swap3A_265 = vector.shape_cast %broadcast_in_dim3A_258 : vector<16xf32> to vector<1x16xf32>
        tpu.vector_store %arg10[%swap3A_261, %swap3A_262], %swap3A_265 {strides = array<i32>} : memref<44x128xf32, #tpu.memory_space<vmem>>, vector<1x16xf32>,
        %slice3A_266 = vector.extract_strided_slice %get3A_187 {offsets = [8], sizes = [1], strides = [1]} : vector<16xf32> to vector<1xf32>
        %squeeze3A_267 = vector.extract %slice3A_266[0] : f32 from vector<1xf32>
        %broadcast_in_dim3A_268 = vector.broadcast %squeeze3A_267 : f32 to vector<16xf32>
        %mul3A_269 = arith.constant 2 : i32
        %mul3A_270 = arith.muli %mul3A_269, %scan3A_182 : i32
        %add3A_271 = arith.constant 1 : i32
        %add3A_272 = arith.addi %mul3A_270, %add3A_271 : i32
        %swap3A_273 = arith.index_cast %add3A_272 : i32 to index
        %swap3A_274 = arith.constant 0 : index
        %swap3A_275 = tpu.vector_load %arg10[%swap3A_273, %swap3A_274] {strides = array<i32>} : memref<44x128xf32, #tpu.memory_space<vmem>>, vector<1x16xf32>,
        %swap3A_276 = vector.shape_cast %swap3A_275 : vector<1x16xf32> to vector<16xf32>
        %swap3A_277 = vector.shape_cast %broadcast_in_dim3A_268 : vector<16xf32> to vector<1x16xf32>
        tpu.vector_store %arg10[%swap3A_273, %swap3A_274], %swap3A_277 {strides = array<i32>} : memref<44x128xf32, #tpu.memory_space<vmem>>, vector<1x16xf32>,
        %slice3A_278 = vector.extract_strided_slice %get3A_187 {offsets = [9], sizes = [1], strides = [1]} : vector<16xf32> to vector<1xf32>
        %squeeze3A_279 = vector.extract %slice3A_278[0] : f32 from vector<1xf32>
        %broadcast_in_dim3A_280 = vector.broadcast %squeeze3A_279 : f32 to vector<16xf32>
        %mul3A_281 = arith.constant 2 : i32
        %mul3A_282 = arith.muli %mul3A_281, %scan3A_182 : i32
        %add3A_283 = arith.constant 1 : i32
        %add3A_284 = arith.addi %mul3A_282, %add3A_283 : i32
        %swap3A_285 = arith.index_cast %add3A_284 : i32 to index
        %swap3A_286 = arith.constant 16 : index
        %swap3A_287 = tpu.vector_load %arg10[%swap3A_285, %swap3A_286] {strides = array<i32>} : memref<44x128xf32, #tpu.memory_space<vmem>>, vector<1x16xf32>,
        %swap3A_288 = vector.shape_cast %swap3A_287 : vector<1x16xf32> to vector<16xf32>
        %swap3A_289 = vector.shape_cast %broadcast_in_dim3A_280 : vector<16xf32> to vector<1x16xf32>
        tpu.vector_store %arg10[%swap3A_285, %swap3A_286], %swap3A_289 {strides = array<i32>} : memref<44x128xf32, #tpu.memory_space<vmem>>, vector<1x16xf32>,
        %slice3A_290 = vector.extract_strided_slice %get3A_187 {offsets = [10], sizes = [1], strides = [1]} : vector<16xf32> to vector<1xf32>
        %squeeze3A_291 = vector.extract %slice3A_290[0] : f32 from vector<1xf32>
        %broadcast_in_dim3A_292 = vector.broadcast %squeeze3A_291 : f32 to vector<16xf32>
        %mul3A_293 = arith.constant 2 : i32
        %mul3A_294 = arith.muli %mul3A_293, %scan3A_182 : i32
        %add3A_295 = arith.constant 1 : i32
        %add3A_296 = arith.addi %mul3A_294, %add3A_295 : i32
        %swap3A_297 = arith.index_cast %add3A_296 : i32 to index
        %swap3A_298 = arith.constant 32 : index
        %swap3A_299 = tpu.vector_load %arg10[%swap3A_297, %swap3A_298] {strides = array<i32>} : memref<44x128xf32, #tpu.memory_space<vmem>>, vector<1x16xf32>,
        %swap3A_300 = vector.shape_cast %swap3A_299 : vector<1x16xf32> to vector<16xf32>
        %swap3A_301 = vector.shape_cast %broadcast_in_dim3A_292 : vector<16xf32> to vector<1x16xf32>
        tpu.vector_store %arg10[%swap3A_297, %swap3A_298], %swap3A_301 {strides = array<i32>} : memref<44x128xf32, #tpu.memory_space<vmem>>, vector<1x16xf32>,
        %slice3A_302 = vector.extract_strided_slice %get3A_187 {offsets = [11], sizes = [1], strides = [1]} : vector<16xf32> to vector<1xf32>
        %squeeze3A_303 = vector.extract %slice3A_302[0] : f32 from vector<1xf32>
        %broadcast_in_dim3A_304 = vector.broadcast %squeeze3A_303 : f32 to vector<16xf32>
        %mul3A_305 = arith.constant 2 : i32
        %mul3A_306 = arith.muli %mul3A_305, %scan3A_182 : i32
        %add3A_307 = arith.constant 1 : i32
        %add3A_308 = arith.addi %mul3A_306, %add3A_307 : i32
        %swap3A_309 = arith.index_cast %add3A_308 : i32 to index
        %swap3A_310 = arith.constant 48 : index
        %swap3A_311 = tpu.vector_load %arg10[%swap3A_309, %swap3A_310] {strides = array<i32>} : memref<44x128xf32, #tpu.memory_space<vmem>>, vector<1x16xf32>,
        %swap3A_312 = vector.shape_cast %swap3A_311 : vector<1x16xf32> to vector<16xf32>
        %swap3A_313 = vector.shape_cast %broadcast_in_dim3A_304 : vector<16xf32> to vector<1x16xf32>
        tpu.vector_store %arg10[%swap3A_309, %swap3A_310], %swap3A_313 {strides = array<i32>} : memref<44x128xf32, #tpu.memory_space<vmem>>, vector<1x16xf32>,
        %slice3A_314 = vector.extract_strided_slice %get3A_187 {offsets = [12], sizes = [1], strides = [1]} : vector<16xf32> to vector<1xf32>
        %squeeze3A_315 = vector.extract %slice3A_314[0] : f32 from vector<1xf32>
        %broadcast_in_dim3A_316 = vector.broadcast %squeeze3A_315 : f32 to vector<16xf32>
        %mul3A_317 = arith.constant 2 : i32
        %mul3A_318 = arith.muli %mul3A_317, %scan3A_182 : i32
        %add3A_319 = arith.constant 1 : i32
        %add3A_320 = arith.addi %mul3A_318, %add3A_319 : i32
        %swap3A_321 = arith.index_cast %add3A_320 : i32 to index
        %swap3A_322 = arith.constant 64 : index
        %swap3A_323 = tpu.vector_load %arg10[%swap3A_321, %swap3A_322] {strides = array<i32>} : memref<44x128xf32, #tpu.memory_space<vmem>>, vector<1x16xf32>,
        %swap3A_324 = vector.shape_cast %swap3A_323 : vector<1x16xf32> to vector<16xf32>
        %swap3A_325 = vector.shape_cast %broadcast_in_dim3A_316 : vector<16xf32> to vector<1x16xf32>
        tpu.vector_store %arg10[%swap3A_321, %swap3A_322], %swap3A_325 {strides = array<i32>} : memref<44x128xf32, #tpu.memory_space<vmem>>, vector<1x16xf32>,
        %slice3A_326 = vector.extract_strided_slice %get3A_187 {offsets = [13], sizes = [1], strides = [1]} : vector<16xf32> to vector<1xf32>
        %squeeze3A_327 = vector.extract %slice3A_326[0] : f32 from vector<1xf32>
        %broadcast_in_dim3A_328 = vector.broadcast %squeeze3A_327 : f32 to vector<16xf32>
        %mul3A_329 = arith.constant 2 : i32
        %mul3A_330 = arith.muli %mul3A_329, %scan3A_182 : i32
        %add3A_331 = arith.constant 1 : i32
        %add3A_332 = arith.addi %mul3A_330, %add3A_331 : i32
        %swap3A_333 = arith.index_cast %add3A_332 : i32 to index
        %swap3A_334 = arith.constant 80 : index
        %swap3A_335 = tpu.vector_load %arg10[%swap3A_333, %swap3A_334] {strides = array<i32>} : memref<44x128xf32, #tpu.memory_space<vmem>>, vector<1x16xf32>,
        %swap3A_336 = vector.shape_cast %swap3A_335 : vector<1x16xf32> to vector<16xf32>
        %swap3A_337 = vector.shape_cast %broadcast_in_dim3A_328 : vector<16xf32> to vector<1x16xf32>
        tpu.vector_store %arg10[%swap3A_333, %swap3A_334], %swap3A_337 {strides = array<i32>} : memref<44x128xf32, #tpu.memory_space<vmem>>, vector<1x16xf32>,
        %slice3A_338 = vector.extract_strided_slice %get3A_187 {offsets = [14], sizes = [1], strides = [1]} : vector<16xf32> to vector<1xf32>
        %squeeze3A_339 = vector.extract %slice3A_338[0] : f32 from vector<1xf32>
        %broadcast_in_dim3A_340 = vector.broadcast %squeeze3A_339 : f32 to vector<16xf32>
        %mul3A_341 = arith.constant 2 : i32
        %mul3A_342 = arith.muli %mul3A_341, %scan3A_182 : i32
        %add3A_343 = arith.constant 1 : i32
        %add3A_344 = arith.addi %mul3A_342, %add3A_343 : i32
        %swap3A_345 = arith.index_cast %add3A_344 : i32 to index
        %swap3A_346 = arith.constant 96 : index
        %swap3A_347 = tpu.vector_load %arg10[%swap3A_345, %swap3A_346] {strides = array<i32>} : memref<44x128xf32, #tpu.memory_space<vmem>>, vector<1x16xf32>,
        %swap3A_348 = vector.shape_cast %swap3A_347 : vector<1x16xf32> to vector<16xf32>
        %swap3A_349 = vector.shape_cast %broadcast_in_dim3A_340 : vector<16xf32> to vector<1x16xf32>
        tpu.vector_store %arg10[%swap3A_345, %swap3A_346], %swap3A_349 {strides = array<i32>} : memref<44x128xf32, #tpu.memory_space<vmem>>, vector<1x16xf32>,
        %slice3A_350 = vector.extract_strided_slice %get3A_187 {offsets = [15], sizes = [1], strides = [1]} : vector<16xf32> to vector<1xf32>
        %squeeze3A_351 = vector.extract %slice3A_350[0] : f32 from vector<1xf32>
        %broadcast_in_dim3A_352 = vector.broadcast %squeeze3A_351 : f32 to vector<16xf32>
        %mul3A_353 = arith.constant 2 : i32
        %mul3A_354 = arith.muli %mul3A_353, %scan3A_182 : i32
        %add3A_355 = arith.constant 1 : i32
        %add3A_356 = arith.addi %mul3A_354, %add3A_355 : i32
        %swap3A_357 = arith.index_cast %add3A_356 : i32 to index
        %swap3A_358 = arith.constant 112 : index
        %swap3A_359 = tpu.vector_load %arg10[%swap3A_357, %swap3A_358] {strides = array<i32>} : memref<44x128xf32, #tpu.memory_space<vmem>>, vector<1x16xf32>,
        %swap3A_360 = vector.shape_cast %swap3A_359 : vector<1x16xf32> to vector<16xf32>
        %swap3A_361 = vector.shape_cast %broadcast_in_dim3A_352 : vector<16xf32> to vector<1x16xf32>
        tpu.vector_store %arg10[%swap3A_357, %swap3A_358], %swap3A_361 {strides = array<i32>} : memref<44x128xf32, #tpu.memory_space<vmem>>, vector<1x16xf32>,
      }
      %scan3A_176 = arith.constant 22 : i32
      %mul3A_177 = arith.constant 782 : i32
      %mul3A_178 = arith.muli %arg1, %mul3A_177 : i32
      %mul3A_179 = arith.constant 44 : i32
      %mul3A_180 = arith.muli %scan3A_168, %mul3A_179 : i32
      %add3A_181 = arith.addi %mul3A_178, %mul3A_180 : i32
      "tpu.region"() ({
        %run_scoped3A_182 = tpu.sem_alloc : memref<!tpu.dma_semaphore, #tpu.memory_space<semaphore_mem>>
        %dma_start3A = arith.constant 0 : i32
        %dma_start3A_183 = arith.constant 0 : i32
        %dma_start3A_184 = tpu.memref_slice %arg3[%arg0, %dma_start3A, %dma_start3A_183] : memref<2x12512x128xf32, #tpu.memory_space<hbm>> -> memref<1x12512x128xf32, #tpu.memory_space<hbm>>
        %dma_start3A_185 = tpu.memref_squeeze %dma_start3A_184 : memref<1x12512x128xf32, #tpu.memory_space<hbm>> -> memref<12512x128xf32, #tpu.memory_space<hbm>>
        %dma_start3A_186 = arith.constant 0 : i32
        %dma_start3A_187 = tpu.memref_slice %dma_start3A_185[%add3A_181, %dma_start3A_186] : memref<12512x128xf32, #tpu.memory_space<hbm>> -> memref<44x128xf32, #tpu.memory_space<hbm>>
        %dma_start3A_188 = arith.constant 0 : i32
        %dma_start3A_189 = arith.constant 0 : i32
        %dma_start3A_190 = tpu.memref_slice %arg3[%arg0, %dma_start3A_188, %dma_start3A_189] : memref<2x12512x128xf32, #tpu.memory_space<hbm>> -> memref<1x12512x128xf32, #tpu.memory_space<hbm>>
        %dma_start3A_191 = tpu.memref_squeeze %dma_start3A_190 : memref<1x12512x128xf32, #tpu.memory_space<hbm>> -> memref<12512x128xf32, #tpu.memory_space<hbm>>
        %dma_start3A_192 = arith.constant 0 : i32
        %dma_start3A_193 = tpu.memref_slice %dma_start3A_191[%add3A_181, %dma_start3A_192] : memref<12512x128xf32, #tpu.memory_space<hbm>> -> memref<44x128xf32, #tpu.memory_space<hbm>>
        tpu.enqueue_dma source(%arg10 : memref<44x128xf32, #tpu.memory_space<vmem>>) target(%dma_start3A_193 : memref<44x128xf32, #tpu.memory_space<hbm>>) target_semaphore(%run_scoped3A_182 : memref<!tpu.dma_semaphore, #tpu.memory_space<semaphore_mem>>)
        %dma_wait3A_194 = arith.constant 0 : i32
        %dma_wait3A_195 = arith.constant 0 : i32
        %dma_wait3A_196 = tpu.memref_slice %arg3[%arg0, %dma_wait3A_194, %dma_wait3A_195] : memref<2x12512x128xf32, #tpu.memory_space<hbm>> -> memref<1x12512x128xf32, #tpu.memory_space<hbm>>
        %dma_wait3A_197 = tpu.memref_squeeze %dma_wait3A_196 : memref<1x12512x128xf32, #tpu.memory_space<hbm>> -> memref<12512x128xf32, #tpu.memory_space<hbm>>
        %dma_wait3A_198 = arith.constant 0 : i32
        %dma_wait3A_199 = tpu.memref_slice %dma_wait3A_197[%add3A_181, %dma_wait3A_198] : memref<12512x128xf32, #tpu.memory_space<hbm>> -> memref<44x128xf32, #tpu.memory_space<hbm>>
        %dma_wait3A_200 = arith.constant 0 : i32
        %dma_wait3A_201 = arith.constant 0 : i32
        %dma_wait3A_202 = tpu.memref_slice %arg3[%arg0, %dma_wait3A_200, %dma_wait3A_201] : memref<2x12512x128xf32, #tpu.memory_space<hbm>> -> memref<1x12512x128xf32, #tpu.memory_space<hbm>>
        %dma_wait3A_203 = tpu.memref_squeeze %dma_wait3A_202 : memref<1x12512x128xf32, #tpu.memory_space<hbm>> -> memref<12512x128xf32, #tpu.memory_space<hbm>>
        %dma_wait3A_204 = arith.constant 0 : i32
        %dma_wait3A_205 = tpu.memref_slice %dma_wait3A_203[%add3A_181, %dma_wait3A_204] : memref<12512x128xf32, #tpu.memory_space<hbm>> -> memref<44x128xf32, #tpu.memory_space<hbm>>
        tpu.wait_dma2 semaphore(%run_scoped3A_182 : memref<!tpu.dma_semaphore, #tpu.memory_space<semaphore_mem>>) src(%arg10 : memref<44x128xf32, #tpu.memory_space<vmem>>) dst(%dma_wait3A_205 : memref<44x128xf32, #tpu.memory_space<hbm>>)
        tpu.yield
      }) : () -> ()
    }
    %scan3A_157 = arith.constant 17 : i32
    %scan3A_158 = arith.constant 0 : i32
    %scan3A_159 = arith.constant 0 : i32
    %scan3A_160 = arith.constant 17 : i32
    %scan3A_161 = arith.addi %scan3A_159, %scan3A_160 : i32
    %scan3A_162 = arith.constant 1 : i32
    scf.for %scan3A_168 = %scan3A_159 to %scan3A_161 step %scan3A_162  : i32 {
      %mul3A_169 = arith.constant 16 : i32
      %mul3A_170 = arith.muli %scan3A_168, %mul3A_169 : i32
      %add3A_171 = arith.constant 5984 : i32
      %add3A_172 = arith.addi %add3A_171, %mul3A_170 : i32
      %get3A = arith.index_cast %add3A_172 : i32 to index
      %get3A_173 = tpu.vector_load %arg9[%get3A] {strides = array<i32>} : memref<6256xf32, #tpu.memory_space<vmem>>, vector<16xf32>,
      %get3A_174 = vector.shape_cast %get3A_173 : vector<16xf32> to vector<16xf32>
      %slice3A = vector.extract_strided_slice %get3A_174 {offsets = [0], sizes = [1], strides = [1]} : vector<16xf32> to vector<1xf32>
      %squeeze3A = vector.extract %slice3A[0] : f32 from vector<1xf32>
      %broadcast_in_dim3A_175 = vector.broadcast %squeeze3A : f32 to vector<16xf32>
      %mul3A_176 = arith.constant 2 : i32
      %mul3A_177 = arith.muli %mul3A_176, %scan3A_168 : i32
      %swap3A_178 = arith.index_cast %mul3A_177 : i32 to index
      %swap3A_179 = arith.constant 0 : index
      %swap3A_180 = tpu.vector_load %arg10[%swap3A_178, %swap3A_179] {strides = array<i32>} : memref<44x128xf32, #tpu.memory_space<vmem>>, vector<1x16xf32>,
      %swap3A_181 = vector.shape_cast %swap3A_180 : vector<1x16xf32> to vector<16xf32>
      %swap3A_182 = vector.shape_cast %broadcast_in_dim3A_175 : vector<16xf32> to vector<1x16xf32>
      tpu.vector_store %arg10[%swap3A_178, %swap3A_179], %swap3A_182 {strides = array<i32>} : memref<44x128xf32, #tpu.memory_space<vmem>>, vector<1x16xf32>,
      %slice3A_183 = vector.extract_strided_slice %get3A_174 {offsets = [1], sizes = [1], strides = [1]} : vector<16xf32> to vector<1xf32>
      %squeeze3A_184 = vector.extract %slice3A_183[0] : f32 from vector<1xf32>
      %broadcast_in_dim3A_185 = vector.broadcast %squeeze3A_184 : f32 to vector<16xf32>
      %mul3A_186 = arith.constant 2 : i32
      %mul3A_187 = arith.muli %mul3A_186, %scan3A_168 : i32
      %swap3A_188 = arith.index_cast %mul3A_187 : i32 to index
      %swap3A_189 = arith.constant 16 : index
      %swap3A_190 = tpu.vector_load %arg10[%swap3A_188, %swap3A_189] {strides = array<i32>} : memref<44x128xf32, #tpu.memory_space<vmem>>, vector<1x16xf32>,
      %swap3A_191 = vector.shape_cast %swap3A_190 : vector<1x16xf32> to vector<16xf32>
      %swap3A_192 = vector.shape_cast %broadcast_in_dim3A_185 : vector<16xf32> to vector<1x16xf32>
      tpu.vector_store %arg10[%swap3A_188, %swap3A_189], %swap3A_192 {strides = array<i32>} : memref<44x128xf32, #tpu.memory_space<vmem>>, vector<1x16xf32>,
      %slice3A_193 = vector.extract_strided_slice %get3A_174 {offsets = [2], sizes = [1], strides = [1]} : vector<16xf32> to vector<1xf32>
      %squeeze3A_194 = vector.extract %slice3A_193[0] : f32 from vector<1xf32>
      %broadcast_in_dim3A_195 = vector.broadcast %squeeze3A_194 : f32 to vector<16xf32>
      %mul3A_196 = arith.constant 2 : i32
      %mul3A_197 = arith.muli %mul3A_196, %scan3A_168 : i32
      %swap3A_198 = arith.index_cast %mul3A_197 : i32 to index
      %swap3A_199 = arith.constant 32 : index
      %swap3A_200 = tpu.vector_load %arg10[%swap3A_198, %swap3A_199] {strides = array<i32>} : memref<44x128xf32, #tpu.memory_space<vmem>>, vector<1x16xf32>,
      %swap3A_201 = vector.shape_cast %swap3A_200 : vector<1x16xf32> to vector<16xf32>
      %swap3A_202 = vector.shape_cast %broadcast_in_dim3A_195 : vector<16xf32> to vector<1x16xf32>
      tpu.vector_store %arg10[%swap3A_198, %swap3A_199], %swap3A_202 {strides = array<i32>} : memref<44x128xf32, #tpu.memory_space<vmem>>, vector<1x16xf32>,
      %slice3A_203 = vector.extract_strided_slice %get3A_174 {offsets = [3], sizes = [1], strides = [1]} : vector<16xf32> to vector<1xf32>
      %squeeze3A_204 = vector.extract %slice3A_203[0] : f32 from vector<1xf32>
      %broadcast_in_dim3A_205 = vector.broadcast %squeeze3A_204 : f32 to vector<16xf32>
      %mul3A_206 = arith.constant 2 : i32
      %mul3A_207 = arith.muli %mul3A_206, %scan3A_168 : i32
      %swap3A_208 = arith.index_cast %mul3A_207 : i32 to index
      %swap3A_209 = arith.constant 48 : index
      %swap3A_210 = tpu.vector_load %arg10[%swap3A_208, %swap3A_209] {strides = array<i32>} : memref<44x128xf32, #tpu.memory_space<vmem>>, vector<1x16xf32>,
      %swap3A_211 = vector.shape_cast %swap3A_210 : vector<1x16xf32> to vector<16xf32>
      %swap3A_212 = vector.shape_cast %broadcast_in_dim3A_205 : vector<16xf32> to vector<1x16xf32>
      tpu.vector_store %arg10[%swap3A_208, %swap3A_209], %swap3A_212 {strides = array<i32>} : memref<44x128xf32, #tpu.memory_space<vmem>>, vector<1x16xf32>,
      %slice3A_213 = vector.extract_strided_slice %get3A_174 {offsets = [4], sizes = [1], strides = [1]} : vector<16xf32> to vector<1xf32>
      %squeeze3A_214 = vector.extract %slice3A_213[0] : f32 from vector<1xf32>
      %broadcast_in_dim3A_215 = vector.broadcast %squeeze3A_214 : f32 to vector<16xf32>
      %mul3A_216 = arith.constant 2 : i32
      %mul3A_217 = arith.muli %mul3A_216, %scan3A_168 : i32
      %swap3A_218 = arith.index_cast %mul3A_217 : i32 to index
      %swap3A_219 = arith.constant 64 : index
      %swap3A_220 = tpu.vector_load %arg10[%swap3A_218, %swap3A_219] {strides = array<i32>} : memref<44x128xf32, #tpu.memory_space<vmem>>, vector<1x16xf32>,
      %swap3A_221 = vector.shape_cast %swap3A_220 : vector<1x16xf32> to vector<16xf32>
      %swap3A_222 = vector.shape_cast %broadcast_in_dim3A_215 : vector<16xf32> to vector<1x16xf32>
      tpu.vector_store %arg10[%swap3A_218, %swap3A_219], %swap3A_222 {strides = array<i32>} : memref<44x128xf32, #tpu.memory_space<vmem>>, vector<1x16xf32>,
      %slice3A_223 = vector.extract_strided_slice %get3A_174 {offsets = [5], sizes = [1], strides = [1]} : vector<16xf32> to vector<1xf32>
      %squeeze3A_224 = vector.extract %slice3A_223[0] : f32 from vector<1xf32>
      %broadcast_in_dim3A_225 = vector.broadcast %squeeze3A_224 : f32 to vector<16xf32>
      %mul3A_226 = arith.constant 2 : i32
      %mul3A_227 = arith.muli %mul3A_226, %scan3A_168 : i32
      %swap3A_228 = arith.index_cast %mul3A_227 : i32 to index
      %swap3A_229 = arith.constant 80 : index
      %swap3A_230 = tpu.vector_load %arg10[%swap3A_228, %swap3A_229] {strides = array<i32>} : memref<44x128xf32, #tpu.memory_space<vmem>>, vector<1x16xf32>,
      %swap3A_231 = vector.shape_cast %swap3A_230 : vector<1x16xf32> to vector<16xf32>
      %swap3A_232 = vector.shape_cast %broadcast_in_dim3A_225 : vector<16xf32> to vector<1x16xf32>
      tpu.vector_store %arg10[%swap3A_228, %swap3A_229], %swap3A_232 {strides = array<i32>} : memref<44x128xf32, #tpu.memory_space<vmem>>, vector<1x16xf32>,
      %slice3A_233 = vector.extract_strided_slice %get3A_174 {offsets = [6], sizes = [1], strides = [1]} : vector<16xf32> to vector<1xf32>
      %squeeze3A_234 = vector.extract %slice3A_233[0] : f32 from vector<1xf32>
      %broadcast_in_dim3A_235 = vector.broadcast %squeeze3A_234 : f32 to vector<16xf32>
      %mul3A_236 = arith.constant 2 : i32
      %mul3A_237 = arith.muli %mul3A_236, %scan3A_168 : i32
      %swap3A_238 = arith.index_cast %mul3A_237 : i32 to index
      %swap3A_239 = arith.constant 96 : index
      %swap3A_240 = tpu.vector_load %arg10[%swap3A_238, %swap3A_239] {strides = array<i32>} : memref<44x128xf32, #tpu.memory_space<vmem>>, vector<1x16xf32>,
      %swap3A_241 = vector.shape_cast %swap3A_240 : vector<1x16xf32> to vector<16xf32>
      %swap3A_242 = vector.shape_cast %broadcast_in_dim3A_235 : vector<16xf32> to vector<1x16xf32>
      tpu.vector_store %arg10[%swap3A_238, %swap3A_239], %swap3A_242 {strides = array<i32>} : memref<44x128xf32, #tpu.memory_space<vmem>>, vector<1x16xf32>,
      %slice3A_243 = vector.extract_strided_slice %get3A_174 {offsets = [7], sizes = [1], strides = [1]} : vector<16xf32> to vector<1xf32>
      %squeeze3A_244 = vector.extract %slice3A_243[0] : f32 from vector<1xf32>
      %broadcast_in_dim3A_245 = vector.broadcast %squeeze3A_244 : f32 to vector<16xf32>
      %mul3A_246 = arith.constant 2 : i32
      %mul3A_247 = arith.muli %mul3A_246, %scan3A_168 : i32
      %swap3A_248 = arith.index_cast %mul3A_247 : i32 to index
      %swap3A_249 = arith.constant 112 : index
      %swap3A_250 = tpu.vector_load %arg10[%swap3A_248, %swap3A_249] {strides = array<i32>} : memref<44x128xf32, #tpu.memory_space<vmem>>, vector<1x16xf32>,
      %swap3A_251 = vector.shape_cast %swap3A_250 : vector<1x16xf32> to vector<16xf32>
      %swap3A_252 = vector.shape_cast %broadcast_in_dim3A_245 : vector<16xf32> to vector<1x16xf32>
      tpu.vector_store %arg10[%swap3A_248, %swap3A_249], %swap3A_252 {strides = array<i32>} : memref<44x128xf32, #tpu.memory_space<vmem>>, vector<1x16xf32>,
      %slice3A_253 = vector.extract_strided_slice %get3A_174 {offsets = [8], sizes = [1], strides = [1]} : vector<16xf32> to vector<1xf32>
      %squeeze3A_254 = vector.extract %slice3A_253[0] : f32 from vector<1xf32>
      %broadcast_in_dim3A_255 = vector.broadcast %squeeze3A_254 : f32 to vector<16xf32>
      %mul3A_256 = arith.constant 2 : i32
      %mul3A_257 = arith.muli %mul3A_256, %scan3A_168 : i32
      %add3A_258 = arith.constant 1 : i32
      %add3A_259 = arith.addi %mul3A_257, %add3A_258 : i32
      %swap3A_260 = arith.index_cast %add3A_259 : i32 to index
      %swap3A_261 = arith.constant 0 : index
      %swap3A_262 = tpu.vector_load %arg10[%swap3A_260, %swap3A_261] {strides = array<i32>} : memref<44x128xf32, #tpu.memory_space<vmem>>, vector<1x16xf32>,
      %swap3A_263 = vector.shape_cast %swap3A_262 : vector<1x16xf32> to vector<16xf32>
      %swap3A_264 = vector.shape_cast %broadcast_in_dim3A_255 : vector<16xf32> to vector<1x16xf32>
      tpu.vector_store %arg10[%swap3A_260, %swap3A_261], %swap3A_264 {strides = array<i32>} : memref<44x128xf32, #tpu.memory_space<vmem>>, vector<1x16xf32>,
      %slice3A_265 = vector.extract_strided_slice %get3A_174 {offsets = [9], sizes = [1], strides = [1]} : vector<16xf32> to vector<1xf32>
      %squeeze3A_266 = vector.extract %slice3A_265[0] : f32 from vector<1xf32>
      %broadcast_in_dim3A_267 = vector.broadcast %squeeze3A_266 : f32 to vector<16xf32>
      %mul3A_268 = arith.constant 2 : i32
      %mul3A_269 = arith.muli %mul3A_268, %scan3A_168 : i32
      %add3A_270 = arith.constant 1 : i32
      %add3A_271 = arith.addi %mul3A_269, %add3A_270 : i32
      %swap3A_272 = arith.index_cast %add3A_271 : i32 to index
      %swap3A_273 = arith.constant 16 : index
      %swap3A_274 = tpu.vector_load %arg10[%swap3A_272, %swap3A_273] {strides = array<i32>} : memref<44x128xf32, #tpu.memory_space<vmem>>, vector<1x16xf32>,
      %swap3A_275 = vector.shape_cast %swap3A_274 : vector<1x16xf32> to vector<16xf32>
      %swap3A_276 = vector.shape_cast %broadcast_in_dim3A_267 : vector<16xf32> to vector<1x16xf32>
      tpu.vector_store %arg10[%swap3A_272, %swap3A_273], %swap3A_276 {strides = array<i32>} : memref<44x128xf32, #tpu.memory_space<vmem>>, vector<1x16xf32>,
      %slice3A_277 = vector.extract_strided_slice %get3A_174 {offsets = [10], sizes = [1], strides = [1]} : vector<16xf32> to vector<1xf32>
      %squeeze3A_278 = vector.extract %slice3A_277[0] : f32 from vector<1xf32>
      %broadcast_in_dim3A_279 = vector.broadcast %squeeze3A_278 : f32 to vector<16xf32>
      %mul3A_280 = arith.constant 2 : i32
      %mul3A_281 = arith.muli %mul3A_280, %scan3A_168 : i32
      %add3A_282 = arith.constant 1 : i32
      %add3A_283 = arith.addi %mul3A_281, %add3A_282 : i32
      %swap3A_284 = arith.index_cast %add3A_283 : i32 to index
      %swap3A_285 = arith.constant 32 : index
      %swap3A_286 = tpu.vector_load %arg10[%swap3A_284, %swap3A_285] {strides = array<i32>} : memref<44x128xf32, #tpu.memory_space<vmem>>, vector<1x16xf32>,
      %swap3A_287 = vector.shape_cast %swap3A_286 : vector<1x16xf32> to vector<16xf32>
      %swap3A_288 = vector.shape_cast %broadcast_in_dim3A_279 : vector<16xf32> to vector<1x16xf32>
      tpu.vector_store %arg10[%swap3A_284, %swap3A_285], %swap3A_288 {strides = array<i32>} : memref<44x128xf32, #tpu.memory_space<vmem>>, vector<1x16xf32>,
      %slice3A_289 = vector.extract_strided_slice %get3A_174 {offsets = [11], sizes = [1], strides = [1]} : vector<16xf32> to vector<1xf32>
      %squeeze3A_290 = vector.extract %slice3A_289[0] : f32 from vector<1xf32>
      %broadcast_in_dim3A_291 = vector.broadcast %squeeze3A_290 : f32 to vector<16xf32>
      %mul3A_292 = arith.constant 2 : i32
      %mul3A_293 = arith.muli %mul3A_292, %scan3A_168 : i32
      %add3A_294 = arith.constant 1 : i32
      %add3A_295 = arith.addi %mul3A_293, %add3A_294 : i32
      %swap3A_296 = arith.index_cast %add3A_295 : i32 to index
      %swap3A_297 = arith.constant 48 : index
      %swap3A_298 = tpu.vector_load %arg10[%swap3A_296, %swap3A_297] {strides = array<i32>} : memref<44x128xf32, #tpu.memory_space<vmem>>, vector<1x16xf32>,
      %swap3A_299 = vector.shape_cast %swap3A_298 : vector<1x16xf32> to vector<16xf32>
      %swap3A_300 = vector.shape_cast %broadcast_in_dim3A_291 : vector<16xf32> to vector<1x16xf32>
      tpu.vector_store %arg10[%swap3A_296, %swap3A_297], %swap3A_300 {strides = array<i32>} : memref<44x128xf32, #tpu.memory_space<vmem>>, vector<1x16xf32>,
      %slice3A_301 = vector.extract_strided_slice %get3A_174 {offsets = [12], sizes = [1], strides = [1]} : vector<16xf32> to vector<1xf32>
      %squeeze3A_302 = vector.extract %slice3A_301[0] : f32 from vector<1xf32>
      %broadcast_in_dim3A_303 = vector.broadcast %squeeze3A_302 : f32 to vector<16xf32>
      %mul3A_304 = arith.constant 2 : i32
      %mul3A_305 = arith.muli %mul3A_304, %scan3A_168 : i32
      %add3A_306 = arith.constant 1 : i32
      %add3A_307 = arith.addi %mul3A_305, %add3A_306 : i32
      %swap3A_308 = arith.index_cast %add3A_307 : i32 to index
      %swap3A_309 = arith.constant 64 : index
      %swap3A_310 = tpu.vector_load %arg10[%swap3A_308, %swap3A_309] {strides = array<i32>} : memref<44x128xf32, #tpu.memory_space<vmem>>, vector<1x16xf32>,
      %swap3A_311 = vector.shape_cast %swap3A_310 : vector<1x16xf32> to vector<16xf32>
      %swap3A_312 = vector.shape_cast %broadcast_in_dim3A_303 : vector<16xf32> to vector<1x16xf32>
      tpu.vector_store %arg10[%swap3A_308, %swap3A_309], %swap3A_312 {strides = array<i32>} : memref<44x128xf32, #tpu.memory_space<vmem>>, vector<1x16xf32>,
      %slice3A_313 = vector.extract_strided_slice %get3A_174 {offsets = [13], sizes = [1], strides = [1]} : vector<16xf32> to vector<1xf32>
      %squeeze3A_314 = vector.extract %slice3A_313[0] : f32 from vector<1xf32>
      %broadcast_in_dim3A_315 = vector.broadcast %squeeze3A_314 : f32 to vector<16xf32>
      %mul3A_316 = arith.constant 2 : i32
      %mul3A_317 = arith.muli %mul3A_316, %scan3A_168 : i32
      %add3A_318 = arith.constant 1 : i32
      %add3A_319 = arith.addi %mul3A_317, %add3A_318 : i32
      %swap3A_320 = arith.index_cast %add3A_319 : i32 to index
      %swap3A_321 = arith.constant 80 : index
      %swap3A_322 = tpu.vector_load %arg10[%swap3A_320, %swap3A_321] {strides = array<i32>} : memref<44x128xf32, #tpu.memory_space<vmem>>, vector<1x16xf32>,
      %swap3A_323 = vector.shape_cast %swap3A_322 : vector<1x16xf32> to vector<16xf32>
      %swap3A_324 = vector.shape_cast %broadcast_in_dim3A_315 : vector<16xf32> to vector<1x16xf32>
      tpu.vector_store %arg10[%swap3A_320, %swap3A_321], %swap3A_324 {strides = array<i32>} : memref<44x128xf32, #tpu.memory_space<vmem>>, vector<1x16xf32>,
      %slice3A_325 = vector.extract_strided_slice %get3A_174 {offsets = [14], sizes = [1], strides = [1]} : vector<16xf32> to vector<1xf32>
      %squeeze3A_326 = vector.extract %slice3A_325[0] : f32 from vector<1xf32>
      %broadcast_in_dim3A_327 = vector.broadcast %squeeze3A_326 : f32 to vector<16xf32>
      %mul3A_328 = arith.constant 2 : i32
      %mul3A_329 = arith.muli %mul3A_328, %scan3A_168 : i32
      %add3A_330 = arith.constant 1 : i32
      %add3A_331 = arith.addi %mul3A_329, %add3A_330 : i32
      %swap3A_332 = arith.index_cast %add3A_331 : i32 to index
      %swap3A_333 = arith.constant 96 : index
      %swap3A_334 = tpu.vector_load %arg10[%swap3A_332, %swap3A_333] {strides = array<i32>} : memref<44x128xf32, #tpu.memory_space<vmem>>, vector<1x16xf32>,
      %swap3A_335 = vector.shape_cast %swap3A_334 : vector<1x16xf32> to vector<16xf32>
      %swap3A_336 = vector.shape_cast %broadcast_in_dim3A_327 : vector<16xf32> to vector<1x16xf32>
      tpu.vector_store %arg10[%swap3A_332, %swap3A_333], %swap3A_336 {strides = array<i32>} : memref<44x128xf32, #tpu.memory_space<vmem>>, vector<1x16xf32>,
      %slice3A_337 = vector.extract_strided_slice %get3A_174 {offsets = [15], sizes = [1], strides = [1]} : vector<16xf32> to vector<1xf32>
      %squeeze3A_338 = vector.extract %slice3A_337[0] : f32 from vector<1xf32>
      %broadcast_in_dim3A_339 = vector.broadcast %squeeze3A_338 : f32 to vector<16xf32>
      %mul3A_340 = arith.constant 2 : i32
      %mul3A_341 = arith.muli %mul3A_340, %scan3A_168 : i32
      %add3A_342 = arith.constant 1 : i32
      %add3A_343 = arith.addi %mul3A_341, %add3A_342 : i32
      %swap3A_344 = arith.index_cast %add3A_343 : i32 to index
      %swap3A_345 = arith.constant 112 : index
      %swap3A_346 = tpu.vector_load %arg10[%swap3A_344, %swap3A_345] {strides = array<i32>} : memref<44x128xf32, #tpu.memory_space<vmem>>, vector<1x16xf32>,
      %swap3A_347 = vector.shape_cast %swap3A_346 : vector<1x16xf32> to vector<16xf32>
      %swap3A_348 = vector.shape_cast %broadcast_in_dim3A_339 : vector<16xf32> to vector<1x16xf32>
      tpu.vector_store %arg10[%swap3A_344, %swap3A_345], %swap3A_348 {strides = array<i32>} : memref<44x128xf32, #tpu.memory_space<vmem>>, vector<1x16xf32>,
    }
    %scan3A_163 = arith.constant 17 : i32
    %mul3A_164 = arith.constant 782 : i32
    %mul3A_165 = arith.muli %arg1, %mul3A_164 : i32
    %add3A_166 = arith.constant 748 : i32
    %add3A_167 = arith.addi %mul3A_165, %add3A_166 : i32
    "tpu.region"() ({
      %run_scoped3A_168 = tpu.sem_alloc : memref<!tpu.dma_semaphore, #tpu.memory_space<semaphore_mem>>
      %dma_start3A = arith.constant 0 : i32
      %dma_start3A_169 = arith.constant 0 : i32
      %dma_start3A_170 = tpu.memref_slice %arg10[%dma_start3A, %dma_start3A_169] : memref<44x128xf32, #tpu.memory_space<vmem>> -> memref<34x128xf32, #tpu.memory_space<vmem>>
      %dma_start3A_171 = arith.constant 0 : i32
      %dma_start3A_172 = arith.constant 0 : i32
      %dma_start3A_173 = tpu.memref_slice %arg3[%arg0, %dma_start3A_171, %dma_start3A_172] : memref<2x12512x128xf32, #tpu.memory_space<hbm>> -> memref<1x12512x128xf32, #tpu.memory_space<hbm>>
      %dma_start3A_174 = tpu.memref_squeeze %dma_start3A_173 : memref<1x12512x128xf32, #tpu.memory_space<hbm>> -> memref<12512x128xf32, #tpu.memory_space<hbm>>
      %dma_start3A_175 = arith.constant 0 : i32
      %dma_start3A_176 = tpu.memref_slice %dma_start3A_174[%add3A_167, %dma_start3A_175] : memref<12512x128xf32, #tpu.memory_space<hbm>> -> memref<34x128xf32, #tpu.memory_space<hbm>>
      %dma_start3A_177 = arith.constant 0 : i32
      %dma_start3A_178 = arith.constant 0 : i32
      %dma_start3A_179 = tpu.memref_slice %arg3[%arg0, %dma_start3A_177, %dma_start3A_178] : memref<2x12512x128xf32, #tpu.memory_space<hbm>> -> memref<1x12512x128xf32, #tpu.memory_space<hbm>>
      %dma_start3A_180 = tpu.memref_squeeze %dma_start3A_179 : memref<1x12512x128xf32, #tpu.memory_space<hbm>> -> memref<12512x128xf32, #tpu.memory_space<hbm>>
      %dma_start3A_181 = arith.constant 0 : i32
      %dma_start3A_182 = tpu.memref_slice %dma_start3A_180[%add3A_167, %dma_start3A_181] : memref<12512x128xf32, #tpu.memory_space<hbm>> -> memref<34x128xf32, #tpu.memory_space<hbm>>
      %dma_start3A_183 = arith.constant 0 : i32
      %dma_start3A_184 = arith.constant 0 : i32
      %dma_start3A_185 = tpu.memref_slice %arg10[%dma_start3A_183, %dma_start3A_184] : memref<44x128xf32, #tpu.memory_space<vmem>> -> memref<34x128xf32, #tpu.memory_space<vmem>>
      tpu.enqueue_dma source(%dma_start3A_185 : memref<34x128xf32, #tpu.memory_space<vmem>>) target(%dma_start3A_182 : memref<34x128xf32, #tpu.memory_space<hbm>>) target_semaphore(%run_scoped3A_168 : memref<!tpu.dma_semaphore, #tpu.memory_space<semaphore_mem>>)
      %dma_wait3A_186 = arith.constant 0 : i32
      %dma_wait3A_187 = arith.constant 0 : i32
      %dma_wait3A_188 = tpu.memref_slice %arg10[%dma_wait3A_186, %dma_wait3A_187] : memref<44x128xf32, #tpu.memory_space<vmem>> -> memref<34x128xf32, #tpu.memory_space<vmem>>
      %dma_wait3A_189 = arith.constant 0 : i32
      %dma_wait3A_190 = arith.constant 0 : i32
      %dma_wait3A_191 = tpu.memref_slice %arg3[%arg0, %dma_wait3A_189, %dma_wait3A_190] : memref<2x12512x128xf32, #tpu.memory_space<hbm>> -> memref<1x12512x128xf32, #tpu.memory_space<hbm>>
      %dma_wait3A_192 = tpu.memref_squeeze %dma_wait3A_191 : memref<1x12512x128xf32, #tpu.memory_space<hbm>> -> memref<12512x128xf32, #tpu.memory_space<hbm>>
      %dma_wait3A_193 = arith.constant 0 : i32
      %dma_wait3A_194 = tpu.memref_slice %dma_wait3A_192[%add3A_167, %dma_wait3A_193] : memref<12512x128xf32, #tpu.memory_space<hbm>> -> memref<34x128xf32, #tpu.memory_space<hbm>>
      %dma_wait3A_195 = arith.constant 0 : i32
      %dma_wait3A_196 = arith.constant 0 : i32
      %dma_wait3A_197 = tpu.memref_slice %arg3[%arg0, %dma_wait3A_195, %dma_wait3A_196] : memref<2x12512x128xf32, #tpu.memory_space<hbm>> -> memref<1x12512x128xf32, #tpu.memory_space<hbm>>
      %dma_wait3A_198 = tpu.memref_squeeze %dma_wait3A_197 : memref<1x12512x128xf32, #tpu.memory_space<hbm>> -> memref<12512x128xf32, #tpu.memory_space<hbm>>
      %dma_wait3A_199 = arith.constant 0 : i32
      %dma_wait3A_200 = tpu.memref_slice %dma_wait3A_198[%add3A_167, %dma_wait3A_199] : memref<12512x128xf32, #tpu.memory_space<hbm>> -> memref<34x128xf32, #tpu.memory_space<hbm>>
      %dma_wait3A_201 = arith.constant 0 : i32
      %dma_wait3A_202 = arith.constant 0 : i32
      %dma_wait3A_203 = tpu.memref_slice %arg10[%dma_wait3A_201, %dma_wait3A_202] : memref<44x128xf32, #tpu.memory_space<vmem>> -> memref<34x128xf32, #tpu.memory_space<vmem>>
      tpu.wait_dma2 semaphore(%run_scoped3A_168 : memref<!tpu.dma_semaphore, #tpu.memory_space<semaphore_mem>>) src(%dma_wait3A_203 : memref<34x128xf32, #tpu.memory_space<vmem>>) dst(%dma_wait3A_200 : memref<34x128xf32, #tpu.memory_space<hbm>>)
      tpu.yield
    }) : () -> ()
    return
  }
}

#map = affine_map<(d0, d1) -> (0, 0)>
#map1 = affine_map<(d0, d1) -> (0, 0, 0)>
module attributes {stable_mosaic.version = 14 : i64} {
  func.func @_sc_agg_body(%arg0: i32, %arg1: i32, %arg2: memref<100096x16xf32, #tpu.memory_space<hbm>>, %arg3: memref<2x12500x128xi32, #tpu.memory_space<hbm>>, %arg4: memref<2x12512x128xf32, #tpu.memory_space<hbm>>, %arg5: memref<100096x16xf32, #tpu.memory_space<vmem_shared>>, %arg6: memref<5x128xi32, #tpu.memory_space<vmem>>, %arg7: memref<5x128xi32, #tpu.memory_space<vmem>>, %arg8: memref<5x128xi32, #tpu.memory_space<vmem>>, %arg9: memref<5x128xi32, #tpu.memory_space<vmem>>, %arg10: memref<640x16xf32, #tpu.memory_space<vmem>>, %arg11: memref<640x16xf32, #tpu.memory_space<vmem>>, %arg12: memref<46x128xf32, #tpu.memory_space<vmem>>, %arg13: memref<!tpu.dma_semaphore, #tpu.memory_space<semaphore_mem>>, %arg14: memref<!tpu.dma_semaphore, #tpu.memory_space<semaphore_mem>>, %arg15: memref<!tpu.dma_semaphore, #tpu.memory_space<semaphore_mem>>) attributes {dimension_semantics = [#tpu.dimension_semantics<core_parallel>, #tpu.dimension_semantics<subcore_parallel>], iteration_bounds = array<i64: 2, 16>, scalar_prefetch = 0 : i64, scratch_operands = 11 : i64, tpu.core_type = #tpu.core_type<sc_vector_subcore>, window_params = [{transform_indices = #map}, {transform_indices = #map1}, {transform_indices = #map1}]} {
    %mul3A = arith.constant 2 : i32
    %mul3A_0 = arith.muli %arg1, %mul3A : i32
    %add3A = arith.addi %mul3A_0, %arg0 : i32
    %scan3A = arith.constant 0 : i32
    %scan3A_1 = arith.constant 0 : i32
    %scan3A_2 = arith.constant 640 : i32
    %scan3A_3 = arith.addi %scan3A_1, %scan3A_2 : i32
    %scan3A_4 = arith.constant 1 : i32
    scf.for %scan3A_155 = %scan3A_1 to %scan3A_3 step %scan3A_4  : i32 {
      %broadcast_in_dim3A = arith.constant 0.000000e+00 : f32
      %broadcast_in_dim3A_156 = vector.broadcast %broadcast_in_dim3A : f32 to vector<16xf32>
      %swap3A = arith.index_cast %scan3A_155 : i32 to index
      %swap3A_157 = arith.constant 0 : index
      %swap3A_158 = tpu.vector_load %arg10[%swap3A, %swap3A_157] {strides = array<i32>} : memref<640x16xf32, #tpu.memory_space<vmem>>, vector<1x16xf32>,
      %swap3A_159 = vector.shape_cast %swap3A_158 : vector<1x16xf32> to vector<16xf32>
      %swap3A_160 = vector.shape_cast %broadcast_in_dim3A_156 : vector<16xf32> to vector<1x16xf32>
      tpu.vector_store %arg10[%swap3A, %swap3A_157], %swap3A_160 {strides = array<i32>} : memref<640x16xf32, #tpu.memory_space<vmem>>, vector<1x16xf32>,
    }
    %scan3A_5 = arith.constant 640 : i32
    %mul3A_6 = arith.constant 6256 : i32
    %mul3A_7 = arith.muli %arg1, %mul3A_6 : i32
    %scan3A_8 = arith.constant 0 : i32
    %scan3A_9 = arith.constant 0 : i32
    %scan3A_10 = arith.constant 9 : i32
    %scan3A_11 = arith.addi %scan3A_9, %scan3A_10 : i32
    %scan3A_12 = arith.constant 1 : i32
    scf.for %scan3A_155 = %scan3A_9 to %scan3A_11 step %scan3A_12  : i32 {
      %mul3A_156 = arith.constant 5 : i32
      %mul3A_157 = arith.muli %scan3A_155, %mul3A_156 : i32
      %mul3A_158 = arith.constant 128 : i32
      %mul3A_159 = arith.muli %mul3A_157, %mul3A_158 : i32
      %add3A_160 = arith.addi %mul3A_7, %mul3A_159 : i32
      "tpu.region"() ({
        %run_scoped3A_161 = tpu.sem_alloc : memref<!tpu.dma_semaphore, #tpu.memory_space<semaphore_mem>>
        %dma_start3A_162 = arith.constant 0 : i32
        %dma_start3A_163 = tpu.memref_slice %arg5[%add3A_160, %dma_start3A_162] : memref<100096x16xf32, #tpu.memory_space<vmem_shared>> -> memref<640x16xf32, #tpu.memory_space<vmem_shared>>
        %dma_start3A_164 = arith.constant 0 : i32
        %dma_start3A_165 = tpu.memref_slice %arg5[%add3A_160, %dma_start3A_164] : memref<100096x16xf32, #tpu.memory_space<vmem_shared>> -> memref<640x16xf32, #tpu.memory_space<vmem_shared>>
        tpu.enqueue_dma source(%arg10 : memref<640x16xf32, #tpu.memory_space<vmem>>) target(%dma_start3A_165 : memref<640x16xf32, #tpu.memory_space<vmem_shared>>) target_semaphore(%run_scoped3A_161 : memref<!tpu.dma_semaphore, #tpu.memory_space<semaphore_mem>>)
        %dma_wait3A_166 = arith.constant 0 : i32
        %dma_wait3A_167 = tpu.memref_slice %arg5[%add3A_160, %dma_wait3A_166] : memref<100096x16xf32, #tpu.memory_space<vmem_shared>> -> memref<640x16xf32, #tpu.memory_space<vmem_shared>>
        %dma_wait3A_168 = arith.constant 0 : i32
        %dma_wait3A_169 = tpu.memref_slice %arg5[%add3A_160, %dma_wait3A_168] : memref<100096x16xf32, #tpu.memory_space<vmem_shared>> -> memref<640x16xf32, #tpu.memory_space<vmem_shared>>
        tpu.wait_dma2 semaphore(%run_scoped3A_161 : memref<!tpu.dma_semaphore, #tpu.memory_space<semaphore_mem>>) src(%arg10 : memref<640x16xf32, #tpu.memory_space<vmem>>) dst(%dma_wait3A_169 : memref<640x16xf32, #tpu.memory_space<vmem_shared>>)
        tpu.yield
      }) : () -> ()
    }
    %scan3A_13 = arith.constant 9 : i32
    %add3A_14 = arith.constant 5760 : i32
    %add3A_15 = arith.addi %mul3A_7, %add3A_14 : i32
    "tpu.region"() ({
      %run_scoped3A_155 = tpu.sem_alloc : memref<!tpu.dma_semaphore, #tpu.memory_space<semaphore_mem>>
      %dma_start3A_156 = arith.constant 0 : i32
      %dma_start3A_157 = arith.constant 0 : i32
      %dma_start3A_158 = tpu.memref_slice %arg10[%dma_start3A_156, %dma_start3A_157] : memref<640x16xf32, #tpu.memory_space<vmem>> -> memref<496x16xf32, #tpu.memory_space<vmem>>
      %dma_start3A_159 = arith.constant 0 : i32
      %dma_start3A_160 = tpu.memref_slice %arg5[%add3A_15, %dma_start3A_159] : memref<100096x16xf32, #tpu.memory_space<vmem_shared>> -> memref<496x16xf32, #tpu.memory_space<vmem_shared>>
      %dma_start3A_161 = arith.constant 0 : i32
      %dma_start3A_162 = tpu.memref_slice %arg5[%add3A_15, %dma_start3A_161] : memref<100096x16xf32, #tpu.memory_space<vmem_shared>> -> memref<496x16xf32, #tpu.memory_space<vmem_shared>>
      %dma_start3A_163 = arith.constant 0 : i32
      %dma_start3A_164 = arith.constant 0 : i32
      %dma_start3A_165 = tpu.memref_slice %arg10[%dma_start3A_163, %dma_start3A_164] : memref<640x16xf32, #tpu.memory_space<vmem>> -> memref<496x16xf32, #tpu.memory_space<vmem>>
      tpu.enqueue_dma source(%dma_start3A_165 : memref<496x16xf32, #tpu.memory_space<vmem>>) target(%dma_start3A_162 : memref<496x16xf32, #tpu.memory_space<vmem_shared>>) target_semaphore(%run_scoped3A_155 : memref<!tpu.dma_semaphore, #tpu.memory_space<semaphore_mem>>)
      %dma_wait3A_166 = arith.constant 0 : i32
      %dma_wait3A_167 = arith.constant 0 : i32
      %dma_wait3A_168 = tpu.memref_slice %arg10[%dma_wait3A_166, %dma_wait3A_167] : memref<640x16xf32, #tpu.memory_space<vmem>> -> memref<496x16xf32, #tpu.memory_space<vmem>>
      %dma_wait3A_169 = arith.constant 0 : i32
      %dma_wait3A_170 = tpu.memref_slice %arg5[%add3A_15, %dma_wait3A_169] : memref<100096x16xf32, #tpu.memory_space<vmem_shared>> -> memref<496x16xf32, #tpu.memory_space<vmem_shared>>
      %dma_wait3A_171 = arith.constant 0 : i32
      %dma_wait3A_172 = tpu.memref_slice %arg5[%add3A_15, %dma_wait3A_171] : memref<100096x16xf32, #tpu.memory_space<vmem_shared>> -> memref<496x16xf32, #tpu.memory_space<vmem_shared>>
      %dma_wait3A_173 = arith.constant 0 : i32
      %dma_wait3A_174 = arith.constant 0 : i32
      %dma_wait3A_175 = tpu.memref_slice %arg10[%dma_wait3A_173, %dma_wait3A_174] : memref<640x16xf32, #tpu.memory_space<vmem>> -> memref<496x16xf32, #tpu.memory_space<vmem>>
      tpu.wait_dma2 semaphore(%run_scoped3A_155 : memref<!tpu.dma_semaphore, #tpu.memory_space<semaphore_mem>>) src(%dma_wait3A_175 : memref<496x16xf32, #tpu.memory_space<vmem>>) dst(%dma_wait3A_172 : memref<496x16xf32, #tpu.memory_space<vmem_shared>>)
      tpu.yield
    }) : () -> ()
    %barrier3A = arith.constant 0 : index
    tpu.barrier barrier_id(%barrier3A)
    %mul3A_16 = arith.constant 390 : i32
    %mul3A_17 = arith.muli %mul3A_16, %add3A : i32
    %min3A = arith.constant 20 : i32
    %min3A_18 = arith.minsi %add3A, %min3A : i32
    %add3A_19 = arith.addi %mul3A_17, %min3A_18 : i32
    %lt3A = arith.constant 20 : i32
    %lt3A_20 = arith.cmpi slt, %add3A, %lt3A : i32
    %jit3A = arith.constant 391 : i32
    %jit3A_21 = arith.constant 390 : i32
    %select_n3A = arith.select %lt3A_20, %jit3A, %jit3A_21 : i32
    %add3A_22 = arith.constant 0 : i32
    %add3A_23 = arith.addi %add3A_19, %add3A_22 : i32
    %run_scoped3A = arith.constant 0 : i32
    "tpu.region"() ({
      %run_scoped3A_155 = tpu.sem_alloc : memref<!tpu.dma_semaphore, #tpu.memory_space<semaphore_mem>>
      %dma_start3A_156 = arith.constant 0 : i32
      %dma_start3A_157 = arith.constant 0 : i32
      %dma_start3A_158 = tpu.memref_slice %arg3[%run_scoped3A, %dma_start3A_156, %dma_start3A_157] : memref<2x12500x128xi32, #tpu.memory_space<hbm>> -> memref<1x12500x128xi32, #tpu.memory_space<hbm>>
      %dma_start3A_159 = tpu.memref_squeeze %dma_start3A_158 : memref<1x12500x128xi32, #tpu.memory_space<hbm>> -> memref<12500x128xi32, #tpu.memory_space<hbm>>
      %dma_start3A_160 = arith.constant 0 : i32
      %dma_start3A_161 = tpu.memref_slice %dma_start3A_159[%add3A_23, %dma_start3A_160] : memref<12500x128xi32, #tpu.memory_space<hbm>> -> memref<5x128xi32, #tpu.memory_space<hbm>>
      %dma_start3A_162 = arith.constant 0 : i32
      %dma_start3A_163 = arith.constant 0 : i32
      %dma_start3A_164 = tpu.memref_slice %arg3[%run_scoped3A, %dma_start3A_162, %dma_start3A_163] : memref<2x12500x128xi32, #tpu.memory_space<hbm>> -> memref<1x12500x128xi32, #tpu.memory_space<hbm>>
      %dma_start3A_165 = tpu.memref_squeeze %dma_start3A_164 : memref<1x12500x128xi32, #tpu.memory_space<hbm>> -> memref<12500x128xi32, #tpu.memory_space<hbm>>
      %dma_start3A_166 = arith.constant 0 : i32
      %dma_start3A_167 = tpu.memref_slice %dma_start3A_165[%add3A_23, %dma_start3A_166] : memref<12500x128xi32, #tpu.memory_space<hbm>> -> memref<5x128xi32, #tpu.memory_space<hbm>>
      tpu.enqueue_dma source(%dma_start3A_167 : memref<5x128xi32, #tpu.memory_space<hbm>>) target(%arg6 : memref<5x128xi32, #tpu.memory_space<vmem>>) target_semaphore(%run_scoped3A_155 : memref<!tpu.dma_semaphore, #tpu.memory_space<semaphore_mem>>)
      %dma_wait3A_168 = arith.constant 0 : i32
      %dma_wait3A_169 = arith.constant 0 : i32
      %dma_wait3A_170 = tpu.memref_slice %arg3[%run_scoped3A, %dma_wait3A_168, %dma_wait3A_169] : memref<2x12500x128xi32, #tpu.memory_space<hbm>> -> memref<1x12500x128xi32, #tpu.memory_space<hbm>>
      %dma_wait3A_171 = tpu.memref_squeeze %dma_wait3A_170 : memref<1x12500x128xi32, #tpu.memory_space<hbm>> -> memref<12500x128xi32, #tpu.memory_space<hbm>>
      %dma_wait3A_172 = arith.constant 0 : i32
      %dma_wait3A_173 = tpu.memref_slice %dma_wait3A_171[%add3A_23, %dma_wait3A_172] : memref<12500x128xi32, #tpu.memory_space<hbm>> -> memref<5x128xi32, #tpu.memory_space<hbm>>
      %dma_wait3A_174 = arith.constant 0 : i32
      %dma_wait3A_175 = arith.constant 0 : i32
      %dma_wait3A_176 = tpu.memref_slice %arg3[%run_scoped3A, %dma_wait3A_174, %dma_wait3A_175] : memref<2x12500x128xi32, #tpu.memory_space<hbm>> -> memref<1x12500x128xi32, #tpu.memory_space<hbm>>
      %dma_wait3A_177 = tpu.memref_squeeze %dma_wait3A_176 : memref<1x12500x128xi32, #tpu.memory_space<hbm>> -> memref<12500x128xi32, #tpu.memory_space<hbm>>
      %dma_wait3A_178 = arith.constant 0 : i32
      %dma_wait3A_179 = tpu.memref_slice %dma_wait3A_177[%add3A_23, %dma_wait3A_178] : memref<12500x128xi32, #tpu.memory_space<hbm>> -> memref<5x128xi32, #tpu.memory_space<hbm>>
      tpu.wait_dma2 semaphore(%run_scoped3A_155 : memref<!tpu.dma_semaphore, #tpu.memory_space<semaphore_mem>>) src(%dma_wait3A_179 : memref<5x128xi32, #tpu.memory_space<hbm>>) dst(%arg6 : memref<5x128xi32, #tpu.memory_space<vmem>>)
      tpu.yield
    }) : () -> ()
    %run_scoped3A_24 = arith.constant 1 : i32
    "tpu.region"() ({
      %run_scoped3A_155 = tpu.sem_alloc : memref<!tpu.dma_semaphore, #tpu.memory_space<semaphore_mem>>
      %dma_start3A_156 = arith.constant 0 : i32
      %dma_start3A_157 = arith.constant 0 : i32
      %dma_start3A_158 = tpu.memref_slice %arg3[%run_scoped3A_24, %dma_start3A_156, %dma_start3A_157] : memref<2x12500x128xi32, #tpu.memory_space<hbm>> -> memref<1x12500x128xi32, #tpu.memory_space<hbm>>
      %dma_start3A_159 = tpu.memref_squeeze %dma_start3A_158 : memref<1x12500x128xi32, #tpu.memory_space<hbm>> -> memref<12500x128xi32, #tpu.memory_space<hbm>>
      %dma_start3A_160 = arith.constant 0 : i32
      %dma_start3A_161 = tpu.memref_slice %dma_start3A_159[%add3A_23, %dma_start3A_160] : memref<12500x128xi32, #tpu.memory_space<hbm>> -> memref<5x128xi32, #tpu.memory_space<hbm>>
      %dma_start3A_162 = arith.constant 0 : i32
      %dma_start3A_163 = arith.constant 0 : i32
      %dma_start3A_164 = tpu.memref_slice %arg3[%run_scoped3A_24, %dma_start3A_162, %dma_start3A_163] : memref<2x12500x128xi32, #tpu.memory_space<hbm>> -> memref<1x12500x128xi32, #tpu.memory_space<hbm>>
      %dma_start3A_165 = tpu.memref_squeeze %dma_start3A_164 : memref<1x12500x128xi32, #tpu.memory_space<hbm>> -> memref<12500x128xi32, #tpu.memory_space<hbm>>
      %dma_start3A_166 = arith.constant 0 : i32
      %dma_start3A_167 = tpu.memref_slice %dma_start3A_165[%add3A_23, %dma_start3A_166] : memref<12500x128xi32, #tpu.memory_space<hbm>> -> memref<5x128xi32, #tpu.memory_space<hbm>>
      tpu.enqueue_dma source(%dma_start3A_167 : memref<5x128xi32, #tpu.memory_space<hbm>>) target(%arg7 : memref<5x128xi32, #tpu.memory_space<vmem>>) target_semaphore(%run_scoped3A_155 : memref<!tpu.dma_semaphore, #tpu.memory_space<semaphore_mem>>)
      %dma_wait3A_168 = arith.constant 0 : i32
      %dma_wait3A_169 = arith.constant 0 : i32
      %dma_wait3A_170 = tpu.memref_slice %arg3[%run_scoped3A_24, %dma_wait3A_168, %dma_wait3A_169] : memref<2x12500x128xi32, #tpu.memory_space<hbm>> -> memref<1x12500x128xi32, #tpu.memory_space<hbm>>
      %dma_wait3A_171 = tpu.memref_squeeze %dma_wait3A_170 : memref<1x12500x128xi32, #tpu.memory_space<hbm>> -> memref<12500x128xi32, #tpu.memory_space<hbm>>
      %dma_wait3A_172 = arith.constant 0 : i32
      %dma_wait3A_173 = tpu.memref_slice %dma_wait3A_171[%add3A_23, %dma_wait3A_172] : memref<12500x128xi32, #tpu.memory_space<hbm>> -> memref<5x128xi32, #tpu.memory_space<hbm>>
      %dma_wait3A_174 = arith.constant 0 : i32
      %dma_wait3A_175 = arith.constant 0 : i32
      %dma_wait3A_176 = tpu.memref_slice %arg3[%run_scoped3A_24, %dma_wait3A_174, %dma_wait3A_175] : memref<2x12500x128xi32, #tpu.memory_space<hbm>> -> memref<1x12500x128xi32, #tpu.memory_space<hbm>>
      %dma_wait3A_177 = tpu.memref_squeeze %dma_wait3A_176 : memref<1x12500x128xi32, #tpu.memory_space<hbm>> -> memref<12500x128xi32, #tpu.memory_space<hbm>>
      %dma_wait3A_178 = arith.constant 0 : i32
      %dma_wait3A_179 = tpu.memref_slice %dma_wait3A_177[%add3A_23, %dma_wait3A_178] : memref<12500x128xi32, #tpu.memory_space<hbm>> -> memref<5x128xi32, #tpu.memory_space<hbm>>
      tpu.wait_dma2 semaphore(%run_scoped3A_155 : memref<!tpu.dma_semaphore, #tpu.memory_space<semaphore_mem>>) src(%dma_wait3A_179 : memref<5x128xi32, #tpu.memory_space<hbm>>) dst(%arg7 : memref<5x128xi32, #tpu.memory_space<vmem>>)
      tpu.yield
    }) : () -> ()
    %dma_start3A = arith.constant 0 : i32
    %dma_start3A_25 = arith.constant 0 : i32
    %dma_start3A_26 = arith.constant 0 : i32
    %dma_start3A_27 = tpu.memref_slice %arg10[%dma_start3A_25, %dma_start3A_26] : memref<640x16xf32, #tpu.memory_space<vmem>> -> memref<128x16xf32, #tpu.memory_space<vmem>>
    %dma_start3A_28 = arith.constant 0 : i32
    %dma_start3A_29 = tpu.memref_slice %arg6[%dma_start3A, %dma_start3A_28] : memref<5x128xi32, #tpu.memory_space<vmem>> -> memref<1x128xi32, #tpu.memory_space<vmem>>
    %dma_start3A_30 = tpu.memref_squeeze %dma_start3A_29 : memref<1x128xi32, #tpu.memory_space<vmem>> -> memref<128xi32, #tpu.memory_space<vmem>>
    %dma_start3A_31 = arith.constant 0 : i32
    %dma_start3A_32 = arith.constant 0 : i32
    %dma_start3A_33 = tpu.memref_slice %arg2[%dma_start3A_31, %dma_start3A_32] : memref<100096x16xf32, #tpu.memory_space<hbm>> -> memref<100096x16xf32, #tpu.memory_space<hbm>>
    tpu.enqueue_indirect_dma source(%dma_start3A_33 : memref<100096x16xf32, #tpu.memory_space<hbm>>) target(%dma_start3A_27 : memref<128x16xf32, #tpu.memory_space<vmem>>) offsets(%dma_start3A_30 : memref<128xi32, #tpu.memory_space<vmem>>) semaphore(%arg13 : memref<!tpu.dma_semaphore, #tpu.memory_space<semaphore_mem>>)
    %dma_start3A_34 = arith.constant 1 : i32
    %dma_start3A_35 = arith.constant 128 : i32
    %dma_start3A_36 = arith.constant 0 : i32
    %dma_start3A_37 = tpu.memref_slice %arg10[%dma_start3A_35, %dma_start3A_36] : memref<640x16xf32, #tpu.memory_space<vmem>> -> memref<128x16xf32, #tpu.memory_space<vmem>>
    %dma_start3A_38 = arith.constant 0 : i32
    %dma_start3A_39 = tpu.memref_slice %arg6[%dma_start3A_34, %dma_start3A_38] : memref<5x128xi32, #tpu.memory_space<vmem>> -> memref<1x128xi32, #tpu.memory_space<vmem>>
    %dma_start3A_40 = tpu.memref_squeeze %dma_start3A_39 : memref<1x128xi32, #tpu.memory_space<vmem>> -> memref<128xi32, #tpu.memory_space<vmem>>
    %dma_start3A_41 = arith.constant 0 : i32
    %dma_start3A_42 = arith.constant 0 : i32
    %dma_start3A_43 = tpu.memref_slice %arg2[%dma_start3A_41, %dma_start3A_42] : memref<100096x16xf32, #tpu.memory_space<hbm>> -> memref<100096x16xf32, #tpu.memory_space<hbm>>
    tpu.enqueue_indirect_dma source(%dma_start3A_43 : memref<100096x16xf32, #tpu.memory_space<hbm>>) target(%dma_start3A_37 : memref<128x16xf32, #tpu.memory_space<vmem>>) offsets(%dma_start3A_40 : memref<128xi32, #tpu.memory_space<vmem>>) semaphore(%arg13 : memref<!tpu.dma_semaphore, #tpu.memory_space<semaphore_mem>>)
    %dma_start3A_44 = arith.constant 2 : i32
    %dma_start3A_45 = arith.constant 256 : i32
    %dma_start3A_46 = arith.constant 0 : i32
    %dma_start3A_47 = tpu.memref_slice %arg10[%dma_start3A_45, %dma_start3A_46] : memref<640x16xf32, #tpu.memory_space<vmem>> -> memref<128x16xf32, #tpu.memory_space<vmem>>
    %dma_start3A_48 = arith.constant 0 : i32
    %dma_start3A_49 = tpu.memref_slice %arg6[%dma_start3A_44, %dma_start3A_48] : memref<5x128xi32, #tpu.memory_space<vmem>> -> memref<1x128xi32, #tpu.memory_space<vmem>>
    %dma_start3A_50 = tpu.memref_squeeze %dma_start3A_49 : memref<1x128xi32, #tpu.memory_space<vmem>> -> memref<128xi32, #tpu.memory_space<vmem>>
    %dma_start3A_51 = arith.constant 0 : i32
    %dma_start3A_52 = arith.constant 0 : i32
    %dma_start3A_53 = tpu.memref_slice %arg2[%dma_start3A_51, %dma_start3A_52] : memref<100096x16xf32, #tpu.memory_space<hbm>> -> memref<100096x16xf32, #tpu.memory_space<hbm>>
    tpu.enqueue_indirect_dma source(%dma_start3A_53 : memref<100096x16xf32, #tpu.memory_space<hbm>>) target(%dma_start3A_47 : memref<128x16xf32, #tpu.memory_space<vmem>>) offsets(%dma_start3A_50 : memref<128xi32, #tpu.memory_space<vmem>>) semaphore(%arg13 : memref<!tpu.dma_semaphore, #tpu.memory_space<semaphore_mem>>)
    %dma_start3A_54 = arith.constant 3 : i32
    %dma_start3A_55 = arith.constant 384 : i32
    %dma_start3A_56 = arith.constant 0 : i32
    %dma_start3A_57 = tpu.memref_slice %arg10[%dma_start3A_55, %dma_start3A_56] : memref<640x16xf32, #tpu.memory_space<vmem>> -> memref<128x16xf32, #tpu.memory_space<vmem>>
    %dma_start3A_58 = arith.constant 0 : i32
    %dma_start3A_59 = tpu.memref_slice %arg6[%dma_start3A_54, %dma_start3A_58] : memref<5x128xi32, #tpu.memory_space<vmem>> -> memref<1x128xi32, #tpu.memory_space<vmem>>
    %dma_start3A_60 = tpu.memref_squeeze %dma_start3A_59 : memref<1x128xi32, #tpu.memory_space<vmem>> -> memref<128xi32, #tpu.memory_space<vmem>>
    %dma_start3A_61 = arith.constant 0 : i32
    %dma_start3A_62 = arith.constant 0 : i32
    %dma_start3A_63 = tpu.memref_slice %arg2[%dma_start3A_61, %dma_start3A_62] : memref<100096x16xf32, #tpu.memory_space<hbm>> -> memref<100096x16xf32, #tpu.memory_space<hbm>>
    tpu.enqueue_indirect_dma source(%dma_start3A_63 : memref<100096x16xf32, #tpu.memory_space<hbm>>) target(%dma_start3A_57 : memref<128x16xf32, #tpu.memory_space<vmem>>) offsets(%dma_start3A_60 : memref<128xi32, #tpu.memory_space<vmem>>) semaphore(%arg13 : memref<!tpu.dma_semaphore, #tpu.memory_space<semaphore_mem>>)
    %dma_start3A_64 = arith.constant 4 : i32
    %dma_start3A_65 = arith.constant 512 : i32
    %dma_start3A_66 = arith.constant 0 : i32
    %dma_start3A_67 = tpu.memref_slice %arg10[%dma_start3A_65, %dma_start3A_66] : memref<640x16xf32, #tpu.memory_space<vmem>> -> memref<128x16xf32, #tpu.memory_space<vmem>>
    %dma_start3A_68 = arith.constant 0 : i32
    %dma_start3A_69 = tpu.memref_slice %arg6[%dma_start3A_64, %dma_start3A_68] : memref<5x128xi32, #tpu.memory_space<vmem>> -> memref<1x128xi32, #tpu.memory_space<vmem>>
    %dma_start3A_70 = tpu.memref_squeeze %dma_start3A_69 : memref<1x128xi32, #tpu.memory_space<vmem>> -> memref<128xi32, #tpu.memory_space<vmem>>
    %dma_start3A_71 = arith.constant 0 : i32
    %dma_start3A_72 = arith.constant 0 : i32
    %dma_start3A_73 = tpu.memref_slice %arg2[%dma_start3A_71, %dma_start3A_72] : memref<100096x16xf32, #tpu.memory_space<hbm>> -> memref<100096x16xf32, #tpu.memory_space<hbm>>
    tpu.enqueue_indirect_dma source(%dma_start3A_73 : memref<100096x16xf32, #tpu.memory_space<hbm>>) target(%dma_start3A_67 : memref<128x16xf32, #tpu.memory_space<vmem>>) offsets(%dma_start3A_70 : memref<128xi32, #tpu.memory_space<vmem>>) semaphore(%arg13 : memref<!tpu.dma_semaphore, #tpu.memory_space<semaphore_mem>>)
    %scan3A_74 = arith.constant 0 : i32
    %scan3A_75 = arith.constant 0 : i32
    %scan3A_76 = arith.constant 39 : i32
    %scan3A_77 = arith.addi %scan3A_75, %scan3A_76 : i32
    %scan3A_78 = arith.constant 1 : i32
    scf.for %scan3A_155 = %scan3A_75 to %scan3A_77 step %scan3A_78  : i32 {
      %gt3A = arith.constant 0 : i32
      %gt3A_156 = arith.cmpi sgt, %scan3A_155, %gt3A : i32
      %convert_element_type3A = arith.extui %gt3A_156 : i1 to i32
      %cond3A = arith.constant 0 : i32
      %cond3A_157 = arith.cmpi ne, %convert_element_type3A, %cond3A : i32
      scf.if %cond3A_157 {
        %dma_wait3A_561 = arith.constant 0 : i32
        %dma_wait3A_562 = arith.constant 0 : i32
        %dma_wait3A_563 = tpu.memref_slice %arg10[%dma_wait3A_561, %dma_wait3A_562] : memref<640x16xf32, #tpu.memory_space<vmem>> -> memref<128x16xf32, #tpu.memory_space<vmem>>
        %dma_wait3A_564 = arith.constant 0 : i32
        %dma_wait3A_565 = arith.constant 0 : i32
        %dma_wait3A_566 = tpu.memref_slice %arg2[%dma_wait3A_564, %dma_wait3A_565] : memref<100096x16xf32, #tpu.memory_space<hbm>> -> memref<128x16xf32, #tpu.memory_space<hbm>>
        %dma_wait3A_567 = arith.constant 0 : i32
        %dma_wait3A_568 = arith.constant 0 : i32
        %dma_wait3A_569 = tpu.memref_slice %arg10[%dma_wait3A_567, %dma_wait3A_568] : memref<640x16xf32, #tpu.memory_space<vmem>> -> memref<128x16xf32, #tpu.memory_space<vmem>>
        %dma_wait3A_570 = arith.constant 0 : i32
        %dma_wait3A_571 = arith.constant 0 : i32
        %dma_wait3A_572 = tpu.memref_slice %arg2[%dma_wait3A_570, %dma_wait3A_571] : memref<100096x16xf32, #tpu.memory_space<hbm>> -> memref<128x16xf32, #tpu.memory_space<hbm>>
        tpu.wait_dma2 semaphore(%arg14 : memref<!tpu.dma_semaphore, #tpu.memory_space<semaphore_mem>>) src(%dma_wait3A_572 : memref<128x16xf32, #tpu.memory_space<hbm>>) dst(%dma_wait3A_569 : memref<128x16xf32, #tpu.memory_space<vmem>>)
        %dma_wait3A_573 = arith.constant 0 : i32
        %dma_wait3A_574 = arith.constant 0 : i32
        %dma_wait3A_575 = tpu.memref_slice %arg10[%dma_wait3A_573, %dma_wait3A_574] : memref<640x16xf32, #tpu.memory_space<vmem>> -> memref<128x16xf32, #tpu.memory_space<vmem>>
        %dma_wait3A_576 = arith.constant 0 : i32
        %dma_wait3A_577 = arith.constant 0 : i32
        %dma_wait3A_578 = tpu.memref_slice %arg2[%dma_wait3A_576, %dma_wait3A_577] : memref<100096x16xf32, #tpu.memory_space<hbm>> -> memref<128x16xf32, #tpu.memory_space<hbm>>
        %dma_wait3A_579 = arith.constant 0 : i32
        %dma_wait3A_580 = arith.constant 0 : i32
        %dma_wait3A_581 = tpu.memref_slice %arg10[%dma_wait3A_579, %dma_wait3A_580] : memref<640x16xf32, #tpu.memory_space<vmem>> -> memref<128x16xf32, #tpu.memory_space<vmem>>
        %dma_wait3A_582 = arith.constant 0 : i32
        %dma_wait3A_583 = arith.constant 0 : i32
        %dma_wait3A_584 = tpu.memref_slice %arg2[%dma_wait3A_582, %dma_wait3A_583] : memref<100096x16xf32, #tpu.memory_space<hbm>> -> memref<128x16xf32, #tpu.memory_space<hbm>>
        tpu.wait_dma2 semaphore(%arg14 : memref<!tpu.dma_semaphore, #tpu.memory_space<semaphore_mem>>) src(%dma_wait3A_584 : memref<128x16xf32, #tpu.memory_space<hbm>>) dst(%dma_wait3A_581 : memref<128x16xf32, #tpu.memory_space<vmem>>)
        %dma_wait3A_585 = arith.constant 0 : i32
        %dma_wait3A_586 = arith.constant 0 : i32
        %dma_wait3A_587 = tpu.memref_slice %arg10[%dma_wait3A_585, %dma_wait3A_586] : memref<640x16xf32, #tpu.memory_space<vmem>> -> memref<128x16xf32, #tpu.memory_space<vmem>>
        %dma_wait3A_588 = arith.constant 0 : i32
        %dma_wait3A_589 = arith.constant 0 : i32
        %dma_wait3A_590 = tpu.memref_slice %arg2[%dma_wait3A_588, %dma_wait3A_589] : memref<100096x16xf32, #tpu.memory_space<hbm>> -> memref<128x16xf32, #tpu.memory_space<hbm>>
        %dma_wait3A_591 = arith.constant 0 : i32
        %dma_wait3A_592 = arith.constant 0 : i32
        %dma_wait3A_593 = tpu.memref_slice %arg10[%dma_wait3A_591, %dma_wait3A_592] : memref<640x16xf32, #tpu.memory_space<vmem>> -> memref<128x16xf32, #tpu.memory_space<vmem>>
        %dma_wait3A_594 = arith.constant 0 : i32
        %dma_wait3A_595 = arith.constant 0 : i32
        %dma_wait3A_596 = tpu.memref_slice %arg2[%dma_wait3A_594, %dma_wait3A_595] : memref<100096x16xf32, #tpu.memory_space<hbm>> -> memref<128x16xf32, #tpu.memory_space<hbm>>
        tpu.wait_dma2 semaphore(%arg14 : memref<!tpu.dma_semaphore, #tpu.memory_space<semaphore_mem>>) src(%dma_wait3A_596 : memref<128x16xf32, #tpu.memory_space<hbm>>) dst(%dma_wait3A_593 : memref<128x16xf32, #tpu.memory_space<vmem>>)
        %dma_wait3A_597 = arith.constant 0 : i32
        %dma_wait3A_598 = arith.constant 0 : i32
        %dma_wait3A_599 = tpu.memref_slice %arg10[%dma_wait3A_597, %dma_wait3A_598] : memref<640x16xf32, #tpu.memory_space<vmem>> -> memref<128x16xf32, #tpu.memory_space<vmem>>
        %dma_wait3A_600 = arith.constant 0 : i32
        %dma_wait3A_601 = arith.constant 0 : i32
        %dma_wait3A_602 = tpu.memref_slice %arg2[%dma_wait3A_600, %dma_wait3A_601] : memref<100096x16xf32, #tpu.memory_space<hbm>> -> memref<128x16xf32, #tpu.memory_space<hbm>>
        %dma_wait3A_603 = arith.constant 0 : i32
        %dma_wait3A_604 = arith.constant 0 : i32
        %dma_wait3A_605 = tpu.memref_slice %arg10[%dma_wait3A_603, %dma_wait3A_604] : memref<640x16xf32, #tpu.memory_space<vmem>> -> memref<128x16xf32, #tpu.memory_space<vmem>>
        %dma_wait3A_606 = arith.constant 0 : i32
        %dma_wait3A_607 = arith.constant 0 : i32
        %dma_wait3A_608 = tpu.memref_slice %arg2[%dma_wait3A_606, %dma_wait3A_607] : memref<100096x16xf32, #tpu.memory_space<hbm>> -> memref<128x16xf32, #tpu.memory_space<hbm>>
        tpu.wait_dma2 semaphore(%arg14 : memref<!tpu.dma_semaphore, #tpu.memory_space<semaphore_mem>>) src(%dma_wait3A_608 : memref<128x16xf32, #tpu.memory_space<hbm>>) dst(%dma_wait3A_605 : memref<128x16xf32, #tpu.memory_space<vmem>>)
        %dma_wait3A_609 = arith.constant 0 : i32
        %dma_wait3A_610 = arith.constant 0 : i32
        %dma_wait3A_611 = tpu.memref_slice %arg10[%dma_wait3A_609, %dma_wait3A_610] : memref<640x16xf32, #tpu.memory_space<vmem>> -> memref<128x16xf32, #tpu.memory_space<vmem>>
        %dma_wait3A_612 = arith.constant 0 : i32
        %dma_wait3A_613 = arith.constant 0 : i32
        %dma_wait3A_614 = tpu.memref_slice %arg2[%dma_wait3A_612, %dma_wait3A_613] : memref<100096x16xf32, #tpu.memory_space<hbm>> -> memref<128x16xf32, #tpu.memory_space<hbm>>
        %dma_wait3A_615 = arith.constant 0 : i32
        %dma_wait3A_616 = arith.constant 0 : i32
        %dma_wait3A_617 = tpu.memref_slice %arg10[%dma_wait3A_615, %dma_wait3A_616] : memref<640x16xf32, #tpu.memory_space<vmem>> -> memref<128x16xf32, #tpu.memory_space<vmem>>
        %dma_wait3A_618 = arith.constant 0 : i32
        %dma_wait3A_619 = arith.constant 0 : i32
        %dma_wait3A_620 = tpu.memref_slice %arg2[%dma_wait3A_618, %dma_wait3A_619] : memref<100096x16xf32, #tpu.memory_space<hbm>> -> memref<128x16xf32, #tpu.memory_space<hbm>>
        tpu.wait_dma2 semaphore(%arg14 : memref<!tpu.dma_semaphore, #tpu.memory_space<semaphore_mem>>) src(%dma_wait3A_620 : memref<128x16xf32, #tpu.memory_space<hbm>>) dst(%dma_wait3A_617 : memref<128x16xf32, #tpu.memory_space<vmem>>)
      } else {
      }
      %mul3A_158 = arith.constant 2 : i32
      %mul3A_159 = arith.muli %mul3A_158, %scan3A_155 : i32
      %add3A_160 = arith.constant 1 : i32
      %add3A_161 = arith.addi %mul3A_159, %add3A_160 : i32
      %mul3A_162 = arith.constant 5 : i32
      %mul3A_163 = arith.muli %add3A_161, %mul3A_162 : i32
      %add3A_164 = arith.addi %add3A_19, %mul3A_163 : i32
      %dma_start3A_165 = arith.constant 0 : i32
      %dma_start3A_166 = arith.constant 0 : i32
      %dma_start3A_167 = arith.constant 0 : i32
      %dma_start3A_168 = tpu.memref_slice %arg3[%dma_start3A_165, %dma_start3A_166, %dma_start3A_167] : memref<2x12500x128xi32, #tpu.memory_space<hbm>> -> memref<1x12500x128xi32, #tpu.memory_space<hbm>>
      %dma_start3A_169 = tpu.memref_squeeze %dma_start3A_168 : memref<1x12500x128xi32, #tpu.memory_space<hbm>> -> memref<12500x128xi32, #tpu.memory_space<hbm>>
      %dma_start3A_170 = arith.constant 0 : i32
      %dma_start3A_171 = tpu.memref_slice %dma_start3A_169[%add3A_164, %dma_start3A_170] : memref<12500x128xi32, #tpu.memory_space<hbm>> -> memref<5x128xi32, #tpu.memory_space<hbm>>
      %dma_start3A_172 = arith.constant 0 : i32
      %dma_start3A_173 = arith.constant 0 : i32
      %dma_start3A_174 = tpu.memref_slice %arg3[%dma_start3A_165, %dma_start3A_172, %dma_start3A_173] : memref<2x12500x128xi32, #tpu.memory_space<hbm>> -> memref<1x12500x128xi32, #tpu.memory_space<hbm>>
      %dma_start3A_175 = tpu.memref_squeeze %dma_start3A_174 : memref<1x12500x128xi32, #tpu.memory_space<hbm>> -> memref<12500x128xi32, #tpu.memory_space<hbm>>
      %dma_start3A_176 = arith.constant 0 : i32
      %dma_start3A_177 = tpu.memref_slice %dma_start3A_175[%add3A_164, %dma_start3A_176] : memref<12500x128xi32, #tpu.memory_space<hbm>> -> memref<5x128xi32, #tpu.memory_space<hbm>>
      tpu.enqueue_dma source(%dma_start3A_177 : memref<5x128xi32, #tpu.memory_space<hbm>>) target(%arg8 : memref<5x128xi32, #tpu.memory_space<vmem>>) target_semaphore(%arg15 : memref<!tpu.dma_semaphore, #tpu.memory_space<semaphore_mem>>)
      %dma_start3A_178 = arith.constant 1 : i32
      %dma_start3A_179 = arith.constant 0 : i32
      %dma_start3A_180 = arith.constant 0 : i32
      %dma_start3A_181 = tpu.memref_slice %arg3[%dma_start3A_178, %dma_start3A_179, %dma_start3A_180] : memref<2x12500x128xi32, #tpu.memory_space<hbm>> -> memref<1x12500x128xi32, #tpu.memory_space<hbm>>
      %dma_start3A_182 = tpu.memref_squeeze %dma_start3A_181 : memref<1x12500x128xi32, #tpu.memory_space<hbm>> -> memref<12500x128xi32, #tpu.memory_space<hbm>>
      %dma_start3A_183 = arith.constant 0 : i32
      %dma_start3A_184 = tpu.memref_slice %dma_start3A_182[%add3A_164, %dma_start3A_183] : memref<12500x128xi32, #tpu.memory_space<hbm>> -> memref<5x128xi32, #tpu.memory_space<hbm>>
      %dma_start3A_185 = arith.constant 0 : i32
      %dma_start3A_186 = arith.constant 0 : i32
      %dma_start3A_187 = tpu.memref_slice %arg3[%dma_start3A_178, %dma_start3A_185, %dma_start3A_186] : memref<2x12500x128xi32, #tpu.memory_space<hbm>> -> memref<1x12500x128xi32, #tpu.memory_space<hbm>>
      %dma_start3A_188 = tpu.memref_squeeze %dma_start3A_187 : memref<1x12500x128xi32, #tpu.memory_space<hbm>> -> memref<12500x128xi32, #tpu.memory_space<hbm>>
      %dma_start3A_189 = arith.constant 0 : i32
      %dma_start3A_190 = tpu.memref_slice %dma_start3A_188[%add3A_164, %dma_start3A_189] : memref<12500x128xi32, #tpu.memory_space<hbm>> -> memref<5x128xi32, #tpu.memory_space<hbm>>
      tpu.enqueue_dma source(%dma_start3A_190 : memref<5x128xi32, #tpu.memory_space<hbm>>) target(%arg9 : memref<5x128xi32, #tpu.memory_space<vmem>>) target_semaphore(%arg15 : memref<!tpu.dma_semaphore, #tpu.memory_space<semaphore_mem>>)
      %dma_wait3A_191 = arith.constant 0 : i32
      %dma_wait3A_192 = arith.constant 0 : i32
      %dma_wait3A_193 = tpu.memref_slice %arg10[%dma_wait3A_191, %dma_wait3A_192] : memref<640x16xf32, #tpu.memory_space<vmem>> -> memref<128x16xf32, #tpu.memory_space<vmem>>
      %dma_wait3A_194 = arith.constant 0 : i32
      %dma_wait3A_195 = arith.constant 0 : i32
      %dma_wait3A_196 = tpu.memref_slice %arg2[%dma_wait3A_194, %dma_wait3A_195] : memref<100096x16xf32, #tpu.memory_space<hbm>> -> memref<128x16xf32, #tpu.memory_space<hbm>>
      %dma_wait3A_197 = arith.constant 0 : i32
      %dma_wait3A_198 = arith.constant 0 : i32
      %dma_wait3A_199 = tpu.memref_slice %arg10[%dma_wait3A_197, %dma_wait3A_198] : memref<640x16xf32, #tpu.memory_space<vmem>> -> memref<128x16xf32, #tpu.memory_space<vmem>>
      %dma_wait3A_200 = arith.constant 0 : i32
      %dma_wait3A_201 = arith.constant 0 : i32
      %dma_wait3A_202 = tpu.memref_slice %arg2[%dma_wait3A_200, %dma_wait3A_201] : memref<100096x16xf32, #tpu.memory_space<hbm>> -> memref<128x16xf32, #tpu.memory_space<hbm>>
      tpu.wait_dma2 semaphore(%arg13 : memref<!tpu.dma_semaphore, #tpu.memory_space<semaphore_mem>>) src(%dma_wait3A_202 : memref<128x16xf32, #tpu.memory_space<hbm>>) dst(%dma_wait3A_199 : memref<128x16xf32, #tpu.memory_space<vmem>>)
      %dma_wait3A_203 = arith.constant 0 : i32
      %dma_wait3A_204 = arith.constant 0 : i32
      %dma_wait3A_205 = tpu.memref_slice %arg10[%dma_wait3A_203, %dma_wait3A_204] : memref<640x16xf32, #tpu.memory_space<vmem>> -> memref<128x16xf32, #tpu.memory_space<vmem>>
      %dma_wait3A_206 = arith.constant 0 : i32
      %dma_wait3A_207 = arith.constant 0 : i32
      %dma_wait3A_208 = tpu.memref_slice %arg2[%dma_wait3A_206, %dma_wait3A_207] : memref<100096x16xf32, #tpu.memory_space<hbm>> -> memref<128x16xf32, #tpu.memory_space<hbm>>
      %dma_wait3A_209 = arith.constant 0 : i32
      %dma_wait3A_210 = arith.constant 0 : i32
      %dma_wait3A_211 = tpu.memref_slice %arg10[%dma_wait3A_209, %dma_wait3A_210] : memref<640x16xf32, #tpu.memory_space<vmem>> -> memref<128x16xf32, #tpu.memory_space<vmem>>
      %dma_wait3A_212 = arith.constant 0 : i32
      %dma_wait3A_213 = arith.constant 0 : i32
      %dma_wait3A_214 = tpu.memref_slice %arg2[%dma_wait3A_212, %dma_wait3A_213] : memref<100096x16xf32, #tpu.memory_space<hbm>> -> memref<128x16xf32, #tpu.memory_space<hbm>>
      tpu.wait_dma2 semaphore(%arg13 : memref<!tpu.dma_semaphore, #tpu.memory_space<semaphore_mem>>) src(%dma_wait3A_214 : memref<128x16xf32, #tpu.memory_space<hbm>>) dst(%dma_wait3A_211 : memref<128x16xf32, #tpu.memory_space<vmem>>)
      %dma_wait3A_215 = arith.constant 0 : i32
      %dma_wait3A_216 = arith.constant 0 : i32
      %dma_wait3A_217 = tpu.memref_slice %arg10[%dma_wait3A_215, %dma_wait3A_216] : memref<640x16xf32, #tpu.memory_space<vmem>> -> memref<128x16xf32, #tpu.memory_space<vmem>>
      %dma_wait3A_218 = arith.constant 0 : i32
      %dma_wait3A_219 = arith.constant 0 : i32
      %dma_wait3A_220 = tpu.memref_slice %arg2[%dma_wait3A_218, %dma_wait3A_219] : memref<100096x16xf32, #tpu.memory_space<hbm>> -> memref<128x16xf32, #tpu.memory_space<hbm>>
      %dma_wait3A_221 = arith.constant 0 : i32
      %dma_wait3A_222 = arith.constant 0 : i32
      %dma_wait3A_223 = tpu.memref_slice %arg10[%dma_wait3A_221, %dma_wait3A_222] : memref<640x16xf32, #tpu.memory_space<vmem>> -> memref<128x16xf32, #tpu.memory_space<vmem>>
      %dma_wait3A_224 = arith.constant 0 : i32
      %dma_wait3A_225 = arith.constant 0 : i32
      %dma_wait3A_226 = tpu.memref_slice %arg2[%dma_wait3A_224, %dma_wait3A_225] : memref<100096x16xf32, #tpu.memory_space<hbm>> -> memref<128x16xf32, #tpu.memory_space<hbm>>
      tpu.wait_dma2 semaphore(%arg13 : memref<!tpu.dma_semaphore, #tpu.memory_space<semaphore_mem>>) src(%dma_wait3A_226 : memref<128x16xf32, #tpu.memory_space<hbm>>) dst(%dma_wait3A_223 : memref<128x16xf32, #tpu.memory_space<vmem>>)
      %dma_wait3A_227 = arith.constant 0 : i32
      %dma_wait3A_228 = arith.constant 0 : i32
      %dma_wait3A_229 = tpu.memref_slice %arg10[%dma_wait3A_227, %dma_wait3A_228] : memref<640x16xf32, #tpu.memory_space<vmem>> -> memref<128x16xf32, #tpu.memory_space<vmem>>
      %dma_wait3A_230 = arith.constant 0 : i32
      %dma_wait3A_231 = arith.constant 0 : i32
      %dma_wait3A_232 = tpu.memref_slice %arg2[%dma_wait3A_230, %dma_wait3A_231] : memref<100096x16xf32, #tpu.memory_space<hbm>> -> memref<128x16xf32, #tpu.memory_space<hbm>>
      %dma_wait3A_233 = arith.constant 0 : i32
      %dma_wait3A_234 = arith.constant 0 : i32
      %dma_wait3A_235 = tpu.memref_slice %arg10[%dma_wait3A_233, %dma_wait3A_234] : memref<640x16xf32, #tpu.memory_space<vmem>> -> memref<128x16xf32, #tpu.memory_space<vmem>>
      %dma_wait3A_236 = arith.constant 0 : i32
      %dma_wait3A_237 = arith.constant 0 : i32
      %dma_wait3A_238 = tpu.memref_slice %arg2[%dma_wait3A_236, %dma_wait3A_237] : memref<100096x16xf32, #tpu.memory_space<hbm>> -> memref<128x16xf32, #tpu.memory_space<hbm>>
      tpu.wait_dma2 semaphore(%arg13 : memref<!tpu.dma_semaphore, #tpu.memory_space<semaphore_mem>>) src(%dma_wait3A_238 : memref<128x16xf32, #tpu.memory_space<hbm>>) dst(%dma_wait3A_235 : memref<128x16xf32, #tpu.memory_space<vmem>>)
      %dma_wait3A_239 = arith.constant 0 : i32
      %dma_wait3A_240 = arith.constant 0 : i32
      %dma_wait3A_241 = tpu.memref_slice %arg10[%dma_wait3A_239, %dma_wait3A_240] : memref<640x16xf32, #tpu.memory_space<vmem>> -> memref<128x16xf32, #tpu.memory_space<vmem>>
      %dma_wait3A_242 = arith.constant 0 : i32
      %dma_wait3A_243 = arith.constant 0 : i32
      %dma_wait3A_244 = tpu.memref_slice %arg2[%dma_wait3A_242, %dma_wait3A_243] : memref<100096x16xf32, #tpu.memory_space<hbm>> -> memref<128x16xf32, #tpu.memory_space<hbm>>
      %dma_wait3A_245 = arith.constant 0 : i32
      %dma_wait3A_246 = arith.constant 0 : i32
      %dma_wait3A_247 = tpu.memref_slice %arg10[%dma_wait3A_245, %dma_wait3A_246] : memref<640x16xf32, #tpu.memory_space<vmem>> -> memref<128x16xf32, #tpu.memory_space<vmem>>
      %dma_wait3A_248 = arith.constant 0 : i32
      %dma_wait3A_249 = arith.constant 0 : i32
      %dma_wait3A_250 = tpu.memref_slice %arg2[%dma_wait3A_248, %dma_wait3A_249] : memref<100096x16xf32, #tpu.memory_space<hbm>> -> memref<128x16xf32, #tpu.memory_space<hbm>>
      tpu.wait_dma2 semaphore(%arg13 : memref<!tpu.dma_semaphore, #tpu.memory_space<semaphore_mem>>) src(%dma_wait3A_250 : memref<128x16xf32, #tpu.memory_space<hbm>>) dst(%dma_wait3A_247 : memref<128x16xf32, #tpu.memory_space<vmem>>)
      %dma_start3A_251 = arith.constant 0 : i32
      %dma_start3A_252 = arith.constant 0 : i32
      %dma_start3A_253 = arith.constant 0 : i32
      %dma_start3A_254 = tpu.memref_slice %arg10[%dma_start3A_252, %dma_start3A_253] : memref<640x16xf32, #tpu.memory_space<vmem>> -> memref<128x16xf32, #tpu.memory_space<vmem>>
      %dma_start3A_255 = arith.constant 0 : i32
      %dma_start3A_256 = tpu.memref_slice %arg7[%dma_start3A_251, %dma_start3A_255] : memref<5x128xi32, #tpu.memory_space<vmem>> -> memref<1x128xi32, #tpu.memory_space<vmem>>
      %dma_start3A_257 = tpu.memref_squeeze %dma_start3A_256 : memref<1x128xi32, #tpu.memory_space<vmem>> -> memref<128xi32, #tpu.memory_space<vmem>>
      %dma_start3A_258 = arith.constant 0 : i32
      %dma_start3A_259 = arith.constant 0 : i32
      %dma_start3A_260 = tpu.memref_slice %arg5[%dma_start3A_258, %dma_start3A_259] : memref<100096x16xf32, #tpu.memory_space<vmem_shared>> -> memref<100096x16xf32, #tpu.memory_space<vmem_shared>>
      tpu.enqueue_indirect_dma source(%dma_start3A_254 : memref<128x16xf32, #tpu.memory_space<vmem>>) target(%dma_start3A_260 : memref<100096x16xf32, #tpu.memory_space<vmem_shared>>) offsets(%dma_start3A_257 : memref<128xi32, #tpu.memory_space<vmem>>) semaphore(%arg14 : memref<!tpu.dma_semaphore, #tpu.memory_space<semaphore_mem>>) {add = true}
      %dma_start3A_261 = arith.constant 1 : i32
      %dma_start3A_262 = arith.constant 128 : i32
      %dma_start3A_263 = arith.constant 0 : i32
      %dma_start3A_264 = tpu.memref_slice %arg10[%dma_start3A_262, %dma_start3A_263] : memref<640x16xf32, #tpu.memory_space<vmem>> -> memref<128x16xf32, #tpu.memory_space<vmem>>
      %dma_start3A_265 = arith.constant 0 : i32
      %dma_start3A_266 = tpu.memref_slice %arg7[%dma_start3A_261, %dma_start3A_265] : memref<5x128xi32, #tpu.memory_space<vmem>> -> memref<1x128xi32, #tpu.memory_space<vmem>>
      %dma_start3A_267 = tpu.memref_squeeze %dma_start3A_266 : memref<1x128xi32, #tpu.memory_space<vmem>> -> memref<128xi32, #tpu.memory_space<vmem>>
      %dma_start3A_268 = arith.constant 0 : i32
      %dma_start3A_269 = arith.constant 0 : i32
      %dma_start3A_270 = tpu.memref_slice %arg5[%dma_start3A_268, %dma_start3A_269] : memref<100096x16xf32, #tpu.memory_space<vmem_shared>> -> memref<100096x16xf32, #tpu.memory_space<vmem_shared>>
      tpu.enqueue_indirect_dma source(%dma_start3A_264 : memref<128x16xf32, #tpu.memory_space<vmem>>) target(%dma_start3A_270 : memref<100096x16xf32, #tpu.memory_space<vmem_shared>>) offsets(%dma_start3A_267 : memref<128xi32, #tpu.memory_space<vmem>>) semaphore(%arg14 : memref<!tpu.dma_semaphore, #tpu.memory_space<semaphore_mem>>) {add = true}
      %dma_start3A_271 = arith.constant 2 : i32
      %dma_start3A_272 = arith.constant 256 : i32
      %dma_start3A_273 = arith.constant 0 : i32
      %dma_start3A_274 = tpu.memref_slice %arg10[%dma_start3A_272, %dma_start3A_273] : memref<640x16xf32, #tpu.memory_space<vmem>> -> memref<128x16xf32, #tpu.memory_space<vmem>>
      %dma_start3A_275 = arith.constant 0 : i32
      %dma_start3A_276 = tpu.memref_slice %arg7[%dma_start3A_271, %dma_start3A_275] : memref<5x128xi32, #tpu.memory_space<vmem>> -> memref<1x128xi32, #tpu.memory_space<vmem>>
      %dma_start3A_277 = tpu.memref_squeeze %dma_start3A_276 : memref<1x128xi32, #tpu.memory_space<vmem>> -> memref<128xi32, #tpu.memory_space<vmem>>
      %dma_start3A_278 = arith.constant 0 : i32
      %dma_start3A_279 = arith.constant 0 : i32
      %dma_start3A_280 = tpu.memref_slice %arg5[%dma_start3A_278, %dma_start3A_279] : memref<100096x16xf32, #tpu.memory_space<vmem_shared>> -> memref<100096x16xf32, #tpu.memory_space<vmem_shared>>
      tpu.enqueue_indirect_dma source(%dma_start3A_274 : memref<128x16xf32, #tpu.memory_space<vmem>>) target(%dma_start3A_280 : memref<100096x16xf32, #tpu.memory_space<vmem_shared>>) offsets(%dma_start3A_277 : memref<128xi32, #tpu.memory_space<vmem>>) semaphore(%arg14 : memref<!tpu.dma_semaphore, #tpu.memory_space<semaphore_mem>>) {add = true}
      %dma_start3A_281 = arith.constant 3 : i32
      %dma_start3A_282 = arith.constant 384 : i32
      %dma_start3A_283 = arith.constant 0 : i32
      %dma_start3A_284 = tpu.memref_slice %arg10[%dma_start3A_282, %dma_start3A_283] : memref<640x16xf32, #tpu.memory_space<vmem>> -> memref<128x16xf32, #tpu.memory_space<vmem>>
      %dma_start3A_285 = arith.constant 0 : i32
      %dma_start3A_286 = tpu.memref_slice %arg7[%dma_start3A_281, %dma_start3A_285] : memref<5x128xi32, #tpu.memory_space<vmem>> -> memref<1x128xi32, #tpu.memory_space<vmem>>
      %dma_start3A_287 = tpu.memref_squeeze %dma_start3A_286 : memref<1x128xi32, #tpu.memory_space<vmem>> -> memref<128xi32, #tpu.memory_space<vmem>>
      %dma_start3A_288 = arith.constant 0 : i32
      %dma_start3A_289 = arith.constant 0 : i32
      %dma_start3A_290 = tpu.memref_slice %arg5[%dma_start3A_288, %dma_start3A_289] : memref<100096x16xf32, #tpu.memory_space<vmem_shared>> -> memref<100096x16xf32, #tpu.memory_space<vmem_shared>>
      tpu.enqueue_indirect_dma source(%dma_start3A_284 : memref<128x16xf32, #tpu.memory_space<vmem>>) target(%dma_start3A_290 : memref<100096x16xf32, #tpu.memory_space<vmem_shared>>) offsets(%dma_start3A_287 : memref<128xi32, #tpu.memory_space<vmem>>) semaphore(%arg14 : memref<!tpu.dma_semaphore, #tpu.memory_space<semaphore_mem>>) {add = true}
      %dma_start3A_291 = arith.constant 4 : i32
      %dma_start3A_292 = arith.constant 512 : i32
      %dma_start3A_293 = arith.constant 0 : i32
      %dma_start3A_294 = tpu.memref_slice %arg10[%dma_start3A_292, %dma_start3A_293] : memref<640x16xf32, #tpu.memory_space<vmem>> -> memref<128x16xf32, #tpu.memory_space<vmem>>
      %dma_start3A_295 = arith.constant 0 : i32
      %dma_start3A_296 = tpu.memref_slice %arg7[%dma_start3A_291, %dma_start3A_295] : memref<5x128xi32, #tpu.memory_space<vmem>> -> memref<1x128xi32, #tpu.memory_space<vmem>>
      %dma_start3A_297 = tpu.memref_squeeze %dma_start3A_296 : memref<1x128xi32, #tpu.memory_space<vmem>> -> memref<128xi32, #tpu.memory_space<vmem>>
      %dma_start3A_298 = arith.constant 0 : i32
      %dma_start3A_299 = arith.constant 0 : i32
      %dma_start3A_300 = tpu.memref_slice %arg5[%dma_start3A_298, %dma_start3A_299] : memref<100096x16xf32, #tpu.memory_space<vmem_shared>> -> memref<100096x16xf32, #tpu.memory_space<vmem_shared>>
      tpu.enqueue_indirect_dma source(%dma_start3A_294 : memref<128x16xf32, #tpu.memory_space<vmem>>) target(%dma_start3A_300 : memref<100096x16xf32, #tpu.memory_space<vmem_shared>>) offsets(%dma_start3A_297 : memref<128xi32, #tpu.memory_space<vmem>>) semaphore(%arg14 : memref<!tpu.dma_semaphore, #tpu.memory_space<semaphore_mem>>) {add = true}
      %dma_wait3A_301 = arith.constant 0 : i32
      %dma_wait3A_302 = arith.constant 0 : i32
      %dma_wait3A_303 = arith.constant 0 : i32
      %dma_wait3A_304 = tpu.memref_slice %arg3[%dma_wait3A_301, %dma_wait3A_302, %dma_wait3A_303] : memref<2x12500x128xi32, #tpu.memory_space<hbm>> -> memref<1x12500x128xi32, #tpu.memory_space<hbm>>
      %dma_wait3A_305 = tpu.memref_squeeze %dma_wait3A_304 : memref<1x12500x128xi32, #tpu.memory_space<hbm>> -> memref<12500x128xi32, #tpu.memory_space<hbm>>
      %dma_wait3A_306 = arith.constant 0 : i32
      %dma_wait3A_307 = arith.constant 0 : i32
      %dma_wait3A_308 = tpu.memref_slice %dma_wait3A_305[%dma_wait3A_306, %dma_wait3A_307] : memref<12500x128xi32, #tpu.memory_space<hbm>> -> memref<5x128xi32, #tpu.memory_space<hbm>>
      %dma_wait3A_309 = arith.constant 0 : i32
      %dma_wait3A_310 = arith.constant 0 : i32
      %dma_wait3A_311 = tpu.memref_slice %arg3[%dma_wait3A_301, %dma_wait3A_309, %dma_wait3A_310] : memref<2x12500x128xi32, #tpu.memory_space<hbm>> -> memref<1x12500x128xi32, #tpu.memory_space<hbm>>
      %dma_wait3A_312 = tpu.memref_squeeze %dma_wait3A_311 : memref<1x12500x128xi32, #tpu.memory_space<hbm>> -> memref<12500x128xi32, #tpu.memory_space<hbm>>
      %dma_wait3A_313 = arith.constant 0 : i32
      %dma_wait3A_314 = arith.constant 0 : i32
      %dma_wait3A_315 = tpu.memref_slice %dma_wait3A_312[%dma_wait3A_313, %dma_wait3A_314] : memref<12500x128xi32, #tpu.memory_space<hbm>> -> memref<5x128xi32, #tpu.memory_space<hbm>>
      tpu.wait_dma2 semaphore(%arg15 : memref<!tpu.dma_semaphore, #tpu.memory_space<semaphore_mem>>) src(%dma_wait3A_315 : memref<5x128xi32, #tpu.memory_space<hbm>>) dst(%arg6 : memref<5x128xi32, #tpu.memory_space<vmem>>)
      %dma_wait3A_316 = arith.constant 0 : i32
      %dma_wait3A_317 = arith.constant 0 : i32
      %dma_wait3A_318 = arith.constant 0 : i32
      %dma_wait3A_319 = tpu.memref_slice %arg3[%dma_wait3A_316, %dma_wait3A_317, %dma_wait3A_318] : memref<2x12500x128xi32, #tpu.memory_space<hbm>> -> memref<1x12500x128xi32, #tpu.memory_space<hbm>>
      %dma_wait3A_320 = tpu.memref_squeeze %dma_wait3A_319 : memref<1x12500x128xi32, #tpu.memory_space<hbm>> -> memref<12500x128xi32, #tpu.memory_space<hbm>>
      %dma_wait3A_321 = arith.constant 0 : i32
      %dma_wait3A_322 = arith.constant 0 : i32
      %dma_wait3A_323 = tpu.memref_slice %dma_wait3A_320[%dma_wait3A_321, %dma_wait3A_322] : memref<12500x128xi32, #tpu.memory_space<hbm>> -> memref<5x128xi32, #tpu.memory_space<hbm>>
      %dma_wait3A_324 = arith.constant 0 : i32
      %dma_wait3A_325 = arith.constant 0 : i32
      %dma_wait3A_326 = tpu.memref_slice %arg3[%dma_wait3A_316, %dma_wait3A_324, %dma_wait3A_325] : memref<2x12500x128xi32, #tpu.memory_space<hbm>> -> memref<1x12500x128xi32, #tpu.memory_space<hbm>>
      %dma_wait3A_327 = tpu.memref_squeeze %dma_wait3A_326 : memref<1x12500x128xi32, #tpu.memory_space<hbm>> -> memref<12500x128xi32, #tpu.memory_space<hbm>>
      %dma_wait3A_328 = arith.constant 0 : i32
      %dma_wait3A_329 = arith.constant 0 : i32
      %dma_wait3A_330 = tpu.memref_slice %dma_wait3A_327[%dma_wait3A_328, %dma_wait3A_329] : memref<12500x128xi32, #tpu.memory_space<hbm>> -> memref<5x128xi32, #tpu.memory_space<hbm>>
      tpu.wait_dma2 semaphore(%arg15 : memref<!tpu.dma_semaphore, #tpu.memory_space<semaphore_mem>>) src(%dma_wait3A_330 : memref<5x128xi32, #tpu.memory_space<hbm>>) dst(%arg6 : memref<5x128xi32, #tpu.memory_space<vmem>>)
      %dma_start3A_331 = arith.constant 0 : i32
      %dma_start3A_332 = arith.constant 0 : i32
      %dma_start3A_333 = arith.constant 0 : i32
      %dma_start3A_334 = tpu.memref_slice %arg11[%dma_start3A_332, %dma_start3A_333] : memref<640x16xf32, #tpu.memory_space<vmem>> -> memref<128x16xf32, #tpu.memory_space<vmem>>
      %dma_start3A_335 = arith.constant 0 : i32
      %dma_start3A_336 = tpu.memref_slice %arg8[%dma_start3A_331, %dma_start3A_335] : memref<5x128xi32, #tpu.memory_space<vmem>> -> memref<1x128xi32, #tpu.memory_space<vmem>>
      %dma_start3A_337 = tpu.memref_squeeze %dma_start3A_336 : memref<1x128xi32, #tpu.memory_space<vmem>> -> memref<128xi32, #tpu.memory_space<vmem>>
      %dma_start3A_338 = arith.constant 0 : i32
      %dma_start3A_339 = arith.constant 0 : i32
      %dma_start3A_340 = tpu.memref_slice %arg2[%dma_start3A_338, %dma_start3A_339] : memref<100096x16xf32, #tpu.memory_space<hbm>> -> memref<100096x16xf32, #tpu.memory_space<hbm>>
      tpu.enqueue_indirect_dma source(%dma_start3A_340 : memref<100096x16xf32, #tpu.memory_space<hbm>>) target(%dma_start3A_334 : memref<128x16xf32, #tpu.memory_space<vmem>>) offsets(%dma_start3A_337 : memref<128xi32, #tpu.memory_space<vmem>>) semaphore(%arg13 : memref<!tpu.dma_semaphore, #tpu.memory_space<semaphore_mem>>)
      %dma_start3A_341 = arith.constant 1 : i32
      %dma_start3A_342 = arith.constant 128 : i32
      %dma_start3A_343 = arith.constant 0 : i32
      %dma_start3A_344 = tpu.memref_slice %arg11[%dma_start3A_342, %dma_start3A_343] : memref<640x16xf32, #tpu.memory_space<vmem>> -> memref<128x16xf32, #tpu.memory_space<vmem>>
      %dma_start3A_345 = arith.constant 0 : i32
      %dma_start3A_346 = tpu.memref_slice %arg8[%dma_start3A_341, %dma_start3A_345] : memref<5x128xi32, #tpu.memory_space<vmem>> -> memref<1x128xi32, #tpu.memory_space<vmem>>
      %dma_start3A_347 = tpu.memref_squeeze %dma_start3A_346 : memref<1x128xi32, #tpu.memory_space<vmem>> -> memref<128xi32, #tpu.memory_space<vmem>>
      %dma_start3A_348 = arith.constant 0 : i32
      %dma_start3A_349 = arith.constant 0 : i32
      %dma_start3A_350 = tpu.memref_slice %arg2[%dma_start3A_348, %dma_start3A_349] : memref<100096x16xf32, #tpu.memory_space<hbm>> -> memref<100096x16xf32, #tpu.memory_space<hbm>>
      tpu.enqueue_indirect_dma source(%dma_start3A_350 : memref<100096x16xf32, #tpu.memory_space<hbm>>) target(%dma_start3A_344 : memref<128x16xf32, #tpu.memory_space<vmem>>) offsets(%dma_start3A_347 : memref<128xi32, #tpu.memory_space<vmem>>) semaphore(%arg13 : memref<!tpu.dma_semaphore, #tpu.memory_space<semaphore_mem>>)
      %dma_start3A_351 = arith.constant 2 : i32
      %dma_start3A_352 = arith.constant 256 : i32
      %dma_start3A_353 = arith.constant 0 : i32
      %dma_start3A_354 = tpu.memref_slice %arg11[%dma_start3A_352, %dma_start3A_353] : memref<640x16xf32, #tpu.memory_space<vmem>> -> memref<128x16xf32, #tpu.memory_space<vmem>>
      %dma_start3A_355 = arith.constant 0 : i32
      %dma_start3A_356 = tpu.memref_slice %arg8[%dma_start3A_351, %dma_start3A_355] : memref<5x128xi32, #tpu.memory_space<vmem>> -> memref<1x128xi32, #tpu.memory_space<vmem>>
      %dma_start3A_357 = tpu.memref_squeeze %dma_start3A_356 : memref<1x128xi32, #tpu.memory_space<vmem>> -> memref<128xi32, #tpu.memory_space<vmem>>
      %dma_start3A_358 = arith.constant 0 : i32
      %dma_start3A_359 = arith.constant 0 : i32
      %dma_start3A_360 = tpu.memref_slice %arg2[%dma_start3A_358, %dma_start3A_359] : memref<100096x16xf32, #tpu.memory_space<hbm>> -> memref<100096x16xf32, #tpu.memory_space<hbm>>
      tpu.enqueue_indirect_dma source(%dma_start3A_360 : memref<100096x16xf32, #tpu.memory_space<hbm>>) target(%dma_start3A_354 : memref<128x16xf32, #tpu.memory_space<vmem>>) offsets(%dma_start3A_357 : memref<128xi32, #tpu.memory_space<vmem>>) semaphore(%arg13 : memref<!tpu.dma_semaphore, #tpu.memory_space<semaphore_mem>>)
      %dma_start3A_361 = arith.constant 3 : i32
      %dma_start3A_362 = arith.constant 384 : i32
      %dma_start3A_363 = arith.constant 0 : i32
      %dma_start3A_364 = tpu.memref_slice %arg11[%dma_start3A_362, %dma_start3A_363] : memref<640x16xf32, #tpu.memory_space<vmem>> -> memref<128x16xf32, #tpu.memory_space<vmem>>
      %dma_start3A_365 = arith.constant 0 : i32
      %dma_start3A_366 = tpu.memref_slice %arg8[%dma_start3A_361, %dma_start3A_365] : memref<5x128xi32, #tpu.memory_space<vmem>> -> memref<1x128xi32, #tpu.memory_space<vmem>>
      %dma_start3A_367 = tpu.memref_squeeze %dma_start3A_366 : memref<1x128xi32, #tpu.memory_space<vmem>> -> memref<128xi32, #tpu.memory_space<vmem>>
      %dma_start3A_368 = arith.constant 0 : i32
      %dma_start3A_369 = arith.constant 0 : i32
      %dma_start3A_370 = tpu.memref_slice %arg2[%dma_start3A_368, %dma_start3A_369] : memref<100096x16xf32, #tpu.memory_space<hbm>> -> memref<100096x16xf32, #tpu.memory_space<hbm>>
      tpu.enqueue_indirect_dma source(%dma_start3A_370 : memref<100096x16xf32, #tpu.memory_space<hbm>>) target(%dma_start3A_364 : memref<128x16xf32, #tpu.memory_space<vmem>>) offsets(%dma_start3A_367 : memref<128xi32, #tpu.memory_space<vmem>>) semaphore(%arg13 : memref<!tpu.dma_semaphore, #tpu.memory_space<semaphore_mem>>)
      %dma_start3A_371 = arith.constant 4 : i32
      %dma_start3A_372 = arith.constant 512 : i32
      %dma_start3A_373 = arith.constant 0 : i32
      %dma_start3A_374 = tpu.memref_slice %arg11[%dma_start3A_372, %dma_start3A_373] : memref<640x16xf32, #tpu.memory_space<vmem>> -> memref<128x16xf32, #tpu.memory_space<vmem>>
      %dma_start3A_375 = arith.constant 0 : i32
      %dma_start3A_376 = tpu.memref_slice %arg8[%dma_start3A_371, %dma_start3A_375] : memref<5x128xi32, #tpu.memory_space<vmem>> -> memref<1x128xi32, #tpu.memory_space<vmem>>
      %dma_start3A_377 = tpu.memref_squeeze %dma_start3A_376 : memref<1x128xi32, #tpu.memory_space<vmem>> -> memref<128xi32, #tpu.memory_space<vmem>>
      %dma_start3A_378 = arith.constant 0 : i32
      %dma_start3A_379 = arith.constant 0 : i32
      %dma_start3A_380 = tpu.memref_slice %arg2[%dma_start3A_378, %dma_start3A_379] : memref<100096x16xf32, #tpu.memory_space<hbm>> -> memref<100096x16xf32, #tpu.memory_space<hbm>>
      tpu.enqueue_indirect_dma source(%dma_start3A_380 : memref<100096x16xf32, #tpu.memory_space<hbm>>) target(%dma_start3A_374 : memref<128x16xf32, #tpu.memory_space<vmem>>) offsets(%dma_start3A_377 : memref<128xi32, #tpu.memory_space<vmem>>) semaphore(%arg13 : memref<!tpu.dma_semaphore, #tpu.memory_space<semaphore_mem>>)
      %dma_wait3A_381 = arith.constant 0 : i32
      %dma_wait3A_382 = arith.constant 0 : i32
      %dma_wait3A_383 = tpu.memref_slice %arg10[%dma_wait3A_381, %dma_wait3A_382] : memref<640x16xf32, #tpu.memory_space<vmem>> -> memref<128x16xf32, #tpu.memory_space<vmem>>
      %dma_wait3A_384 = arith.constant 0 : i32
      %dma_wait3A_385 = arith.constant 0 : i32
      %dma_wait3A_386 = tpu.memref_slice %arg2[%dma_wait3A_384, %dma_wait3A_385] : memref<100096x16xf32, #tpu.memory_space<hbm>> -> memref<128x16xf32, #tpu.memory_space<hbm>>
      %dma_wait3A_387 = arith.constant 0 : i32
      %dma_wait3A_388 = arith.constant 0 : i32
      %dma_wait3A_389 = tpu.memref_slice %arg10[%dma_wait3A_387, %dma_wait3A_388] : memref<640x16xf32, #tpu.memory_space<vmem>> -> memref<128x16xf32, #tpu.memory_space<vmem>>
      %dma_wait3A_390 = arith.constant 0 : i32
      %dma_wait3A_391 = arith.constant 0 : i32
      %dma_wait3A_392 = tpu.memref_slice %arg2[%dma_wait3A_390, %dma_wait3A_391] : memref<100096x16xf32, #tpu.memory_space<hbm>> -> memref<128x16xf32, #tpu.memory_space<hbm>>
      tpu.wait_dma2 semaphore(%arg14 : memref<!tpu.dma_semaphore, #tpu.memory_space<semaphore_mem>>) src(%dma_wait3A_392 : memref<128x16xf32, #tpu.memory_space<hbm>>) dst(%dma_wait3A_389 : memref<128x16xf32, #tpu.memory_space<vmem>>)
      %dma_wait3A_393 = arith.constant 0 : i32
      %dma_wait3A_394 = arith.constant 0 : i32
      %dma_wait3A_395 = tpu.memref_slice %arg10[%dma_wait3A_393, %dma_wait3A_394] : memref<640x16xf32, #tpu.memory_space<vmem>> -> memref<128x16xf32, #tpu.memory_space<vmem>>
      %dma_wait3A_396 = arith.constant 0 : i32
      %dma_wait3A_397 = arith.constant 0 : i32
      %dma_wait3A_398 = tpu.memref_slice %arg2[%dma_wait3A_396, %dma_wait3A_397] : memref<100096x16xf32, #tpu.memory_space<hbm>> -> memref<128x16xf32, #tpu.memory_space<hbm>>
      %dma_wait3A_399 = arith.constant 0 : i32
      %dma_wait3A_400 = arith.constant 0 : i32
      %dma_wait3A_401 = tpu.memref_slice %arg10[%dma_wait3A_399, %dma_wait3A_400] : memref<640x16xf32, #tpu.memory_space<vmem>> -> memref<128x16xf32, #tpu.memory_space<vmem>>
      %dma_wait3A_402 = arith.constant 0 : i32
      %dma_wait3A_403 = arith.constant 0 : i32
      %dma_wait3A_404 = tpu.memref_slice %arg2[%dma_wait3A_402, %dma_wait3A_403] : memref<100096x16xf32, #tpu.memory_space<hbm>> -> memref<128x16xf32, #tpu.memory_space<hbm>>
      tpu.wait_dma2 semaphore(%arg14 : memref<!tpu.dma_semaphore, #tpu.memory_space<semaphore_mem>>) src(%dma_wait3A_404 : memref<128x16xf32, #tpu.memory_space<hbm>>) dst(%dma_wait3A_401 : memref<128x16xf32, #tpu.memory_space<vmem>>)
      %dma_wait3A_405 = arith.constant 0 : i32
      %dma_wait3A_406 = arith.constant 0 : i32
      %dma_wait3A_407 = tpu.memref_slice %arg10[%dma_wait3A_405, %dma_wait3A_406] : memref<640x16xf32, #tpu.memory_space<vmem>> -> memref<128x16xf32, #tpu.memory_space<vmem>>
      %dma_wait3A_408 = arith.constant 0 : i32
      %dma_wait3A_409 = arith.constant 0 : i32
      %dma_wait3A_410 = tpu.memref_slice %arg2[%dma_wait3A_408, %dma_wait3A_409] : memref<100096x16xf32, #tpu.memory_space<hbm>> -> memref<128x16xf32, #tpu.memory_space<hbm>>
      %dma_wait3A_411 = arith.constant 0 : i32
      %dma_wait3A_412 = arith.constant 0 : i32
      %dma_wait3A_413 = tpu.memref_slice %arg10[%dma_wait3A_411, %dma_wait3A_412] : memref<640x16xf32, #tpu.memory_space<vmem>> -> memref<128x16xf32, #tpu.memory_space<vmem>>
      %dma_wait3A_414 = arith.constant 0 : i32
      %dma_wait3A_415 = arith.constant 0 : i32
      %dma_wait3A_416 = tpu.memref_slice %arg2[%dma_wait3A_414, %dma_wait3A_415] : memref<100096x16xf32, #tpu.memory_space<hbm>> -> memref<128x16xf32, #tpu.memory_space<hbm>>
      tpu.wait_dma2 semaphore(%arg14 : memref<!tpu.dma_semaphore, #tpu.memory_space<semaphore_mem>>) src(%dma_wait3A_416 : memref<128x16xf32, #tpu.memory_space<hbm>>) dst(%dma_wait3A_413 : memref<128x16xf32, #tpu.memory_space<vmem>>)
      %dma_wait3A_417 = arith.constant 0 : i32
      %dma_wait3A_418 = arith.constant 0 : i32
      %dma_wait3A_419 = tpu.memref_slice %arg10[%dma_wait3A_417, %dma_wait3A_418] : memref<640x16xf32, #tpu.memory_space<vmem>> -> memref<128x16xf32, #tpu.memory_space<vmem>>
      %dma_wait3A_420 = arith.constant 0 : i32
      %dma_wait3A_421 = arith.constant 0 : i32
      %dma_wait3A_422 = tpu.memref_slice %arg2[%dma_wait3A_420, %dma_wait3A_421] : memref<100096x16xf32, #tpu.memory_space<hbm>> -> memref<128x16xf32, #tpu.memory_space<hbm>>
      %dma_wait3A_423 = arith.constant 0 : i32
      %dma_wait3A_424 = arith.constant 0 : i32
      %dma_wait3A_425 = tpu.memref_slice %arg10[%dma_wait3A_423, %dma_wait3A_424] : memref<640x16xf32, #tpu.memory_space<vmem>> -> memref<128x16xf32, #tpu.memory_space<vmem>>
      %dma_wait3A_426 = arith.constant 0 : i32
      %dma_wait3A_427 = arith.constant 0 : i32
      %dma_wait3A_428 = tpu.memref_slice %arg2[%dma_wait3A_426, %dma_wait3A_427] : memref<100096x16xf32, #tpu.memory_space<hbm>> -> memref<128x16xf32, #tpu.memory_space<hbm>>
      tpu.wait_dma2 semaphore(%arg14 : memref<!tpu.dma_semaphore, #tpu.memory_space<semaphore_mem>>) src(%dma_wait3A_428 : memref<128x16xf32, #tpu.memory_space<hbm>>) dst(%dma_wait3A_425 : memref<128x16xf32, #tpu.memory_space<vmem>>)
      %dma_wait3A_429 = arith.constant 0 : i32
      %dma_wait3A_430 = arith.constant 0 : i32
      %dma_wait3A_431 = tpu.memref_slice %arg10[%dma_wait3A_429, %dma_wait3A_430] : memref<640x16xf32, #tpu.memory_space<vmem>> -> memref<128x16xf32, #tpu.memory_space<vmem>>
      %dma_wait3A_432 = arith.constant 0 : i32
      %dma_wait3A_433 = arith.constant 0 : i32
      %dma_wait3A_434 = tpu.memref_slice %arg2[%dma_wait3A_432, %dma_wait3A_433] : memref<100096x16xf32, #tpu.memory_space<hbm>> -> memref<128x16xf32, #tpu.memory_space<hbm>>
      %dma_wait3A_435 = arith.constant 0 : i32
      %dma_wait3A_436 = arith.constant 0 : i32
      %dma_wait3A_437 = tpu.memref_slice %arg10[%dma_wait3A_435, %dma_wait3A_436] : memref<640x16xf32, #tpu.memory_space<vmem>> -> memref<128x16xf32, #tpu.memory_space<vmem>>
      %dma_wait3A_438 = arith.constant 0 : i32
      %dma_wait3A_439 = arith.constant 0 : i32
      %dma_wait3A_440 = tpu.memref_slice %arg2[%dma_wait3A_438, %dma_wait3A_439] : memref<100096x16xf32, #tpu.memory_space<hbm>> -> memref<128x16xf32, #tpu.memory_space<hbm>>
      tpu.wait_dma2 semaphore(%arg14 : memref<!tpu.dma_semaphore, #tpu.memory_space<semaphore_mem>>) src(%dma_wait3A_440 : memref<128x16xf32, #tpu.memory_space<hbm>>) dst(%dma_wait3A_437 : memref<128x16xf32, #tpu.memory_space<vmem>>)
      %lt3A_441 = arith.constant 38 : i32
      %lt3A_442 = arith.cmpi slt, %scan3A_155, %lt3A_441 : i32
      %convert_element_type3A_443 = arith.extui %lt3A_442 : i1 to i32
      %cond3A_444 = arith.constant 0 : i32
      %cond3A_445 = arith.cmpi ne, %convert_element_type3A_443, %cond3A_444 : i32
      scf.if %cond3A_445 {
        %mul3A_561 = arith.constant 2 : i32
        %mul3A_562 = arith.muli %mul3A_561, %scan3A_155 : i32
        %add3A_563 = arith.constant 2 : i32
        %add3A_564 = arith.addi %mul3A_562, %add3A_563 : i32
        %mul3A_565 = arith.constant 5 : i32
        %mul3A_566 = arith.muli %add3A_564, %mul3A_565 : i32
        %add3A_567 = arith.addi %add3A_19, %mul3A_566 : i32
        %dma_start3A_568 = arith.constant 0 : i32
        %dma_start3A_569 = arith.constant 0 : i32
        %dma_start3A_570 = arith.constant 0 : i32
        %dma_start3A_571 = tpu.memref_slice %arg3[%dma_start3A_568, %dma_start3A_569, %dma_start3A_570] : memref<2x12500x128xi32, #tpu.memory_space<hbm>> -> memref<1x12500x128xi32, #tpu.memory_space<hbm>>
        %dma_start3A_572 = tpu.memref_squeeze %dma_start3A_571 : memref<1x12500x128xi32, #tpu.memory_space<hbm>> -> memref<12500x128xi32, #tpu.memory_space<hbm>>
        %dma_start3A_573 = arith.constant 0 : i32
        %dma_start3A_574 = tpu.memref_slice %dma_start3A_572[%add3A_567, %dma_start3A_573] : memref<12500x128xi32, #tpu.memory_space<hbm>> -> memref<5x128xi32, #tpu.memory_space<hbm>>
        %dma_start3A_575 = arith.constant 0 : i32
        %dma_start3A_576 = arith.constant 0 : i32
        %dma_start3A_577 = tpu.memref_slice %arg3[%dma_start3A_568, %dma_start3A_575, %dma_start3A_576] : memref<2x12500x128xi32, #tpu.memory_space<hbm>> -> memref<1x12500x128xi32, #tpu.memory_space<hbm>>
        %dma_start3A_578 = tpu.memref_squeeze %dma_start3A_577 : memref<1x12500x128xi32, #tpu.memory_space<hbm>> -> memref<12500x128xi32, #tpu.memory_space<hbm>>
        %dma_start3A_579 = arith.constant 0 : i32
        %dma_start3A_580 = tpu.memref_slice %dma_start3A_578[%add3A_567, %dma_start3A_579] : memref<12500x128xi32, #tpu.memory_space<hbm>> -> memref<5x128xi32, #tpu.memory_space<hbm>>
        tpu.enqueue_dma source(%dma_start3A_580 : memref<5x128xi32, #tpu.memory_space<hbm>>) target(%arg6 : memref<5x128xi32, #tpu.memory_space<vmem>>) target_semaphore(%arg15 : memref<!tpu.dma_semaphore, #tpu.memory_space<semaphore_mem>>)
        %dma_start3A_581 = arith.constant 1 : i32
        %dma_start3A_582 = arith.constant 0 : i32
        %dma_start3A_583 = arith.constant 0 : i32
        %dma_start3A_584 = tpu.memref_slice %arg3[%dma_start3A_581, %dma_start3A_582, %dma_start3A_583] : memref<2x12500x128xi32, #tpu.memory_space<hbm>> -> memref<1x12500x128xi32, #tpu.memory_space<hbm>>
        %dma_start3A_585 = tpu.memref_squeeze %dma_start3A_584 : memref<1x12500x128xi32, #tpu.memory_space<hbm>> -> memref<12500x128xi32, #tpu.memory_space<hbm>>
        %dma_start3A_586 = arith.constant 0 : i32
        %dma_start3A_587 = tpu.memref_slice %dma_start3A_585[%add3A_567, %dma_start3A_586] : memref<12500x128xi32, #tpu.memory_space<hbm>> -> memref<5x128xi32, #tpu.memory_space<hbm>>
        %dma_start3A_588 = arith.constant 0 : i32
        %dma_start3A_589 = arith.constant 0 : i32
        %dma_start3A_590 = tpu.memref_slice %arg3[%dma_start3A_581, %dma_start3A_588, %dma_start3A_589] : memref<2x12500x128xi32, #tpu.memory_space<hbm>> -> memref<1x12500x128xi32, #tpu.memory_space<hbm>>
        %dma_start3A_591 = tpu.memref_squeeze %dma_start3A_590 : memref<1x12500x128xi32, #tpu.memory_space<hbm>> -> memref<12500x128xi32, #tpu.memory_space<hbm>>
        %dma_start3A_592 = arith.constant 0 : i32
        %dma_start3A_593 = tpu.memref_slice %dma_start3A_591[%add3A_567, %dma_start3A_592] : memref<12500x128xi32, #tpu.memory_space<hbm>> -> memref<5x128xi32, #tpu.memory_space<hbm>>
        tpu.enqueue_dma source(%dma_start3A_593 : memref<5x128xi32, #tpu.memory_space<hbm>>) target(%arg7 : memref<5x128xi32, #tpu.memory_space<vmem>>) target_semaphore(%arg15 : memref<!tpu.dma_semaphore, #tpu.memory_space<semaphore_mem>>)
      } else {
      }
      %dma_wait3A_446 = arith.constant 0 : i32
      %dma_wait3A_447 = arith.constant 0 : i32
      %dma_wait3A_448 = tpu.memref_slice %arg10[%dma_wait3A_446, %dma_wait3A_447] : memref<640x16xf32, #tpu.memory_space<vmem>> -> memref<128x16xf32, #tpu.memory_space<vmem>>
      %dma_wait3A_449 = arith.constant 0 : i32
      %dma_wait3A_450 = arith.constant 0 : i32
      %dma_wait3A_451 = tpu.memref_slice %arg2[%dma_wait3A_449, %dma_wait3A_450] : memref<100096x16xf32, #tpu.memory_space<hbm>> -> memref<128x16xf32, #tpu.memory_space<hbm>>
      %dma_wait3A_452 = arith.constant 0 : i32
      %dma_wait3A_453 = arith.constant 0 : i32
      %dma_wait3A_454 = tpu.memref_slice %arg10[%dma_wait3A_452, %dma_wait3A_453] : memref<640x16xf32, #tpu.memory_space<vmem>> -> memref<128x16xf32, #tpu.memory_space<vmem>>
      %dma_wait3A_455 = arith.constant 0 : i32
      %dma_wait3A_456 = arith.constant 0 : i32
      %dma_wait3A_457 = tpu.memref_slice %arg2[%dma_wait3A_455, %dma_wait3A_456] : memref<100096x16xf32, #tpu.memory_space<hbm>> -> memref<128x16xf32, #tpu.memory_space<hbm>>
      tpu.wait_dma2 semaphore(%arg13 : memref<!tpu.dma_semaphore, #tpu.memory_space<semaphore_mem>>) src(%dma_wait3A_457 : memref<128x16xf32, #tpu.memory_space<hbm>>) dst(%dma_wait3A_454 : memref<128x16xf32, #tpu.memory_space<vmem>>)
      %dma_wait3A_458 = arith.constant 0 : i32
      %dma_wait3A_459 = arith.constant 0 : i32
      %dma_wait3A_460 = tpu.memref_slice %arg10[%dma_wait3A_458, %dma_wait3A_459] : memref<640x16xf32, #tpu.memory_space<vmem>> -> memref<128x16xf32, #tpu.memory_space<vmem>>
      %dma_wait3A_461 = arith.constant 0 : i32
      %dma_wait3A_462 = arith.constant 0 : i32
      %dma_wait3A_463 = tpu.memref_slice %arg2[%dma_wait3A_461, %dma_wait3A_462] : memref<100096x16xf32, #tpu.memory_space<hbm>> -> memref<128x16xf32, #tpu.memory_space<hbm>>
      %dma_wait3A_464 = arith.constant 0 : i32
      %dma_wait3A_465 = arith.constant 0 : i32
      %dma_wait3A_466 = tpu.memref_slice %arg10[%dma_wait3A_464, %dma_wait3A_465] : memref<640x16xf32, #tpu.memory_space<vmem>> -> memref<128x16xf32, #tpu.memory_space<vmem>>
      %dma_wait3A_467 = arith.constant 0 : i32
      %dma_wait3A_468 = arith.constant 0 : i32
      %dma_wait3A_469 = tpu.memref_slice %arg2[%dma_wait3A_467, %dma_wait3A_468] : memref<100096x16xf32, #tpu.memory_space<hbm>> -> memref<128x16xf32, #tpu.memory_space<hbm>>
      tpu.wait_dma2 semaphore(%arg13 : memref<!tpu.dma_semaphore, #tpu.memory_space<semaphore_mem>>) src(%dma_wait3A_469 : memref<128x16xf32, #tpu.memory_space<hbm>>) dst(%dma_wait3A_466 : memref<128x16xf32, #tpu.memory_space<vmem>>)
      %dma_wait3A_470 = arith.constant 0 : i32
      %dma_wait3A_471 = arith.constant 0 : i32
      %dma_wait3A_472 = tpu.memref_slice %arg10[%dma_wait3A_470, %dma_wait3A_471] : memref<640x16xf32, #tpu.memory_space<vmem>> -> memref<128x16xf32, #tpu.memory_space<vmem>>
      %dma_wait3A_473 = arith.constant 0 : i32
      %dma_wait3A_474 = arith.constant 0 : i32
      %dma_wait3A_475 = tpu.memref_slice %arg2[%dma_wait3A_473, %dma_wait3A_474] : memref<100096x16xf32, #tpu.memory_space<hbm>> -> memref<128x16xf32, #tpu.memory_space<hbm>>
      %dma_wait3A_476 = arith.constant 0 : i32
      %dma_wait3A_477 = arith.constant 0 : i32
      %dma_wait3A_478 = tpu.memref_slice %arg10[%dma_wait3A_476, %dma_wait3A_477] : memref<640x16xf32, #tpu.memory_space<vmem>> -> memref<128x16xf32, #tpu.memory_space<vmem>>
      %dma_wait3A_479 = arith.constant 0 : i32
      %dma_wait3A_480 = arith.constant 0 : i32
      %dma_wait3A_481 = tpu.memref_slice %arg2[%dma_wait3A_479, %dma_wait3A_480] : memref<100096x16xf32, #tpu.memory_space<hbm>> -> memref<128x16xf32, #tpu.memory_space<hbm>>
      tpu.wait_dma2 semaphore(%arg13 : memref<!tpu.dma_semaphore, #tpu.memory_space<semaphore_mem>>) src(%dma_wait3A_481 : memref<128x16xf32, #tpu.memory_space<hbm>>) dst(%dma_wait3A_478 : memref<128x16xf32, #tpu.memory_space<vmem>>)
      %dma_wait3A_482 = arith.constant 0 : i32
      %dma_wait3A_483 = arith.constant 0 : i32
      %dma_wait3A_484 = tpu.memref_slice %arg10[%dma_wait3A_482, %dma_wait3A_483] : memref<640x16xf32, #tpu.memory_space<vmem>> -> memref<128x16xf32, #tpu.memory_space<vmem>>
      %dma_wait3A_485 = arith.constant 0 : i32
      %dma_wait3A_486 = arith.constant 0 : i32
      %dma_wait3A_487 = tpu.memref_slice %arg2[%dma_wait3A_485, %dma_wait3A_486] : memref<100096x16xf32, #tpu.memory_space<hbm>> -> memref<128x16xf32, #tpu.memory_space<hbm>>
      %dma_wait3A_488 = arith.constant 0 : i32
      %dma_wait3A_489 = arith.constant 0 : i32
      %dma_wait3A_490 = tpu.memref_slice %arg10[%dma_wait3A_488, %dma_wait3A_489] : memref<640x16xf32, #tpu.memory_space<vmem>> -> memref<128x16xf32, #tpu.memory_space<vmem>>
      %dma_wait3A_491 = arith.constant 0 : i32
      %dma_wait3A_492 = arith.constant 0 : i32
      %dma_wait3A_493 = tpu.memref_slice %arg2[%dma_wait3A_491, %dma_wait3A_492] : memref<100096x16xf32, #tpu.memory_space<hbm>> -> memref<128x16xf32, #tpu.memory_space<hbm>>
      tpu.wait_dma2 semaphore(%arg13 : memref<!tpu.dma_semaphore, #tpu.memory_space<semaphore_mem>>) src(%dma_wait3A_493 : memref<128x16xf32, #tpu.memory_space<hbm>>) dst(%dma_wait3A_490 : memref<128x16xf32, #tpu.memory_space<vmem>>)
      %dma_wait3A_494 = arith.constant 0 : i32
      %dma_wait3A_495 = arith.constant 0 : i32
      %dma_wait3A_496 = tpu.memref_slice %arg10[%dma_wait3A_494, %dma_wait3A_495] : memref<640x16xf32, #tpu.memory_space<vmem>> -> memref<128x16xf32, #tpu.memory_space<vmem>>
      %dma_wait3A_497 = arith.constant 0 : i32
      %dma_wait3A_498 = arith.constant 0 : i32
      %dma_wait3A_499 = tpu.memref_slice %arg2[%dma_wait3A_497, %dma_wait3A_498] : memref<100096x16xf32, #tpu.memory_space<hbm>> -> memref<128x16xf32, #tpu.memory_space<hbm>>
      %dma_wait3A_500 = arith.constant 0 : i32
      %dma_wait3A_501 = arith.constant 0 : i32
      %dma_wait3A_502 = tpu.memref_slice %arg10[%dma_wait3A_500, %dma_wait3A_501] : memref<640x16xf32, #tpu.memory_space<vmem>> -> memref<128x16xf32, #tpu.memory_space<vmem>>
      %dma_wait3A_503 = arith.constant 0 : i32
      %dma_wait3A_504 = arith.constant 0 : i32
      %dma_wait3A_505 = tpu.memref_slice %arg2[%dma_wait3A_503, %dma_wait3A_504] : memref<100096x16xf32, #tpu.memory_space<hbm>> -> memref<128x16xf32, #tpu.memory_space<hbm>>
      tpu.wait_dma2 semaphore(%arg13 : memref<!tpu.dma_semaphore, #tpu.memory_space<semaphore_mem>>) src(%dma_wait3A_505 : memref<128x16xf32, #tpu.memory_space<hbm>>) dst(%dma_wait3A_502 : memref<128x16xf32, #tpu.memory_space<vmem>>)
      %dma_start3A_506 = arith.constant 0 : i32
      %dma_start3A_507 = arith.constant 0 : i32
      %dma_start3A_508 = arith.constant 0 : i32
      %dma_start3A_509 = tpu.memref_slice %arg11[%dma_start3A_507, %dma_start3A_508] : memref<640x16xf32, #tpu.memory_space<vmem>> -> memref<128x16xf32, #tpu.memory_space<vmem>>
      %dma_start3A_510 = arith.constant 0 : i32
      %dma_start3A_511 = tpu.memref_slice %arg9[%dma_start3A_506, %dma_start3A_510] : memref<5x128xi32, #tpu.memory_space<vmem>> -> memref<1x128xi32, #tpu.memory_space<vmem>>
      %dma_start3A_512 = tpu.memref_squeeze %dma_start3A_511 : memref<1x128xi32, #tpu.memory_space<vmem>> -> memref<128xi32, #tpu.memory_space<vmem>>
      %dma_start3A_513 = arith.constant 0 : i32
      %dma_start3A_514 = arith.constant 0 : i32
      %dma_start3A_515 = tpu.memref_slice %arg5[%dma_start3A_513, %dma_start3A_514] : memref<100096x16xf32, #tpu.memory_space<vmem_shared>> -> memref<100096x16xf32, #tpu.memory_space<vmem_shared>>
      tpu.enqueue_indirect_dma source(%dma_start3A_509 : memref<128x16xf32, #tpu.memory_space<vmem>>) target(%dma_start3A_515 : memref<100096x16xf32, #tpu.memory_space<vmem_shared>>) offsets(%dma_start3A_512 : memref<128xi32, #tpu.memory_space<vmem>>) semaphore(%arg14 : memref<!tpu.dma_semaphore, #tpu.memory_space<semaphore_mem>>) {add = true}
      %dma_start3A_516 = arith.constant 1 : i32
      %dma_start3A_517 = arith.constant 128 : i32
      %dma_start3A_518 = arith.constant 0 : i32
      %dma_start3A_519 = tpu.memref_slice %arg11[%dma_start3A_517, %dma_start3A_518] : memref<640x16xf32, #tpu.memory_space<vmem>> -> memref<128x16xf32, #tpu.memory_space<vmem>>
      %dma_start3A_520 = arith.constant 0 : i32
      %dma_start3A_521 = tpu.memref_slice %arg9[%dma_start3A_516, %dma_start3A_520] : memref<5x128xi32, #tpu.memory_space<vmem>> -> memref<1x128xi32, #tpu.memory_space<vmem>>
      %dma_start3A_522 = tpu.memref_squeeze %dma_start3A_521 : memref<1x128xi32, #tpu.memory_space<vmem>> -> memref<128xi32, #tpu.memory_space<vmem>>
      %dma_start3A_523 = arith.constant 0 : i32
      %dma_start3A_524 = arith.constant 0 : i32
      %dma_start3A_525 = tpu.memref_slice %arg5[%dma_start3A_523, %dma_start3A_524] : memref<100096x16xf32, #tpu.memory_space<vmem_shared>> -> memref<100096x16xf32, #tpu.memory_space<vmem_shared>>
      tpu.enqueue_indirect_dma source(%dma_start3A_519 : memref<128x16xf32, #tpu.memory_space<vmem>>) target(%dma_start3A_525 : memref<100096x16xf32, #tpu.memory_space<vmem_shared>>) offsets(%dma_start3A_522 : memref<128xi32, #tpu.memory_space<vmem>>) semaphore(%arg14 : memref<!tpu.dma_semaphore, #tpu.memory_space<semaphore_mem>>) {add = true}
      %dma_start3A_526 = arith.constant 2 : i32
      %dma_start3A_527 = arith.constant 256 : i32
      %dma_start3A_528 = arith.constant 0 : i32
      %dma_start3A_529 = tpu.memref_slice %arg11[%dma_start3A_527, %dma_start3A_528] : memref<640x16xf32, #tpu.memory_space<vmem>> -> memref<128x16xf32, #tpu.memory_space<vmem>>
      %dma_start3A_530 = arith.constant 0 : i32
      %dma_start3A_531 = tpu.memref_slice %arg9[%dma_start3A_526, %dma_start3A_530] : memref<5x128xi32, #tpu.memory_space<vmem>> -> memref<1x128xi32, #tpu.memory_space<vmem>>
      %dma_start3A_532 = tpu.memref_squeeze %dma_start3A_531 : memref<1x128xi32, #tpu.memory_space<vmem>> -> memref<128xi32, #tpu.memory_space<vmem>>
      %dma_start3A_533 = arith.constant 0 : i32
      %dma_start3A_534 = arith.constant 0 : i32
      %dma_start3A_535 = tpu.memref_slice %arg5[%dma_start3A_533, %dma_start3A_534] : memref<100096x16xf32, #tpu.memory_space<vmem_shared>> -> memref<100096x16xf32, #tpu.memory_space<vmem_shared>>
      tpu.enqueue_indirect_dma source(%dma_start3A_529 : memref<128x16xf32, #tpu.memory_space<vmem>>) target(%dma_start3A_535 : memref<100096x16xf32, #tpu.memory_space<vmem_shared>>) offsets(%dma_start3A_532 : memref<128xi32, #tpu.memory_space<vmem>>) semaphore(%arg14 : memref<!tpu.dma_semaphore, #tpu.memory_space<semaphore_mem>>) {add = true}
      %dma_start3A_536 = arith.constant 3 : i32
      %dma_start3A_537 = arith.constant 384 : i32
      %dma_start3A_538 = arith.constant 0 : i32
      %dma_start3A_539 = tpu.memref_slice %arg11[%dma_start3A_537, %dma_start3A_538] : memref<640x16xf32, #tpu.memory_space<vmem>> -> memref<128x16xf32, #tpu.memory_space<vmem>>
      %dma_start3A_540 = arith.constant 0 : i32
      %dma_start3A_541 = tpu.memref_slice %arg9[%dma_start3A_536, %dma_start3A_540] : memref<5x128xi32, #tpu.memory_space<vmem>> -> memref<1x128xi32, #tpu.memory_space<vmem>>
      %dma_start3A_542 = tpu.memref_squeeze %dma_start3A_541 : memref<1x128xi32, #tpu.memory_space<vmem>> -> memref<128xi32, #tpu.memory_space<vmem>>
      %dma_start3A_543 = arith.constant 0 : i32
      %dma_start3A_544 = arith.constant 0 : i32
      %dma_start3A_545 = tpu.memref_slice %arg5[%dma_start3A_543, %dma_start3A_544] : memref<100096x16xf32, #tpu.memory_space<vmem_shared>> -> memref<100096x16xf32, #tpu.memory_space<vmem_shared>>
      tpu.enqueue_indirect_dma source(%dma_start3A_539 : memref<128x16xf32, #tpu.memory_space<vmem>>) target(%dma_start3A_545 : memref<100096x16xf32, #tpu.memory_space<vmem_shared>>) offsets(%dma_start3A_542 : memref<128xi32, #tpu.memory_space<vmem>>) semaphore(%arg14 : memref<!tpu.dma_semaphore, #tpu.memory_space<semaphore_mem>>) {add = true}
      %dma_start3A_546 = arith.constant 4 : i32
      %dma_start3A_547 = arith.constant 512 : i32
      %dma_start3A_548 = arith.constant 0 : i32
      %dma_start3A_549 = tpu.memref_slice %arg11[%dma_start3A_547, %dma_start3A_548] : memref<640x16xf32, #tpu.memory_space<vmem>> -> memref<128x16xf32, #tpu.memory_space<vmem>>
      %dma_start3A_550 = arith.constant 0 : i32
      %dma_start3A_551 = tpu.memref_slice %arg9[%dma_start3A_546, %dma_start3A_550] : memref<5x128xi32, #tpu.memory_space<vmem>> -> memref<1x128xi32, #tpu.memory_space<vmem>>
      %dma_start3A_552 = tpu.memref_squeeze %dma_start3A_551 : memref<1x128xi32, #tpu.memory_space<vmem>> -> memref<128xi32, #tpu.memory_space<vmem>>
      %dma_start3A_553 = arith.constant 0 : i32
      %dma_start3A_554 = arith.constant 0 : i32
      %dma_start3A_555 = tpu.memref_slice %arg5[%dma_start3A_553, %dma_start3A_554] : memref<100096x16xf32, #tpu.memory_space<vmem_shared>> -> memref<100096x16xf32, #tpu.memory_space<vmem_shared>>
      tpu.enqueue_indirect_dma source(%dma_start3A_549 : memref<128x16xf32, #tpu.memory_space<vmem>>) target(%dma_start3A_555 : memref<100096x16xf32, #tpu.memory_space<vmem_shared>>) offsets(%dma_start3A_552 : memref<128xi32, #tpu.memory_space<vmem>>) semaphore(%arg14 : memref<!tpu.dma_semaphore, #tpu.memory_space<semaphore_mem>>) {add = true}
      %lt3A_556 = arith.constant 38 : i32
      %lt3A_557 = arith.cmpi slt, %scan3A_155, %lt3A_556 : i32
      %convert_element_type3A_558 = arith.extui %lt3A_557 : i1 to i32
      %cond3A_559 = arith.constant 0 : i32
      %cond3A_560 = arith.cmpi ne, %convert_element_type3A_558, %cond3A_559 : i32
      scf.if %cond3A_560 {
        %dma_wait3A_561 = arith.constant 0 : i32
        %dma_wait3A_562 = arith.constant 0 : i32
        %dma_wait3A_563 = arith.constant 0 : i32
        %dma_wait3A_564 = tpu.memref_slice %arg3[%dma_wait3A_561, %dma_wait3A_562, %dma_wait3A_563] : memref<2x12500x128xi32, #tpu.memory_space<hbm>> -> memref<1x12500x128xi32, #tpu.memory_space<hbm>>
        %dma_wait3A_565 = tpu.memref_squeeze %dma_wait3A_564 : memref<1x12500x128xi32, #tpu.memory_space<hbm>> -> memref<12500x128xi32, #tpu.memory_space<hbm>>
        %dma_wait3A_566 = arith.constant 0 : i32
        %dma_wait3A_567 = arith.constant 0 : i32
        %dma_wait3A_568 = tpu.memref_slice %dma_wait3A_565[%dma_wait3A_566, %dma_wait3A_567] : memref<12500x128xi32, #tpu.memory_space<hbm>> -> memref<5x128xi32, #tpu.memory_space<hbm>>
        %dma_wait3A_569 = arith.constant 0 : i32
        %dma_wait3A_570 = arith.constant 0 : i32
        %dma_wait3A_571 = tpu.memref_slice %arg3[%dma_wait3A_561, %dma_wait3A_569, %dma_wait3A_570] : memref<2x12500x128xi32, #tpu.memory_space<hbm>> -> memref<1x12500x128xi32, #tpu.memory_space<hbm>>
        %dma_wait3A_572 = tpu.memref_squeeze %dma_wait3A_571 : memref<1x12500x128xi32, #tpu.memory_space<hbm>> -> memref<12500x128xi32, #tpu.memory_space<hbm>>
        %dma_wait3A_573 = arith.constant 0 : i32
        %dma_wait3A_574 = arith.constant 0 : i32
        %dma_wait3A_575 = tpu.memref_slice %dma_wait3A_572[%dma_wait3A_573, %dma_wait3A_574] : memref<12500x128xi32, #tpu.memory_space<hbm>> -> memref<5x128xi32, #tpu.memory_space<hbm>>
        tpu.wait_dma2 semaphore(%arg15 : memref<!tpu.dma_semaphore, #tpu.memory_space<semaphore_mem>>) src(%dma_wait3A_575 : memref<5x128xi32, #tpu.memory_space<hbm>>) dst(%arg6 : memref<5x128xi32, #tpu.memory_space<vmem>>)
        %dma_wait3A_576 = arith.constant 0 : i32
        %dma_wait3A_577 = arith.constant 0 : i32
        %dma_wait3A_578 = arith.constant 0 : i32
        %dma_wait3A_579 = tpu.memref_slice %arg3[%dma_wait3A_576, %dma_wait3A_577, %dma_wait3A_578] : memref<2x12500x128xi32, #tpu.memory_space<hbm>> -> memref<1x12500x128xi32, #tpu.memory_space<hbm>>
        %dma_wait3A_580 = tpu.memref_squeeze %dma_wait3A_579 : memref<1x12500x128xi32, #tpu.memory_space<hbm>> -> memref<12500x128xi32, #tpu.memory_space<hbm>>
        %dma_wait3A_581 = arith.constant 0 : i32
        %dma_wait3A_582 = arith.constant 0 : i32
        %dma_wait3A_583 = tpu.memref_slice %dma_wait3A_580[%dma_wait3A_581, %dma_wait3A_582] : memref<12500x128xi32, #tpu.memory_space<hbm>> -> memref<5x128xi32, #tpu.memory_space<hbm>>
        %dma_wait3A_584 = arith.constant 0 : i32
        %dma_wait3A_585 = arith.constant 0 : i32
        %dma_wait3A_586 = tpu.memref_slice %arg3[%dma_wait3A_576, %dma_wait3A_584, %dma_wait3A_585] : memref<2x12500x128xi32, #tpu.memory_space<hbm>> -> memref<1x12500x128xi32, #tpu.memory_space<hbm>>
        %dma_wait3A_587 = tpu.memref_squeeze %dma_wait3A_586 : memref<1x12500x128xi32, #tpu.memory_space<hbm>> -> memref<12500x128xi32, #tpu.memory_space<hbm>>
        %dma_wait3A_588 = arith.constant 0 : i32
        %dma_wait3A_589 = arith.constant 0 : i32
        %dma_wait3A_590 = tpu.memref_slice %dma_wait3A_587[%dma_wait3A_588, %dma_wait3A_589] : memref<12500x128xi32, #tpu.memory_space<hbm>> -> memref<5x128xi32, #tpu.memory_space<hbm>>
        tpu.wait_dma2 semaphore(%arg15 : memref<!tpu.dma_semaphore, #tpu.memory_space<semaphore_mem>>) src(%dma_wait3A_590 : memref<5x128xi32, #tpu.memory_space<hbm>>) dst(%arg6 : memref<5x128xi32, #tpu.memory_space<vmem>>)
        %dma_start3A_591 = arith.constant 0 : i32
        %dma_start3A_592 = arith.constant 0 : i32
        %dma_start3A_593 = arith.constant 0 : i32
        %dma_start3A_594 = tpu.memref_slice %arg10[%dma_start3A_592, %dma_start3A_593] : memref<640x16xf32, #tpu.memory_space<vmem>> -> memref<128x16xf32, #tpu.memory_space<vmem>>
        %dma_start3A_595 = arith.constant 0 : i32
        %dma_start3A_596 = tpu.memref_slice %arg6[%dma_start3A_591, %dma_start3A_595] : memref<5x128xi32, #tpu.memory_space<vmem>> -> memref<1x128xi32, #tpu.memory_space<vmem>>
        %dma_start3A_597 = tpu.memref_squeeze %dma_start3A_596 : memref<1x128xi32, #tpu.memory_space<vmem>> -> memref<128xi32, #tpu.memory_space<vmem>>
        %dma_start3A_598 = arith.constant 0 : i32
        %dma_start3A_599 = arith.constant 0 : i32
        %dma_start3A_600 = tpu.memref_slice %arg2[%dma_start3A_598, %dma_start3A_599] : memref<100096x16xf32, #tpu.memory_space<hbm>> -> memref<100096x16xf32, #tpu.memory_space<hbm>>
        tpu.enqueue_indirect_dma source(%dma_start3A_600 : memref<100096x16xf32, #tpu.memory_space<hbm>>) target(%dma_start3A_594 : memref<128x16xf32, #tpu.memory_space<vmem>>) offsets(%dma_start3A_597 : memref<128xi32, #tpu.memory_space<vmem>>) semaphore(%arg13 : memref<!tpu.dma_semaphore, #tpu.memory_space<semaphore_mem>>)
        %dma_start3A_601 = arith.constant 1 : i32
        %dma_start3A_602 = arith.constant 128 : i32
        %dma_start3A_603 = arith.constant 0 : i32
        %dma_start3A_604 = tpu.memref_slice %arg10[%dma_start3A_602, %dma_start3A_603] : memref<640x16xf32, #tpu.memory_space<vmem>> -> memref<128x16xf32, #tpu.memory_space<vmem>>
        %dma_start3A_605 = arith.constant 0 : i32
        %dma_start3A_606 = tpu.memref_slice %arg6[%dma_start3A_601, %dma_start3A_605] : memref<5x128xi32, #tpu.memory_space<vmem>> -> memref<1x128xi32, #tpu.memory_space<vmem>>
        %dma_start3A_607 = tpu.memref_squeeze %dma_start3A_606 : memref<1x128xi32, #tpu.memory_space<vmem>> -> memref<128xi32, #tpu.memory_space<vmem>>
        %dma_start3A_608 = arith.constant 0 : i32
        %dma_start3A_609 = arith.constant 0 : i32
        %dma_start3A_610 = tpu.memref_slice %arg2[%dma_start3A_608, %dma_start3A_609] : memref<100096x16xf32, #tpu.memory_space<hbm>> -> memref<100096x16xf32, #tpu.memory_space<hbm>>
        tpu.enqueue_indirect_dma source(%dma_start3A_610 : memref<100096x16xf32, #tpu.memory_space<hbm>>) target(%dma_start3A_604 : memref<128x16xf32, #tpu.memory_space<vmem>>) offsets(%dma_start3A_607 : memref<128xi32, #tpu.memory_space<vmem>>) semaphore(%arg13 : memref<!tpu.dma_semaphore, #tpu.memory_space<semaphore_mem>>)
        %dma_start3A_611 = arith.constant 2 : i32
        %dma_start3A_612 = arith.constant 256 : i32
        %dma_start3A_613 = arith.constant 0 : i32
        %dma_start3A_614 = tpu.memref_slice %arg10[%dma_start3A_612, %dma_start3A_613] : memref<640x16xf32, #tpu.memory_space<vmem>> -> memref<128x16xf32, #tpu.memory_space<vmem>>
        %dma_start3A_615 = arith.constant 0 : i32
        %dma_start3A_616 = tpu.memref_slice %arg6[%dma_start3A_611, %dma_start3A_615] : memref<5x128xi32, #tpu.memory_space<vmem>> -> memref<1x128xi32, #tpu.memory_space<vmem>>
        %dma_start3A_617 = tpu.memref_squeeze %dma_start3A_616 : memref<1x128xi32, #tpu.memory_space<vmem>> -> memref<128xi32, #tpu.memory_space<vmem>>
        %dma_start3A_618 = arith.constant 0 : i32
        %dma_start3A_619 = arith.constant 0 : i32
        %dma_start3A_620 = tpu.memref_slice %arg2[%dma_start3A_618, %dma_start3A_619] : memref<100096x16xf32, #tpu.memory_space<hbm>> -> memref<100096x16xf32, #tpu.memory_space<hbm>>
        tpu.enqueue_indirect_dma source(%dma_start3A_620 : memref<100096x16xf32, #tpu.memory_space<hbm>>) target(%dma_start3A_614 : memref<128x16xf32, #tpu.memory_space<vmem>>) offsets(%dma_start3A_617 : memref<128xi32, #tpu.memory_space<vmem>>) semaphore(%arg13 : memref<!tpu.dma_semaphore, #tpu.memory_space<semaphore_mem>>)
        %dma_start3A_621 = arith.constant 3 : i32
        %dma_start3A_622 = arith.constant 384 : i32
        %dma_start3A_623 = arith.constant 0 : i32
        %dma_start3A_624 = tpu.memref_slice %arg10[%dma_start3A_622, %dma_start3A_623] : memref<640x16xf32, #tpu.memory_space<vmem>> -> memref<128x16xf32, #tpu.memory_space<vmem>>
        %dma_start3A_625 = arith.constant 0 : i32
        %dma_start3A_626 = tpu.memref_slice %arg6[%dma_start3A_621, %dma_start3A_625] : memref<5x128xi32, #tpu.memory_space<vmem>> -> memref<1x128xi32, #tpu.memory_space<vmem>>
        %dma_start3A_627 = tpu.memref_squeeze %dma_start3A_626 : memref<1x128xi32, #tpu.memory_space<vmem>> -> memref<128xi32, #tpu.memory_space<vmem>>
        %dma_start3A_628 = arith.constant 0 : i32
        %dma_start3A_629 = arith.constant 0 : i32
        %dma_start3A_630 = tpu.memref_slice %arg2[%dma_start3A_628, %dma_start3A_629] : memref<100096x16xf32, #tpu.memory_space<hbm>> -> memref<100096x16xf32, #tpu.memory_space<hbm>>
        tpu.enqueue_indirect_dma source(%dma_start3A_630 : memref<100096x16xf32, #tpu.memory_space<hbm>>) target(%dma_start3A_624 : memref<128x16xf32, #tpu.memory_space<vmem>>) offsets(%dma_start3A_627 : memref<128xi32, #tpu.memory_space<vmem>>) semaphore(%arg13 : memref<!tpu.dma_semaphore, #tpu.memory_space<semaphore_mem>>)
        %dma_start3A_631 = arith.constant 4 : i32
        %dma_start3A_632 = arith.constant 512 : i32
        %dma_start3A_633 = arith.constant 0 : i32
        %dma_start3A_634 = tpu.memref_slice %arg10[%dma_start3A_632, %dma_start3A_633] : memref<640x16xf32, #tpu.memory_space<vmem>> -> memref<128x16xf32, #tpu.memory_space<vmem>>
        %dma_start3A_635 = arith.constant 0 : i32
        %dma_start3A_636 = tpu.memref_slice %arg6[%dma_start3A_631, %dma_start3A_635] : memref<5x128xi32, #tpu.memory_space<vmem>> -> memref<1x128xi32, #tpu.memory_space<vmem>>
        %dma_start3A_637 = tpu.memref_squeeze %dma_start3A_636 : memref<1x128xi32, #tpu.memory_space<vmem>> -> memref<128xi32, #tpu.memory_space<vmem>>
        %dma_start3A_638 = arith.constant 0 : i32
        %dma_start3A_639 = arith.constant 0 : i32
        %dma_start3A_640 = tpu.memref_slice %arg2[%dma_start3A_638, %dma_start3A_639] : memref<100096x16xf32, #tpu.memory_space<hbm>> -> memref<100096x16xf32, #tpu.memory_space<hbm>>
        tpu.enqueue_indirect_dma source(%dma_start3A_640 : memref<100096x16xf32, #tpu.memory_space<hbm>>) target(%dma_start3A_634 : memref<128x16xf32, #tpu.memory_space<vmem>>) offsets(%dma_start3A_637 : memref<128xi32, #tpu.memory_space<vmem>>) semaphore(%arg13 : memref<!tpu.dma_semaphore, #tpu.memory_space<semaphore_mem>>)
      } else {
      }
    }
    %scan3A_79 = arith.constant 39 : i32
    %dma_wait3A = arith.constant 0 : i32
    %dma_wait3A_80 = arith.constant 0 : i32
    %dma_wait3A_81 = tpu.memref_slice %arg10[%dma_wait3A, %dma_wait3A_80] : memref<640x16xf32, #tpu.memory_space<vmem>> -> memref<128x16xf32, #tpu.memory_space<vmem>>
    %dma_wait3A_82 = arith.constant 0 : i32
    %dma_wait3A_83 = arith.constant 0 : i32
    %dma_wait3A_84 = tpu.memref_slice %arg2[%dma_wait3A_82, %dma_wait3A_83] : memref<100096x16xf32, #tpu.memory_space<hbm>> -> memref<128x16xf32, #tpu.memory_space<hbm>>
    %dma_wait3A_85 = arith.constant 0 : i32
    %dma_wait3A_86 = arith.constant 0 : i32
    %dma_wait3A_87 = tpu.memref_slice %arg10[%dma_wait3A_85, %dma_wait3A_86] : memref<640x16xf32, #tpu.memory_space<vmem>> -> memref<128x16xf32, #tpu.memory_space<vmem>>
    %dma_wait3A_88 = arith.constant 0 : i32
    %dma_wait3A_89 = arith.constant 0 : i32
    %dma_wait3A_90 = tpu.memref_slice %arg2[%dma_wait3A_88, %dma_wait3A_89] : memref<100096x16xf32, #tpu.memory_space<hbm>> -> memref<128x16xf32, #tpu.memory_space<hbm>>
    tpu.wait_dma2 semaphore(%arg14 : memref<!tpu.dma_semaphore, #tpu.memory_space<semaphore_mem>>) src(%dma_wait3A_90 : memref<128x16xf32, #tpu.memory_space<hbm>>) dst(%dma_wait3A_87 : memref<128x16xf32, #tpu.memory_space<vmem>>)
    %dma_wait3A_91 = arith.constant 0 : i32
    %dma_wait3A_92 = arith.constant 0 : i32
    %dma_wait3A_93 = tpu.memref_slice %arg10[%dma_wait3A_91, %dma_wait3A_92] : memref<640x16xf32, #tpu.memory_space<vmem>> -> memref<128x16xf32, #tpu.memory_space<vmem>>
    %dma_wait3A_94 = arith.constant 0 : i32
    %dma_wait3A_95 = arith.constant 0 : i32
    %dma_wait3A_96 = tpu.memref_slice %arg2[%dma_wait3A_94, %dma_wait3A_95] : memref<100096x16xf32, #tpu.memory_space<hbm>> -> memref<128x16xf32, #tpu.memory_space<hbm>>
    %dma_wait3A_97 = arith.constant 0 : i32
    %dma_wait3A_98 = arith.constant 0 : i32
    %dma_wait3A_99 = tpu.memref_slice %arg10[%dma_wait3A_97, %dma_wait3A_98] : memref<640x16xf32, #tpu.memory_space<vmem>> -> memref<128x16xf32, #tpu.memory_space<vmem>>
    %dma_wait3A_100 = arith.constant 0 : i32
    %dma_wait3A_101 = arith.constant 0 : i32
    %dma_wait3A_102 = tpu.memref_slice %arg2[%dma_wait3A_100, %dma_wait3A_101] : memref<100096x16xf32, #tpu.memory_space<hbm>> -> memref<128x16xf32, #tpu.memory_space<hbm>>
    tpu.wait_dma2 semaphore(%arg14 : memref<!tpu.dma_semaphore, #tpu.memory_space<semaphore_mem>>) src(%dma_wait3A_102 : memref<128x16xf32, #tpu.memory_space<hbm>>) dst(%dma_wait3A_99 : memref<128x16xf32, #tpu.memory_space<vmem>>)
    %dma_wait3A_103 = arith.constant 0 : i32
    %dma_wait3A_104 = arith.constant 0 : i32
    %dma_wait3A_105 = tpu.memref_slice %arg10[%dma_wait3A_103, %dma_wait3A_104] : memref<640x16xf32, #tpu.memory_space<vmem>> -> memref<128x16xf32, #tpu.memory_space<vmem>>
    %dma_wait3A_106 = arith.constant 0 : i32
    %dma_wait3A_107 = arith.constant 0 : i32
    %dma_wait3A_108 = tpu.memref_slice %arg2[%dma_wait3A_106, %dma_wait3A_107] : memref<100096x16xf32, #tpu.memory_space<hbm>> -> memref<128x16xf32, #tpu.memory_space<hbm>>
    %dma_wait3A_109 = arith.constant 0 : i32
    %dma_wait3A_110 = arith.constant 0 : i32
    %dma_wait3A_111 = tpu.memref_slice %arg10[%dma_wait3A_109, %dma_wait3A_110] : memref<640x16xf32, #tpu.memory_space<vmem>> -> memref<128x16xf32, #tpu.memory_space<vmem>>
    %dma_wait3A_112 = arith.constant 0 : i32
    %dma_wait3A_113 = arith.constant 0 : i32
    %dma_wait3A_114 = tpu.memref_slice %arg2[%dma_wait3A_112, %dma_wait3A_113] : memref<100096x16xf32, #tpu.memory_space<hbm>> -> memref<128x16xf32, #tpu.memory_space<hbm>>
    tpu.wait_dma2 semaphore(%arg14 : memref<!tpu.dma_semaphore, #tpu.memory_space<semaphore_mem>>) src(%dma_wait3A_114 : memref<128x16xf32, #tpu.memory_space<hbm>>) dst(%dma_wait3A_111 : memref<128x16xf32, #tpu.memory_space<vmem>>)
    %dma_wait3A_115 = arith.constant 0 : i32
    %dma_wait3A_116 = arith.constant 0 : i32
    %dma_wait3A_117 = tpu.memref_slice %arg10[%dma_wait3A_115, %dma_wait3A_116] : memref<640x16xf32, #tpu.memory_space<vmem>> -> memref<128x16xf32, #tpu.memory_space<vmem>>
    %dma_wait3A_118 = arith.constant 0 : i32
    %dma_wait3A_119 = arith.constant 0 : i32
    %dma_wait3A_120 = tpu.memref_slice %arg2[%dma_wait3A_118, %dma_wait3A_119] : memref<100096x16xf32, #tpu.memory_space<hbm>> -> memref<128x16xf32, #tpu.memory_space<hbm>>
    %dma_wait3A_121 = arith.constant 0 : i32
    %dma_wait3A_122 = arith.constant 0 : i32
    %dma_wait3A_123 = tpu.memref_slice %arg10[%dma_wait3A_121, %dma_wait3A_122] : memref<640x16xf32, #tpu.memory_space<vmem>> -> memref<128x16xf32, #tpu.memory_space<vmem>>
    %dma_wait3A_124 = arith.constant 0 : i32
    %dma_wait3A_125 = arith.constant 0 : i32
    %dma_wait3A_126 = tpu.memref_slice %arg2[%dma_wait3A_124, %dma_wait3A_125] : memref<100096x16xf32, #tpu.memory_space<hbm>> -> memref<128x16xf32, #tpu.memory_space<hbm>>
    tpu.wait_dma2 semaphore(%arg14 : memref<!tpu.dma_semaphore, #tpu.memory_space<semaphore_mem>>) src(%dma_wait3A_126 : memref<128x16xf32, #tpu.memory_space<hbm>>) dst(%dma_wait3A_123 : memref<128x16xf32, #tpu.memory_space<vmem>>)
    %dma_wait3A_127 = arith.constant 0 : i32
    %dma_wait3A_128 = arith.constant 0 : i32
    %dma_wait3A_129 = tpu.memref_slice %arg10[%dma_wait3A_127, %dma_wait3A_128] : memref<640x16xf32, #tpu.memory_space<vmem>> -> memref<128x16xf32, #tpu.memory_space<vmem>>
    %dma_wait3A_130 = arith.constant 0 : i32
    %dma_wait3A_131 = arith.constant 0 : i32
    %dma_wait3A_132 = tpu.memref_slice %arg2[%dma_wait3A_130, %dma_wait3A_131] : memref<100096x16xf32, #tpu.memory_space<hbm>> -> memref<128x16xf32, #tpu.memory_space<hbm>>
    %dma_wait3A_133 = arith.constant 0 : i32
    %dma_wait3A_134 = arith.constant 0 : i32
    %dma_wait3A_135 = tpu.memref_slice %arg10[%dma_wait3A_133, %dma_wait3A_134] : memref<640x16xf32, #tpu.memory_space<vmem>> -> memref<128x16xf32, #tpu.memory_space<vmem>>
    %dma_wait3A_136 = arith.constant 0 : i32
    %dma_wait3A_137 = arith.constant 0 : i32
    %dma_wait3A_138 = tpu.memref_slice %arg2[%dma_wait3A_136, %dma_wait3A_137] : memref<100096x16xf32, #tpu.memory_space<hbm>> -> memref<128x16xf32, #tpu.memory_space<hbm>>
    tpu.wait_dma2 semaphore(%arg14 : memref<!tpu.dma_semaphore, #tpu.memory_space<semaphore_mem>>) src(%dma_wait3A_138 : memref<128x16xf32, #tpu.memory_space<hbm>>) dst(%dma_wait3A_135 : memref<128x16xf32, #tpu.memory_space<vmem>>)
    %while3A = arith.constant 0 : i32
    %while3A_139 = arith.constant 390 : i32
    %while3A_140 = arith.subi %select_n3A, %while3A_139 : i32
    %while3A_141 = arith.addi %while3A_139, %while3A_140 : i32
    %while3A_142 = arith.constant 1 : i32
    %while3A_143 = arith.divsi %while3A_140, %while3A_142 : i32
    %while3A_144 = arith.muli %while3A_143, %while3A_142 : i32
    %while3A_145 = arith.addi %while3A_139, %while3A_144 : i32
    %while3A_146 = arith.constant 1 : i32
    scf.for %while3A_155 = %while3A_139 to %while3A_145 step %while3A_146  : i32 {
      %add3A_156 = arith.addi %add3A_19, %while3A_155 : i32
      %run_scoped3A_157 = arith.constant 0 : i32
      "tpu.region"() ({
        %run_scoped3A_180 = tpu.sem_alloc : memref<!tpu.dma_semaphore, #tpu.memory_space<semaphore_mem>>
        %dma_start3A_181 = arith.constant 0 : i32
        %dma_start3A_182 = arith.constant 0 : i32
        %dma_start3A_183 = tpu.memref_slice %arg6[%dma_start3A_181, %dma_start3A_182] : memref<5x128xi32, #tpu.memory_space<vmem>> -> memref<1x128xi32, #tpu.memory_space<vmem>>
        %dma_start3A_184 = arith.constant 0 : i32
        %dma_start3A_185 = arith.constant 0 : i32
        %dma_start3A_186 = tpu.memref_slice %arg3[%run_scoped3A_157, %dma_start3A_184, %dma_start3A_185] : memref<2x12500x128xi32, #tpu.memory_space<hbm>> -> memref<1x12500x128xi32, #tpu.memory_space<hbm>>
        %dma_start3A_187 = tpu.memref_squeeze %dma_start3A_186 : memref<1x12500x128xi32, #tpu.memory_space<hbm>> -> memref<12500x128xi32, #tpu.memory_space<hbm>>
        %dma_start3A_188 = arith.constant 0 : i32
        %dma_start3A_189 = tpu.memref_slice %dma_start3A_187[%add3A_156, %dma_start3A_188] : memref<12500x128xi32, #tpu.memory_space<hbm>> -> memref<1x128xi32, #tpu.memory_space<hbm>>
        %dma_start3A_190 = arith.constant 0 : i32
        %dma_start3A_191 = arith.constant 0 : i32
        %dma_start3A_192 = tpu.memref_slice %arg6[%dma_start3A_190, %dma_start3A_191] : memref<5x128xi32, #tpu.memory_space<vmem>> -> memref<1x128xi32, #tpu.memory_space<vmem>>
        %dma_start3A_193 = arith.constant 0 : i32
        %dma_start3A_194 = arith.constant 0 : i32
        %dma_start3A_195 = tpu.memref_slice %arg3[%run_scoped3A_157, %dma_start3A_193, %dma_start3A_194] : memref<2x12500x128xi32, #tpu.memory_space<hbm>> -> memref<1x12500x128xi32, #tpu.memory_space<hbm>>
        %dma_start3A_196 = tpu.memref_squeeze %dma_start3A_195 : memref<1x12500x128xi32, #tpu.memory_space<hbm>> -> memref<12500x128xi32, #tpu.memory_space<hbm>>
        %dma_start3A_197 = arith.constant 0 : i32
        %dma_start3A_198 = tpu.memref_slice %dma_start3A_196[%add3A_156, %dma_start3A_197] : memref<12500x128xi32, #tpu.memory_space<hbm>> -> memref<1x128xi32, #tpu.memory_space<hbm>>
        tpu.enqueue_dma source(%dma_start3A_198 : memref<1x128xi32, #tpu.memory_space<hbm>>) target(%dma_start3A_192 : memref<1x128xi32, #tpu.memory_space<vmem>>) target_semaphore(%run_scoped3A_180 : memref<!tpu.dma_semaphore, #tpu.memory_space<semaphore_mem>>)
        %dma_wait3A_199 = arith.constant 0 : i32
        %dma_wait3A_200 = arith.constant 0 : i32
        %dma_wait3A_201 = tpu.memref_slice %arg6[%dma_wait3A_199, %dma_wait3A_200] : memref<5x128xi32, #tpu.memory_space<vmem>> -> memref<1x128xi32, #tpu.memory_space<vmem>>
        %dma_wait3A_202 = arith.constant 0 : i32
        %dma_wait3A_203 = arith.constant 0 : i32
        %dma_wait3A_204 = tpu.memref_slice %arg3[%run_scoped3A_157, %dma_wait3A_202, %dma_wait3A_203] : memref<2x12500x128xi32, #tpu.memory_space<hbm>> -> memref<1x12500x128xi32, #tpu.memory_space<hbm>>
        %dma_wait3A_205 = tpu.memref_squeeze %dma_wait3A_204 : memref<1x12500x128xi32, #tpu.memory_space<hbm>> -> memref<12500x128xi32, #tpu.memory_space<hbm>>
        %dma_wait3A_206 = arith.constant 0 : i32
        %dma_wait3A_207 = tpu.memref_slice %dma_wait3A_205[%add3A_156, %dma_wait3A_206] : memref<12500x128xi32, #tpu.memory_space<hbm>> -> memref<1x128xi32, #tpu.memory_space<hbm>>
        %dma_wait3A_208 = arith.constant 0 : i32
        %dma_wait3A_209 = arith.constant 0 : i32
        %dma_wait3A_210 = tpu.memref_slice %arg6[%dma_wait3A_208, %dma_wait3A_209] : memref<5x128xi32, #tpu.memory_space<vmem>> -> memref<1x128xi32, #tpu.memory_space<vmem>>
        %dma_wait3A_211 = arith.constant 0 : i32
        %dma_wait3A_212 = arith.constant 0 : i32
        %dma_wait3A_213 = tpu.memref_slice %arg3[%run_scoped3A_157, %dma_wait3A_211, %dma_wait3A_212] : memref<2x12500x128xi32, #tpu.memory_space<hbm>> -> memref<1x12500x128xi32, #tpu.memory_space<hbm>>
        %dma_wait3A_214 = tpu.memref_squeeze %dma_wait3A_213 : memref<1x12500x128xi32, #tpu.memory_space<hbm>> -> memref<12500x128xi32, #tpu.memory_space<hbm>>
        %dma_wait3A_215 = arith.constant 0 : i32
        %dma_wait3A_216 = tpu.memref_slice %dma_wait3A_214[%add3A_156, %dma_wait3A_215] : memref<12500x128xi32, #tpu.memory_space<hbm>> -> memref<1x128xi32, #tpu.memory_space<hbm>>
        tpu.wait_dma2 semaphore(%run_scoped3A_180 : memref<!tpu.dma_semaphore, #tpu.memory_space<semaphore_mem>>) src(%dma_wait3A_216 : memref<1x128xi32, #tpu.memory_space<hbm>>) dst(%dma_wait3A_210 : memref<1x128xi32, #tpu.memory_space<vmem>>)
        tpu.yield
      }) : () -> ()
      %run_scoped3A_158 = arith.constant 1 : i32
      "tpu.region"() ({
        %run_scoped3A_180 = tpu.sem_alloc : memref<!tpu.dma_semaphore, #tpu.memory_space<semaphore_mem>>
        %dma_start3A_181 = arith.constant 0 : i32
        %dma_start3A_182 = arith.constant 0 : i32
        %dma_start3A_183 = tpu.memref_slice %arg7[%dma_start3A_181, %dma_start3A_182] : memref<5x128xi32, #tpu.memory_space<vmem>> -> memref<1x128xi32, #tpu.memory_space<vmem>>
        %dma_start3A_184 = arith.constant 0 : i32
        %dma_start3A_185 = arith.constant 0 : i32
        %dma_start3A_186 = tpu.memref_slice %arg3[%run_scoped3A_158, %dma_start3A_184, %dma_start3A_185] : memref<2x12500x128xi32, #tpu.memory_space<hbm>> -> memref<1x12500x128xi32, #tpu.memory_space<hbm>>
        %dma_start3A_187 = tpu.memref_squeeze %dma_start3A_186 : memref<1x12500x128xi32, #tpu.memory_space<hbm>> -> memref<12500x128xi32, #tpu.memory_space<hbm>>
        %dma_start3A_188 = arith.constant 0 : i32
        %dma_start3A_189 = tpu.memref_slice %dma_start3A_187[%add3A_156, %dma_start3A_188] : memref<12500x128xi32, #tpu.memory_space<hbm>> -> memref<1x128xi32, #tpu.memory_space<hbm>>
        %dma_start3A_190 = arith.constant 0 : i32
        %dma_start3A_191 = arith.constant 0 : i32
        %dma_start3A_192 = tpu.memref_slice %arg7[%dma_start3A_190, %dma_start3A_191] : memref<5x128xi32, #tpu.memory_space<vmem>> -> memref<1x128xi32, #tpu.memory_space<vmem>>
        %dma_start3A_193 = arith.constant 0 : i32
        %dma_start3A_194 = arith.constant 0 : i32
        %dma_start3A_195 = tpu.memref_slice %arg3[%run_scoped3A_158, %dma_start3A_193, %dma_start3A_194] : memref<2x12500x128xi32, #tpu.memory_space<hbm>> -> memref<1x12500x128xi32, #tpu.memory_space<hbm>>
        %dma_start3A_196 = tpu.memref_squeeze %dma_start3A_195 : memref<1x12500x128xi32, #tpu.memory_space<hbm>> -> memref<12500x128xi32, #tpu.memory_space<hbm>>
        %dma_start3A_197 = arith.constant 0 : i32
        %dma_start3A_198 = tpu.memref_slice %dma_start3A_196[%add3A_156, %dma_start3A_197] : memref<12500x128xi32, #tpu.memory_space<hbm>> -> memref<1x128xi32, #tpu.memory_space<hbm>>
        tpu.enqueue_dma source(%dma_start3A_198 : memref<1x128xi32, #tpu.memory_space<hbm>>) target(%dma_start3A_192 : memref<1x128xi32, #tpu.memory_space<vmem>>) target_semaphore(%run_scoped3A_180 : memref<!tpu.dma_semaphore, #tpu.memory_space<semaphore_mem>>)
        %dma_wait3A_199 = arith.constant 0 : i32
        %dma_wait3A_200 = arith.constant 0 : i32
        %dma_wait3A_201 = tpu.memref_slice %arg7[%dma_wait3A_199, %dma_wait3A_200] : memref<5x128xi32, #tpu.memory_space<vmem>> -> memref<1x128xi32, #tpu.memory_space<vmem>>
        %dma_wait3A_202 = arith.constant 0 : i32
        %dma_wait3A_203 = arith.constant 0 : i32
        %dma_wait3A_204 = tpu.memref_slice %arg3[%run_scoped3A_158, %dma_wait3A_202, %dma_wait3A_203] : memref<2x12500x128xi32, #tpu.memory_space<hbm>> -> memref<1x12500x128xi32, #tpu.memory_space<hbm>>
        %dma_wait3A_205 = tpu.memref_squeeze %dma_wait3A_204 : memref<1x12500x128xi32, #tpu.memory_space<hbm>> -> memref<12500x128xi32, #tpu.memory_space<hbm>>
        %dma_wait3A_206 = arith.constant 0 : i32
        %dma_wait3A_207 = tpu.memref_slice %dma_wait3A_205[%add3A_156, %dma_wait3A_206] : memref<12500x128xi32, #tpu.memory_space<hbm>> -> memref<1x128xi32, #tpu.memory_space<hbm>>
        %dma_wait3A_208 = arith.constant 0 : i32
        %dma_wait3A_209 = arith.constant 0 : i32
        %dma_wait3A_210 = tpu.memref_slice %arg7[%dma_wait3A_208, %dma_wait3A_209] : memref<5x128xi32, #tpu.memory_space<vmem>> -> memref<1x128xi32, #tpu.memory_space<vmem>>
        %dma_wait3A_211 = arith.constant 0 : i32
        %dma_wait3A_212 = arith.constant 0 : i32
        %dma_wait3A_213 = tpu.memref_slice %arg3[%run_scoped3A_158, %dma_wait3A_211, %dma_wait3A_212] : memref<2x12500x128xi32, #tpu.memory_space<hbm>> -> memref<1x12500x128xi32, #tpu.memory_space<hbm>>
        %dma_wait3A_214 = tpu.memref_squeeze %dma_wait3A_213 : memref<1x12500x128xi32, #tpu.memory_space<hbm>> -> memref<12500x128xi32, #tpu.memory_space<hbm>>
        %dma_wait3A_215 = arith.constant 0 : i32
        %dma_wait3A_216 = tpu.memref_slice %dma_wait3A_214[%add3A_156, %dma_wait3A_215] : memref<12500x128xi32, #tpu.memory_space<hbm>> -> memref<1x128xi32, #tpu.memory_space<hbm>>
        tpu.wait_dma2 semaphore(%run_scoped3A_180 : memref<!tpu.dma_semaphore, #tpu.memory_space<semaphore_mem>>) src(%dma_wait3A_216 : memref<1x128xi32, #tpu.memory_space<hbm>>) dst(%dma_wait3A_210 : memref<1x128xi32, #tpu.memory_space<vmem>>)
        tpu.yield
      }) : () -> ()
      %dma_start3A_159 = arith.constant 0 : i32
      %dma_start3A_160 = arith.constant 0 : i32
      %dma_start3A_161 = arith.constant 0 : i32
      %dma_start3A_162 = tpu.memref_slice %arg10[%dma_start3A_160, %dma_start3A_161] : memref<640x16xf32, #tpu.memory_space<vmem>> -> memref<128x16xf32, #tpu.memory_space<vmem>>
      %dma_start3A_163 = arith.constant 0 : i32
      %dma_start3A_164 = tpu.memref_slice %arg6[%dma_start3A_159, %dma_start3A_163] : memref<5x128xi32, #tpu.memory_space<vmem>> -> memref<1x128xi32, #tpu.memory_space<vmem>>
      %dma_start3A_165 = tpu.memref_squeeze %dma_start3A_164 : memref<1x128xi32, #tpu.memory_space<vmem>> -> memref<128xi32, #tpu.memory_space<vmem>>
      %dma_start3A_166 = arith.constant 0 : i32
      %dma_start3A_167 = arith.constant 0 : i32
      %dma_start3A_168 = tpu.memref_slice %arg2[%dma_start3A_166, %dma_start3A_167] : memref<100096x16xf32, #tpu.memory_space<hbm>> -> memref<100096x16xf32, #tpu.memory_space<hbm>>
      tpu.enqueue_indirect_dma source(%dma_start3A_168 : memref<100096x16xf32, #tpu.memory_space<hbm>>) target(%dma_start3A_162 : memref<128x16xf32, #tpu.memory_space<vmem>>) offsets(%dma_start3A_165 : memref<128xi32, #tpu.memory_space<vmem>>) semaphore(%arg13 : memref<!tpu.dma_semaphore, #tpu.memory_space<semaphore_mem>>)
      %dma_wait3A_169 = arith.constant 0 : i32
      %dma_wait3A_170 = arith.constant 0 : i32
      %dma_wait3A_171 = arith.constant 0 : i32
      %dma_wait3A_172 = tpu.memref_slice %arg10[%dma_wait3A_170, %dma_wait3A_171] : memref<640x16xf32, #tpu.memory_space<vmem>> -> memref<128x16xf32, #tpu.memory_space<vmem>>
      %dma_wait3A_173 = arith.constant 0 : i32
      %dma_wait3A_174 = tpu.memref_slice %arg6[%dma_wait3A_169, %dma_wait3A_173] : memref<5x128xi32, #tpu.memory_space<vmem>> -> memref<1x128xi32, #tpu.memory_space<vmem>>
      %dma_wait3A_175 = tpu.memref_squeeze %dma_wait3A_174 : memref<1x128xi32, #tpu.memory_space<vmem>> -> memref<128xi32, #tpu.memory_space<vmem>>
      %dma_wait3A_176 = arith.constant 0 : i32
      %dma_wait3A_177 = arith.constant 0 : i32
      %dma_wait3A_178 = tpu.memref_slice %arg2[%dma_wait3A_176, %dma_wait3A_177] : memref<100096x16xf32, #tpu.memory_space<hbm>> -> memref<100096x16xf32, #tpu.memory_space<hbm>>
      tpu.wait_indirect_dma semaphore(%arg13 : memref<!tpu.dma_semaphore, #tpu.memory_space<semaphore_mem>>) src(%dma_wait3A_178 : memref<100096x16xf32, #tpu.memory_space<hbm>>) dst(%dma_wait3A_172 : memref<128x16xf32, #tpu.memory_space<vmem>>)
      %run_scoped3A_179 = arith.constant 0 : i32
      "tpu.region"() ({
        %run_scoped3A_180 = tpu.sem_alloc : memref<!tpu.dma_semaphore, #tpu.memory_space<semaphore_mem>>
        %dma_start3A_181 = arith.constant 0 : i32
        %dma_start3A_182 = arith.constant 0 : i32
        %dma_start3A_183 = tpu.memref_slice %arg10[%dma_start3A_181, %dma_start3A_182] : memref<640x16xf32, #tpu.memory_space<vmem>> -> memref<128x16xf32, #tpu.memory_space<vmem>>
        %dma_start3A_184 = arith.constant 0 : i32
        %dma_start3A_185 = tpu.memref_slice %arg7[%run_scoped3A_179, %dma_start3A_184] : memref<5x128xi32, #tpu.memory_space<vmem>> -> memref<1x128xi32, #tpu.memory_space<vmem>>
        %dma_start3A_186 = tpu.memref_squeeze %dma_start3A_185 : memref<1x128xi32, #tpu.memory_space<vmem>> -> memref<128xi32, #tpu.memory_space<vmem>>
        %dma_start3A_187 = arith.constant 0 : i32
        %dma_start3A_188 = arith.constant 0 : i32
        %dma_start3A_189 = tpu.memref_slice %arg5[%dma_start3A_187, %dma_start3A_188] : memref<100096x16xf32, #tpu.memory_space<vmem_shared>> -> memref<100096x16xf32, #tpu.memory_space<vmem_shared>>
        tpu.enqueue_indirect_dma source(%dma_start3A_183 : memref<128x16xf32, #tpu.memory_space<vmem>>) target(%dma_start3A_189 : memref<100096x16xf32, #tpu.memory_space<vmem_shared>>) offsets(%dma_start3A_186 : memref<128xi32, #tpu.memory_space<vmem>>) semaphore(%run_scoped3A_180 : memref<!tpu.dma_semaphore, #tpu.memory_space<semaphore_mem>>) {add = true}
        %dma_wait3A_190 = arith.constant 0 : i32
        %dma_wait3A_191 = arith.constant 0 : i32
        %dma_wait3A_192 = tpu.memref_slice %arg10[%dma_wait3A_190, %dma_wait3A_191] : memref<640x16xf32, #tpu.memory_space<vmem>> -> memref<128x16xf32, #tpu.memory_space<vmem>>
        %dma_wait3A_193 = arith.constant 0 : i32
        %dma_wait3A_194 = tpu.memref_slice %arg7[%run_scoped3A_179, %dma_wait3A_193] : memref<5x128xi32, #tpu.memory_space<vmem>> -> memref<1x128xi32, #tpu.memory_space<vmem>>
        %dma_wait3A_195 = tpu.memref_squeeze %dma_wait3A_194 : memref<1x128xi32, #tpu.memory_space<vmem>> -> memref<128xi32, #tpu.memory_space<vmem>>
        %dma_wait3A_196 = arith.constant 0 : i32
        %dma_wait3A_197 = arith.constant 0 : i32
        %dma_wait3A_198 = tpu.memref_slice %arg5[%dma_wait3A_196, %dma_wait3A_197] : memref<100096x16xf32, #tpu.memory_space<vmem_shared>> -> memref<100096x16xf32, #tpu.memory_space<vmem_shared>>
        tpu.wait_indirect_dma semaphore(%run_scoped3A_180 : memref<!tpu.dma_semaphore, #tpu.memory_space<semaphore_mem>>) src(%dma_wait3A_192 : memref<128x16xf32, #tpu.memory_space<vmem>>) dst(%dma_wait3A_198 : memref<100096x16xf32, #tpu.memory_space<vmem_shared>>)
        tpu.yield
      }) : () -> ()
    }
    %while3A_147 = arith.constant 1 : i32
    scf.for %while3A_155 = %while3A_145 to %while3A_141 step %while3A_147  : i32 {
      %add3A_156 = arith.addi %add3A_19, %while3A_155 : i32
      %run_scoped3A_157 = arith.constant 0 : i32
      "tpu.region"() ({
        %run_scoped3A_180 = tpu.sem_alloc : memref<!tpu.dma_semaphore, #tpu.memory_space<semaphore_mem>>
        %dma_start3A_181 = arith.constant 0 : i32
        %dma_start3A_182 = arith.constant 0 : i32
        %dma_start3A_183 = tpu.memref_slice %arg6[%dma_start3A_181, %dma_start3A_182] : memref<5x128xi32, #tpu.memory_space<vmem>> -> memref<1x128xi32, #tpu.memory_space<vmem>>
        %dma_start3A_184 = arith.constant 0 : i32
        %dma_start3A_185 = arith.constant 0 : i32
        %dma_start3A_186 = tpu.memref_slice %arg3[%run_scoped3A_157, %dma_start3A_184, %dma_start3A_185] : memref<2x12500x128xi32, #tpu.memory_space<hbm>> -> memref<1x12500x128xi32, #tpu.memory_space<hbm>>
        %dma_start3A_187 = tpu.memref_squeeze %dma_start3A_186 : memref<1x12500x128xi32, #tpu.memory_space<hbm>> -> memref<12500x128xi32, #tpu.memory_space<hbm>>
        %dma_start3A_188 = arith.constant 0 : i32
        %dma_start3A_189 = tpu.memref_slice %dma_start3A_187[%add3A_156, %dma_start3A_188] : memref<12500x128xi32, #tpu.memory_space<hbm>> -> memref<1x128xi32, #tpu.memory_space<hbm>>
        %dma_start3A_190 = arith.constant 0 : i32
        %dma_start3A_191 = arith.constant 0 : i32
        %dma_start3A_192 = tpu.memref_slice %arg6[%dma_start3A_190, %dma_start3A_191] : memref<5x128xi32, #tpu.memory_space<vmem>> -> memref<1x128xi32, #tpu.memory_space<vmem>>
        %dma_start3A_193 = arith.constant 0 : i32
        %dma_start3A_194 = arith.constant 0 : i32
        %dma_start3A_195 = tpu.memref_slice %arg3[%run_scoped3A_157, %dma_start3A_193, %dma_start3A_194] : memref<2x12500x128xi32, #tpu.memory_space<hbm>> -> memref<1x12500x128xi32, #tpu.memory_space<hbm>>
        %dma_start3A_196 = tpu.memref_squeeze %dma_start3A_195 : memref<1x12500x128xi32, #tpu.memory_space<hbm>> -> memref<12500x128xi32, #tpu.memory_space<hbm>>
        %dma_start3A_197 = arith.constant 0 : i32
        %dma_start3A_198 = tpu.memref_slice %dma_start3A_196[%add3A_156, %dma_start3A_197] : memref<12500x128xi32, #tpu.memory_space<hbm>> -> memref<1x128xi32, #tpu.memory_space<hbm>>
        tpu.enqueue_dma source(%dma_start3A_198 : memref<1x128xi32, #tpu.memory_space<hbm>>) target(%dma_start3A_192 : memref<1x128xi32, #tpu.memory_space<vmem>>) target_semaphore(%run_scoped3A_180 : memref<!tpu.dma_semaphore, #tpu.memory_space<semaphore_mem>>)
        %dma_wait3A_199 = arith.constant 0 : i32
        %dma_wait3A_200 = arith.constant 0 : i32
        %dma_wait3A_201 = tpu.memref_slice %arg6[%dma_wait3A_199, %dma_wait3A_200] : memref<5x128xi32, #tpu.memory_space<vmem>> -> memref<1x128xi32, #tpu.memory_space<vmem>>
        %dma_wait3A_202 = arith.constant 0 : i32
        %dma_wait3A_203 = arith.constant 0 : i32
        %dma_wait3A_204 = tpu.memref_slice %arg3[%run_scoped3A_157, %dma_wait3A_202, %dma_wait3A_203] : memref<2x12500x128xi32, #tpu.memory_space<hbm>> -> memref<1x12500x128xi32, #tpu.memory_space<hbm>>
        %dma_wait3A_205 = tpu.memref_squeeze %dma_wait3A_204 : memref<1x12500x128xi32, #tpu.memory_space<hbm>> -> memref<12500x128xi32, #tpu.memory_space<hbm>>
        %dma_wait3A_206 = arith.constant 0 : i32
        %dma_wait3A_207 = tpu.memref_slice %dma_wait3A_205[%add3A_156, %dma_wait3A_206] : memref<12500x128xi32, #tpu.memory_space<hbm>> -> memref<1x128xi32, #tpu.memory_space<hbm>>
        %dma_wait3A_208 = arith.constant 0 : i32
        %dma_wait3A_209 = arith.constant 0 : i32
        %dma_wait3A_210 = tpu.memref_slice %arg6[%dma_wait3A_208, %dma_wait3A_209] : memref<5x128xi32, #tpu.memory_space<vmem>> -> memref<1x128xi32, #tpu.memory_space<vmem>>
        %dma_wait3A_211 = arith.constant 0 : i32
        %dma_wait3A_212 = arith.constant 0 : i32
        %dma_wait3A_213 = tpu.memref_slice %arg3[%run_scoped3A_157, %dma_wait3A_211, %dma_wait3A_212] : memref<2x12500x128xi32, #tpu.memory_space<hbm>> -> memref<1x12500x128xi32, #tpu.memory_space<hbm>>
        %dma_wait3A_214 = tpu.memref_squeeze %dma_wait3A_213 : memref<1x12500x128xi32, #tpu.memory_space<hbm>> -> memref<12500x128xi32, #tpu.memory_space<hbm>>
        %dma_wait3A_215 = arith.constant 0 : i32
        %dma_wait3A_216 = tpu.memref_slice %dma_wait3A_214[%add3A_156, %dma_wait3A_215] : memref<12500x128xi32, #tpu.memory_space<hbm>> -> memref<1x128xi32, #tpu.memory_space<hbm>>
        tpu.wait_dma2 semaphore(%run_scoped3A_180 : memref<!tpu.dma_semaphore, #tpu.memory_space<semaphore_mem>>) src(%dma_wait3A_216 : memref<1x128xi32, #tpu.memory_space<hbm>>) dst(%dma_wait3A_210 : memref<1x128xi32, #tpu.memory_space<vmem>>)
        tpu.yield
      }) : () -> ()
      %run_scoped3A_158 = arith.constant 1 : i32
      "tpu.region"() ({
        %run_scoped3A_180 = tpu.sem_alloc : memref<!tpu.dma_semaphore, #tpu.memory_space<semaphore_mem>>
        %dma_start3A_181 = arith.constant 0 : i32
        %dma_start3A_182 = arith.constant 0 : i32
        %dma_start3A_183 = tpu.memref_slice %arg7[%dma_start3A_181, %dma_start3A_182] : memref<5x128xi32, #tpu.memory_space<vmem>> -> memref<1x128xi32, #tpu.memory_space<vmem>>
        %dma_start3A_184 = arith.constant 0 : i32
        %dma_start3A_185 = arith.constant 0 : i32
        %dma_start3A_186 = tpu.memref_slice %arg3[%run_scoped3A_158, %dma_start3A_184, %dma_start3A_185] : memref<2x12500x128xi32, #tpu.memory_space<hbm>> -> memref<1x12500x128xi32, #tpu.memory_space<hbm>>
        %dma_start3A_187 = tpu.memref_squeeze %dma_start3A_186 : memref<1x12500x128xi32, #tpu.memory_space<hbm>> -> memref<12500x128xi32, #tpu.memory_space<hbm>>
        %dma_start3A_188 = arith.constant 0 : i32
        %dma_start3A_189 = tpu.memref_slice %dma_start3A_187[%add3A_156, %dma_start3A_188] : memref<12500x128xi32, #tpu.memory_space<hbm>> -> memref<1x128xi32, #tpu.memory_space<hbm>>
        %dma_start3A_190 = arith.constant 0 : i32
        %dma_start3A_191 = arith.constant 0 : i32
        %dma_start3A_192 = tpu.memref_slice %arg7[%dma_start3A_190, %dma_start3A_191] : memref<5x128xi32, #tpu.memory_space<vmem>> -> memref<1x128xi32, #tpu.memory_space<vmem>>
        %dma_start3A_193 = arith.constant 0 : i32
        %dma_start3A_194 = arith.constant 0 : i32
        %dma_start3A_195 = tpu.memref_slice %arg3[%run_scoped3A_158, %dma_start3A_193, %dma_start3A_194] : memref<2x12500x128xi32, #tpu.memory_space<hbm>> -> memref<1x12500x128xi32, #tpu.memory_space<hbm>>
        %dma_start3A_196 = tpu.memref_squeeze %dma_start3A_195 : memref<1x12500x128xi32, #tpu.memory_space<hbm>> -> memref<12500x128xi32, #tpu.memory_space<hbm>>
        %dma_start3A_197 = arith.constant 0 : i32
        %dma_start3A_198 = tpu.memref_slice %dma_start3A_196[%add3A_156, %dma_start3A_197] : memref<12500x128xi32, #tpu.memory_space<hbm>> -> memref<1x128xi32, #tpu.memory_space<hbm>>
        tpu.enqueue_dma source(%dma_start3A_198 : memref<1x128xi32, #tpu.memory_space<hbm>>) target(%dma_start3A_192 : memref<1x128xi32, #tpu.memory_space<vmem>>) target_semaphore(%run_scoped3A_180 : memref<!tpu.dma_semaphore, #tpu.memory_space<semaphore_mem>>)
        %dma_wait3A_199 = arith.constant 0 : i32
        %dma_wait3A_200 = arith.constant 0 : i32
        %dma_wait3A_201 = tpu.memref_slice %arg7[%dma_wait3A_199, %dma_wait3A_200] : memref<5x128xi32, #tpu.memory_space<vmem>> -> memref<1x128xi32, #tpu.memory_space<vmem>>
        %dma_wait3A_202 = arith.constant 0 : i32
        %dma_wait3A_203 = arith.constant 0 : i32
        %dma_wait3A_204 = tpu.memref_slice %arg3[%run_scoped3A_158, %dma_wait3A_202, %dma_wait3A_203] : memref<2x12500x128xi32, #tpu.memory_space<hbm>> -> memref<1x12500x128xi32, #tpu.memory_space<hbm>>
        %dma_wait3A_205 = tpu.memref_squeeze %dma_wait3A_204 : memref<1x12500x128xi32, #tpu.memory_space<hbm>> -> memref<12500x128xi32, #tpu.memory_space<hbm>>
        %dma_wait3A_206 = arith.constant 0 : i32
        %dma_wait3A_207 = tpu.memref_slice %dma_wait3A_205[%add3A_156, %dma_wait3A_206] : memref<12500x128xi32, #tpu.memory_space<hbm>> -> memref<1x128xi32, #tpu.memory_space<hbm>>
        %dma_wait3A_208 = arith.constant 0 : i32
        %dma_wait3A_209 = arith.constant 0 : i32
        %dma_wait3A_210 = tpu.memref_slice %arg7[%dma_wait3A_208, %dma_wait3A_209] : memref<5x128xi32, #tpu.memory_space<vmem>> -> memref<1x128xi32, #tpu.memory_space<vmem>>
        %dma_wait3A_211 = arith.constant 0 : i32
        %dma_wait3A_212 = arith.constant 0 : i32
        %dma_wait3A_213 = tpu.memref_slice %arg3[%run_scoped3A_158, %dma_wait3A_211, %dma_wait3A_212] : memref<2x12500x128xi32, #tpu.memory_space<hbm>> -> memref<1x12500x128xi32, #tpu.memory_space<hbm>>
        %dma_wait3A_214 = tpu.memref_squeeze %dma_wait3A_213 : memref<1x12500x128xi32, #tpu.memory_space<hbm>> -> memref<12500x128xi32, #tpu.memory_space<hbm>>
        %dma_wait3A_215 = arith.constant 0 : i32
        %dma_wait3A_216 = tpu.memref_slice %dma_wait3A_214[%add3A_156, %dma_wait3A_215] : memref<12500x128xi32, #tpu.memory_space<hbm>> -> memref<1x128xi32, #tpu.memory_space<hbm>>
        tpu.wait_dma2 semaphore(%run_scoped3A_180 : memref<!tpu.dma_semaphore, #tpu.memory_space<semaphore_mem>>) src(%dma_wait3A_216 : memref<1x128xi32, #tpu.memory_space<hbm>>) dst(%dma_wait3A_210 : memref<1x128xi32, #tpu.memory_space<vmem>>)
        tpu.yield
      }) : () -> ()
      %dma_start3A_159 = arith.constant 0 : i32
      %dma_start3A_160 = arith.constant 0 : i32
      %dma_start3A_161 = arith.constant 0 : i32
      %dma_start3A_162 = tpu.memref_slice %arg10[%dma_start3A_160, %dma_start3A_161] : memref<640x16xf32, #tpu.memory_space<vmem>> -> memref<128x16xf32, #tpu.memory_space<vmem>>
      %dma_start3A_163 = arith.constant 0 : i32
      %dma_start3A_164 = tpu.memref_slice %arg6[%dma_start3A_159, %dma_start3A_163] : memref<5x128xi32, #tpu.memory_space<vmem>> -> memref<1x128xi32, #tpu.memory_space<vmem>>
      %dma_start3A_165 = tpu.memref_squeeze %dma_start3A_164 : memref<1x128xi32, #tpu.memory_space<vmem>> -> memref<128xi32, #tpu.memory_space<vmem>>
      %dma_start3A_166 = arith.constant 0 : i32
      %dma_start3A_167 = arith.constant 0 : i32
      %dma_start3A_168 = tpu.memref_slice %arg2[%dma_start3A_166, %dma_start3A_167] : memref<100096x16xf32, #tpu.memory_space<hbm>> -> memref<100096x16xf32, #tpu.memory_space<hbm>>
      tpu.enqueue_indirect_dma source(%dma_start3A_168 : memref<100096x16xf32, #tpu.memory_space<hbm>>) target(%dma_start3A_162 : memref<128x16xf32, #tpu.memory_space<vmem>>) offsets(%dma_start3A_165 : memref<128xi32, #tpu.memory_space<vmem>>) semaphore(%arg13 : memref<!tpu.dma_semaphore, #tpu.memory_space<semaphore_mem>>)
      %dma_wait3A_169 = arith.constant 0 : i32
      %dma_wait3A_170 = arith.constant 0 : i32
      %dma_wait3A_171 = arith.constant 0 : i32
      %dma_wait3A_172 = tpu.memref_slice %arg10[%dma_wait3A_170, %dma_wait3A_171] : memref<640x16xf32, #tpu.memory_space<vmem>> -> memref<128x16xf32, #tpu.memory_space<vmem>>
      %dma_wait3A_173 = arith.constant 0 : i32
      %dma_wait3A_174 = tpu.memref_slice %arg6[%dma_wait3A_169, %dma_wait3A_173] : memref<5x128xi32, #tpu.memory_space<vmem>> -> memref<1x128xi32, #tpu.memory_space<vmem>>
      %dma_wait3A_175 = tpu.memref_squeeze %dma_wait3A_174 : memref<1x128xi32, #tpu.memory_space<vmem>> -> memref<128xi32, #tpu.memory_space<vmem>>
      %dma_wait3A_176 = arith.constant 0 : i32
      %dma_wait3A_177 = arith.constant 0 : i32
      %dma_wait3A_178 = tpu.memref_slice %arg2[%dma_wait3A_176, %dma_wait3A_177] : memref<100096x16xf32, #tpu.memory_space<hbm>> -> memref<100096x16xf32, #tpu.memory_space<hbm>>
      tpu.wait_indirect_dma semaphore(%arg13 : memref<!tpu.dma_semaphore, #tpu.memory_space<semaphore_mem>>) src(%dma_wait3A_178 : memref<100096x16xf32, #tpu.memory_space<hbm>>) dst(%dma_wait3A_172 : memref<128x16xf32, #tpu.memory_space<vmem>>)
      %run_scoped3A_179 = arith.constant 0 : i32
      "tpu.region"() ({
        %run_scoped3A_180 = tpu.sem_alloc : memref<!tpu.dma_semaphore, #tpu.memory_space<semaphore_mem>>
        %dma_start3A_181 = arith.constant 0 : i32
        %dma_start3A_182 = arith.constant 0 : i32
        %dma_start3A_183 = tpu.memref_slice %arg10[%dma_start3A_181, %dma_start3A_182] : memref<640x16xf32, #tpu.memory_space<vmem>> -> memref<128x16xf32, #tpu.memory_space<vmem>>
        %dma_start3A_184 = arith.constant 0 : i32
        %dma_start3A_185 = tpu.memref_slice %arg7[%run_scoped3A_179, %dma_start3A_184] : memref<5x128xi32, #tpu.memory_space<vmem>> -> memref<1x128xi32, #tpu.memory_space<vmem>>
        %dma_start3A_186 = tpu.memref_squeeze %dma_start3A_185 : memref<1x128xi32, #tpu.memory_space<vmem>> -> memref<128xi32, #tpu.memory_space<vmem>>
        %dma_start3A_187 = arith.constant 0 : i32
        %dma_start3A_188 = arith.constant 0 : i32
        %dma_start3A_189 = tpu.memref_slice %arg5[%dma_start3A_187, %dma_start3A_188] : memref<100096x16xf32, #tpu.memory_space<vmem_shared>> -> memref<100096x16xf32, #tpu.memory_space<vmem_shared>>
        tpu.enqueue_indirect_dma source(%dma_start3A_183 : memref<128x16xf32, #tpu.memory_space<vmem>>) target(%dma_start3A_189 : memref<100096x16xf32, #tpu.memory_space<vmem_shared>>) offsets(%dma_start3A_186 : memref<128xi32, #tpu.memory_space<vmem>>) semaphore(%run_scoped3A_180 : memref<!tpu.dma_semaphore, #tpu.memory_space<semaphore_mem>>) {add = true}
        %dma_wait3A_190 = arith.constant 0 : i32
        %dma_wait3A_191 = arith.constant 0 : i32
        %dma_wait3A_192 = tpu.memref_slice %arg10[%dma_wait3A_190, %dma_wait3A_191] : memref<640x16xf32, #tpu.memory_space<vmem>> -> memref<128x16xf32, #tpu.memory_space<vmem>>
        %dma_wait3A_193 = arith.constant 0 : i32
        %dma_wait3A_194 = tpu.memref_slice %arg7[%run_scoped3A_179, %dma_wait3A_193] : memref<5x128xi32, #tpu.memory_space<vmem>> -> memref<1x128xi32, #tpu.memory_space<vmem>>
        %dma_wait3A_195 = tpu.memref_squeeze %dma_wait3A_194 : memref<1x128xi32, #tpu.memory_space<vmem>> -> memref<128xi32, #tpu.memory_space<vmem>>
        %dma_wait3A_196 = arith.constant 0 : i32
        %dma_wait3A_197 = arith.constant 0 : i32
        %dma_wait3A_198 = tpu.memref_slice %arg5[%dma_wait3A_196, %dma_wait3A_197] : memref<100096x16xf32, #tpu.memory_space<vmem_shared>> -> memref<100096x16xf32, #tpu.memory_space<vmem_shared>>
        tpu.wait_indirect_dma semaphore(%run_scoped3A_180 : memref<!tpu.dma_semaphore, #tpu.memory_space<semaphore_mem>>) src(%dma_wait3A_192 : memref<128x16xf32, #tpu.memory_space<vmem>>) dst(%dma_wait3A_198 : memref<100096x16xf32, #tpu.memory_space<vmem_shared>>)
        tpu.yield
      }) : () -> ()
    }
    %barrier3A_148 = arith.constant 0 : index
    tpu.barrier barrier_id(%barrier3A_148)
    %scan3A_149 = arith.constant 0 : i32
    %scan3A_150 = arith.constant 0 : i32
    %scan3A_151 = arith.constant 17 : i32
    %scan3A_152 = arith.addi %scan3A_150, %scan3A_151 : i32
    %scan3A_153 = arith.constant 1 : i32
    scf.for %scan3A_155 = %scan3A_150 to %scan3A_152 step %scan3A_153  : i32 {
      %mul3A_156 = arith.constant 368 : i32
      %mul3A_157 = arith.muli %scan3A_155, %mul3A_156 : i32
      %add3A_158 = arith.addi %mul3A_7, %mul3A_157 : i32
      "tpu.region"() ({
        %run_scoped3A_170 = tpu.sem_alloc : memref<!tpu.dma_semaphore, #tpu.memory_space<semaphore_mem>>
        %dma_start3A_171 = arith.constant 0 : i32
        %dma_start3A_172 = arith.constant 0 : i32
        %dma_start3A_173 = tpu.memref_slice %arg10[%dma_start3A_171, %dma_start3A_172] : memref<640x16xf32, #tpu.memory_space<vmem>> -> memref<368x16xf32, #tpu.memory_space<vmem>>
        %dma_start3A_174 = arith.constant 0 : i32
        %dma_start3A_175 = tpu.memref_slice %arg5[%add3A_158, %dma_start3A_174] : memref<100096x16xf32, #tpu.memory_space<vmem_shared>> -> memref<368x16xf32, #tpu.memory_space<vmem_shared>>
        %dma_start3A_176 = arith.constant 0 : i32
        %dma_start3A_177 = arith.constant 0 : i32
        %dma_start3A_178 = tpu.memref_slice %arg10[%dma_start3A_176, %dma_start3A_177] : memref<640x16xf32, #tpu.memory_space<vmem>> -> memref<368x16xf32, #tpu.memory_space<vmem>>
        %dma_start3A_179 = arith.constant 0 : i32
        %dma_start3A_180 = tpu.memref_slice %arg5[%add3A_158, %dma_start3A_179] : memref<100096x16xf32, #tpu.memory_space<vmem_shared>> -> memref<368x16xf32, #tpu.memory_space<vmem_shared>>
        tpu.enqueue_dma source(%dma_start3A_180 : memref<368x16xf32, #tpu.memory_space<vmem_shared>>) target(%dma_start3A_178 : memref<368x16xf32, #tpu.memory_space<vmem>>) target_semaphore(%run_scoped3A_170 : memref<!tpu.dma_semaphore, #tpu.memory_space<semaphore_mem>>)
        %dma_wait3A_181 = arith.constant 0 : i32
        %dma_wait3A_182 = arith.constant 0 : i32
        %dma_wait3A_183 = tpu.memref_slice %arg10[%dma_wait3A_181, %dma_wait3A_182] : memref<640x16xf32, #tpu.memory_space<vmem>> -> memref<368x16xf32, #tpu.memory_space<vmem>>
        %dma_wait3A_184 = arith.constant 0 : i32
        %dma_wait3A_185 = tpu.memref_slice %arg5[%add3A_158, %dma_wait3A_184] : memref<100096x16xf32, #tpu.memory_space<vmem_shared>> -> memref<368x16xf32, #tpu.memory_space<vmem_shared>>
        %dma_wait3A_186 = arith.constant 0 : i32
        %dma_wait3A_187 = arith.constant 0 : i32
        %dma_wait3A_188 = tpu.memref_slice %arg10[%dma_wait3A_186, %dma_wait3A_187] : memref<640x16xf32, #tpu.memory_space<vmem>> -> memref<368x16xf32, #tpu.memory_space<vmem>>
        %dma_wait3A_189 = arith.constant 0 : i32
        %dma_wait3A_190 = tpu.memref_slice %arg5[%add3A_158, %dma_wait3A_189] : memref<100096x16xf32, #tpu.memory_space<vmem_shared>> -> memref<368x16xf32, #tpu.memory_space<vmem_shared>>
        tpu.wait_dma2 semaphore(%run_scoped3A_170 : memref<!tpu.dma_semaphore, #tpu.memory_space<semaphore_mem>>) src(%dma_wait3A_190 : memref<368x16xf32, #tpu.memory_space<vmem_shared>>) dst(%dma_wait3A_188 : memref<368x16xf32, #tpu.memory_space<vmem>>)
        tpu.yield
      }) : () -> ()
      %scan3A_159 = arith.constant 0 : i32
      %scan3A_160 = arith.constant 0 : i32
      %scan3A_161 = arith.constant 46 : i32
      %scan3A_162 = arith.addi %scan3A_160, %scan3A_161 : i32
      %scan3A_163 = arith.constant 1 : i32
      scf.for %scan3A_170 = %scan3A_160 to %scan3A_162 step %scan3A_163  : i32 {
        %mul3A_171 = arith.constant 8 : i32
        %mul3A_172 = arith.muli %mul3A_171, %scan3A_170 : i32
        %add3A_173 = arith.constant 0 : i32
        %add3A_174 = arith.addi %mul3A_172, %add3A_173 : i32
        %get3A = arith.index_cast %add3A_174 : i32 to index
        %get3A_175 = arith.constant 0 : index
        %get3A_176 = tpu.vector_load %arg10[%get3A, %get3A_175] {strides = array<i32>} : memref<640x16xf32, #tpu.memory_space<vmem>>, vector<1x16xf32>,
        %get3A_177 = vector.shape_cast %get3A_176 : vector<1x16xf32> to vector<16xf32>
        %swap3A = arith.index_cast %scan3A_170 : i32 to index
        %swap3A_178 = arith.constant 0 : index
        %swap3A_179 = tpu.vector_load %arg12[%swap3A, %swap3A_178] {strides = array<i32>} : memref<46x128xf32, #tpu.memory_space<vmem>>, vector<1x16xf32>,
        %swap3A_180 = vector.shape_cast %swap3A_179 : vector<1x16xf32> to vector<16xf32>
        %swap3A_181 = vector.shape_cast %get3A_177 : vector<16xf32> to vector<1x16xf32>
        tpu.vector_store %arg12[%swap3A, %swap3A_178], %swap3A_181 {strides = array<i32>} : memref<46x128xf32, #tpu.memory_space<vmem>>, vector<1x16xf32>,
        %mul3A_182 = arith.constant 8 : i32
        %mul3A_183 = arith.muli %mul3A_182, %scan3A_170 : i32
        %add3A_184 = arith.constant 1 : i32
        %add3A_185 = arith.addi %mul3A_183, %add3A_184 : i32
        %get3A_186 = arith.index_cast %add3A_185 : i32 to index
        %get3A_187 = arith.constant 0 : index
        %get3A_188 = tpu.vector_load %arg10[%get3A_186, %get3A_187] {strides = array<i32>} : memref<640x16xf32, #tpu.memory_space<vmem>>, vector<1x16xf32>,
        %get3A_189 = vector.shape_cast %get3A_188 : vector<1x16xf32> to vector<16xf32>
        %swap3A_190 = arith.index_cast %scan3A_170 : i32 to index
        %swap3A_191 = arith.constant 16 : index
        %swap3A_192 = tpu.vector_load %arg12[%swap3A_190, %swap3A_191] {strides = array<i32>} : memref<46x128xf32, #tpu.memory_space<vmem>>, vector<1x16xf32>,
        %swap3A_193 = vector.shape_cast %swap3A_192 : vector<1x16xf32> to vector<16xf32>
        %swap3A_194 = vector.shape_cast %get3A_189 : vector<16xf32> to vector<1x16xf32>
        tpu.vector_store %arg12[%swap3A_190, %swap3A_191], %swap3A_194 {strides = array<i32>} : memref<46x128xf32, #tpu.memory_space<vmem>>, vector<1x16xf32>,
        %mul3A_195 = arith.constant 8 : i32
        %mul3A_196 = arith.muli %mul3A_195, %scan3A_170 : i32
        %add3A_197 = arith.constant 2 : i32
        %add3A_198 = arith.addi %mul3A_196, %add3A_197 : i32
        %get3A_199 = arith.index_cast %add3A_198 : i32 to index
        %get3A_200 = arith.constant 0 : index
        %get3A_201 = tpu.vector_load %arg10[%get3A_199, %get3A_200] {strides = array<i32>} : memref<640x16xf32, #tpu.memory_space<vmem>>, vector<1x16xf32>,
        %get3A_202 = vector.shape_cast %get3A_201 : vector<1x16xf32> to vector<16xf32>
        %swap3A_203 = arith.index_cast %scan3A_170 : i32 to index
        %swap3A_204 = arith.constant 32 : index
        %swap3A_205 = tpu.vector_load %arg12[%swap3A_203, %swap3A_204] {strides = array<i32>} : memref<46x128xf32, #tpu.memory_space<vmem>>, vector<1x16xf32>,
        %swap3A_206 = vector.shape_cast %swap3A_205 : vector<1x16xf32> to vector<16xf32>
        %swap3A_207 = vector.shape_cast %get3A_202 : vector<16xf32> to vector<1x16xf32>
        tpu.vector_store %arg12[%swap3A_203, %swap3A_204], %swap3A_207 {strides = array<i32>} : memref<46x128xf32, #tpu.memory_space<vmem>>, vector<1x16xf32>,
        %mul3A_208 = arith.constant 8 : i32
        %mul3A_209 = arith.muli %mul3A_208, %scan3A_170 : i32
        %add3A_210 = arith.constant 3 : i32
        %add3A_211 = arith.addi %mul3A_209, %add3A_210 : i32
        %get3A_212 = arith.index_cast %add3A_211 : i32 to index
        %get3A_213 = arith.constant 0 : index
        %get3A_214 = tpu.vector_load %arg10[%get3A_212, %get3A_213] {strides = array<i32>} : memref<640x16xf32, #tpu.memory_space<vmem>>, vector<1x16xf32>,
        %get3A_215 = vector.shape_cast %get3A_214 : vector<1x16xf32> to vector<16xf32>
        %swap3A_216 = arith.index_cast %scan3A_170 : i32 to index
        %swap3A_217 = arith.constant 48 : index
        %swap3A_218 = tpu.vector_load %arg12[%swap3A_216, %swap3A_217] {strides = array<i32>} : memref<46x128xf32, #tpu.memory_space<vmem>>, vector<1x16xf32>,
        %swap3A_219 = vector.shape_cast %swap3A_218 : vector<1x16xf32> to vector<16xf32>
        %swap3A_220 = vector.shape_cast %get3A_215 : vector<16xf32> to vector<1x16xf32>
        tpu.vector_store %arg12[%swap3A_216, %swap3A_217], %swap3A_220 {strides = array<i32>} : memref<46x128xf32, #tpu.memory_space<vmem>>, vector<1x16xf32>,
        %mul3A_221 = arith.constant 8 : i32
        %mul3A_222 = arith.muli %mul3A_221, %scan3A_170 : i32
        %add3A_223 = arith.constant 4 : i32
        %add3A_224 = arith.addi %mul3A_222, %add3A_223 : i32
        %get3A_225 = arith.index_cast %add3A_224 : i32 to index
        %get3A_226 = arith.constant 0 : index
        %get3A_227 = tpu.vector_load %arg10[%get3A_225, %get3A_226] {strides = array<i32>} : memref<640x16xf32, #tpu.memory_space<vmem>>, vector<1x16xf32>,
        %get3A_228 = vector.shape_cast %get3A_227 : vector<1x16xf32> to vector<16xf32>
        %swap3A_229 = arith.index_cast %scan3A_170 : i32 to index
        %swap3A_230 = arith.constant 64 : index
        %swap3A_231 = tpu.vector_load %arg12[%swap3A_229, %swap3A_230] {strides = array<i32>} : memref<46x128xf32, #tpu.memory_space<vmem>>, vector<1x16xf32>,
        %swap3A_232 = vector.shape_cast %swap3A_231 : vector<1x16xf32> to vector<16xf32>
        %swap3A_233 = vector.shape_cast %get3A_228 : vector<16xf32> to vector<1x16xf32>
        tpu.vector_store %arg12[%swap3A_229, %swap3A_230], %swap3A_233 {strides = array<i32>} : memref<46x128xf32, #tpu.memory_space<vmem>>, vector<1x16xf32>,
        %mul3A_234 = arith.constant 8 : i32
        %mul3A_235 = arith.muli %mul3A_234, %scan3A_170 : i32
        %add3A_236 = arith.constant 5 : i32
        %add3A_237 = arith.addi %mul3A_235, %add3A_236 : i32
        %get3A_238 = arith.index_cast %add3A_237 : i32 to index
        %get3A_239 = arith.constant 0 : index
        %get3A_240 = tpu.vector_load %arg10[%get3A_238, %get3A_239] {strides = array<i32>} : memref<640x16xf32, #tpu.memory_space<vmem>>, vector<1x16xf32>,
        %get3A_241 = vector.shape_cast %get3A_240 : vector<1x16xf32> to vector<16xf32>
        %swap3A_242 = arith.index_cast %scan3A_170 : i32 to index
        %swap3A_243 = arith.constant 80 : index
        %swap3A_244 = tpu.vector_load %arg12[%swap3A_242, %swap3A_243] {strides = array<i32>} : memref<46x128xf32, #tpu.memory_space<vmem>>, vector<1x16xf32>,
        %swap3A_245 = vector.shape_cast %swap3A_244 : vector<1x16xf32> to vector<16xf32>
        %swap3A_246 = vector.shape_cast %get3A_241 : vector<16xf32> to vector<1x16xf32>
        tpu.vector_store %arg12[%swap3A_242, %swap3A_243], %swap3A_246 {strides = array<i32>} : memref<46x128xf32, #tpu.memory_space<vmem>>, vector<1x16xf32>,
        %mul3A_247 = arith.constant 8 : i32
        %mul3A_248 = arith.muli %mul3A_247, %scan3A_170 : i32
        %add3A_249 = arith.constant 6 : i32
        %add3A_250 = arith.addi %mul3A_248, %add3A_249 : i32
        %get3A_251 = arith.index_cast %add3A_250 : i32 to index
        %get3A_252 = arith.constant 0 : index
        %get3A_253 = tpu.vector_load %arg10[%get3A_251, %get3A_252] {strides = array<i32>} : memref<640x16xf32, #tpu.memory_space<vmem>>, vector<1x16xf32>,
        %get3A_254 = vector.shape_cast %get3A_253 : vector<1x16xf32> to vector<16xf32>
        %swap3A_255 = arith.index_cast %scan3A_170 : i32 to index
        %swap3A_256 = arith.constant 96 : index
        %swap3A_257 = tpu.vector_load %arg12[%swap3A_255, %swap3A_256] {strides = array<i32>} : memref<46x128xf32, #tpu.memory_space<vmem>>, vector<1x16xf32>,
        %swap3A_258 = vector.shape_cast %swap3A_257 : vector<1x16xf32> to vector<16xf32>
        %swap3A_259 = vector.shape_cast %get3A_254 : vector<16xf32> to vector<1x16xf32>
        tpu.vector_store %arg12[%swap3A_255, %swap3A_256], %swap3A_259 {strides = array<i32>} : memref<46x128xf32, #tpu.memory_space<vmem>>, vector<1x16xf32>,
        %mul3A_260 = arith.constant 8 : i32
        %mul3A_261 = arith.muli %mul3A_260, %scan3A_170 : i32
        %add3A_262 = arith.constant 7 : i32
        %add3A_263 = arith.addi %mul3A_261, %add3A_262 : i32
        %get3A_264 = arith.index_cast %add3A_263 : i32 to index
        %get3A_265 = arith.constant 0 : index
        %get3A_266 = tpu.vector_load %arg10[%get3A_264, %get3A_265] {strides = array<i32>} : memref<640x16xf32, #tpu.memory_space<vmem>>, vector<1x16xf32>,
        %get3A_267 = vector.shape_cast %get3A_266 : vector<1x16xf32> to vector<16xf32>
        %swap3A_268 = arith.index_cast %scan3A_170 : i32 to index
        %swap3A_269 = arith.constant 112 : index
        %swap3A_270 = tpu.vector_load %arg12[%swap3A_268, %swap3A_269] {strides = array<i32>} : memref<46x128xf32, #tpu.memory_space<vmem>>, vector<1x16xf32>,
        %swap3A_271 = vector.shape_cast %swap3A_270 : vector<1x16xf32> to vector<16xf32>
        %swap3A_272 = vector.shape_cast %get3A_267 : vector<16xf32> to vector<1x16xf32>
        tpu.vector_store %arg12[%swap3A_268, %swap3A_269], %swap3A_272 {strides = array<i32>} : memref<46x128xf32, #tpu.memory_space<vmem>>, vector<1x16xf32>,
      }
      %scan3A_164 = arith.constant 46 : i32
      %mul3A_165 = arith.constant 782 : i32
      %mul3A_166 = arith.muli %arg1, %mul3A_165 : i32
      %mul3A_167 = arith.constant 46 : i32
      %mul3A_168 = arith.muli %scan3A_155, %mul3A_167 : i32
      %add3A_169 = arith.addi %mul3A_166, %mul3A_168 : i32
      "tpu.region"() ({
        %run_scoped3A_170 = tpu.sem_alloc : memref<!tpu.dma_semaphore, #tpu.memory_space<semaphore_mem>>
        %dma_start3A_171 = arith.constant 0 : i32
        %dma_start3A_172 = arith.constant 0 : i32
        %dma_start3A_173 = tpu.memref_slice %arg4[%arg0, %dma_start3A_171, %dma_start3A_172] : memref<2x12512x128xf32, #tpu.memory_space<hbm>> -> memref<1x12512x128xf32, #tpu.memory_space<hbm>>
        %dma_start3A_174 = tpu.memref_squeeze %dma_start3A_173 : memref<1x12512x128xf32, #tpu.memory_space<hbm>> -> memref<12512x128xf32, #tpu.memory_space<hbm>>
        %dma_start3A_175 = arith.constant 0 : i32
        %dma_start3A_176 = tpu.memref_slice %dma_start3A_174[%add3A_169, %dma_start3A_175] : memref<12512x128xf32, #tpu.memory_space<hbm>> -> memref<46x128xf32, #tpu.memory_space<hbm>>
        %dma_start3A_177 = arith.constant 0 : i32
        %dma_start3A_178 = arith.constant 0 : i32
        %dma_start3A_179 = tpu.memref_slice %arg4[%arg0, %dma_start3A_177, %dma_start3A_178] : memref<2x12512x128xf32, #tpu.memory_space<hbm>> -> memref<1x12512x128xf32, #tpu.memory_space<hbm>>
        %dma_start3A_180 = tpu.memref_squeeze %dma_start3A_179 : memref<1x12512x128xf32, #tpu.memory_space<hbm>> -> memref<12512x128xf32, #tpu.memory_space<hbm>>
        %dma_start3A_181 = arith.constant 0 : i32
        %dma_start3A_182 = tpu.memref_slice %dma_start3A_180[%add3A_169, %dma_start3A_181] : memref<12512x128xf32, #tpu.memory_space<hbm>> -> memref<46x128xf32, #tpu.memory_space<hbm>>
        tpu.enqueue_dma source(%arg12 : memref<46x128xf32, #tpu.memory_space<vmem>>) target(%dma_start3A_182 : memref<46x128xf32, #tpu.memory_space<hbm>>) target_semaphore(%run_scoped3A_170 : memref<!tpu.dma_semaphore, #tpu.memory_space<semaphore_mem>>)
        %dma_wait3A_183 = arith.constant 0 : i32
        %dma_wait3A_184 = arith.constant 0 : i32
        %dma_wait3A_185 = tpu.memref_slice %arg4[%arg0, %dma_wait3A_183, %dma_wait3A_184] : memref<2x12512x128xf32, #tpu.memory_space<hbm>> -> memref<1x12512x128xf32, #tpu.memory_space<hbm>>
        %dma_wait3A_186 = tpu.memref_squeeze %dma_wait3A_185 : memref<1x12512x128xf32, #tpu.memory_space<hbm>> -> memref<12512x128xf32, #tpu.memory_space<hbm>>
        %dma_wait3A_187 = arith.constant 0 : i32
        %dma_wait3A_188 = tpu.memref_slice %dma_wait3A_186[%add3A_169, %dma_wait3A_187] : memref<12512x128xf32, #tpu.memory_space<hbm>> -> memref<46x128xf32, #tpu.memory_space<hbm>>
        %dma_wait3A_189 = arith.constant 0 : i32
        %dma_wait3A_190 = arith.constant 0 : i32
        %dma_wait3A_191 = tpu.memref_slice %arg4[%arg0, %dma_wait3A_189, %dma_wait3A_190] : memref<2x12512x128xf32, #tpu.memory_space<hbm>> -> memref<1x12512x128xf32, #tpu.memory_space<hbm>>
        %dma_wait3A_192 = tpu.memref_squeeze %dma_wait3A_191 : memref<1x12512x128xf32, #tpu.memory_space<hbm>> -> memref<12512x128xf32, #tpu.memory_space<hbm>>
        %dma_wait3A_193 = arith.constant 0 : i32
        %dma_wait3A_194 = tpu.memref_slice %dma_wait3A_192[%add3A_169, %dma_wait3A_193] : memref<12512x128xf32, #tpu.memory_space<hbm>> -> memref<46x128xf32, #tpu.memory_space<hbm>>
        tpu.wait_dma2 semaphore(%run_scoped3A_170 : memref<!tpu.dma_semaphore, #tpu.memory_space<semaphore_mem>>) src(%arg12 : memref<46x128xf32, #tpu.memory_space<vmem>>) dst(%dma_wait3A_194 : memref<46x128xf32, #tpu.memory_space<hbm>>)
        tpu.yield
      }) : () -> ()
    }
    %scan3A_154 = arith.constant 17 : i32
    return
  }
}

#map = affine_map<(d0, d1) -> (0, 0)>
#map1 = affine_map<(d0, d1) -> (0, 0, 0)>
module attributes {stable_mosaic.version = 14 : i64} {
  func.func @_sc_agg_body(%arg0: i32, %arg1: i32, %arg2: memref<100000x16xf32, #tpu.memory_space<hbm>>, %arg3: memref<2x12500x128xi32, #tpu.memory_space<hbm>>, %arg4: memref<2x12512x128xf32, #tpu.memory_space<hbm>>, %arg5: memref<100096x16xf32, #tpu.memory_space<vmem_shared>>, %arg6: memref<5x128xi32, #tpu.memory_space<vmem>>, %arg7: memref<5x128xi32, #tpu.memory_space<vmem>>, %arg8: memref<5x128xi32, #tpu.memory_space<vmem>>, %arg9: memref<5x128xi32, #tpu.memory_space<vmem>>, %arg10: memref<640x16xf32, #tpu.memory_space<vmem>>, %arg11: memref<640x16xf32, #tpu.memory_space<vmem>>, %arg12: memref<46x128xf32, #tpu.memory_space<vmem>>, %arg13: memref<!tpu.dma_semaphore, #tpu.memory_space<semaphore_mem>>, %arg14: memref<!tpu.dma_semaphore, #tpu.memory_space<semaphore_mem>>, %arg15: memref<!tpu.dma_semaphore, #tpu.memory_space<semaphore_mem>>) attributes {dimension_semantics = [#tpu.dimension_semantics<core_parallel>, #tpu.dimension_semantics<subcore_parallel>], iteration_bounds = array<i64: 2, 16>, scalar_prefetch = 0 : i64, scratch_operands = 11 : i64, tpu.core_type = #tpu.core_type<sc_vector_subcore>, window_params = [{transform_indices = #map}, {transform_indices = #map1}, {transform_indices = #map1}]} {
    %mul3A = arith.constant 2 : i32
    %mul3A_0 = arith.muli %arg1, %mul3A : i32
    %add3A = arith.addi %mul3A_0, %arg0 : i32
    %scan3A = arith.constant 0 : i32
    %scan3A_1 = arith.constant 0 : i32
    %scan3A_2 = arith.constant 640 : i32
    %scan3A_3 = arith.addi %scan3A_1, %scan3A_2 : i32
    %scan3A_4 = arith.constant 1 : i32
    scf.for %scan3A_155 = %scan3A_1 to %scan3A_3 step %scan3A_4  : i32 {
      %broadcast_in_dim3A = arith.constant 0.000000e+00 : f32
      %broadcast_in_dim3A_156 = vector.broadcast %broadcast_in_dim3A : f32 to vector<16xf32>
      %swap3A = arith.index_cast %scan3A_155 : i32 to index
      %swap3A_157 = arith.constant 0 : index
      %swap3A_158 = tpu.vector_load %arg10[%swap3A, %swap3A_157] {strides = array<i32>} : memref<640x16xf32, #tpu.memory_space<vmem>>, vector<1x16xf32>,
      %swap3A_159 = vector.shape_cast %swap3A_158 : vector<1x16xf32> to vector<16xf32>
      %swap3A_160 = vector.shape_cast %broadcast_in_dim3A_156 : vector<16xf32> to vector<1x16xf32>
      tpu.vector_store %arg10[%swap3A, %swap3A_157], %swap3A_160 {strides = array<i32>} : memref<640x16xf32, #tpu.memory_space<vmem>>, vector<1x16xf32>,
    }
    %scan3A_5 = arith.constant 640 : i32
    %mul3A_6 = arith.constant 6256 : i32
    %mul3A_7 = arith.muli %arg1, %mul3A_6 : i32
    %scan3A_8 = arith.constant 0 : i32
    %scan3A_9 = arith.constant 0 : i32
    %scan3A_10 = arith.constant 9 : i32
    %scan3A_11 = arith.addi %scan3A_9, %scan3A_10 : i32
    %scan3A_12 = arith.constant 1 : i32
    scf.for %scan3A_155 = %scan3A_9 to %scan3A_11 step %scan3A_12  : i32 {
      %mul3A_156 = arith.constant 5 : i32
      %mul3A_157 = arith.muli %scan3A_155, %mul3A_156 : i32
      %mul3A_158 = arith.constant 128 : i32
      %mul3A_159 = arith.muli %mul3A_157, %mul3A_158 : i32
      %add3A_160 = arith.addi %mul3A_7, %mul3A_159 : i32
      "tpu.region"() ({
        %run_scoped3A_161 = tpu.sem_alloc : memref<!tpu.dma_semaphore, #tpu.memory_space<semaphore_mem>>
        %dma_start3A_162 = arith.constant 0 : i32
        %dma_start3A_163 = tpu.memref_slice %arg5[%add3A_160, %dma_start3A_162] : memref<100096x16xf32, #tpu.memory_space<vmem_shared>> -> memref<640x16xf32, #tpu.memory_space<vmem_shared>>
        %dma_start3A_164 = arith.constant 0 : i32
        %dma_start3A_165 = tpu.memref_slice %arg5[%add3A_160, %dma_start3A_164] : memref<100096x16xf32, #tpu.memory_space<vmem_shared>> -> memref<640x16xf32, #tpu.memory_space<vmem_shared>>
        tpu.enqueue_dma source(%arg10 : memref<640x16xf32, #tpu.memory_space<vmem>>) target(%dma_start3A_165 : memref<640x16xf32, #tpu.memory_space<vmem_shared>>) target_semaphore(%run_scoped3A_161 : memref<!tpu.dma_semaphore, #tpu.memory_space<semaphore_mem>>)
        %dma_wait3A_166 = arith.constant 0 : i32
        %dma_wait3A_167 = tpu.memref_slice %arg5[%add3A_160, %dma_wait3A_166] : memref<100096x16xf32, #tpu.memory_space<vmem_shared>> -> memref<640x16xf32, #tpu.memory_space<vmem_shared>>
        %dma_wait3A_168 = arith.constant 0 : i32
        %dma_wait3A_169 = tpu.memref_slice %arg5[%add3A_160, %dma_wait3A_168] : memref<100096x16xf32, #tpu.memory_space<vmem_shared>> -> memref<640x16xf32, #tpu.memory_space<vmem_shared>>
        tpu.wait_dma2 semaphore(%run_scoped3A_161 : memref<!tpu.dma_semaphore, #tpu.memory_space<semaphore_mem>>) src(%arg10 : memref<640x16xf32, #tpu.memory_space<vmem>>) dst(%dma_wait3A_169 : memref<640x16xf32, #tpu.memory_space<vmem_shared>>)
        tpu.yield
      }) : () -> ()
    }
    %scan3A_13 = arith.constant 9 : i32
    %add3A_14 = arith.constant 5760 : i32
    %add3A_15 = arith.addi %mul3A_7, %add3A_14 : i32
    "tpu.region"() ({
      %run_scoped3A_155 = tpu.sem_alloc : memref<!tpu.dma_semaphore, #tpu.memory_space<semaphore_mem>>
      %dma_start3A_156 = arith.constant 0 : i32
      %dma_start3A_157 = arith.constant 0 : i32
      %dma_start3A_158 = tpu.memref_slice %arg10[%dma_start3A_156, %dma_start3A_157] : memref<640x16xf32, #tpu.memory_space<vmem>> -> memref<496x16xf32, #tpu.memory_space<vmem>>
      %dma_start3A_159 = arith.constant 0 : i32
      %dma_start3A_160 = tpu.memref_slice %arg5[%add3A_15, %dma_start3A_159] : memref<100096x16xf32, #tpu.memory_space<vmem_shared>> -> memref<496x16xf32, #tpu.memory_space<vmem_shared>>
      %dma_start3A_161 = arith.constant 0 : i32
      %dma_start3A_162 = tpu.memref_slice %arg5[%add3A_15, %dma_start3A_161] : memref<100096x16xf32, #tpu.memory_space<vmem_shared>> -> memref<496x16xf32, #tpu.memory_space<vmem_shared>>
      %dma_start3A_163 = arith.constant 0 : i32
      %dma_start3A_164 = arith.constant 0 : i32
      %dma_start3A_165 = tpu.memref_slice %arg10[%dma_start3A_163, %dma_start3A_164] : memref<640x16xf32, #tpu.memory_space<vmem>> -> memref<496x16xf32, #tpu.memory_space<vmem>>
      tpu.enqueue_dma source(%dma_start3A_165 : memref<496x16xf32, #tpu.memory_space<vmem>>) target(%dma_start3A_162 : memref<496x16xf32, #tpu.memory_space<vmem_shared>>) target_semaphore(%run_scoped3A_155 : memref<!tpu.dma_semaphore, #tpu.memory_space<semaphore_mem>>)
      %dma_wait3A_166 = arith.constant 0 : i32
      %dma_wait3A_167 = arith.constant 0 : i32
      %dma_wait3A_168 = tpu.memref_slice %arg10[%dma_wait3A_166, %dma_wait3A_167] : memref<640x16xf32, #tpu.memory_space<vmem>> -> memref<496x16xf32, #tpu.memory_space<vmem>>
      %dma_wait3A_169 = arith.constant 0 : i32
      %dma_wait3A_170 = tpu.memref_slice %arg5[%add3A_15, %dma_wait3A_169] : memref<100096x16xf32, #tpu.memory_space<vmem_shared>> -> memref<496x16xf32, #tpu.memory_space<vmem_shared>>
      %dma_wait3A_171 = arith.constant 0 : i32
      %dma_wait3A_172 = tpu.memref_slice %arg5[%add3A_15, %dma_wait3A_171] : memref<100096x16xf32, #tpu.memory_space<vmem_shared>> -> memref<496x16xf32, #tpu.memory_space<vmem_shared>>
      %dma_wait3A_173 = arith.constant 0 : i32
      %dma_wait3A_174 = arith.constant 0 : i32
      %dma_wait3A_175 = tpu.memref_slice %arg10[%dma_wait3A_173, %dma_wait3A_174] : memref<640x16xf32, #tpu.memory_space<vmem>> -> memref<496x16xf32, #tpu.memory_space<vmem>>
      tpu.wait_dma2 semaphore(%run_scoped3A_155 : memref<!tpu.dma_semaphore, #tpu.memory_space<semaphore_mem>>) src(%dma_wait3A_175 : memref<496x16xf32, #tpu.memory_space<vmem>>) dst(%dma_wait3A_172 : memref<496x16xf32, #tpu.memory_space<vmem_shared>>)
      tpu.yield
    }) : () -> ()
    %barrier3A = arith.constant 0 : index
    tpu.barrier barrier_id(%barrier3A)
    %mul3A_16 = arith.constant 390 : i32
    %mul3A_17 = arith.muli %mul3A_16, %add3A : i32
    %min3A = arith.constant 20 : i32
    %min3A_18 = arith.minsi %add3A, %min3A : i32
    %add3A_19 = arith.addi %mul3A_17, %min3A_18 : i32
    %lt3A = arith.constant 20 : i32
    %lt3A_20 = arith.cmpi slt, %add3A, %lt3A : i32
    %jit3A = arith.constant 391 : i32
    %jit3A_21 = arith.constant 390 : i32
    %select_n3A = arith.select %lt3A_20, %jit3A, %jit3A_21 : i32
    %add3A_22 = arith.constant 0 : i32
    %add3A_23 = arith.addi %add3A_19, %add3A_22 : i32
    %run_scoped3A = arith.constant 0 : i32
    "tpu.region"() ({
      %run_scoped3A_155 = tpu.sem_alloc : memref<!tpu.dma_semaphore, #tpu.memory_space<semaphore_mem>>
      %dma_start3A_156 = arith.constant 0 : i32
      %dma_start3A_157 = arith.constant 0 : i32
      %dma_start3A_158 = tpu.memref_slice %arg3[%run_scoped3A, %dma_start3A_156, %dma_start3A_157] : memref<2x12500x128xi32, #tpu.memory_space<hbm>> -> memref<1x12500x128xi32, #tpu.memory_space<hbm>>
      %dma_start3A_159 = tpu.memref_squeeze %dma_start3A_158 : memref<1x12500x128xi32, #tpu.memory_space<hbm>> -> memref<12500x128xi32, #tpu.memory_space<hbm>>
      %dma_start3A_160 = arith.constant 0 : i32
      %dma_start3A_161 = tpu.memref_slice %dma_start3A_159[%add3A_23, %dma_start3A_160] : memref<12500x128xi32, #tpu.memory_space<hbm>> -> memref<5x128xi32, #tpu.memory_space<hbm>>
      %dma_start3A_162 = arith.constant 0 : i32
      %dma_start3A_163 = arith.constant 0 : i32
      %dma_start3A_164 = tpu.memref_slice %arg3[%run_scoped3A, %dma_start3A_162, %dma_start3A_163] : memref<2x12500x128xi32, #tpu.memory_space<hbm>> -> memref<1x12500x128xi32, #tpu.memory_space<hbm>>
      %dma_start3A_165 = tpu.memref_squeeze %dma_start3A_164 : memref<1x12500x128xi32, #tpu.memory_space<hbm>> -> memref<12500x128xi32, #tpu.memory_space<hbm>>
      %dma_start3A_166 = arith.constant 0 : i32
      %dma_start3A_167 = tpu.memref_slice %dma_start3A_165[%add3A_23, %dma_start3A_166] : memref<12500x128xi32, #tpu.memory_space<hbm>> -> memref<5x128xi32, #tpu.memory_space<hbm>>
      tpu.enqueue_dma source(%dma_start3A_167 : memref<5x128xi32, #tpu.memory_space<hbm>>) target(%arg6 : memref<5x128xi32, #tpu.memory_space<vmem>>) target_semaphore(%run_scoped3A_155 : memref<!tpu.dma_semaphore, #tpu.memory_space<semaphore_mem>>)
      %dma_wait3A_168 = arith.constant 0 : i32
      %dma_wait3A_169 = arith.constant 0 : i32
      %dma_wait3A_170 = tpu.memref_slice %arg3[%run_scoped3A, %dma_wait3A_168, %dma_wait3A_169] : memref<2x12500x128xi32, #tpu.memory_space<hbm>> -> memref<1x12500x128xi32, #tpu.memory_space<hbm>>
      %dma_wait3A_171 = tpu.memref_squeeze %dma_wait3A_170 : memref<1x12500x128xi32, #tpu.memory_space<hbm>> -> memref<12500x128xi32, #tpu.memory_space<hbm>>
      %dma_wait3A_172 = arith.constant 0 : i32
      %dma_wait3A_173 = tpu.memref_slice %dma_wait3A_171[%add3A_23, %dma_wait3A_172] : memref<12500x128xi32, #tpu.memory_space<hbm>> -> memref<5x128xi32, #tpu.memory_space<hbm>>
      %dma_wait3A_174 = arith.constant 0 : i32
      %dma_wait3A_175 = arith.constant 0 : i32
      %dma_wait3A_176 = tpu.memref_slice %arg3[%run_scoped3A, %dma_wait3A_174, %dma_wait3A_175] : memref<2x12500x128xi32, #tpu.memory_space<hbm>> -> memref<1x12500x128xi32, #tpu.memory_space<hbm>>
      %dma_wait3A_177 = tpu.memref_squeeze %dma_wait3A_176 : memref<1x12500x128xi32, #tpu.memory_space<hbm>> -> memref<12500x128xi32, #tpu.memory_space<hbm>>
      %dma_wait3A_178 = arith.constant 0 : i32
      %dma_wait3A_179 = tpu.memref_slice %dma_wait3A_177[%add3A_23, %dma_wait3A_178] : memref<12500x128xi32, #tpu.memory_space<hbm>> -> memref<5x128xi32, #tpu.memory_space<hbm>>
      tpu.wait_dma2 semaphore(%run_scoped3A_155 : memref<!tpu.dma_semaphore, #tpu.memory_space<semaphore_mem>>) src(%dma_wait3A_179 : memref<5x128xi32, #tpu.memory_space<hbm>>) dst(%arg6 : memref<5x128xi32, #tpu.memory_space<vmem>>)
      tpu.yield
    }) : () -> ()
    %run_scoped3A_24 = arith.constant 1 : i32
    "tpu.region"() ({
      %run_scoped3A_155 = tpu.sem_alloc : memref<!tpu.dma_semaphore, #tpu.memory_space<semaphore_mem>>
      %dma_start3A_156 = arith.constant 0 : i32
      %dma_start3A_157 = arith.constant 0 : i32
      %dma_start3A_158 = tpu.memref_slice %arg3[%run_scoped3A_24, %dma_start3A_156, %dma_start3A_157] : memref<2x12500x128xi32, #tpu.memory_space<hbm>> -> memref<1x12500x128xi32, #tpu.memory_space<hbm>>
      %dma_start3A_159 = tpu.memref_squeeze %dma_start3A_158 : memref<1x12500x128xi32, #tpu.memory_space<hbm>> -> memref<12500x128xi32, #tpu.memory_space<hbm>>
      %dma_start3A_160 = arith.constant 0 : i32
      %dma_start3A_161 = tpu.memref_slice %dma_start3A_159[%add3A_23, %dma_start3A_160] : memref<12500x128xi32, #tpu.memory_space<hbm>> -> memref<5x128xi32, #tpu.memory_space<hbm>>
      %dma_start3A_162 = arith.constant 0 : i32
      %dma_start3A_163 = arith.constant 0 : i32
      %dma_start3A_164 = tpu.memref_slice %arg3[%run_scoped3A_24, %dma_start3A_162, %dma_start3A_163] : memref<2x12500x128xi32, #tpu.memory_space<hbm>> -> memref<1x12500x128xi32, #tpu.memory_space<hbm>>
      %dma_start3A_165 = tpu.memref_squeeze %dma_start3A_164 : memref<1x12500x128xi32, #tpu.memory_space<hbm>> -> memref<12500x128xi32, #tpu.memory_space<hbm>>
      %dma_start3A_166 = arith.constant 0 : i32
      %dma_start3A_167 = tpu.memref_slice %dma_start3A_165[%add3A_23, %dma_start3A_166] : memref<12500x128xi32, #tpu.memory_space<hbm>> -> memref<5x128xi32, #tpu.memory_space<hbm>>
      tpu.enqueue_dma source(%dma_start3A_167 : memref<5x128xi32, #tpu.memory_space<hbm>>) target(%arg7 : memref<5x128xi32, #tpu.memory_space<vmem>>) target_semaphore(%run_scoped3A_155 : memref<!tpu.dma_semaphore, #tpu.memory_space<semaphore_mem>>)
      %dma_wait3A_168 = arith.constant 0 : i32
      %dma_wait3A_169 = arith.constant 0 : i32
      %dma_wait3A_170 = tpu.memref_slice %arg3[%run_scoped3A_24, %dma_wait3A_168, %dma_wait3A_169] : memref<2x12500x128xi32, #tpu.memory_space<hbm>> -> memref<1x12500x128xi32, #tpu.memory_space<hbm>>
      %dma_wait3A_171 = tpu.memref_squeeze %dma_wait3A_170 : memref<1x12500x128xi32, #tpu.memory_space<hbm>> -> memref<12500x128xi32, #tpu.memory_space<hbm>>
      %dma_wait3A_172 = arith.constant 0 : i32
      %dma_wait3A_173 = tpu.memref_slice %dma_wait3A_171[%add3A_23, %dma_wait3A_172] : memref<12500x128xi32, #tpu.memory_space<hbm>> -> memref<5x128xi32, #tpu.memory_space<hbm>>
      %dma_wait3A_174 = arith.constant 0 : i32
      %dma_wait3A_175 = arith.constant 0 : i32
      %dma_wait3A_176 = tpu.memref_slice %arg3[%run_scoped3A_24, %dma_wait3A_174, %dma_wait3A_175] : memref<2x12500x128xi32, #tpu.memory_space<hbm>> -> memref<1x12500x128xi32, #tpu.memory_space<hbm>>
      %dma_wait3A_177 = tpu.memref_squeeze %dma_wait3A_176 : memref<1x12500x128xi32, #tpu.memory_space<hbm>> -> memref<12500x128xi32, #tpu.memory_space<hbm>>
      %dma_wait3A_178 = arith.constant 0 : i32
      %dma_wait3A_179 = tpu.memref_slice %dma_wait3A_177[%add3A_23, %dma_wait3A_178] : memref<12500x128xi32, #tpu.memory_space<hbm>> -> memref<5x128xi32, #tpu.memory_space<hbm>>
      tpu.wait_dma2 semaphore(%run_scoped3A_155 : memref<!tpu.dma_semaphore, #tpu.memory_space<semaphore_mem>>) src(%dma_wait3A_179 : memref<5x128xi32, #tpu.memory_space<hbm>>) dst(%arg7 : memref<5x128xi32, #tpu.memory_space<vmem>>)
      tpu.yield
    }) : () -> ()
    %dma_start3A = arith.constant 0 : i32
    %dma_start3A_25 = arith.constant 0 : i32
    %dma_start3A_26 = arith.constant 0 : i32
    %dma_start3A_27 = tpu.memref_slice %arg10[%dma_start3A_25, %dma_start3A_26] : memref<640x16xf32, #tpu.memory_space<vmem>> -> memref<128x16xf32, #tpu.memory_space<vmem>>
    %dma_start3A_28 = arith.constant 0 : i32
    %dma_start3A_29 = tpu.memref_slice %arg6[%dma_start3A, %dma_start3A_28] : memref<5x128xi32, #tpu.memory_space<vmem>> -> memref<1x128xi32, #tpu.memory_space<vmem>>
    %dma_start3A_30 = tpu.memref_squeeze %dma_start3A_29 : memref<1x128xi32, #tpu.memory_space<vmem>> -> memref<128xi32, #tpu.memory_space<vmem>>
    %dma_start3A_31 = arith.constant 0 : i32
    %dma_start3A_32 = arith.constant 0 : i32
    %dma_start3A_33 = tpu.memref_slice %arg2[%dma_start3A_31, %dma_start3A_32] : memref<100000x16xf32, #tpu.memory_space<hbm>> -> memref<100000x16xf32, #tpu.memory_space<hbm>>
    tpu.enqueue_indirect_dma source(%dma_start3A_33 : memref<100000x16xf32, #tpu.memory_space<hbm>>) target(%dma_start3A_27 : memref<128x16xf32, #tpu.memory_space<vmem>>) offsets(%dma_start3A_30 : memref<128xi32, #tpu.memory_space<vmem>>) semaphore(%arg13 : memref<!tpu.dma_semaphore, #tpu.memory_space<semaphore_mem>>)
    %dma_start3A_34 = arith.constant 1 : i32
    %dma_start3A_35 = arith.constant 128 : i32
    %dma_start3A_36 = arith.constant 0 : i32
    %dma_start3A_37 = tpu.memref_slice %arg10[%dma_start3A_35, %dma_start3A_36] : memref<640x16xf32, #tpu.memory_space<vmem>> -> memref<128x16xf32, #tpu.memory_space<vmem>>
    %dma_start3A_38 = arith.constant 0 : i32
    %dma_start3A_39 = tpu.memref_slice %arg6[%dma_start3A_34, %dma_start3A_38] : memref<5x128xi32, #tpu.memory_space<vmem>> -> memref<1x128xi32, #tpu.memory_space<vmem>>
    %dma_start3A_40 = tpu.memref_squeeze %dma_start3A_39 : memref<1x128xi32, #tpu.memory_space<vmem>> -> memref<128xi32, #tpu.memory_space<vmem>>
    %dma_start3A_41 = arith.constant 0 : i32
    %dma_start3A_42 = arith.constant 0 : i32
    %dma_start3A_43 = tpu.memref_slice %arg2[%dma_start3A_41, %dma_start3A_42] : memref<100000x16xf32, #tpu.memory_space<hbm>> -> memref<100000x16xf32, #tpu.memory_space<hbm>>
    tpu.enqueue_indirect_dma source(%dma_start3A_43 : memref<100000x16xf32, #tpu.memory_space<hbm>>) target(%dma_start3A_37 : memref<128x16xf32, #tpu.memory_space<vmem>>) offsets(%dma_start3A_40 : memref<128xi32, #tpu.memory_space<vmem>>) semaphore(%arg13 : memref<!tpu.dma_semaphore, #tpu.memory_space<semaphore_mem>>)
    %dma_start3A_44 = arith.constant 2 : i32
    %dma_start3A_45 = arith.constant 256 : i32
    %dma_start3A_46 = arith.constant 0 : i32
    %dma_start3A_47 = tpu.memref_slice %arg10[%dma_start3A_45, %dma_start3A_46] : memref<640x16xf32, #tpu.memory_space<vmem>> -> memref<128x16xf32, #tpu.memory_space<vmem>>
    %dma_start3A_48 = arith.constant 0 : i32
    %dma_start3A_49 = tpu.memref_slice %arg6[%dma_start3A_44, %dma_start3A_48] : memref<5x128xi32, #tpu.memory_space<vmem>> -> memref<1x128xi32, #tpu.memory_space<vmem>>
    %dma_start3A_50 = tpu.memref_squeeze %dma_start3A_49 : memref<1x128xi32, #tpu.memory_space<vmem>> -> memref<128xi32, #tpu.memory_space<vmem>>
    %dma_start3A_51 = arith.constant 0 : i32
    %dma_start3A_52 = arith.constant 0 : i32
    %dma_start3A_53 = tpu.memref_slice %arg2[%dma_start3A_51, %dma_start3A_52] : memref<100000x16xf32, #tpu.memory_space<hbm>> -> memref<100000x16xf32, #tpu.memory_space<hbm>>
    tpu.enqueue_indirect_dma source(%dma_start3A_53 : memref<100000x16xf32, #tpu.memory_space<hbm>>) target(%dma_start3A_47 : memref<128x16xf32, #tpu.memory_space<vmem>>) offsets(%dma_start3A_50 : memref<128xi32, #tpu.memory_space<vmem>>) semaphore(%arg13 : memref<!tpu.dma_semaphore, #tpu.memory_space<semaphore_mem>>)
    %dma_start3A_54 = arith.constant 3 : i32
    %dma_start3A_55 = arith.constant 384 : i32
    %dma_start3A_56 = arith.constant 0 : i32
    %dma_start3A_57 = tpu.memref_slice %arg10[%dma_start3A_55, %dma_start3A_56] : memref<640x16xf32, #tpu.memory_space<vmem>> -> memref<128x16xf32, #tpu.memory_space<vmem>>
    %dma_start3A_58 = arith.constant 0 : i32
    %dma_start3A_59 = tpu.memref_slice %arg6[%dma_start3A_54, %dma_start3A_58] : memref<5x128xi32, #tpu.memory_space<vmem>> -> memref<1x128xi32, #tpu.memory_space<vmem>>
    %dma_start3A_60 = tpu.memref_squeeze %dma_start3A_59 : memref<1x128xi32, #tpu.memory_space<vmem>> -> memref<128xi32, #tpu.memory_space<vmem>>
    %dma_start3A_61 = arith.constant 0 : i32
    %dma_start3A_62 = arith.constant 0 : i32
    %dma_start3A_63 = tpu.memref_slice %arg2[%dma_start3A_61, %dma_start3A_62] : memref<100000x16xf32, #tpu.memory_space<hbm>> -> memref<100000x16xf32, #tpu.memory_space<hbm>>
    tpu.enqueue_indirect_dma source(%dma_start3A_63 : memref<100000x16xf32, #tpu.memory_space<hbm>>) target(%dma_start3A_57 : memref<128x16xf32, #tpu.memory_space<vmem>>) offsets(%dma_start3A_60 : memref<128xi32, #tpu.memory_space<vmem>>) semaphore(%arg13 : memref<!tpu.dma_semaphore, #tpu.memory_space<semaphore_mem>>)
    %dma_start3A_64 = arith.constant 4 : i32
    %dma_start3A_65 = arith.constant 512 : i32
    %dma_start3A_66 = arith.constant 0 : i32
    %dma_start3A_67 = tpu.memref_slice %arg10[%dma_start3A_65, %dma_start3A_66] : memref<640x16xf32, #tpu.memory_space<vmem>> -> memref<128x16xf32, #tpu.memory_space<vmem>>
    %dma_start3A_68 = arith.constant 0 : i32
    %dma_start3A_69 = tpu.memref_slice %arg6[%dma_start3A_64, %dma_start3A_68] : memref<5x128xi32, #tpu.memory_space<vmem>> -> memref<1x128xi32, #tpu.memory_space<vmem>>
    %dma_start3A_70 = tpu.memref_squeeze %dma_start3A_69 : memref<1x128xi32, #tpu.memory_space<vmem>> -> memref<128xi32, #tpu.memory_space<vmem>>
    %dma_start3A_71 = arith.constant 0 : i32
    %dma_start3A_72 = arith.constant 0 : i32
    %dma_start3A_73 = tpu.memref_slice %arg2[%dma_start3A_71, %dma_start3A_72] : memref<100000x16xf32, #tpu.memory_space<hbm>> -> memref<100000x16xf32, #tpu.memory_space<hbm>>
    tpu.enqueue_indirect_dma source(%dma_start3A_73 : memref<100000x16xf32, #tpu.memory_space<hbm>>) target(%dma_start3A_67 : memref<128x16xf32, #tpu.memory_space<vmem>>) offsets(%dma_start3A_70 : memref<128xi32, #tpu.memory_space<vmem>>) semaphore(%arg13 : memref<!tpu.dma_semaphore, #tpu.memory_space<semaphore_mem>>)
    %scan3A_74 = arith.constant 0 : i32
    %scan3A_75 = arith.constant 0 : i32
    %scan3A_76 = arith.constant 39 : i32
    %scan3A_77 = arith.addi %scan3A_75, %scan3A_76 : i32
    %scan3A_78 = arith.constant 1 : i32
    scf.for %scan3A_155 = %scan3A_75 to %scan3A_77 step %scan3A_78  : i32 {
      %gt3A = arith.constant 0 : i32
      %gt3A_156 = arith.cmpi sgt, %scan3A_155, %gt3A : i32
      %convert_element_type3A = arith.extui %gt3A_156 : i1 to i32
      %cond3A = arith.constant 0 : i32
      %cond3A_157 = arith.cmpi ne, %convert_element_type3A, %cond3A : i32
      scf.if %cond3A_157 {
        %dma_wait3A_561 = arith.constant 0 : i32
        %dma_wait3A_562 = arith.constant 0 : i32
        %dma_wait3A_563 = tpu.memref_slice %arg10[%dma_wait3A_561, %dma_wait3A_562] : memref<640x16xf32, #tpu.memory_space<vmem>> -> memref<128x16xf32, #tpu.memory_space<vmem>>
        %dma_wait3A_564 = arith.constant 0 : i32
        %dma_wait3A_565 = arith.constant 0 : i32
        %dma_wait3A_566 = tpu.memref_slice %arg2[%dma_wait3A_564, %dma_wait3A_565] : memref<100000x16xf32, #tpu.memory_space<hbm>> -> memref<128x16xf32, #tpu.memory_space<hbm>>
        %dma_wait3A_567 = arith.constant 0 : i32
        %dma_wait3A_568 = arith.constant 0 : i32
        %dma_wait3A_569 = tpu.memref_slice %arg10[%dma_wait3A_567, %dma_wait3A_568] : memref<640x16xf32, #tpu.memory_space<vmem>> -> memref<128x16xf32, #tpu.memory_space<vmem>>
        %dma_wait3A_570 = arith.constant 0 : i32
        %dma_wait3A_571 = arith.constant 0 : i32
        %dma_wait3A_572 = tpu.memref_slice %arg2[%dma_wait3A_570, %dma_wait3A_571] : memref<100000x16xf32, #tpu.memory_space<hbm>> -> memref<128x16xf32, #tpu.memory_space<hbm>>
        tpu.wait_dma2 semaphore(%arg14 : memref<!tpu.dma_semaphore, #tpu.memory_space<semaphore_mem>>) src(%dma_wait3A_572 : memref<128x16xf32, #tpu.memory_space<hbm>>) dst(%dma_wait3A_569 : memref<128x16xf32, #tpu.memory_space<vmem>>)
        %dma_wait3A_573 = arith.constant 0 : i32
        %dma_wait3A_574 = arith.constant 0 : i32
        %dma_wait3A_575 = tpu.memref_slice %arg10[%dma_wait3A_573, %dma_wait3A_574] : memref<640x16xf32, #tpu.memory_space<vmem>> -> memref<128x16xf32, #tpu.memory_space<vmem>>
        %dma_wait3A_576 = arith.constant 0 : i32
        %dma_wait3A_577 = arith.constant 0 : i32
        %dma_wait3A_578 = tpu.memref_slice %arg2[%dma_wait3A_576, %dma_wait3A_577] : memref<100000x16xf32, #tpu.memory_space<hbm>> -> memref<128x16xf32, #tpu.memory_space<hbm>>
        %dma_wait3A_579 = arith.constant 0 : i32
        %dma_wait3A_580 = arith.constant 0 : i32
        %dma_wait3A_581 = tpu.memref_slice %arg10[%dma_wait3A_579, %dma_wait3A_580] : memref<640x16xf32, #tpu.memory_space<vmem>> -> memref<128x16xf32, #tpu.memory_space<vmem>>
        %dma_wait3A_582 = arith.constant 0 : i32
        %dma_wait3A_583 = arith.constant 0 : i32
        %dma_wait3A_584 = tpu.memref_slice %arg2[%dma_wait3A_582, %dma_wait3A_583] : memref<100000x16xf32, #tpu.memory_space<hbm>> -> memref<128x16xf32, #tpu.memory_space<hbm>>
        tpu.wait_dma2 semaphore(%arg14 : memref<!tpu.dma_semaphore, #tpu.memory_space<semaphore_mem>>) src(%dma_wait3A_584 : memref<128x16xf32, #tpu.memory_space<hbm>>) dst(%dma_wait3A_581 : memref<128x16xf32, #tpu.memory_space<vmem>>)
        %dma_wait3A_585 = arith.constant 0 : i32
        %dma_wait3A_586 = arith.constant 0 : i32
        %dma_wait3A_587 = tpu.memref_slice %arg10[%dma_wait3A_585, %dma_wait3A_586] : memref<640x16xf32, #tpu.memory_space<vmem>> -> memref<128x16xf32, #tpu.memory_space<vmem>>
        %dma_wait3A_588 = arith.constant 0 : i32
        %dma_wait3A_589 = arith.constant 0 : i32
        %dma_wait3A_590 = tpu.memref_slice %arg2[%dma_wait3A_588, %dma_wait3A_589] : memref<100000x16xf32, #tpu.memory_space<hbm>> -> memref<128x16xf32, #tpu.memory_space<hbm>>
        %dma_wait3A_591 = arith.constant 0 : i32
        %dma_wait3A_592 = arith.constant 0 : i32
        %dma_wait3A_593 = tpu.memref_slice %arg10[%dma_wait3A_591, %dma_wait3A_592] : memref<640x16xf32, #tpu.memory_space<vmem>> -> memref<128x16xf32, #tpu.memory_space<vmem>>
        %dma_wait3A_594 = arith.constant 0 : i32
        %dma_wait3A_595 = arith.constant 0 : i32
        %dma_wait3A_596 = tpu.memref_slice %arg2[%dma_wait3A_594, %dma_wait3A_595] : memref<100000x16xf32, #tpu.memory_space<hbm>> -> memref<128x16xf32, #tpu.memory_space<hbm>>
        tpu.wait_dma2 semaphore(%arg14 : memref<!tpu.dma_semaphore, #tpu.memory_space<semaphore_mem>>) src(%dma_wait3A_596 : memref<128x16xf32, #tpu.memory_space<hbm>>) dst(%dma_wait3A_593 : memref<128x16xf32, #tpu.memory_space<vmem>>)
        %dma_wait3A_597 = arith.constant 0 : i32
        %dma_wait3A_598 = arith.constant 0 : i32
        %dma_wait3A_599 = tpu.memref_slice %arg10[%dma_wait3A_597, %dma_wait3A_598] : memref<640x16xf32, #tpu.memory_space<vmem>> -> memref<128x16xf32, #tpu.memory_space<vmem>>
        %dma_wait3A_600 = arith.constant 0 : i32
        %dma_wait3A_601 = arith.constant 0 : i32
        %dma_wait3A_602 = tpu.memref_slice %arg2[%dma_wait3A_600, %dma_wait3A_601] : memref<100000x16xf32, #tpu.memory_space<hbm>> -> memref<128x16xf32, #tpu.memory_space<hbm>>
        %dma_wait3A_603 = arith.constant 0 : i32
        %dma_wait3A_604 = arith.constant 0 : i32
        %dma_wait3A_605 = tpu.memref_slice %arg10[%dma_wait3A_603, %dma_wait3A_604] : memref<640x16xf32, #tpu.memory_space<vmem>> -> memref<128x16xf32, #tpu.memory_space<vmem>>
        %dma_wait3A_606 = arith.constant 0 : i32
        %dma_wait3A_607 = arith.constant 0 : i32
        %dma_wait3A_608 = tpu.memref_slice %arg2[%dma_wait3A_606, %dma_wait3A_607] : memref<100000x16xf32, #tpu.memory_space<hbm>> -> memref<128x16xf32, #tpu.memory_space<hbm>>
        tpu.wait_dma2 semaphore(%arg14 : memref<!tpu.dma_semaphore, #tpu.memory_space<semaphore_mem>>) src(%dma_wait3A_608 : memref<128x16xf32, #tpu.memory_space<hbm>>) dst(%dma_wait3A_605 : memref<128x16xf32, #tpu.memory_space<vmem>>)
        %dma_wait3A_609 = arith.constant 0 : i32
        %dma_wait3A_610 = arith.constant 0 : i32
        %dma_wait3A_611 = tpu.memref_slice %arg10[%dma_wait3A_609, %dma_wait3A_610] : memref<640x16xf32, #tpu.memory_space<vmem>> -> memref<128x16xf32, #tpu.memory_space<vmem>>
        %dma_wait3A_612 = arith.constant 0 : i32
        %dma_wait3A_613 = arith.constant 0 : i32
        %dma_wait3A_614 = tpu.memref_slice %arg2[%dma_wait3A_612, %dma_wait3A_613] : memref<100000x16xf32, #tpu.memory_space<hbm>> -> memref<128x16xf32, #tpu.memory_space<hbm>>
        %dma_wait3A_615 = arith.constant 0 : i32
        %dma_wait3A_616 = arith.constant 0 : i32
        %dma_wait3A_617 = tpu.memref_slice %arg10[%dma_wait3A_615, %dma_wait3A_616] : memref<640x16xf32, #tpu.memory_space<vmem>> -> memref<128x16xf32, #tpu.memory_space<vmem>>
        %dma_wait3A_618 = arith.constant 0 : i32
        %dma_wait3A_619 = arith.constant 0 : i32
        %dma_wait3A_620 = tpu.memref_slice %arg2[%dma_wait3A_618, %dma_wait3A_619] : memref<100000x16xf32, #tpu.memory_space<hbm>> -> memref<128x16xf32, #tpu.memory_space<hbm>>
        tpu.wait_dma2 semaphore(%arg14 : memref<!tpu.dma_semaphore, #tpu.memory_space<semaphore_mem>>) src(%dma_wait3A_620 : memref<128x16xf32, #tpu.memory_space<hbm>>) dst(%dma_wait3A_617 : memref<128x16xf32, #tpu.memory_space<vmem>>)
      } else {
      }
      %mul3A_158 = arith.constant 2 : i32
      %mul3A_159 = arith.muli %mul3A_158, %scan3A_155 : i32
      %add3A_160 = arith.constant 1 : i32
      %add3A_161 = arith.addi %mul3A_159, %add3A_160 : i32
      %mul3A_162 = arith.constant 5 : i32
      %mul3A_163 = arith.muli %add3A_161, %mul3A_162 : i32
      %add3A_164 = arith.addi %add3A_19, %mul3A_163 : i32
      %dma_start3A_165 = arith.constant 0 : i32
      %dma_start3A_166 = arith.constant 0 : i32
      %dma_start3A_167 = arith.constant 0 : i32
      %dma_start3A_168 = tpu.memref_slice %arg3[%dma_start3A_165, %dma_start3A_166, %dma_start3A_167] : memref<2x12500x128xi32, #tpu.memory_space<hbm>> -> memref<1x12500x128xi32, #tpu.memory_space<hbm>>
      %dma_start3A_169 = tpu.memref_squeeze %dma_start3A_168 : memref<1x12500x128xi32, #tpu.memory_space<hbm>> -> memref<12500x128xi32, #tpu.memory_space<hbm>>
      %dma_start3A_170 = arith.constant 0 : i32
      %dma_start3A_171 = tpu.memref_slice %dma_start3A_169[%add3A_164, %dma_start3A_170] : memref<12500x128xi32, #tpu.memory_space<hbm>> -> memref<5x128xi32, #tpu.memory_space<hbm>>
      %dma_start3A_172 = arith.constant 0 : i32
      %dma_start3A_173 = arith.constant 0 : i32
      %dma_start3A_174 = tpu.memref_slice %arg3[%dma_start3A_165, %dma_start3A_172, %dma_start3A_173] : memref<2x12500x128xi32, #tpu.memory_space<hbm>> -> memref<1x12500x128xi32, #tpu.memory_space<hbm>>
      %dma_start3A_175 = tpu.memref_squeeze %dma_start3A_174 : memref<1x12500x128xi32, #tpu.memory_space<hbm>> -> memref<12500x128xi32, #tpu.memory_space<hbm>>
      %dma_start3A_176 = arith.constant 0 : i32
      %dma_start3A_177 = tpu.memref_slice %dma_start3A_175[%add3A_164, %dma_start3A_176] : memref<12500x128xi32, #tpu.memory_space<hbm>> -> memref<5x128xi32, #tpu.memory_space<hbm>>
      tpu.enqueue_dma source(%dma_start3A_177 : memref<5x128xi32, #tpu.memory_space<hbm>>) target(%arg8 : memref<5x128xi32, #tpu.memory_space<vmem>>) target_semaphore(%arg15 : memref<!tpu.dma_semaphore, #tpu.memory_space<semaphore_mem>>)
      %dma_start3A_178 = arith.constant 1 : i32
      %dma_start3A_179 = arith.constant 0 : i32
      %dma_start3A_180 = arith.constant 0 : i32
      %dma_start3A_181 = tpu.memref_slice %arg3[%dma_start3A_178, %dma_start3A_179, %dma_start3A_180] : memref<2x12500x128xi32, #tpu.memory_space<hbm>> -> memref<1x12500x128xi32, #tpu.memory_space<hbm>>
      %dma_start3A_182 = tpu.memref_squeeze %dma_start3A_181 : memref<1x12500x128xi32, #tpu.memory_space<hbm>> -> memref<12500x128xi32, #tpu.memory_space<hbm>>
      %dma_start3A_183 = arith.constant 0 : i32
      %dma_start3A_184 = tpu.memref_slice %dma_start3A_182[%add3A_164, %dma_start3A_183] : memref<12500x128xi32, #tpu.memory_space<hbm>> -> memref<5x128xi32, #tpu.memory_space<hbm>>
      %dma_start3A_185 = arith.constant 0 : i32
      %dma_start3A_186 = arith.constant 0 : i32
      %dma_start3A_187 = tpu.memref_slice %arg3[%dma_start3A_178, %dma_start3A_185, %dma_start3A_186] : memref<2x12500x128xi32, #tpu.memory_space<hbm>> -> memref<1x12500x128xi32, #tpu.memory_space<hbm>>
      %dma_start3A_188 = tpu.memref_squeeze %dma_start3A_187 : memref<1x12500x128xi32, #tpu.memory_space<hbm>> -> memref<12500x128xi32, #tpu.memory_space<hbm>>
      %dma_start3A_189 = arith.constant 0 : i32
      %dma_start3A_190 = tpu.memref_slice %dma_start3A_188[%add3A_164, %dma_start3A_189] : memref<12500x128xi32, #tpu.memory_space<hbm>> -> memref<5x128xi32, #tpu.memory_space<hbm>>
      tpu.enqueue_dma source(%dma_start3A_190 : memref<5x128xi32, #tpu.memory_space<hbm>>) target(%arg9 : memref<5x128xi32, #tpu.memory_space<vmem>>) target_semaphore(%arg15 : memref<!tpu.dma_semaphore, #tpu.memory_space<semaphore_mem>>)
      %dma_wait3A_191 = arith.constant 0 : i32
      %dma_wait3A_192 = arith.constant 0 : i32
      %dma_wait3A_193 = tpu.memref_slice %arg10[%dma_wait3A_191, %dma_wait3A_192] : memref<640x16xf32, #tpu.memory_space<vmem>> -> memref<128x16xf32, #tpu.memory_space<vmem>>
      %dma_wait3A_194 = arith.constant 0 : i32
      %dma_wait3A_195 = arith.constant 0 : i32
      %dma_wait3A_196 = tpu.memref_slice %arg2[%dma_wait3A_194, %dma_wait3A_195] : memref<100000x16xf32, #tpu.memory_space<hbm>> -> memref<128x16xf32, #tpu.memory_space<hbm>>
      %dma_wait3A_197 = arith.constant 0 : i32
      %dma_wait3A_198 = arith.constant 0 : i32
      %dma_wait3A_199 = tpu.memref_slice %arg10[%dma_wait3A_197, %dma_wait3A_198] : memref<640x16xf32, #tpu.memory_space<vmem>> -> memref<128x16xf32, #tpu.memory_space<vmem>>
      %dma_wait3A_200 = arith.constant 0 : i32
      %dma_wait3A_201 = arith.constant 0 : i32
      %dma_wait3A_202 = tpu.memref_slice %arg2[%dma_wait3A_200, %dma_wait3A_201] : memref<100000x16xf32, #tpu.memory_space<hbm>> -> memref<128x16xf32, #tpu.memory_space<hbm>>
      tpu.wait_dma2 semaphore(%arg13 : memref<!tpu.dma_semaphore, #tpu.memory_space<semaphore_mem>>) src(%dma_wait3A_202 : memref<128x16xf32, #tpu.memory_space<hbm>>) dst(%dma_wait3A_199 : memref<128x16xf32, #tpu.memory_space<vmem>>)
      %dma_wait3A_203 = arith.constant 0 : i32
      %dma_wait3A_204 = arith.constant 0 : i32
      %dma_wait3A_205 = tpu.memref_slice %arg10[%dma_wait3A_203, %dma_wait3A_204] : memref<640x16xf32, #tpu.memory_space<vmem>> -> memref<128x16xf32, #tpu.memory_space<vmem>>
      %dma_wait3A_206 = arith.constant 0 : i32
      %dma_wait3A_207 = arith.constant 0 : i32
      %dma_wait3A_208 = tpu.memref_slice %arg2[%dma_wait3A_206, %dma_wait3A_207] : memref<100000x16xf32, #tpu.memory_space<hbm>> -> memref<128x16xf32, #tpu.memory_space<hbm>>
      %dma_wait3A_209 = arith.constant 0 : i32
      %dma_wait3A_210 = arith.constant 0 : i32
      %dma_wait3A_211 = tpu.memref_slice %arg10[%dma_wait3A_209, %dma_wait3A_210] : memref<640x16xf32, #tpu.memory_space<vmem>> -> memref<128x16xf32, #tpu.memory_space<vmem>>
      %dma_wait3A_212 = arith.constant 0 : i32
      %dma_wait3A_213 = arith.constant 0 : i32
      %dma_wait3A_214 = tpu.memref_slice %arg2[%dma_wait3A_212, %dma_wait3A_213] : memref<100000x16xf32, #tpu.memory_space<hbm>> -> memref<128x16xf32, #tpu.memory_space<hbm>>
      tpu.wait_dma2 semaphore(%arg13 : memref<!tpu.dma_semaphore, #tpu.memory_space<semaphore_mem>>) src(%dma_wait3A_214 : memref<128x16xf32, #tpu.memory_space<hbm>>) dst(%dma_wait3A_211 : memref<128x16xf32, #tpu.memory_space<vmem>>)
      %dma_wait3A_215 = arith.constant 0 : i32
      %dma_wait3A_216 = arith.constant 0 : i32
      %dma_wait3A_217 = tpu.memref_slice %arg10[%dma_wait3A_215, %dma_wait3A_216] : memref<640x16xf32, #tpu.memory_space<vmem>> -> memref<128x16xf32, #tpu.memory_space<vmem>>
      %dma_wait3A_218 = arith.constant 0 : i32
      %dma_wait3A_219 = arith.constant 0 : i32
      %dma_wait3A_220 = tpu.memref_slice %arg2[%dma_wait3A_218, %dma_wait3A_219] : memref<100000x16xf32, #tpu.memory_space<hbm>> -> memref<128x16xf32, #tpu.memory_space<hbm>>
      %dma_wait3A_221 = arith.constant 0 : i32
      %dma_wait3A_222 = arith.constant 0 : i32
      %dma_wait3A_223 = tpu.memref_slice %arg10[%dma_wait3A_221, %dma_wait3A_222] : memref<640x16xf32, #tpu.memory_space<vmem>> -> memref<128x16xf32, #tpu.memory_space<vmem>>
      %dma_wait3A_224 = arith.constant 0 : i32
      %dma_wait3A_225 = arith.constant 0 : i32
      %dma_wait3A_226 = tpu.memref_slice %arg2[%dma_wait3A_224, %dma_wait3A_225] : memref<100000x16xf32, #tpu.memory_space<hbm>> -> memref<128x16xf32, #tpu.memory_space<hbm>>
      tpu.wait_dma2 semaphore(%arg13 : memref<!tpu.dma_semaphore, #tpu.memory_space<semaphore_mem>>) src(%dma_wait3A_226 : memref<128x16xf32, #tpu.memory_space<hbm>>) dst(%dma_wait3A_223 : memref<128x16xf32, #tpu.memory_space<vmem>>)
      %dma_wait3A_227 = arith.constant 0 : i32
      %dma_wait3A_228 = arith.constant 0 : i32
      %dma_wait3A_229 = tpu.memref_slice %arg10[%dma_wait3A_227, %dma_wait3A_228] : memref<640x16xf32, #tpu.memory_space<vmem>> -> memref<128x16xf32, #tpu.memory_space<vmem>>
      %dma_wait3A_230 = arith.constant 0 : i32
      %dma_wait3A_231 = arith.constant 0 : i32
      %dma_wait3A_232 = tpu.memref_slice %arg2[%dma_wait3A_230, %dma_wait3A_231] : memref<100000x16xf32, #tpu.memory_space<hbm>> -> memref<128x16xf32, #tpu.memory_space<hbm>>
      %dma_wait3A_233 = arith.constant 0 : i32
      %dma_wait3A_234 = arith.constant 0 : i32
      %dma_wait3A_235 = tpu.memref_slice %arg10[%dma_wait3A_233, %dma_wait3A_234] : memref<640x16xf32, #tpu.memory_space<vmem>> -> memref<128x16xf32, #tpu.memory_space<vmem>>
      %dma_wait3A_236 = arith.constant 0 : i32
      %dma_wait3A_237 = arith.constant 0 : i32
      %dma_wait3A_238 = tpu.memref_slice %arg2[%dma_wait3A_236, %dma_wait3A_237] : memref<100000x16xf32, #tpu.memory_space<hbm>> -> memref<128x16xf32, #tpu.memory_space<hbm>>
      tpu.wait_dma2 semaphore(%arg13 : memref<!tpu.dma_semaphore, #tpu.memory_space<semaphore_mem>>) src(%dma_wait3A_238 : memref<128x16xf32, #tpu.memory_space<hbm>>) dst(%dma_wait3A_235 : memref<128x16xf32, #tpu.memory_space<vmem>>)
      %dma_wait3A_239 = arith.constant 0 : i32
      %dma_wait3A_240 = arith.constant 0 : i32
      %dma_wait3A_241 = tpu.memref_slice %arg10[%dma_wait3A_239, %dma_wait3A_240] : memref<640x16xf32, #tpu.memory_space<vmem>> -> memref<128x16xf32, #tpu.memory_space<vmem>>
      %dma_wait3A_242 = arith.constant 0 : i32
      %dma_wait3A_243 = arith.constant 0 : i32
      %dma_wait3A_244 = tpu.memref_slice %arg2[%dma_wait3A_242, %dma_wait3A_243] : memref<100000x16xf32, #tpu.memory_space<hbm>> -> memref<128x16xf32, #tpu.memory_space<hbm>>
      %dma_wait3A_245 = arith.constant 0 : i32
      %dma_wait3A_246 = arith.constant 0 : i32
      %dma_wait3A_247 = tpu.memref_slice %arg10[%dma_wait3A_245, %dma_wait3A_246] : memref<640x16xf32, #tpu.memory_space<vmem>> -> memref<128x16xf32, #tpu.memory_space<vmem>>
      %dma_wait3A_248 = arith.constant 0 : i32
      %dma_wait3A_249 = arith.constant 0 : i32
      %dma_wait3A_250 = tpu.memref_slice %arg2[%dma_wait3A_248, %dma_wait3A_249] : memref<100000x16xf32, #tpu.memory_space<hbm>> -> memref<128x16xf32, #tpu.memory_space<hbm>>
      tpu.wait_dma2 semaphore(%arg13 : memref<!tpu.dma_semaphore, #tpu.memory_space<semaphore_mem>>) src(%dma_wait3A_250 : memref<128x16xf32, #tpu.memory_space<hbm>>) dst(%dma_wait3A_247 : memref<128x16xf32, #tpu.memory_space<vmem>>)
      %dma_start3A_251 = arith.constant 0 : i32
      %dma_start3A_252 = arith.constant 0 : i32
      %dma_start3A_253 = arith.constant 0 : i32
      %dma_start3A_254 = tpu.memref_slice %arg10[%dma_start3A_252, %dma_start3A_253] : memref<640x16xf32, #tpu.memory_space<vmem>> -> memref<128x16xf32, #tpu.memory_space<vmem>>
      %dma_start3A_255 = arith.constant 0 : i32
      %dma_start3A_256 = tpu.memref_slice %arg7[%dma_start3A_251, %dma_start3A_255] : memref<5x128xi32, #tpu.memory_space<vmem>> -> memref<1x128xi32, #tpu.memory_space<vmem>>
      %dma_start3A_257 = tpu.memref_squeeze %dma_start3A_256 : memref<1x128xi32, #tpu.memory_space<vmem>> -> memref<128xi32, #tpu.memory_space<vmem>>
      %dma_start3A_258 = arith.constant 0 : i32
      %dma_start3A_259 = arith.constant 0 : i32
      %dma_start3A_260 = tpu.memref_slice %arg5[%dma_start3A_258, %dma_start3A_259] : memref<100096x16xf32, #tpu.memory_space<vmem_shared>> -> memref<100096x16xf32, #tpu.memory_space<vmem_shared>>
      tpu.enqueue_indirect_dma source(%dma_start3A_254 : memref<128x16xf32, #tpu.memory_space<vmem>>) target(%dma_start3A_260 : memref<100096x16xf32, #tpu.memory_space<vmem_shared>>) offsets(%dma_start3A_257 : memref<128xi32, #tpu.memory_space<vmem>>) semaphore(%arg14 : memref<!tpu.dma_semaphore, #tpu.memory_space<semaphore_mem>>) {add = true}
      %dma_start3A_261 = arith.constant 1 : i32
      %dma_start3A_262 = arith.constant 128 : i32
      %dma_start3A_263 = arith.constant 0 : i32
      %dma_start3A_264 = tpu.memref_slice %arg10[%dma_start3A_262, %dma_start3A_263] : memref<640x16xf32, #tpu.memory_space<vmem>> -> memref<128x16xf32, #tpu.memory_space<vmem>>
      %dma_start3A_265 = arith.constant 0 : i32
      %dma_start3A_266 = tpu.memref_slice %arg7[%dma_start3A_261, %dma_start3A_265] : memref<5x128xi32, #tpu.memory_space<vmem>> -> memref<1x128xi32, #tpu.memory_space<vmem>>
      %dma_start3A_267 = tpu.memref_squeeze %dma_start3A_266 : memref<1x128xi32, #tpu.memory_space<vmem>> -> memref<128xi32, #tpu.memory_space<vmem>>
      %dma_start3A_268 = arith.constant 0 : i32
      %dma_start3A_269 = arith.constant 0 : i32
      %dma_start3A_270 = tpu.memref_slice %arg5[%dma_start3A_268, %dma_start3A_269] : memref<100096x16xf32, #tpu.memory_space<vmem_shared>> -> memref<100096x16xf32, #tpu.memory_space<vmem_shared>>
      tpu.enqueue_indirect_dma source(%dma_start3A_264 : memref<128x16xf32, #tpu.memory_space<vmem>>) target(%dma_start3A_270 : memref<100096x16xf32, #tpu.memory_space<vmem_shared>>) offsets(%dma_start3A_267 : memref<128xi32, #tpu.memory_space<vmem>>) semaphore(%arg14 : memref<!tpu.dma_semaphore, #tpu.memory_space<semaphore_mem>>) {add = true}
      %dma_start3A_271 = arith.constant 2 : i32
      %dma_start3A_272 = arith.constant 256 : i32
      %dma_start3A_273 = arith.constant 0 : i32
      %dma_start3A_274 = tpu.memref_slice %arg10[%dma_start3A_272, %dma_start3A_273] : memref<640x16xf32, #tpu.memory_space<vmem>> -> memref<128x16xf32, #tpu.memory_space<vmem>>
      %dma_start3A_275 = arith.constant 0 : i32
      %dma_start3A_276 = tpu.memref_slice %arg7[%dma_start3A_271, %dma_start3A_275] : memref<5x128xi32, #tpu.memory_space<vmem>> -> memref<1x128xi32, #tpu.memory_space<vmem>>
      %dma_start3A_277 = tpu.memref_squeeze %dma_start3A_276 : memref<1x128xi32, #tpu.memory_space<vmem>> -> memref<128xi32, #tpu.memory_space<vmem>>
      %dma_start3A_278 = arith.constant 0 : i32
      %dma_start3A_279 = arith.constant 0 : i32
      %dma_start3A_280 = tpu.memref_slice %arg5[%dma_start3A_278, %dma_start3A_279] : memref<100096x16xf32, #tpu.memory_space<vmem_shared>> -> memref<100096x16xf32, #tpu.memory_space<vmem_shared>>
      tpu.enqueue_indirect_dma source(%dma_start3A_274 : memref<128x16xf32, #tpu.memory_space<vmem>>) target(%dma_start3A_280 : memref<100096x16xf32, #tpu.memory_space<vmem_shared>>) offsets(%dma_start3A_277 : memref<128xi32, #tpu.memory_space<vmem>>) semaphore(%arg14 : memref<!tpu.dma_semaphore, #tpu.memory_space<semaphore_mem>>) {add = true}
      %dma_start3A_281 = arith.constant 3 : i32
      %dma_start3A_282 = arith.constant 384 : i32
      %dma_start3A_283 = arith.constant 0 : i32
      %dma_start3A_284 = tpu.memref_slice %arg10[%dma_start3A_282, %dma_start3A_283] : memref<640x16xf32, #tpu.memory_space<vmem>> -> memref<128x16xf32, #tpu.memory_space<vmem>>
      %dma_start3A_285 = arith.constant 0 : i32
      %dma_start3A_286 = tpu.memref_slice %arg7[%dma_start3A_281, %dma_start3A_285] : memref<5x128xi32, #tpu.memory_space<vmem>> -> memref<1x128xi32, #tpu.memory_space<vmem>>
      %dma_start3A_287 = tpu.memref_squeeze %dma_start3A_286 : memref<1x128xi32, #tpu.memory_space<vmem>> -> memref<128xi32, #tpu.memory_space<vmem>>
      %dma_start3A_288 = arith.constant 0 : i32
      %dma_start3A_289 = arith.constant 0 : i32
      %dma_start3A_290 = tpu.memref_slice %arg5[%dma_start3A_288, %dma_start3A_289] : memref<100096x16xf32, #tpu.memory_space<vmem_shared>> -> memref<100096x16xf32, #tpu.memory_space<vmem_shared>>
      tpu.enqueue_indirect_dma source(%dma_start3A_284 : memref<128x16xf32, #tpu.memory_space<vmem>>) target(%dma_start3A_290 : memref<100096x16xf32, #tpu.memory_space<vmem_shared>>) offsets(%dma_start3A_287 : memref<128xi32, #tpu.memory_space<vmem>>) semaphore(%arg14 : memref<!tpu.dma_semaphore, #tpu.memory_space<semaphore_mem>>) {add = true}
      %dma_start3A_291 = arith.constant 4 : i32
      %dma_start3A_292 = arith.constant 512 : i32
      %dma_start3A_293 = arith.constant 0 : i32
      %dma_start3A_294 = tpu.memref_slice %arg10[%dma_start3A_292, %dma_start3A_293] : memref<640x16xf32, #tpu.memory_space<vmem>> -> memref<128x16xf32, #tpu.memory_space<vmem>>
      %dma_start3A_295 = arith.constant 0 : i32
      %dma_start3A_296 = tpu.memref_slice %arg7[%dma_start3A_291, %dma_start3A_295] : memref<5x128xi32, #tpu.memory_space<vmem>> -> memref<1x128xi32, #tpu.memory_space<vmem>>
      %dma_start3A_297 = tpu.memref_squeeze %dma_start3A_296 : memref<1x128xi32, #tpu.memory_space<vmem>> -> memref<128xi32, #tpu.memory_space<vmem>>
      %dma_start3A_298 = arith.constant 0 : i32
      %dma_start3A_299 = arith.constant 0 : i32
      %dma_start3A_300 = tpu.memref_slice %arg5[%dma_start3A_298, %dma_start3A_299] : memref<100096x16xf32, #tpu.memory_space<vmem_shared>> -> memref<100096x16xf32, #tpu.memory_space<vmem_shared>>
      tpu.enqueue_indirect_dma source(%dma_start3A_294 : memref<128x16xf32, #tpu.memory_space<vmem>>) target(%dma_start3A_300 : memref<100096x16xf32, #tpu.memory_space<vmem_shared>>) offsets(%dma_start3A_297 : memref<128xi32, #tpu.memory_space<vmem>>) semaphore(%arg14 : memref<!tpu.dma_semaphore, #tpu.memory_space<semaphore_mem>>) {add = true}
      %dma_wait3A_301 = arith.constant 0 : i32
      %dma_wait3A_302 = arith.constant 0 : i32
      %dma_wait3A_303 = arith.constant 0 : i32
      %dma_wait3A_304 = tpu.memref_slice %arg3[%dma_wait3A_301, %dma_wait3A_302, %dma_wait3A_303] : memref<2x12500x128xi32, #tpu.memory_space<hbm>> -> memref<1x12500x128xi32, #tpu.memory_space<hbm>>
      %dma_wait3A_305 = tpu.memref_squeeze %dma_wait3A_304 : memref<1x12500x128xi32, #tpu.memory_space<hbm>> -> memref<12500x128xi32, #tpu.memory_space<hbm>>
      %dma_wait3A_306 = arith.constant 0 : i32
      %dma_wait3A_307 = arith.constant 0 : i32
      %dma_wait3A_308 = tpu.memref_slice %dma_wait3A_305[%dma_wait3A_306, %dma_wait3A_307] : memref<12500x128xi32, #tpu.memory_space<hbm>> -> memref<5x128xi32, #tpu.memory_space<hbm>>
      %dma_wait3A_309 = arith.constant 0 : i32
      %dma_wait3A_310 = arith.constant 0 : i32
      %dma_wait3A_311 = tpu.memref_slice %arg3[%dma_wait3A_301, %dma_wait3A_309, %dma_wait3A_310] : memref<2x12500x128xi32, #tpu.memory_space<hbm>> -> memref<1x12500x128xi32, #tpu.memory_space<hbm>>
      %dma_wait3A_312 = tpu.memref_squeeze %dma_wait3A_311 : memref<1x12500x128xi32, #tpu.memory_space<hbm>> -> memref<12500x128xi32, #tpu.memory_space<hbm>>
      %dma_wait3A_313 = arith.constant 0 : i32
      %dma_wait3A_314 = arith.constant 0 : i32
      %dma_wait3A_315 = tpu.memref_slice %dma_wait3A_312[%dma_wait3A_313, %dma_wait3A_314] : memref<12500x128xi32, #tpu.memory_space<hbm>> -> memref<5x128xi32, #tpu.memory_space<hbm>>
      tpu.wait_dma2 semaphore(%arg15 : memref<!tpu.dma_semaphore, #tpu.memory_space<semaphore_mem>>) src(%dma_wait3A_315 : memref<5x128xi32, #tpu.memory_space<hbm>>) dst(%arg6 : memref<5x128xi32, #tpu.memory_space<vmem>>)
      %dma_wait3A_316 = arith.constant 0 : i32
      %dma_wait3A_317 = arith.constant 0 : i32
      %dma_wait3A_318 = arith.constant 0 : i32
      %dma_wait3A_319 = tpu.memref_slice %arg3[%dma_wait3A_316, %dma_wait3A_317, %dma_wait3A_318] : memref<2x12500x128xi32, #tpu.memory_space<hbm>> -> memref<1x12500x128xi32, #tpu.memory_space<hbm>>
      %dma_wait3A_320 = tpu.memref_squeeze %dma_wait3A_319 : memref<1x12500x128xi32, #tpu.memory_space<hbm>> -> memref<12500x128xi32, #tpu.memory_space<hbm>>
      %dma_wait3A_321 = arith.constant 0 : i32
      %dma_wait3A_322 = arith.constant 0 : i32
      %dma_wait3A_323 = tpu.memref_slice %dma_wait3A_320[%dma_wait3A_321, %dma_wait3A_322] : memref<12500x128xi32, #tpu.memory_space<hbm>> -> memref<5x128xi32, #tpu.memory_space<hbm>>
      %dma_wait3A_324 = arith.constant 0 : i32
      %dma_wait3A_325 = arith.constant 0 : i32
      %dma_wait3A_326 = tpu.memref_slice %arg3[%dma_wait3A_316, %dma_wait3A_324, %dma_wait3A_325] : memref<2x12500x128xi32, #tpu.memory_space<hbm>> -> memref<1x12500x128xi32, #tpu.memory_space<hbm>>
      %dma_wait3A_327 = tpu.memref_squeeze %dma_wait3A_326 : memref<1x12500x128xi32, #tpu.memory_space<hbm>> -> memref<12500x128xi32, #tpu.memory_space<hbm>>
      %dma_wait3A_328 = arith.constant 0 : i32
      %dma_wait3A_329 = arith.constant 0 : i32
      %dma_wait3A_330 = tpu.memref_slice %dma_wait3A_327[%dma_wait3A_328, %dma_wait3A_329] : memref<12500x128xi32, #tpu.memory_space<hbm>> -> memref<5x128xi32, #tpu.memory_space<hbm>>
      tpu.wait_dma2 semaphore(%arg15 : memref<!tpu.dma_semaphore, #tpu.memory_space<semaphore_mem>>) src(%dma_wait3A_330 : memref<5x128xi32, #tpu.memory_space<hbm>>) dst(%arg6 : memref<5x128xi32, #tpu.memory_space<vmem>>)
      %dma_start3A_331 = arith.constant 0 : i32
      %dma_start3A_332 = arith.constant 0 : i32
      %dma_start3A_333 = arith.constant 0 : i32
      %dma_start3A_334 = tpu.memref_slice %arg11[%dma_start3A_332, %dma_start3A_333] : memref<640x16xf32, #tpu.memory_space<vmem>> -> memref<128x16xf32, #tpu.memory_space<vmem>>
      %dma_start3A_335 = arith.constant 0 : i32
      %dma_start3A_336 = tpu.memref_slice %arg8[%dma_start3A_331, %dma_start3A_335] : memref<5x128xi32, #tpu.memory_space<vmem>> -> memref<1x128xi32, #tpu.memory_space<vmem>>
      %dma_start3A_337 = tpu.memref_squeeze %dma_start3A_336 : memref<1x128xi32, #tpu.memory_space<vmem>> -> memref<128xi32, #tpu.memory_space<vmem>>
      %dma_start3A_338 = arith.constant 0 : i32
      %dma_start3A_339 = arith.constant 0 : i32
      %dma_start3A_340 = tpu.memref_slice %arg2[%dma_start3A_338, %dma_start3A_339] : memref<100000x16xf32, #tpu.memory_space<hbm>> -> memref<100000x16xf32, #tpu.memory_space<hbm>>
      tpu.enqueue_indirect_dma source(%dma_start3A_340 : memref<100000x16xf32, #tpu.memory_space<hbm>>) target(%dma_start3A_334 : memref<128x16xf32, #tpu.memory_space<vmem>>) offsets(%dma_start3A_337 : memref<128xi32, #tpu.memory_space<vmem>>) semaphore(%arg13 : memref<!tpu.dma_semaphore, #tpu.memory_space<semaphore_mem>>)
      %dma_start3A_341 = arith.constant 1 : i32
      %dma_start3A_342 = arith.constant 128 : i32
      %dma_start3A_343 = arith.constant 0 : i32
      %dma_start3A_344 = tpu.memref_slice %arg11[%dma_start3A_342, %dma_start3A_343] : memref<640x16xf32, #tpu.memory_space<vmem>> -> memref<128x16xf32, #tpu.memory_space<vmem>>
      %dma_start3A_345 = arith.constant 0 : i32
      %dma_start3A_346 = tpu.memref_slice %arg8[%dma_start3A_341, %dma_start3A_345] : memref<5x128xi32, #tpu.memory_space<vmem>> -> memref<1x128xi32, #tpu.memory_space<vmem>>
      %dma_start3A_347 = tpu.memref_squeeze %dma_start3A_346 : memref<1x128xi32, #tpu.memory_space<vmem>> -> memref<128xi32, #tpu.memory_space<vmem>>
      %dma_start3A_348 = arith.constant 0 : i32
      %dma_start3A_349 = arith.constant 0 : i32
      %dma_start3A_350 = tpu.memref_slice %arg2[%dma_start3A_348, %dma_start3A_349] : memref<100000x16xf32, #tpu.memory_space<hbm>> -> memref<100000x16xf32, #tpu.memory_space<hbm>>
      tpu.enqueue_indirect_dma source(%dma_start3A_350 : memref<100000x16xf32, #tpu.memory_space<hbm>>) target(%dma_start3A_344 : memref<128x16xf32, #tpu.memory_space<vmem>>) offsets(%dma_start3A_347 : memref<128xi32, #tpu.memory_space<vmem>>) semaphore(%arg13 : memref<!tpu.dma_semaphore, #tpu.memory_space<semaphore_mem>>)
      %dma_start3A_351 = arith.constant 2 : i32
      %dma_start3A_352 = arith.constant 256 : i32
      %dma_start3A_353 = arith.constant 0 : i32
      %dma_start3A_354 = tpu.memref_slice %arg11[%dma_start3A_352, %dma_start3A_353] : memref<640x16xf32, #tpu.memory_space<vmem>> -> memref<128x16xf32, #tpu.memory_space<vmem>>
      %dma_start3A_355 = arith.constant 0 : i32
      %dma_start3A_356 = tpu.memref_slice %arg8[%dma_start3A_351, %dma_start3A_355] : memref<5x128xi32, #tpu.memory_space<vmem>> -> memref<1x128xi32, #tpu.memory_space<vmem>>
      %dma_start3A_357 = tpu.memref_squeeze %dma_start3A_356 : memref<1x128xi32, #tpu.memory_space<vmem>> -> memref<128xi32, #tpu.memory_space<vmem>>
      %dma_start3A_358 = arith.constant 0 : i32
      %dma_start3A_359 = arith.constant 0 : i32
      %dma_start3A_360 = tpu.memref_slice %arg2[%dma_start3A_358, %dma_start3A_359] : memref<100000x16xf32, #tpu.memory_space<hbm>> -> memref<100000x16xf32, #tpu.memory_space<hbm>>
      tpu.enqueue_indirect_dma source(%dma_start3A_360 : memref<100000x16xf32, #tpu.memory_space<hbm>>) target(%dma_start3A_354 : memref<128x16xf32, #tpu.memory_space<vmem>>) offsets(%dma_start3A_357 : memref<128xi32, #tpu.memory_space<vmem>>) semaphore(%arg13 : memref<!tpu.dma_semaphore, #tpu.memory_space<semaphore_mem>>)
      %dma_start3A_361 = arith.constant 3 : i32
      %dma_start3A_362 = arith.constant 384 : i32
      %dma_start3A_363 = arith.constant 0 : i32
      %dma_start3A_364 = tpu.memref_slice %arg11[%dma_start3A_362, %dma_start3A_363] : memref<640x16xf32, #tpu.memory_space<vmem>> -> memref<128x16xf32, #tpu.memory_space<vmem>>
      %dma_start3A_365 = arith.constant 0 : i32
      %dma_start3A_366 = tpu.memref_slice %arg8[%dma_start3A_361, %dma_start3A_365] : memref<5x128xi32, #tpu.memory_space<vmem>> -> memref<1x128xi32, #tpu.memory_space<vmem>>
      %dma_start3A_367 = tpu.memref_squeeze %dma_start3A_366 : memref<1x128xi32, #tpu.memory_space<vmem>> -> memref<128xi32, #tpu.memory_space<vmem>>
      %dma_start3A_368 = arith.constant 0 : i32
      %dma_start3A_369 = arith.constant 0 : i32
      %dma_start3A_370 = tpu.memref_slice %arg2[%dma_start3A_368, %dma_start3A_369] : memref<100000x16xf32, #tpu.memory_space<hbm>> -> memref<100000x16xf32, #tpu.memory_space<hbm>>
      tpu.enqueue_indirect_dma source(%dma_start3A_370 : memref<100000x16xf32, #tpu.memory_space<hbm>>) target(%dma_start3A_364 : memref<128x16xf32, #tpu.memory_space<vmem>>) offsets(%dma_start3A_367 : memref<128xi32, #tpu.memory_space<vmem>>) semaphore(%arg13 : memref<!tpu.dma_semaphore, #tpu.memory_space<semaphore_mem>>)
      %dma_start3A_371 = arith.constant 4 : i32
      %dma_start3A_372 = arith.constant 512 : i32
      %dma_start3A_373 = arith.constant 0 : i32
      %dma_start3A_374 = tpu.memref_slice %arg11[%dma_start3A_372, %dma_start3A_373] : memref<640x16xf32, #tpu.memory_space<vmem>> -> memref<128x16xf32, #tpu.memory_space<vmem>>
      %dma_start3A_375 = arith.constant 0 : i32
      %dma_start3A_376 = tpu.memref_slice %arg8[%dma_start3A_371, %dma_start3A_375] : memref<5x128xi32, #tpu.memory_space<vmem>> -> memref<1x128xi32, #tpu.memory_space<vmem>>
      %dma_start3A_377 = tpu.memref_squeeze %dma_start3A_376 : memref<1x128xi32, #tpu.memory_space<vmem>> -> memref<128xi32, #tpu.memory_space<vmem>>
      %dma_start3A_378 = arith.constant 0 : i32
      %dma_start3A_379 = arith.constant 0 : i32
      %dma_start3A_380 = tpu.memref_slice %arg2[%dma_start3A_378, %dma_start3A_379] : memref<100000x16xf32, #tpu.memory_space<hbm>> -> memref<100000x16xf32, #tpu.memory_space<hbm>>
      tpu.enqueue_indirect_dma source(%dma_start3A_380 : memref<100000x16xf32, #tpu.memory_space<hbm>>) target(%dma_start3A_374 : memref<128x16xf32, #tpu.memory_space<vmem>>) offsets(%dma_start3A_377 : memref<128xi32, #tpu.memory_space<vmem>>) semaphore(%arg13 : memref<!tpu.dma_semaphore, #tpu.memory_space<semaphore_mem>>)
      %dma_wait3A_381 = arith.constant 0 : i32
      %dma_wait3A_382 = arith.constant 0 : i32
      %dma_wait3A_383 = tpu.memref_slice %arg10[%dma_wait3A_381, %dma_wait3A_382] : memref<640x16xf32, #tpu.memory_space<vmem>> -> memref<128x16xf32, #tpu.memory_space<vmem>>
      %dma_wait3A_384 = arith.constant 0 : i32
      %dma_wait3A_385 = arith.constant 0 : i32
      %dma_wait3A_386 = tpu.memref_slice %arg2[%dma_wait3A_384, %dma_wait3A_385] : memref<100000x16xf32, #tpu.memory_space<hbm>> -> memref<128x16xf32, #tpu.memory_space<hbm>>
      %dma_wait3A_387 = arith.constant 0 : i32
      %dma_wait3A_388 = arith.constant 0 : i32
      %dma_wait3A_389 = tpu.memref_slice %arg10[%dma_wait3A_387, %dma_wait3A_388] : memref<640x16xf32, #tpu.memory_space<vmem>> -> memref<128x16xf32, #tpu.memory_space<vmem>>
      %dma_wait3A_390 = arith.constant 0 : i32
      %dma_wait3A_391 = arith.constant 0 : i32
      %dma_wait3A_392 = tpu.memref_slice %arg2[%dma_wait3A_390, %dma_wait3A_391] : memref<100000x16xf32, #tpu.memory_space<hbm>> -> memref<128x16xf32, #tpu.memory_space<hbm>>
      tpu.wait_dma2 semaphore(%arg14 : memref<!tpu.dma_semaphore, #tpu.memory_space<semaphore_mem>>) src(%dma_wait3A_392 : memref<128x16xf32, #tpu.memory_space<hbm>>) dst(%dma_wait3A_389 : memref<128x16xf32, #tpu.memory_space<vmem>>)
      %dma_wait3A_393 = arith.constant 0 : i32
      %dma_wait3A_394 = arith.constant 0 : i32
      %dma_wait3A_395 = tpu.memref_slice %arg10[%dma_wait3A_393, %dma_wait3A_394] : memref<640x16xf32, #tpu.memory_space<vmem>> -> memref<128x16xf32, #tpu.memory_space<vmem>>
      %dma_wait3A_396 = arith.constant 0 : i32
      %dma_wait3A_397 = arith.constant 0 : i32
      %dma_wait3A_398 = tpu.memref_slice %arg2[%dma_wait3A_396, %dma_wait3A_397] : memref<100000x16xf32, #tpu.memory_space<hbm>> -> memref<128x16xf32, #tpu.memory_space<hbm>>
      %dma_wait3A_399 = arith.constant 0 : i32
      %dma_wait3A_400 = arith.constant 0 : i32
      %dma_wait3A_401 = tpu.memref_slice %arg10[%dma_wait3A_399, %dma_wait3A_400] : memref<640x16xf32, #tpu.memory_space<vmem>> -> memref<128x16xf32, #tpu.memory_space<vmem>>
      %dma_wait3A_402 = arith.constant 0 : i32
      %dma_wait3A_403 = arith.constant 0 : i32
      %dma_wait3A_404 = tpu.memref_slice %arg2[%dma_wait3A_402, %dma_wait3A_403] : memref<100000x16xf32, #tpu.memory_space<hbm>> -> memref<128x16xf32, #tpu.memory_space<hbm>>
      tpu.wait_dma2 semaphore(%arg14 : memref<!tpu.dma_semaphore, #tpu.memory_space<semaphore_mem>>) src(%dma_wait3A_404 : memref<128x16xf32, #tpu.memory_space<hbm>>) dst(%dma_wait3A_401 : memref<128x16xf32, #tpu.memory_space<vmem>>)
      %dma_wait3A_405 = arith.constant 0 : i32
      %dma_wait3A_406 = arith.constant 0 : i32
      %dma_wait3A_407 = tpu.memref_slice %arg10[%dma_wait3A_405, %dma_wait3A_406] : memref<640x16xf32, #tpu.memory_space<vmem>> -> memref<128x16xf32, #tpu.memory_space<vmem>>
      %dma_wait3A_408 = arith.constant 0 : i32
      %dma_wait3A_409 = arith.constant 0 : i32
      %dma_wait3A_410 = tpu.memref_slice %arg2[%dma_wait3A_408, %dma_wait3A_409] : memref<100000x16xf32, #tpu.memory_space<hbm>> -> memref<128x16xf32, #tpu.memory_space<hbm>>
      %dma_wait3A_411 = arith.constant 0 : i32
      %dma_wait3A_412 = arith.constant 0 : i32
      %dma_wait3A_413 = tpu.memref_slice %arg10[%dma_wait3A_411, %dma_wait3A_412] : memref<640x16xf32, #tpu.memory_space<vmem>> -> memref<128x16xf32, #tpu.memory_space<vmem>>
      %dma_wait3A_414 = arith.constant 0 : i32
      %dma_wait3A_415 = arith.constant 0 : i32
      %dma_wait3A_416 = tpu.memref_slice %arg2[%dma_wait3A_414, %dma_wait3A_415] : memref<100000x16xf32, #tpu.memory_space<hbm>> -> memref<128x16xf32, #tpu.memory_space<hbm>>
      tpu.wait_dma2 semaphore(%arg14 : memref<!tpu.dma_semaphore, #tpu.memory_space<semaphore_mem>>) src(%dma_wait3A_416 : memref<128x16xf32, #tpu.memory_space<hbm>>) dst(%dma_wait3A_413 : memref<128x16xf32, #tpu.memory_space<vmem>>)
      %dma_wait3A_417 = arith.constant 0 : i32
      %dma_wait3A_418 = arith.constant 0 : i32
      %dma_wait3A_419 = tpu.memref_slice %arg10[%dma_wait3A_417, %dma_wait3A_418] : memref<640x16xf32, #tpu.memory_space<vmem>> -> memref<128x16xf32, #tpu.memory_space<vmem>>
      %dma_wait3A_420 = arith.constant 0 : i32
      %dma_wait3A_421 = arith.constant 0 : i32
      %dma_wait3A_422 = tpu.memref_slice %arg2[%dma_wait3A_420, %dma_wait3A_421] : memref<100000x16xf32, #tpu.memory_space<hbm>> -> memref<128x16xf32, #tpu.memory_space<hbm>>
      %dma_wait3A_423 = arith.constant 0 : i32
      %dma_wait3A_424 = arith.constant 0 : i32
      %dma_wait3A_425 = tpu.memref_slice %arg10[%dma_wait3A_423, %dma_wait3A_424] : memref<640x16xf32, #tpu.memory_space<vmem>> -> memref<128x16xf32, #tpu.memory_space<vmem>>
      %dma_wait3A_426 = arith.constant 0 : i32
      %dma_wait3A_427 = arith.constant 0 : i32
      %dma_wait3A_428 = tpu.memref_slice %arg2[%dma_wait3A_426, %dma_wait3A_427] : memref<100000x16xf32, #tpu.memory_space<hbm>> -> memref<128x16xf32, #tpu.memory_space<hbm>>
      tpu.wait_dma2 semaphore(%arg14 : memref<!tpu.dma_semaphore, #tpu.memory_space<semaphore_mem>>) src(%dma_wait3A_428 : memref<128x16xf32, #tpu.memory_space<hbm>>) dst(%dma_wait3A_425 : memref<128x16xf32, #tpu.memory_space<vmem>>)
      %dma_wait3A_429 = arith.constant 0 : i32
      %dma_wait3A_430 = arith.constant 0 : i32
      %dma_wait3A_431 = tpu.memref_slice %arg10[%dma_wait3A_429, %dma_wait3A_430] : memref<640x16xf32, #tpu.memory_space<vmem>> -> memref<128x16xf32, #tpu.memory_space<vmem>>
      %dma_wait3A_432 = arith.constant 0 : i32
      %dma_wait3A_433 = arith.constant 0 : i32
      %dma_wait3A_434 = tpu.memref_slice %arg2[%dma_wait3A_432, %dma_wait3A_433] : memref<100000x16xf32, #tpu.memory_space<hbm>> -> memref<128x16xf32, #tpu.memory_space<hbm>>
      %dma_wait3A_435 = arith.constant 0 : i32
      %dma_wait3A_436 = arith.constant 0 : i32
      %dma_wait3A_437 = tpu.memref_slice %arg10[%dma_wait3A_435, %dma_wait3A_436] : memref<640x16xf32, #tpu.memory_space<vmem>> -> memref<128x16xf32, #tpu.memory_space<vmem>>
      %dma_wait3A_438 = arith.constant 0 : i32
      %dma_wait3A_439 = arith.constant 0 : i32
      %dma_wait3A_440 = tpu.memref_slice %arg2[%dma_wait3A_438, %dma_wait3A_439] : memref<100000x16xf32, #tpu.memory_space<hbm>> -> memref<128x16xf32, #tpu.memory_space<hbm>>
      tpu.wait_dma2 semaphore(%arg14 : memref<!tpu.dma_semaphore, #tpu.memory_space<semaphore_mem>>) src(%dma_wait3A_440 : memref<128x16xf32, #tpu.memory_space<hbm>>) dst(%dma_wait3A_437 : memref<128x16xf32, #tpu.memory_space<vmem>>)
      %lt3A_441 = arith.constant 38 : i32
      %lt3A_442 = arith.cmpi slt, %scan3A_155, %lt3A_441 : i32
      %convert_element_type3A_443 = arith.extui %lt3A_442 : i1 to i32
      %cond3A_444 = arith.constant 0 : i32
      %cond3A_445 = arith.cmpi ne, %convert_element_type3A_443, %cond3A_444 : i32
      scf.if %cond3A_445 {
        %mul3A_561 = arith.constant 2 : i32
        %mul3A_562 = arith.muli %mul3A_561, %scan3A_155 : i32
        %add3A_563 = arith.constant 2 : i32
        %add3A_564 = arith.addi %mul3A_562, %add3A_563 : i32
        %mul3A_565 = arith.constant 5 : i32
        %mul3A_566 = arith.muli %add3A_564, %mul3A_565 : i32
        %add3A_567 = arith.addi %add3A_19, %mul3A_566 : i32
        %dma_start3A_568 = arith.constant 0 : i32
        %dma_start3A_569 = arith.constant 0 : i32
        %dma_start3A_570 = arith.constant 0 : i32
        %dma_start3A_571 = tpu.memref_slice %arg3[%dma_start3A_568, %dma_start3A_569, %dma_start3A_570] : memref<2x12500x128xi32, #tpu.memory_space<hbm>> -> memref<1x12500x128xi32, #tpu.memory_space<hbm>>
        %dma_start3A_572 = tpu.memref_squeeze %dma_start3A_571 : memref<1x12500x128xi32, #tpu.memory_space<hbm>> -> memref<12500x128xi32, #tpu.memory_space<hbm>>
        %dma_start3A_573 = arith.constant 0 : i32
        %dma_start3A_574 = tpu.memref_slice %dma_start3A_572[%add3A_567, %dma_start3A_573] : memref<12500x128xi32, #tpu.memory_space<hbm>> -> memref<5x128xi32, #tpu.memory_space<hbm>>
        %dma_start3A_575 = arith.constant 0 : i32
        %dma_start3A_576 = arith.constant 0 : i32
        %dma_start3A_577 = tpu.memref_slice %arg3[%dma_start3A_568, %dma_start3A_575, %dma_start3A_576] : memref<2x12500x128xi32, #tpu.memory_space<hbm>> -> memref<1x12500x128xi32, #tpu.memory_space<hbm>>
        %dma_start3A_578 = tpu.memref_squeeze %dma_start3A_577 : memref<1x12500x128xi32, #tpu.memory_space<hbm>> -> memref<12500x128xi32, #tpu.memory_space<hbm>>
        %dma_start3A_579 = arith.constant 0 : i32
        %dma_start3A_580 = tpu.memref_slice %dma_start3A_578[%add3A_567, %dma_start3A_579] : memref<12500x128xi32, #tpu.memory_space<hbm>> -> memref<5x128xi32, #tpu.memory_space<hbm>>
        tpu.enqueue_dma source(%dma_start3A_580 : memref<5x128xi32, #tpu.memory_space<hbm>>) target(%arg6 : memref<5x128xi32, #tpu.memory_space<vmem>>) target_semaphore(%arg15 : memref<!tpu.dma_semaphore, #tpu.memory_space<semaphore_mem>>)
        %dma_start3A_581 = arith.constant 1 : i32
        %dma_start3A_582 = arith.constant 0 : i32
        %dma_start3A_583 = arith.constant 0 : i32
        %dma_start3A_584 = tpu.memref_slice %arg3[%dma_start3A_581, %dma_start3A_582, %dma_start3A_583] : memref<2x12500x128xi32, #tpu.memory_space<hbm>> -> memref<1x12500x128xi32, #tpu.memory_space<hbm>>
        %dma_start3A_585 = tpu.memref_squeeze %dma_start3A_584 : memref<1x12500x128xi32, #tpu.memory_space<hbm>> -> memref<12500x128xi32, #tpu.memory_space<hbm>>
        %dma_start3A_586 = arith.constant 0 : i32
        %dma_start3A_587 = tpu.memref_slice %dma_start3A_585[%add3A_567, %dma_start3A_586] : memref<12500x128xi32, #tpu.memory_space<hbm>> -> memref<5x128xi32, #tpu.memory_space<hbm>>
        %dma_start3A_588 = arith.constant 0 : i32
        %dma_start3A_589 = arith.constant 0 : i32
        %dma_start3A_590 = tpu.memref_slice %arg3[%dma_start3A_581, %dma_start3A_588, %dma_start3A_589] : memref<2x12500x128xi32, #tpu.memory_space<hbm>> -> memref<1x12500x128xi32, #tpu.memory_space<hbm>>
        %dma_start3A_591 = tpu.memref_squeeze %dma_start3A_590 : memref<1x12500x128xi32, #tpu.memory_space<hbm>> -> memref<12500x128xi32, #tpu.memory_space<hbm>>
        %dma_start3A_592 = arith.constant 0 : i32
        %dma_start3A_593 = tpu.memref_slice %dma_start3A_591[%add3A_567, %dma_start3A_592] : memref<12500x128xi32, #tpu.memory_space<hbm>> -> memref<5x128xi32, #tpu.memory_space<hbm>>
        tpu.enqueue_dma source(%dma_start3A_593 : memref<5x128xi32, #tpu.memory_space<hbm>>) target(%arg7 : memref<5x128xi32, #tpu.memory_space<vmem>>) target_semaphore(%arg15 : memref<!tpu.dma_semaphore, #tpu.memory_space<semaphore_mem>>)
      } else {
      }
      %dma_wait3A_446 = arith.constant 0 : i32
      %dma_wait3A_447 = arith.constant 0 : i32
      %dma_wait3A_448 = tpu.memref_slice %arg10[%dma_wait3A_446, %dma_wait3A_447] : memref<640x16xf32, #tpu.memory_space<vmem>> -> memref<128x16xf32, #tpu.memory_space<vmem>>
      %dma_wait3A_449 = arith.constant 0 : i32
      %dma_wait3A_450 = arith.constant 0 : i32
      %dma_wait3A_451 = tpu.memref_slice %arg2[%dma_wait3A_449, %dma_wait3A_450] : memref<100000x16xf32, #tpu.memory_space<hbm>> -> memref<128x16xf32, #tpu.memory_space<hbm>>
      %dma_wait3A_452 = arith.constant 0 : i32
      %dma_wait3A_453 = arith.constant 0 : i32
      %dma_wait3A_454 = tpu.memref_slice %arg10[%dma_wait3A_452, %dma_wait3A_453] : memref<640x16xf32, #tpu.memory_space<vmem>> -> memref<128x16xf32, #tpu.memory_space<vmem>>
      %dma_wait3A_455 = arith.constant 0 : i32
      %dma_wait3A_456 = arith.constant 0 : i32
      %dma_wait3A_457 = tpu.memref_slice %arg2[%dma_wait3A_455, %dma_wait3A_456] : memref<100000x16xf32, #tpu.memory_space<hbm>> -> memref<128x16xf32, #tpu.memory_space<hbm>>
      tpu.wait_dma2 semaphore(%arg13 : memref<!tpu.dma_semaphore, #tpu.memory_space<semaphore_mem>>) src(%dma_wait3A_457 : memref<128x16xf32, #tpu.memory_space<hbm>>) dst(%dma_wait3A_454 : memref<128x16xf32, #tpu.memory_space<vmem>>)
      %dma_wait3A_458 = arith.constant 0 : i32
      %dma_wait3A_459 = arith.constant 0 : i32
      %dma_wait3A_460 = tpu.memref_slice %arg10[%dma_wait3A_458, %dma_wait3A_459] : memref<640x16xf32, #tpu.memory_space<vmem>> -> memref<128x16xf32, #tpu.memory_space<vmem>>
      %dma_wait3A_461 = arith.constant 0 : i32
      %dma_wait3A_462 = arith.constant 0 : i32
      %dma_wait3A_463 = tpu.memref_slice %arg2[%dma_wait3A_461, %dma_wait3A_462] : memref<100000x16xf32, #tpu.memory_space<hbm>> -> memref<128x16xf32, #tpu.memory_space<hbm>>
      %dma_wait3A_464 = arith.constant 0 : i32
      %dma_wait3A_465 = arith.constant 0 : i32
      %dma_wait3A_466 = tpu.memref_slice %arg10[%dma_wait3A_464, %dma_wait3A_465] : memref<640x16xf32, #tpu.memory_space<vmem>> -> memref<128x16xf32, #tpu.memory_space<vmem>>
      %dma_wait3A_467 = arith.constant 0 : i32
      %dma_wait3A_468 = arith.constant 0 : i32
      %dma_wait3A_469 = tpu.memref_slice %arg2[%dma_wait3A_467, %dma_wait3A_468] : memref<100000x16xf32, #tpu.memory_space<hbm>> -> memref<128x16xf32, #tpu.memory_space<hbm>>
      tpu.wait_dma2 semaphore(%arg13 : memref<!tpu.dma_semaphore, #tpu.memory_space<semaphore_mem>>) src(%dma_wait3A_469 : memref<128x16xf32, #tpu.memory_space<hbm>>) dst(%dma_wait3A_466 : memref<128x16xf32, #tpu.memory_space<vmem>>)
      %dma_wait3A_470 = arith.constant 0 : i32
      %dma_wait3A_471 = arith.constant 0 : i32
      %dma_wait3A_472 = tpu.memref_slice %arg10[%dma_wait3A_470, %dma_wait3A_471] : memref<640x16xf32, #tpu.memory_space<vmem>> -> memref<128x16xf32, #tpu.memory_space<vmem>>
      %dma_wait3A_473 = arith.constant 0 : i32
      %dma_wait3A_474 = arith.constant 0 : i32
      %dma_wait3A_475 = tpu.memref_slice %arg2[%dma_wait3A_473, %dma_wait3A_474] : memref<100000x16xf32, #tpu.memory_space<hbm>> -> memref<128x16xf32, #tpu.memory_space<hbm>>
      %dma_wait3A_476 = arith.constant 0 : i32
      %dma_wait3A_477 = arith.constant 0 : i32
      %dma_wait3A_478 = tpu.memref_slice %arg10[%dma_wait3A_476, %dma_wait3A_477] : memref<640x16xf32, #tpu.memory_space<vmem>> -> memref<128x16xf32, #tpu.memory_space<vmem>>
      %dma_wait3A_479 = arith.constant 0 : i32
      %dma_wait3A_480 = arith.constant 0 : i32
      %dma_wait3A_481 = tpu.memref_slice %arg2[%dma_wait3A_479, %dma_wait3A_480] : memref<100000x16xf32, #tpu.memory_space<hbm>> -> memref<128x16xf32, #tpu.memory_space<hbm>>
      tpu.wait_dma2 semaphore(%arg13 : memref<!tpu.dma_semaphore, #tpu.memory_space<semaphore_mem>>) src(%dma_wait3A_481 : memref<128x16xf32, #tpu.memory_space<hbm>>) dst(%dma_wait3A_478 : memref<128x16xf32, #tpu.memory_space<vmem>>)
      %dma_wait3A_482 = arith.constant 0 : i32
      %dma_wait3A_483 = arith.constant 0 : i32
      %dma_wait3A_484 = tpu.memref_slice %arg10[%dma_wait3A_482, %dma_wait3A_483] : memref<640x16xf32, #tpu.memory_space<vmem>> -> memref<128x16xf32, #tpu.memory_space<vmem>>
      %dma_wait3A_485 = arith.constant 0 : i32
      %dma_wait3A_486 = arith.constant 0 : i32
      %dma_wait3A_487 = tpu.memref_slice %arg2[%dma_wait3A_485, %dma_wait3A_486] : memref<100000x16xf32, #tpu.memory_space<hbm>> -> memref<128x16xf32, #tpu.memory_space<hbm>>
      %dma_wait3A_488 = arith.constant 0 : i32
      %dma_wait3A_489 = arith.constant 0 : i32
      %dma_wait3A_490 = tpu.memref_slice %arg10[%dma_wait3A_488, %dma_wait3A_489] : memref<640x16xf32, #tpu.memory_space<vmem>> -> memref<128x16xf32, #tpu.memory_space<vmem>>
      %dma_wait3A_491 = arith.constant 0 : i32
      %dma_wait3A_492 = arith.constant 0 : i32
      %dma_wait3A_493 = tpu.memref_slice %arg2[%dma_wait3A_491, %dma_wait3A_492] : memref<100000x16xf32, #tpu.memory_space<hbm>> -> memref<128x16xf32, #tpu.memory_space<hbm>>
      tpu.wait_dma2 semaphore(%arg13 : memref<!tpu.dma_semaphore, #tpu.memory_space<semaphore_mem>>) src(%dma_wait3A_493 : memref<128x16xf32, #tpu.memory_space<hbm>>) dst(%dma_wait3A_490 : memref<128x16xf32, #tpu.memory_space<vmem>>)
      %dma_wait3A_494 = arith.constant 0 : i32
      %dma_wait3A_495 = arith.constant 0 : i32
      %dma_wait3A_496 = tpu.memref_slice %arg10[%dma_wait3A_494, %dma_wait3A_495] : memref<640x16xf32, #tpu.memory_space<vmem>> -> memref<128x16xf32, #tpu.memory_space<vmem>>
      %dma_wait3A_497 = arith.constant 0 : i32
      %dma_wait3A_498 = arith.constant 0 : i32
      %dma_wait3A_499 = tpu.memref_slice %arg2[%dma_wait3A_497, %dma_wait3A_498] : memref<100000x16xf32, #tpu.memory_space<hbm>> -> memref<128x16xf32, #tpu.memory_space<hbm>>
      %dma_wait3A_500 = arith.constant 0 : i32
      %dma_wait3A_501 = arith.constant 0 : i32
      %dma_wait3A_502 = tpu.memref_slice %arg10[%dma_wait3A_500, %dma_wait3A_501] : memref<640x16xf32, #tpu.memory_space<vmem>> -> memref<128x16xf32, #tpu.memory_space<vmem>>
      %dma_wait3A_503 = arith.constant 0 : i32
      %dma_wait3A_504 = arith.constant 0 : i32
      %dma_wait3A_505 = tpu.memref_slice %arg2[%dma_wait3A_503, %dma_wait3A_504] : memref<100000x16xf32, #tpu.memory_space<hbm>> -> memref<128x16xf32, #tpu.memory_space<hbm>>
      tpu.wait_dma2 semaphore(%arg13 : memref<!tpu.dma_semaphore, #tpu.memory_space<semaphore_mem>>) src(%dma_wait3A_505 : memref<128x16xf32, #tpu.memory_space<hbm>>) dst(%dma_wait3A_502 : memref<128x16xf32, #tpu.memory_space<vmem>>)
      %dma_start3A_506 = arith.constant 0 : i32
      %dma_start3A_507 = arith.constant 0 : i32
      %dma_start3A_508 = arith.constant 0 : i32
      %dma_start3A_509 = tpu.memref_slice %arg11[%dma_start3A_507, %dma_start3A_508] : memref<640x16xf32, #tpu.memory_space<vmem>> -> memref<128x16xf32, #tpu.memory_space<vmem>>
      %dma_start3A_510 = arith.constant 0 : i32
      %dma_start3A_511 = tpu.memref_slice %arg9[%dma_start3A_506, %dma_start3A_510] : memref<5x128xi32, #tpu.memory_space<vmem>> -> memref<1x128xi32, #tpu.memory_space<vmem>>
      %dma_start3A_512 = tpu.memref_squeeze %dma_start3A_511 : memref<1x128xi32, #tpu.memory_space<vmem>> -> memref<128xi32, #tpu.memory_space<vmem>>
      %dma_start3A_513 = arith.constant 0 : i32
      %dma_start3A_514 = arith.constant 0 : i32
      %dma_start3A_515 = tpu.memref_slice %arg5[%dma_start3A_513, %dma_start3A_514] : memref<100096x16xf32, #tpu.memory_space<vmem_shared>> -> memref<100096x16xf32, #tpu.memory_space<vmem_shared>>
      tpu.enqueue_indirect_dma source(%dma_start3A_509 : memref<128x16xf32, #tpu.memory_space<vmem>>) target(%dma_start3A_515 : memref<100096x16xf32, #tpu.memory_space<vmem_shared>>) offsets(%dma_start3A_512 : memref<128xi32, #tpu.memory_space<vmem>>) semaphore(%arg14 : memref<!tpu.dma_semaphore, #tpu.memory_space<semaphore_mem>>) {add = true}
      %dma_start3A_516 = arith.constant 1 : i32
      %dma_start3A_517 = arith.constant 128 : i32
      %dma_start3A_518 = arith.constant 0 : i32
      %dma_start3A_519 = tpu.memref_slice %arg11[%dma_start3A_517, %dma_start3A_518] : memref<640x16xf32, #tpu.memory_space<vmem>> -> memref<128x16xf32, #tpu.memory_space<vmem>>
      %dma_start3A_520 = arith.constant 0 : i32
      %dma_start3A_521 = tpu.memref_slice %arg9[%dma_start3A_516, %dma_start3A_520] : memref<5x128xi32, #tpu.memory_space<vmem>> -> memref<1x128xi32, #tpu.memory_space<vmem>>
      %dma_start3A_522 = tpu.memref_squeeze %dma_start3A_521 : memref<1x128xi32, #tpu.memory_space<vmem>> -> memref<128xi32, #tpu.memory_space<vmem>>
      %dma_start3A_523 = arith.constant 0 : i32
      %dma_start3A_524 = arith.constant 0 : i32
      %dma_start3A_525 = tpu.memref_slice %arg5[%dma_start3A_523, %dma_start3A_524] : memref<100096x16xf32, #tpu.memory_space<vmem_shared>> -> memref<100096x16xf32, #tpu.memory_space<vmem_shared>>
      tpu.enqueue_indirect_dma source(%dma_start3A_519 : memref<128x16xf32, #tpu.memory_space<vmem>>) target(%dma_start3A_525 : memref<100096x16xf32, #tpu.memory_space<vmem_shared>>) offsets(%dma_start3A_522 : memref<128xi32, #tpu.memory_space<vmem>>) semaphore(%arg14 : memref<!tpu.dma_semaphore, #tpu.memory_space<semaphore_mem>>) {add = true}
      %dma_start3A_526 = arith.constant 2 : i32
      %dma_start3A_527 = arith.constant 256 : i32
      %dma_start3A_528 = arith.constant 0 : i32
      %dma_start3A_529 = tpu.memref_slice %arg11[%dma_start3A_527, %dma_start3A_528] : memref<640x16xf32, #tpu.memory_space<vmem>> -> memref<128x16xf32, #tpu.memory_space<vmem>>
      %dma_start3A_530 = arith.constant 0 : i32
      %dma_start3A_531 = tpu.memref_slice %arg9[%dma_start3A_526, %dma_start3A_530] : memref<5x128xi32, #tpu.memory_space<vmem>> -> memref<1x128xi32, #tpu.memory_space<vmem>>
      %dma_start3A_532 = tpu.memref_squeeze %dma_start3A_531 : memref<1x128xi32, #tpu.memory_space<vmem>> -> memref<128xi32, #tpu.memory_space<vmem>>
      %dma_start3A_533 = arith.constant 0 : i32
      %dma_start3A_534 = arith.constant 0 : i32
      %dma_start3A_535 = tpu.memref_slice %arg5[%dma_start3A_533, %dma_start3A_534] : memref<100096x16xf32, #tpu.memory_space<vmem_shared>> -> memref<100096x16xf32, #tpu.memory_space<vmem_shared>>
      tpu.enqueue_indirect_dma source(%dma_start3A_529 : memref<128x16xf32, #tpu.memory_space<vmem>>) target(%dma_start3A_535 : memref<100096x16xf32, #tpu.memory_space<vmem_shared>>) offsets(%dma_start3A_532 : memref<128xi32, #tpu.memory_space<vmem>>) semaphore(%arg14 : memref<!tpu.dma_semaphore, #tpu.memory_space<semaphore_mem>>) {add = true}
      %dma_start3A_536 = arith.constant 3 : i32
      %dma_start3A_537 = arith.constant 384 : i32
      %dma_start3A_538 = arith.constant 0 : i32
      %dma_start3A_539 = tpu.memref_slice %arg11[%dma_start3A_537, %dma_start3A_538] : memref<640x16xf32, #tpu.memory_space<vmem>> -> memref<128x16xf32, #tpu.memory_space<vmem>>
      %dma_start3A_540 = arith.constant 0 : i32
      %dma_start3A_541 = tpu.memref_slice %arg9[%dma_start3A_536, %dma_start3A_540] : memref<5x128xi32, #tpu.memory_space<vmem>> -> memref<1x128xi32, #tpu.memory_space<vmem>>
      %dma_start3A_542 = tpu.memref_squeeze %dma_start3A_541 : memref<1x128xi32, #tpu.memory_space<vmem>> -> memref<128xi32, #tpu.memory_space<vmem>>
      %dma_start3A_543 = arith.constant 0 : i32
      %dma_start3A_544 = arith.constant 0 : i32
      %dma_start3A_545 = tpu.memref_slice %arg5[%dma_start3A_543, %dma_start3A_544] : memref<100096x16xf32, #tpu.memory_space<vmem_shared>> -> memref<100096x16xf32, #tpu.memory_space<vmem_shared>>
      tpu.enqueue_indirect_dma source(%dma_start3A_539 : memref<128x16xf32, #tpu.memory_space<vmem>>) target(%dma_start3A_545 : memref<100096x16xf32, #tpu.memory_space<vmem_shared>>) offsets(%dma_start3A_542 : memref<128xi32, #tpu.memory_space<vmem>>) semaphore(%arg14 : memref<!tpu.dma_semaphore, #tpu.memory_space<semaphore_mem>>) {add = true}
      %dma_start3A_546 = arith.constant 4 : i32
      %dma_start3A_547 = arith.constant 512 : i32
      %dma_start3A_548 = arith.constant 0 : i32
      %dma_start3A_549 = tpu.memref_slice %arg11[%dma_start3A_547, %dma_start3A_548] : memref<640x16xf32, #tpu.memory_space<vmem>> -> memref<128x16xf32, #tpu.memory_space<vmem>>
      %dma_start3A_550 = arith.constant 0 : i32
      %dma_start3A_551 = tpu.memref_slice %arg9[%dma_start3A_546, %dma_start3A_550] : memref<5x128xi32, #tpu.memory_space<vmem>> -> memref<1x128xi32, #tpu.memory_space<vmem>>
      %dma_start3A_552 = tpu.memref_squeeze %dma_start3A_551 : memref<1x128xi32, #tpu.memory_space<vmem>> -> memref<128xi32, #tpu.memory_space<vmem>>
      %dma_start3A_553 = arith.constant 0 : i32
      %dma_start3A_554 = arith.constant 0 : i32
      %dma_start3A_555 = tpu.memref_slice %arg5[%dma_start3A_553, %dma_start3A_554] : memref<100096x16xf32, #tpu.memory_space<vmem_shared>> -> memref<100096x16xf32, #tpu.memory_space<vmem_shared>>
      tpu.enqueue_indirect_dma source(%dma_start3A_549 : memref<128x16xf32, #tpu.memory_space<vmem>>) target(%dma_start3A_555 : memref<100096x16xf32, #tpu.memory_space<vmem_shared>>) offsets(%dma_start3A_552 : memref<128xi32, #tpu.memory_space<vmem>>) semaphore(%arg14 : memref<!tpu.dma_semaphore, #tpu.memory_space<semaphore_mem>>) {add = true}
      %lt3A_556 = arith.constant 38 : i32
      %lt3A_557 = arith.cmpi slt, %scan3A_155, %lt3A_556 : i32
      %convert_element_type3A_558 = arith.extui %lt3A_557 : i1 to i32
      %cond3A_559 = arith.constant 0 : i32
      %cond3A_560 = arith.cmpi ne, %convert_element_type3A_558, %cond3A_559 : i32
      scf.if %cond3A_560 {
        %dma_wait3A_561 = arith.constant 0 : i32
        %dma_wait3A_562 = arith.constant 0 : i32
        %dma_wait3A_563 = arith.constant 0 : i32
        %dma_wait3A_564 = tpu.memref_slice %arg3[%dma_wait3A_561, %dma_wait3A_562, %dma_wait3A_563] : memref<2x12500x128xi32, #tpu.memory_space<hbm>> -> memref<1x12500x128xi32, #tpu.memory_space<hbm>>
        %dma_wait3A_565 = tpu.memref_squeeze %dma_wait3A_564 : memref<1x12500x128xi32, #tpu.memory_space<hbm>> -> memref<12500x128xi32, #tpu.memory_space<hbm>>
        %dma_wait3A_566 = arith.constant 0 : i32
        %dma_wait3A_567 = arith.constant 0 : i32
        %dma_wait3A_568 = tpu.memref_slice %dma_wait3A_565[%dma_wait3A_566, %dma_wait3A_567] : memref<12500x128xi32, #tpu.memory_space<hbm>> -> memref<5x128xi32, #tpu.memory_space<hbm>>
        %dma_wait3A_569 = arith.constant 0 : i32
        %dma_wait3A_570 = arith.constant 0 : i32
        %dma_wait3A_571 = tpu.memref_slice %arg3[%dma_wait3A_561, %dma_wait3A_569, %dma_wait3A_570] : memref<2x12500x128xi32, #tpu.memory_space<hbm>> -> memref<1x12500x128xi32, #tpu.memory_space<hbm>>
        %dma_wait3A_572 = tpu.memref_squeeze %dma_wait3A_571 : memref<1x12500x128xi32, #tpu.memory_space<hbm>> -> memref<12500x128xi32, #tpu.memory_space<hbm>>
        %dma_wait3A_573 = arith.constant 0 : i32
        %dma_wait3A_574 = arith.constant 0 : i32
        %dma_wait3A_575 = tpu.memref_slice %dma_wait3A_572[%dma_wait3A_573, %dma_wait3A_574] : memref<12500x128xi32, #tpu.memory_space<hbm>> -> memref<5x128xi32, #tpu.memory_space<hbm>>
        tpu.wait_dma2 semaphore(%arg15 : memref<!tpu.dma_semaphore, #tpu.memory_space<semaphore_mem>>) src(%dma_wait3A_575 : memref<5x128xi32, #tpu.memory_space<hbm>>) dst(%arg6 : memref<5x128xi32, #tpu.memory_space<vmem>>)
        %dma_wait3A_576 = arith.constant 0 : i32
        %dma_wait3A_577 = arith.constant 0 : i32
        %dma_wait3A_578 = arith.constant 0 : i32
        %dma_wait3A_579 = tpu.memref_slice %arg3[%dma_wait3A_576, %dma_wait3A_577, %dma_wait3A_578] : memref<2x12500x128xi32, #tpu.memory_space<hbm>> -> memref<1x12500x128xi32, #tpu.memory_space<hbm>>
        %dma_wait3A_580 = tpu.memref_squeeze %dma_wait3A_579 : memref<1x12500x128xi32, #tpu.memory_space<hbm>> -> memref<12500x128xi32, #tpu.memory_space<hbm>>
        %dma_wait3A_581 = arith.constant 0 : i32
        %dma_wait3A_582 = arith.constant 0 : i32
        %dma_wait3A_583 = tpu.memref_slice %dma_wait3A_580[%dma_wait3A_581, %dma_wait3A_582] : memref<12500x128xi32, #tpu.memory_space<hbm>> -> memref<5x128xi32, #tpu.memory_space<hbm>>
        %dma_wait3A_584 = arith.constant 0 : i32
        %dma_wait3A_585 = arith.constant 0 : i32
        %dma_wait3A_586 = tpu.memref_slice %arg3[%dma_wait3A_576, %dma_wait3A_584, %dma_wait3A_585] : memref<2x12500x128xi32, #tpu.memory_space<hbm>> -> memref<1x12500x128xi32, #tpu.memory_space<hbm>>
        %dma_wait3A_587 = tpu.memref_squeeze %dma_wait3A_586 : memref<1x12500x128xi32, #tpu.memory_space<hbm>> -> memref<12500x128xi32, #tpu.memory_space<hbm>>
        %dma_wait3A_588 = arith.constant 0 : i32
        %dma_wait3A_589 = arith.constant 0 : i32
        %dma_wait3A_590 = tpu.memref_slice %dma_wait3A_587[%dma_wait3A_588, %dma_wait3A_589] : memref<12500x128xi32, #tpu.memory_space<hbm>> -> memref<5x128xi32, #tpu.memory_space<hbm>>
        tpu.wait_dma2 semaphore(%arg15 : memref<!tpu.dma_semaphore, #tpu.memory_space<semaphore_mem>>) src(%dma_wait3A_590 : memref<5x128xi32, #tpu.memory_space<hbm>>) dst(%arg6 : memref<5x128xi32, #tpu.memory_space<vmem>>)
        %dma_start3A_591 = arith.constant 0 : i32
        %dma_start3A_592 = arith.constant 0 : i32
        %dma_start3A_593 = arith.constant 0 : i32
        %dma_start3A_594 = tpu.memref_slice %arg10[%dma_start3A_592, %dma_start3A_593] : memref<640x16xf32, #tpu.memory_space<vmem>> -> memref<128x16xf32, #tpu.memory_space<vmem>>
        %dma_start3A_595 = arith.constant 0 : i32
        %dma_start3A_596 = tpu.memref_slice %arg6[%dma_start3A_591, %dma_start3A_595] : memref<5x128xi32, #tpu.memory_space<vmem>> -> memref<1x128xi32, #tpu.memory_space<vmem>>
        %dma_start3A_597 = tpu.memref_squeeze %dma_start3A_596 : memref<1x128xi32, #tpu.memory_space<vmem>> -> memref<128xi32, #tpu.memory_space<vmem>>
        %dma_start3A_598 = arith.constant 0 : i32
        %dma_start3A_599 = arith.constant 0 : i32
        %dma_start3A_600 = tpu.memref_slice %arg2[%dma_start3A_598, %dma_start3A_599] : memref<100000x16xf32, #tpu.memory_space<hbm>> -> memref<100000x16xf32, #tpu.memory_space<hbm>>
        tpu.enqueue_indirect_dma source(%dma_start3A_600 : memref<100000x16xf32, #tpu.memory_space<hbm>>) target(%dma_start3A_594 : memref<128x16xf32, #tpu.memory_space<vmem>>) offsets(%dma_start3A_597 : memref<128xi32, #tpu.memory_space<vmem>>) semaphore(%arg13 : memref<!tpu.dma_semaphore, #tpu.memory_space<semaphore_mem>>)
        %dma_start3A_601 = arith.constant 1 : i32
        %dma_start3A_602 = arith.constant 128 : i32
        %dma_start3A_603 = arith.constant 0 : i32
        %dma_start3A_604 = tpu.memref_slice %arg10[%dma_start3A_602, %dma_start3A_603] : memref<640x16xf32, #tpu.memory_space<vmem>> -> memref<128x16xf32, #tpu.memory_space<vmem>>
        %dma_start3A_605 = arith.constant 0 : i32
        %dma_start3A_606 = tpu.memref_slice %arg6[%dma_start3A_601, %dma_start3A_605] : memref<5x128xi32, #tpu.memory_space<vmem>> -> memref<1x128xi32, #tpu.memory_space<vmem>>
        %dma_start3A_607 = tpu.memref_squeeze %dma_start3A_606 : memref<1x128xi32, #tpu.memory_space<vmem>> -> memref<128xi32, #tpu.memory_space<vmem>>
        %dma_start3A_608 = arith.constant 0 : i32
        %dma_start3A_609 = arith.constant 0 : i32
        %dma_start3A_610 = tpu.memref_slice %arg2[%dma_start3A_608, %dma_start3A_609] : memref<100000x16xf32, #tpu.memory_space<hbm>> -> memref<100000x16xf32, #tpu.memory_space<hbm>>
        tpu.enqueue_indirect_dma source(%dma_start3A_610 : memref<100000x16xf32, #tpu.memory_space<hbm>>) target(%dma_start3A_604 : memref<128x16xf32, #tpu.memory_space<vmem>>) offsets(%dma_start3A_607 : memref<128xi32, #tpu.memory_space<vmem>>) semaphore(%arg13 : memref<!tpu.dma_semaphore, #tpu.memory_space<semaphore_mem>>)
        %dma_start3A_611 = arith.constant 2 : i32
        %dma_start3A_612 = arith.constant 256 : i32
        %dma_start3A_613 = arith.constant 0 : i32
        %dma_start3A_614 = tpu.memref_slice %arg10[%dma_start3A_612, %dma_start3A_613] : memref<640x16xf32, #tpu.memory_space<vmem>> -> memref<128x16xf32, #tpu.memory_space<vmem>>
        %dma_start3A_615 = arith.constant 0 : i32
        %dma_start3A_616 = tpu.memref_slice %arg6[%dma_start3A_611, %dma_start3A_615] : memref<5x128xi32, #tpu.memory_space<vmem>> -> memref<1x128xi32, #tpu.memory_space<vmem>>
        %dma_start3A_617 = tpu.memref_squeeze %dma_start3A_616 : memref<1x128xi32, #tpu.memory_space<vmem>> -> memref<128xi32, #tpu.memory_space<vmem>>
        %dma_start3A_618 = arith.constant 0 : i32
        %dma_start3A_619 = arith.constant 0 : i32
        %dma_start3A_620 = tpu.memref_slice %arg2[%dma_start3A_618, %dma_start3A_619] : memref<100000x16xf32, #tpu.memory_space<hbm>> -> memref<100000x16xf32, #tpu.memory_space<hbm>>
        tpu.enqueue_indirect_dma source(%dma_start3A_620 : memref<100000x16xf32, #tpu.memory_space<hbm>>) target(%dma_start3A_614 : memref<128x16xf32, #tpu.memory_space<vmem>>) offsets(%dma_start3A_617 : memref<128xi32, #tpu.memory_space<vmem>>) semaphore(%arg13 : memref<!tpu.dma_semaphore, #tpu.memory_space<semaphore_mem>>)
        %dma_start3A_621 = arith.constant 3 : i32
        %dma_start3A_622 = arith.constant 384 : i32
        %dma_start3A_623 = arith.constant 0 : i32
        %dma_start3A_624 = tpu.memref_slice %arg10[%dma_start3A_622, %dma_start3A_623] : memref<640x16xf32, #tpu.memory_space<vmem>> -> memref<128x16xf32, #tpu.memory_space<vmem>>
        %dma_start3A_625 = arith.constant 0 : i32
        %dma_start3A_626 = tpu.memref_slice %arg6[%dma_start3A_621, %dma_start3A_625] : memref<5x128xi32, #tpu.memory_space<vmem>> -> memref<1x128xi32, #tpu.memory_space<vmem>>
        %dma_start3A_627 = tpu.memref_squeeze %dma_start3A_626 : memref<1x128xi32, #tpu.memory_space<vmem>> -> memref<128xi32, #tpu.memory_space<vmem>>
        %dma_start3A_628 = arith.constant 0 : i32
        %dma_start3A_629 = arith.constant 0 : i32
        %dma_start3A_630 = tpu.memref_slice %arg2[%dma_start3A_628, %dma_start3A_629] : memref<100000x16xf32, #tpu.memory_space<hbm>> -> memref<100000x16xf32, #tpu.memory_space<hbm>>
        tpu.enqueue_indirect_dma source(%dma_start3A_630 : memref<100000x16xf32, #tpu.memory_space<hbm>>) target(%dma_start3A_624 : memref<128x16xf32, #tpu.memory_space<vmem>>) offsets(%dma_start3A_627 : memref<128xi32, #tpu.memory_space<vmem>>) semaphore(%arg13 : memref<!tpu.dma_semaphore, #tpu.memory_space<semaphore_mem>>)
        %dma_start3A_631 = arith.constant 4 : i32
        %dma_start3A_632 = arith.constant 512 : i32
        %dma_start3A_633 = arith.constant 0 : i32
        %dma_start3A_634 = tpu.memref_slice %arg10[%dma_start3A_632, %dma_start3A_633] : memref<640x16xf32, #tpu.memory_space<vmem>> -> memref<128x16xf32, #tpu.memory_space<vmem>>
        %dma_start3A_635 = arith.constant 0 : i32
        %dma_start3A_636 = tpu.memref_slice %arg6[%dma_start3A_631, %dma_start3A_635] : memref<5x128xi32, #tpu.memory_space<vmem>> -> memref<1x128xi32, #tpu.memory_space<vmem>>
        %dma_start3A_637 = tpu.memref_squeeze %dma_start3A_636 : memref<1x128xi32, #tpu.memory_space<vmem>> -> memref<128xi32, #tpu.memory_space<vmem>>
        %dma_start3A_638 = arith.constant 0 : i32
        %dma_start3A_639 = arith.constant 0 : i32
        %dma_start3A_640 = tpu.memref_slice %arg2[%dma_start3A_638, %dma_start3A_639] : memref<100000x16xf32, #tpu.memory_space<hbm>> -> memref<100000x16xf32, #tpu.memory_space<hbm>>
        tpu.enqueue_indirect_dma source(%dma_start3A_640 : memref<100000x16xf32, #tpu.memory_space<hbm>>) target(%dma_start3A_634 : memref<128x16xf32, #tpu.memory_space<vmem>>) offsets(%dma_start3A_637 : memref<128xi32, #tpu.memory_space<vmem>>) semaphore(%arg13 : memref<!tpu.dma_semaphore, #tpu.memory_space<semaphore_mem>>)
      } else {
      }
    }
    %scan3A_79 = arith.constant 39 : i32
    %dma_wait3A = arith.constant 0 : i32
    %dma_wait3A_80 = arith.constant 0 : i32
    %dma_wait3A_81 = tpu.memref_slice %arg10[%dma_wait3A, %dma_wait3A_80] : memref<640x16xf32, #tpu.memory_space<vmem>> -> memref<128x16xf32, #tpu.memory_space<vmem>>
    %dma_wait3A_82 = arith.constant 0 : i32
    %dma_wait3A_83 = arith.constant 0 : i32
    %dma_wait3A_84 = tpu.memref_slice %arg2[%dma_wait3A_82, %dma_wait3A_83] : memref<100000x16xf32, #tpu.memory_space<hbm>> -> memref<128x16xf32, #tpu.memory_space<hbm>>
    %dma_wait3A_85 = arith.constant 0 : i32
    %dma_wait3A_86 = arith.constant 0 : i32
    %dma_wait3A_87 = tpu.memref_slice %arg10[%dma_wait3A_85, %dma_wait3A_86] : memref<640x16xf32, #tpu.memory_space<vmem>> -> memref<128x16xf32, #tpu.memory_space<vmem>>
    %dma_wait3A_88 = arith.constant 0 : i32
    %dma_wait3A_89 = arith.constant 0 : i32
    %dma_wait3A_90 = tpu.memref_slice %arg2[%dma_wait3A_88, %dma_wait3A_89] : memref<100000x16xf32, #tpu.memory_space<hbm>> -> memref<128x16xf32, #tpu.memory_space<hbm>>
    tpu.wait_dma2 semaphore(%arg14 : memref<!tpu.dma_semaphore, #tpu.memory_space<semaphore_mem>>) src(%dma_wait3A_90 : memref<128x16xf32, #tpu.memory_space<hbm>>) dst(%dma_wait3A_87 : memref<128x16xf32, #tpu.memory_space<vmem>>)
    %dma_wait3A_91 = arith.constant 0 : i32
    %dma_wait3A_92 = arith.constant 0 : i32
    %dma_wait3A_93 = tpu.memref_slice %arg10[%dma_wait3A_91, %dma_wait3A_92] : memref<640x16xf32, #tpu.memory_space<vmem>> -> memref<128x16xf32, #tpu.memory_space<vmem>>
    %dma_wait3A_94 = arith.constant 0 : i32
    %dma_wait3A_95 = arith.constant 0 : i32
    %dma_wait3A_96 = tpu.memref_slice %arg2[%dma_wait3A_94, %dma_wait3A_95] : memref<100000x16xf32, #tpu.memory_space<hbm>> -> memref<128x16xf32, #tpu.memory_space<hbm>>
    %dma_wait3A_97 = arith.constant 0 : i32
    %dma_wait3A_98 = arith.constant 0 : i32
    %dma_wait3A_99 = tpu.memref_slice %arg10[%dma_wait3A_97, %dma_wait3A_98] : memref<640x16xf32, #tpu.memory_space<vmem>> -> memref<128x16xf32, #tpu.memory_space<vmem>>
    %dma_wait3A_100 = arith.constant 0 : i32
    %dma_wait3A_101 = arith.constant 0 : i32
    %dma_wait3A_102 = tpu.memref_slice %arg2[%dma_wait3A_100, %dma_wait3A_101] : memref<100000x16xf32, #tpu.memory_space<hbm>> -> memref<128x16xf32, #tpu.memory_space<hbm>>
    tpu.wait_dma2 semaphore(%arg14 : memref<!tpu.dma_semaphore, #tpu.memory_space<semaphore_mem>>) src(%dma_wait3A_102 : memref<128x16xf32, #tpu.memory_space<hbm>>) dst(%dma_wait3A_99 : memref<128x16xf32, #tpu.memory_space<vmem>>)
    %dma_wait3A_103 = arith.constant 0 : i32
    %dma_wait3A_104 = arith.constant 0 : i32
    %dma_wait3A_105 = tpu.memref_slice %arg10[%dma_wait3A_103, %dma_wait3A_104] : memref<640x16xf32, #tpu.memory_space<vmem>> -> memref<128x16xf32, #tpu.memory_space<vmem>>
    %dma_wait3A_106 = arith.constant 0 : i32
    %dma_wait3A_107 = arith.constant 0 : i32
    %dma_wait3A_108 = tpu.memref_slice %arg2[%dma_wait3A_106, %dma_wait3A_107] : memref<100000x16xf32, #tpu.memory_space<hbm>> -> memref<128x16xf32, #tpu.memory_space<hbm>>
    %dma_wait3A_109 = arith.constant 0 : i32
    %dma_wait3A_110 = arith.constant 0 : i32
    %dma_wait3A_111 = tpu.memref_slice %arg10[%dma_wait3A_109, %dma_wait3A_110] : memref<640x16xf32, #tpu.memory_space<vmem>> -> memref<128x16xf32, #tpu.memory_space<vmem>>
    %dma_wait3A_112 = arith.constant 0 : i32
    %dma_wait3A_113 = arith.constant 0 : i32
    %dma_wait3A_114 = tpu.memref_slice %arg2[%dma_wait3A_112, %dma_wait3A_113] : memref<100000x16xf32, #tpu.memory_space<hbm>> -> memref<128x16xf32, #tpu.memory_space<hbm>>
    tpu.wait_dma2 semaphore(%arg14 : memref<!tpu.dma_semaphore, #tpu.memory_space<semaphore_mem>>) src(%dma_wait3A_114 : memref<128x16xf32, #tpu.memory_space<hbm>>) dst(%dma_wait3A_111 : memref<128x16xf32, #tpu.memory_space<vmem>>)
    %dma_wait3A_115 = arith.constant 0 : i32
    %dma_wait3A_116 = arith.constant 0 : i32
    %dma_wait3A_117 = tpu.memref_slice %arg10[%dma_wait3A_115, %dma_wait3A_116] : memref<640x16xf32, #tpu.memory_space<vmem>> -> memref<128x16xf32, #tpu.memory_space<vmem>>
    %dma_wait3A_118 = arith.constant 0 : i32
    %dma_wait3A_119 = arith.constant 0 : i32
    %dma_wait3A_120 = tpu.memref_slice %arg2[%dma_wait3A_118, %dma_wait3A_119] : memref<100000x16xf32, #tpu.memory_space<hbm>> -> memref<128x16xf32, #tpu.memory_space<hbm>>
    %dma_wait3A_121 = arith.constant 0 : i32
    %dma_wait3A_122 = arith.constant 0 : i32
    %dma_wait3A_123 = tpu.memref_slice %arg10[%dma_wait3A_121, %dma_wait3A_122] : memref<640x16xf32, #tpu.memory_space<vmem>> -> memref<128x16xf32, #tpu.memory_space<vmem>>
    %dma_wait3A_124 = arith.constant 0 : i32
    %dma_wait3A_125 = arith.constant 0 : i32
    %dma_wait3A_126 = tpu.memref_slice %arg2[%dma_wait3A_124, %dma_wait3A_125] : memref<100000x16xf32, #tpu.memory_space<hbm>> -> memref<128x16xf32, #tpu.memory_space<hbm>>
    tpu.wait_dma2 semaphore(%arg14 : memref<!tpu.dma_semaphore, #tpu.memory_space<semaphore_mem>>) src(%dma_wait3A_126 : memref<128x16xf32, #tpu.memory_space<hbm>>) dst(%dma_wait3A_123 : memref<128x16xf32, #tpu.memory_space<vmem>>)
    %dma_wait3A_127 = arith.constant 0 : i32
    %dma_wait3A_128 = arith.constant 0 : i32
    %dma_wait3A_129 = tpu.memref_slice %arg10[%dma_wait3A_127, %dma_wait3A_128] : memref<640x16xf32, #tpu.memory_space<vmem>> -> memref<128x16xf32, #tpu.memory_space<vmem>>
    %dma_wait3A_130 = arith.constant 0 : i32
    %dma_wait3A_131 = arith.constant 0 : i32
    %dma_wait3A_132 = tpu.memref_slice %arg2[%dma_wait3A_130, %dma_wait3A_131] : memref<100000x16xf32, #tpu.memory_space<hbm>> -> memref<128x16xf32, #tpu.memory_space<hbm>>
    %dma_wait3A_133 = arith.constant 0 : i32
    %dma_wait3A_134 = arith.constant 0 : i32
    %dma_wait3A_135 = tpu.memref_slice %arg10[%dma_wait3A_133, %dma_wait3A_134] : memref<640x16xf32, #tpu.memory_space<vmem>> -> memref<128x16xf32, #tpu.memory_space<vmem>>
    %dma_wait3A_136 = arith.constant 0 : i32
    %dma_wait3A_137 = arith.constant 0 : i32
    %dma_wait3A_138 = tpu.memref_slice %arg2[%dma_wait3A_136, %dma_wait3A_137] : memref<100000x16xf32, #tpu.memory_space<hbm>> -> memref<128x16xf32, #tpu.memory_space<hbm>>
    tpu.wait_dma2 semaphore(%arg14 : memref<!tpu.dma_semaphore, #tpu.memory_space<semaphore_mem>>) src(%dma_wait3A_138 : memref<128x16xf32, #tpu.memory_space<hbm>>) dst(%dma_wait3A_135 : memref<128x16xf32, #tpu.memory_space<vmem>>)
    %while3A = arith.constant 0 : i32
    %while3A_139 = arith.constant 390 : i32
    %while3A_140 = arith.subi %select_n3A, %while3A_139 : i32
    %while3A_141 = arith.addi %while3A_139, %while3A_140 : i32
    %while3A_142 = arith.constant 1 : i32
    %while3A_143 = arith.divsi %while3A_140, %while3A_142 : i32
    %while3A_144 = arith.muli %while3A_143, %while3A_142 : i32
    %while3A_145 = arith.addi %while3A_139, %while3A_144 : i32
    %while3A_146 = arith.constant 1 : i32
    scf.for %while3A_155 = %while3A_139 to %while3A_145 step %while3A_146  : i32 {
      %add3A_156 = arith.addi %add3A_19, %while3A_155 : i32
      %run_scoped3A_157 = arith.constant 0 : i32
      "tpu.region"() ({
        %run_scoped3A_180 = tpu.sem_alloc : memref<!tpu.dma_semaphore, #tpu.memory_space<semaphore_mem>>
        %dma_start3A_181 = arith.constant 0 : i32
        %dma_start3A_182 = arith.constant 0 : i32
        %dma_start3A_183 = tpu.memref_slice %arg6[%dma_start3A_181, %dma_start3A_182] : memref<5x128xi32, #tpu.memory_space<vmem>> -> memref<1x128xi32, #tpu.memory_space<vmem>>
        %dma_start3A_184 = arith.constant 0 : i32
        %dma_start3A_185 = arith.constant 0 : i32
        %dma_start3A_186 = tpu.memref_slice %arg3[%run_scoped3A_157, %dma_start3A_184, %dma_start3A_185] : memref<2x12500x128xi32, #tpu.memory_space<hbm>> -> memref<1x12500x128xi32, #tpu.memory_space<hbm>>
        %dma_start3A_187 = tpu.memref_squeeze %dma_start3A_186 : memref<1x12500x128xi32, #tpu.memory_space<hbm>> -> memref<12500x128xi32, #tpu.memory_space<hbm>>
        %dma_start3A_188 = arith.constant 0 : i32
        %dma_start3A_189 = tpu.memref_slice %dma_start3A_187[%add3A_156, %dma_start3A_188] : memref<12500x128xi32, #tpu.memory_space<hbm>> -> memref<1x128xi32, #tpu.memory_space<hbm>>
        %dma_start3A_190 = arith.constant 0 : i32
        %dma_start3A_191 = arith.constant 0 : i32
        %dma_start3A_192 = tpu.memref_slice %arg6[%dma_start3A_190, %dma_start3A_191] : memref<5x128xi32, #tpu.memory_space<vmem>> -> memref<1x128xi32, #tpu.memory_space<vmem>>
        %dma_start3A_193 = arith.constant 0 : i32
        %dma_start3A_194 = arith.constant 0 : i32
        %dma_start3A_195 = tpu.memref_slice %arg3[%run_scoped3A_157, %dma_start3A_193, %dma_start3A_194] : memref<2x12500x128xi32, #tpu.memory_space<hbm>> -> memref<1x12500x128xi32, #tpu.memory_space<hbm>>
        %dma_start3A_196 = tpu.memref_squeeze %dma_start3A_195 : memref<1x12500x128xi32, #tpu.memory_space<hbm>> -> memref<12500x128xi32, #tpu.memory_space<hbm>>
        %dma_start3A_197 = arith.constant 0 : i32
        %dma_start3A_198 = tpu.memref_slice %dma_start3A_196[%add3A_156, %dma_start3A_197] : memref<12500x128xi32, #tpu.memory_space<hbm>> -> memref<1x128xi32, #tpu.memory_space<hbm>>
        tpu.enqueue_dma source(%dma_start3A_198 : memref<1x128xi32, #tpu.memory_space<hbm>>) target(%dma_start3A_192 : memref<1x128xi32, #tpu.memory_space<vmem>>) target_semaphore(%run_scoped3A_180 : memref<!tpu.dma_semaphore, #tpu.memory_space<semaphore_mem>>)
        %dma_wait3A_199 = arith.constant 0 : i32
        %dma_wait3A_200 = arith.constant 0 : i32
        %dma_wait3A_201 = tpu.memref_slice %arg6[%dma_wait3A_199, %dma_wait3A_200] : memref<5x128xi32, #tpu.memory_space<vmem>> -> memref<1x128xi32, #tpu.memory_space<vmem>>
        %dma_wait3A_202 = arith.constant 0 : i32
        %dma_wait3A_203 = arith.constant 0 : i32
        %dma_wait3A_204 = tpu.memref_slice %arg3[%run_scoped3A_157, %dma_wait3A_202, %dma_wait3A_203] : memref<2x12500x128xi32, #tpu.memory_space<hbm>> -> memref<1x12500x128xi32, #tpu.memory_space<hbm>>
        %dma_wait3A_205 = tpu.memref_squeeze %dma_wait3A_204 : memref<1x12500x128xi32, #tpu.memory_space<hbm>> -> memref<12500x128xi32, #tpu.memory_space<hbm>>
        %dma_wait3A_206 = arith.constant 0 : i32
        %dma_wait3A_207 = tpu.memref_slice %dma_wait3A_205[%add3A_156, %dma_wait3A_206] : memref<12500x128xi32, #tpu.memory_space<hbm>> -> memref<1x128xi32, #tpu.memory_space<hbm>>
        %dma_wait3A_208 = arith.constant 0 : i32
        %dma_wait3A_209 = arith.constant 0 : i32
        %dma_wait3A_210 = tpu.memref_slice %arg6[%dma_wait3A_208, %dma_wait3A_209] : memref<5x128xi32, #tpu.memory_space<vmem>> -> memref<1x128xi32, #tpu.memory_space<vmem>>
        %dma_wait3A_211 = arith.constant 0 : i32
        %dma_wait3A_212 = arith.constant 0 : i32
        %dma_wait3A_213 = tpu.memref_slice %arg3[%run_scoped3A_157, %dma_wait3A_211, %dma_wait3A_212] : memref<2x12500x128xi32, #tpu.memory_space<hbm>> -> memref<1x12500x128xi32, #tpu.memory_space<hbm>>
        %dma_wait3A_214 = tpu.memref_squeeze %dma_wait3A_213 : memref<1x12500x128xi32, #tpu.memory_space<hbm>> -> memref<12500x128xi32, #tpu.memory_space<hbm>>
        %dma_wait3A_215 = arith.constant 0 : i32
        %dma_wait3A_216 = tpu.memref_slice %dma_wait3A_214[%add3A_156, %dma_wait3A_215] : memref<12500x128xi32, #tpu.memory_space<hbm>> -> memref<1x128xi32, #tpu.memory_space<hbm>>
        tpu.wait_dma2 semaphore(%run_scoped3A_180 : memref<!tpu.dma_semaphore, #tpu.memory_space<semaphore_mem>>) src(%dma_wait3A_216 : memref<1x128xi32, #tpu.memory_space<hbm>>) dst(%dma_wait3A_210 : memref<1x128xi32, #tpu.memory_space<vmem>>)
        tpu.yield
      }) : () -> ()
      %run_scoped3A_158 = arith.constant 1 : i32
      "tpu.region"() ({
        %run_scoped3A_180 = tpu.sem_alloc : memref<!tpu.dma_semaphore, #tpu.memory_space<semaphore_mem>>
        %dma_start3A_181 = arith.constant 0 : i32
        %dma_start3A_182 = arith.constant 0 : i32
        %dma_start3A_183 = tpu.memref_slice %arg7[%dma_start3A_181, %dma_start3A_182] : memref<5x128xi32, #tpu.memory_space<vmem>> -> memref<1x128xi32, #tpu.memory_space<vmem>>
        %dma_start3A_184 = arith.constant 0 : i32
        %dma_start3A_185 = arith.constant 0 : i32
        %dma_start3A_186 = tpu.memref_slice %arg3[%run_scoped3A_158, %dma_start3A_184, %dma_start3A_185] : memref<2x12500x128xi32, #tpu.memory_space<hbm>> -> memref<1x12500x128xi32, #tpu.memory_space<hbm>>
        %dma_start3A_187 = tpu.memref_squeeze %dma_start3A_186 : memref<1x12500x128xi32, #tpu.memory_space<hbm>> -> memref<12500x128xi32, #tpu.memory_space<hbm>>
        %dma_start3A_188 = arith.constant 0 : i32
        %dma_start3A_189 = tpu.memref_slice %dma_start3A_187[%add3A_156, %dma_start3A_188] : memref<12500x128xi32, #tpu.memory_space<hbm>> -> memref<1x128xi32, #tpu.memory_space<hbm>>
        %dma_start3A_190 = arith.constant 0 : i32
        %dma_start3A_191 = arith.constant 0 : i32
        %dma_start3A_192 = tpu.memref_slice %arg7[%dma_start3A_190, %dma_start3A_191] : memref<5x128xi32, #tpu.memory_space<vmem>> -> memref<1x128xi32, #tpu.memory_space<vmem>>
        %dma_start3A_193 = arith.constant 0 : i32
        %dma_start3A_194 = arith.constant 0 : i32
        %dma_start3A_195 = tpu.memref_slice %arg3[%run_scoped3A_158, %dma_start3A_193, %dma_start3A_194] : memref<2x12500x128xi32, #tpu.memory_space<hbm>> -> memref<1x12500x128xi32, #tpu.memory_space<hbm>>
        %dma_start3A_196 = tpu.memref_squeeze %dma_start3A_195 : memref<1x12500x128xi32, #tpu.memory_space<hbm>> -> memref<12500x128xi32, #tpu.memory_space<hbm>>
        %dma_start3A_197 = arith.constant 0 : i32
        %dma_start3A_198 = tpu.memref_slice %dma_start3A_196[%add3A_156, %dma_start3A_197] : memref<12500x128xi32, #tpu.memory_space<hbm>> -> memref<1x128xi32, #tpu.memory_space<hbm>>
        tpu.enqueue_dma source(%dma_start3A_198 : memref<1x128xi32, #tpu.memory_space<hbm>>) target(%dma_start3A_192 : memref<1x128xi32, #tpu.memory_space<vmem>>) target_semaphore(%run_scoped3A_180 : memref<!tpu.dma_semaphore, #tpu.memory_space<semaphore_mem>>)
        %dma_wait3A_199 = arith.constant 0 : i32
        %dma_wait3A_200 = arith.constant 0 : i32
        %dma_wait3A_201 = tpu.memref_slice %arg7[%dma_wait3A_199, %dma_wait3A_200] : memref<5x128xi32, #tpu.memory_space<vmem>> -> memref<1x128xi32, #tpu.memory_space<vmem>>
        %dma_wait3A_202 = arith.constant 0 : i32
        %dma_wait3A_203 = arith.constant 0 : i32
        %dma_wait3A_204 = tpu.memref_slice %arg3[%run_scoped3A_158, %dma_wait3A_202, %dma_wait3A_203] : memref<2x12500x128xi32, #tpu.memory_space<hbm>> -> memref<1x12500x128xi32, #tpu.memory_space<hbm>>
        %dma_wait3A_205 = tpu.memref_squeeze %dma_wait3A_204 : memref<1x12500x128xi32, #tpu.memory_space<hbm>> -> memref<12500x128xi32, #tpu.memory_space<hbm>>
        %dma_wait3A_206 = arith.constant 0 : i32
        %dma_wait3A_207 = tpu.memref_slice %dma_wait3A_205[%add3A_156, %dma_wait3A_206] : memref<12500x128xi32, #tpu.memory_space<hbm>> -> memref<1x128xi32, #tpu.memory_space<hbm>>
        %dma_wait3A_208 = arith.constant 0 : i32
        %dma_wait3A_209 = arith.constant 0 : i32
        %dma_wait3A_210 = tpu.memref_slice %arg7[%dma_wait3A_208, %dma_wait3A_209] : memref<5x128xi32, #tpu.memory_space<vmem>> -> memref<1x128xi32, #tpu.memory_space<vmem>>
        %dma_wait3A_211 = arith.constant 0 : i32
        %dma_wait3A_212 = arith.constant 0 : i32
        %dma_wait3A_213 = tpu.memref_slice %arg3[%run_scoped3A_158, %dma_wait3A_211, %dma_wait3A_212] : memref<2x12500x128xi32, #tpu.memory_space<hbm>> -> memref<1x12500x128xi32, #tpu.memory_space<hbm>>
        %dma_wait3A_214 = tpu.memref_squeeze %dma_wait3A_213 : memref<1x12500x128xi32, #tpu.memory_space<hbm>> -> memref<12500x128xi32, #tpu.memory_space<hbm>>
        %dma_wait3A_215 = arith.constant 0 : i32
        %dma_wait3A_216 = tpu.memref_slice %dma_wait3A_214[%add3A_156, %dma_wait3A_215] : memref<12500x128xi32, #tpu.memory_space<hbm>> -> memref<1x128xi32, #tpu.memory_space<hbm>>
        tpu.wait_dma2 semaphore(%run_scoped3A_180 : memref<!tpu.dma_semaphore, #tpu.memory_space<semaphore_mem>>) src(%dma_wait3A_216 : memref<1x128xi32, #tpu.memory_space<hbm>>) dst(%dma_wait3A_210 : memref<1x128xi32, #tpu.memory_space<vmem>>)
        tpu.yield
      }) : () -> ()
      %dma_start3A_159 = arith.constant 0 : i32
      %dma_start3A_160 = arith.constant 0 : i32
      %dma_start3A_161 = arith.constant 0 : i32
      %dma_start3A_162 = tpu.memref_slice %arg10[%dma_start3A_160, %dma_start3A_161] : memref<640x16xf32, #tpu.memory_space<vmem>> -> memref<128x16xf32, #tpu.memory_space<vmem>>
      %dma_start3A_163 = arith.constant 0 : i32
      %dma_start3A_164 = tpu.memref_slice %arg6[%dma_start3A_159, %dma_start3A_163] : memref<5x128xi32, #tpu.memory_space<vmem>> -> memref<1x128xi32, #tpu.memory_space<vmem>>
      %dma_start3A_165 = tpu.memref_squeeze %dma_start3A_164 : memref<1x128xi32, #tpu.memory_space<vmem>> -> memref<128xi32, #tpu.memory_space<vmem>>
      %dma_start3A_166 = arith.constant 0 : i32
      %dma_start3A_167 = arith.constant 0 : i32
      %dma_start3A_168 = tpu.memref_slice %arg2[%dma_start3A_166, %dma_start3A_167] : memref<100000x16xf32, #tpu.memory_space<hbm>> -> memref<100000x16xf32, #tpu.memory_space<hbm>>
      tpu.enqueue_indirect_dma source(%dma_start3A_168 : memref<100000x16xf32, #tpu.memory_space<hbm>>) target(%dma_start3A_162 : memref<128x16xf32, #tpu.memory_space<vmem>>) offsets(%dma_start3A_165 : memref<128xi32, #tpu.memory_space<vmem>>) semaphore(%arg13 : memref<!tpu.dma_semaphore, #tpu.memory_space<semaphore_mem>>)
      %dma_wait3A_169 = arith.constant 0 : i32
      %dma_wait3A_170 = arith.constant 0 : i32
      %dma_wait3A_171 = arith.constant 0 : i32
      %dma_wait3A_172 = tpu.memref_slice %arg10[%dma_wait3A_170, %dma_wait3A_171] : memref<640x16xf32, #tpu.memory_space<vmem>> -> memref<128x16xf32, #tpu.memory_space<vmem>>
      %dma_wait3A_173 = arith.constant 0 : i32
      %dma_wait3A_174 = tpu.memref_slice %arg6[%dma_wait3A_169, %dma_wait3A_173] : memref<5x128xi32, #tpu.memory_space<vmem>> -> memref<1x128xi32, #tpu.memory_space<vmem>>
      %dma_wait3A_175 = tpu.memref_squeeze %dma_wait3A_174 : memref<1x128xi32, #tpu.memory_space<vmem>> -> memref<128xi32, #tpu.memory_space<vmem>>
      %dma_wait3A_176 = arith.constant 0 : i32
      %dma_wait3A_177 = arith.constant 0 : i32
      %dma_wait3A_178 = tpu.memref_slice %arg2[%dma_wait3A_176, %dma_wait3A_177] : memref<100000x16xf32, #tpu.memory_space<hbm>> -> memref<100000x16xf32, #tpu.memory_space<hbm>>
      tpu.wait_indirect_dma semaphore(%arg13 : memref<!tpu.dma_semaphore, #tpu.memory_space<semaphore_mem>>) src(%dma_wait3A_178 : memref<100000x16xf32, #tpu.memory_space<hbm>>) dst(%dma_wait3A_172 : memref<128x16xf32, #tpu.memory_space<vmem>>)
      %run_scoped3A_179 = arith.constant 0 : i32
      "tpu.region"() ({
        %run_scoped3A_180 = tpu.sem_alloc : memref<!tpu.dma_semaphore, #tpu.memory_space<semaphore_mem>>
        %dma_start3A_181 = arith.constant 0 : i32
        %dma_start3A_182 = arith.constant 0 : i32
        %dma_start3A_183 = tpu.memref_slice %arg10[%dma_start3A_181, %dma_start3A_182] : memref<640x16xf32, #tpu.memory_space<vmem>> -> memref<128x16xf32, #tpu.memory_space<vmem>>
        %dma_start3A_184 = arith.constant 0 : i32
        %dma_start3A_185 = tpu.memref_slice %arg7[%run_scoped3A_179, %dma_start3A_184] : memref<5x128xi32, #tpu.memory_space<vmem>> -> memref<1x128xi32, #tpu.memory_space<vmem>>
        %dma_start3A_186 = tpu.memref_squeeze %dma_start3A_185 : memref<1x128xi32, #tpu.memory_space<vmem>> -> memref<128xi32, #tpu.memory_space<vmem>>
        %dma_start3A_187 = arith.constant 0 : i32
        %dma_start3A_188 = arith.constant 0 : i32
        %dma_start3A_189 = tpu.memref_slice %arg5[%dma_start3A_187, %dma_start3A_188] : memref<100096x16xf32, #tpu.memory_space<vmem_shared>> -> memref<100096x16xf32, #tpu.memory_space<vmem_shared>>
        tpu.enqueue_indirect_dma source(%dma_start3A_183 : memref<128x16xf32, #tpu.memory_space<vmem>>) target(%dma_start3A_189 : memref<100096x16xf32, #tpu.memory_space<vmem_shared>>) offsets(%dma_start3A_186 : memref<128xi32, #tpu.memory_space<vmem>>) semaphore(%run_scoped3A_180 : memref<!tpu.dma_semaphore, #tpu.memory_space<semaphore_mem>>) {add = true}
        %dma_wait3A_190 = arith.constant 0 : i32
        %dma_wait3A_191 = arith.constant 0 : i32
        %dma_wait3A_192 = tpu.memref_slice %arg10[%dma_wait3A_190, %dma_wait3A_191] : memref<640x16xf32, #tpu.memory_space<vmem>> -> memref<128x16xf32, #tpu.memory_space<vmem>>
        %dma_wait3A_193 = arith.constant 0 : i32
        %dma_wait3A_194 = tpu.memref_slice %arg7[%run_scoped3A_179, %dma_wait3A_193] : memref<5x128xi32, #tpu.memory_space<vmem>> -> memref<1x128xi32, #tpu.memory_space<vmem>>
        %dma_wait3A_195 = tpu.memref_squeeze %dma_wait3A_194 : memref<1x128xi32, #tpu.memory_space<vmem>> -> memref<128xi32, #tpu.memory_space<vmem>>
        %dma_wait3A_196 = arith.constant 0 : i32
        %dma_wait3A_197 = arith.constant 0 : i32
        %dma_wait3A_198 = tpu.memref_slice %arg5[%dma_wait3A_196, %dma_wait3A_197] : memref<100096x16xf32, #tpu.memory_space<vmem_shared>> -> memref<100096x16xf32, #tpu.memory_space<vmem_shared>>
        tpu.wait_indirect_dma semaphore(%run_scoped3A_180 : memref<!tpu.dma_semaphore, #tpu.memory_space<semaphore_mem>>) src(%dma_wait3A_192 : memref<128x16xf32, #tpu.memory_space<vmem>>) dst(%dma_wait3A_198 : memref<100096x16xf32, #tpu.memory_space<vmem_shared>>)
        tpu.yield
      }) : () -> ()
    }
    %while3A_147 = arith.constant 1 : i32
    scf.for %while3A_155 = %while3A_145 to %while3A_141 step %while3A_147  : i32 {
      %add3A_156 = arith.addi %add3A_19, %while3A_155 : i32
      %run_scoped3A_157 = arith.constant 0 : i32
      "tpu.region"() ({
        %run_scoped3A_180 = tpu.sem_alloc : memref<!tpu.dma_semaphore, #tpu.memory_space<semaphore_mem>>
        %dma_start3A_181 = arith.constant 0 : i32
        %dma_start3A_182 = arith.constant 0 : i32
        %dma_start3A_183 = tpu.memref_slice %arg6[%dma_start3A_181, %dma_start3A_182] : memref<5x128xi32, #tpu.memory_space<vmem>> -> memref<1x128xi32, #tpu.memory_space<vmem>>
        %dma_start3A_184 = arith.constant 0 : i32
        %dma_start3A_185 = arith.constant 0 : i32
        %dma_start3A_186 = tpu.memref_slice %arg3[%run_scoped3A_157, %dma_start3A_184, %dma_start3A_185] : memref<2x12500x128xi32, #tpu.memory_space<hbm>> -> memref<1x12500x128xi32, #tpu.memory_space<hbm>>
        %dma_start3A_187 = tpu.memref_squeeze %dma_start3A_186 : memref<1x12500x128xi32, #tpu.memory_space<hbm>> -> memref<12500x128xi32, #tpu.memory_space<hbm>>
        %dma_start3A_188 = arith.constant 0 : i32
        %dma_start3A_189 = tpu.memref_slice %dma_start3A_187[%add3A_156, %dma_start3A_188] : memref<12500x128xi32, #tpu.memory_space<hbm>> -> memref<1x128xi32, #tpu.memory_space<hbm>>
        %dma_start3A_190 = arith.constant 0 : i32
        %dma_start3A_191 = arith.constant 0 : i32
        %dma_start3A_192 = tpu.memref_slice %arg6[%dma_start3A_190, %dma_start3A_191] : memref<5x128xi32, #tpu.memory_space<vmem>> -> memref<1x128xi32, #tpu.memory_space<vmem>>
        %dma_start3A_193 = arith.constant 0 : i32
        %dma_start3A_194 = arith.constant 0 : i32
        %dma_start3A_195 = tpu.memref_slice %arg3[%run_scoped3A_157, %dma_start3A_193, %dma_start3A_194] : memref<2x12500x128xi32, #tpu.memory_space<hbm>> -> memref<1x12500x128xi32, #tpu.memory_space<hbm>>
        %dma_start3A_196 = tpu.memref_squeeze %dma_start3A_195 : memref<1x12500x128xi32, #tpu.memory_space<hbm>> -> memref<12500x128xi32, #tpu.memory_space<hbm>>
        %dma_start3A_197 = arith.constant 0 : i32
        %dma_start3A_198 = tpu.memref_slice %dma_start3A_196[%add3A_156, %dma_start3A_197] : memref<12500x128xi32, #tpu.memory_space<hbm>> -> memref<1x128xi32, #tpu.memory_space<hbm>>
        tpu.enqueue_dma source(%dma_start3A_198 : memref<1x128xi32, #tpu.memory_space<hbm>>) target(%dma_start3A_192 : memref<1x128xi32, #tpu.memory_space<vmem>>) target_semaphore(%run_scoped3A_180 : memref<!tpu.dma_semaphore, #tpu.memory_space<semaphore_mem>>)
        %dma_wait3A_199 = arith.constant 0 : i32
        %dma_wait3A_200 = arith.constant 0 : i32
        %dma_wait3A_201 = tpu.memref_slice %arg6[%dma_wait3A_199, %dma_wait3A_200] : memref<5x128xi32, #tpu.memory_space<vmem>> -> memref<1x128xi32, #tpu.memory_space<vmem>>
        %dma_wait3A_202 = arith.constant 0 : i32
        %dma_wait3A_203 = arith.constant 0 : i32
        %dma_wait3A_204 = tpu.memref_slice %arg3[%run_scoped3A_157, %dma_wait3A_202, %dma_wait3A_203] : memref<2x12500x128xi32, #tpu.memory_space<hbm>> -> memref<1x12500x128xi32, #tpu.memory_space<hbm>>
        %dma_wait3A_205 = tpu.memref_squeeze %dma_wait3A_204 : memref<1x12500x128xi32, #tpu.memory_space<hbm>> -> memref<12500x128xi32, #tpu.memory_space<hbm>>
        %dma_wait3A_206 = arith.constant 0 : i32
        %dma_wait3A_207 = tpu.memref_slice %dma_wait3A_205[%add3A_156, %dma_wait3A_206] : memref<12500x128xi32, #tpu.memory_space<hbm>> -> memref<1x128xi32, #tpu.memory_space<hbm>>
        %dma_wait3A_208 = arith.constant 0 : i32
        %dma_wait3A_209 = arith.constant 0 : i32
        %dma_wait3A_210 = tpu.memref_slice %arg6[%dma_wait3A_208, %dma_wait3A_209] : memref<5x128xi32, #tpu.memory_space<vmem>> -> memref<1x128xi32, #tpu.memory_space<vmem>>
        %dma_wait3A_211 = arith.constant 0 : i32
        %dma_wait3A_212 = arith.constant 0 : i32
        %dma_wait3A_213 = tpu.memref_slice %arg3[%run_scoped3A_157, %dma_wait3A_211, %dma_wait3A_212] : memref<2x12500x128xi32, #tpu.memory_space<hbm>> -> memref<1x12500x128xi32, #tpu.memory_space<hbm>>
        %dma_wait3A_214 = tpu.memref_squeeze %dma_wait3A_213 : memref<1x12500x128xi32, #tpu.memory_space<hbm>> -> memref<12500x128xi32, #tpu.memory_space<hbm>>
        %dma_wait3A_215 = arith.constant 0 : i32
        %dma_wait3A_216 = tpu.memref_slice %dma_wait3A_214[%add3A_156, %dma_wait3A_215] : memref<12500x128xi32, #tpu.memory_space<hbm>> -> memref<1x128xi32, #tpu.memory_space<hbm>>
        tpu.wait_dma2 semaphore(%run_scoped3A_180 : memref<!tpu.dma_semaphore, #tpu.memory_space<semaphore_mem>>) src(%dma_wait3A_216 : memref<1x128xi32, #tpu.memory_space<hbm>>) dst(%dma_wait3A_210 : memref<1x128xi32, #tpu.memory_space<vmem>>)
        tpu.yield
      }) : () -> ()
      %run_scoped3A_158 = arith.constant 1 : i32
      "tpu.region"() ({
        %run_scoped3A_180 = tpu.sem_alloc : memref<!tpu.dma_semaphore, #tpu.memory_space<semaphore_mem>>
        %dma_start3A_181 = arith.constant 0 : i32
        %dma_start3A_182 = arith.constant 0 : i32
        %dma_start3A_183 = tpu.memref_slice %arg7[%dma_start3A_181, %dma_start3A_182] : memref<5x128xi32, #tpu.memory_space<vmem>> -> memref<1x128xi32, #tpu.memory_space<vmem>>
        %dma_start3A_184 = arith.constant 0 : i32
        %dma_start3A_185 = arith.constant 0 : i32
        %dma_start3A_186 = tpu.memref_slice %arg3[%run_scoped3A_158, %dma_start3A_184, %dma_start3A_185] : memref<2x12500x128xi32, #tpu.memory_space<hbm>> -> memref<1x12500x128xi32, #tpu.memory_space<hbm>>
        %dma_start3A_187 = tpu.memref_squeeze %dma_start3A_186 : memref<1x12500x128xi32, #tpu.memory_space<hbm>> -> memref<12500x128xi32, #tpu.memory_space<hbm>>
        %dma_start3A_188 = arith.constant 0 : i32
        %dma_start3A_189 = tpu.memref_slice %dma_start3A_187[%add3A_156, %dma_start3A_188] : memref<12500x128xi32, #tpu.memory_space<hbm>> -> memref<1x128xi32, #tpu.memory_space<hbm>>
        %dma_start3A_190 = arith.constant 0 : i32
        %dma_start3A_191 = arith.constant 0 : i32
        %dma_start3A_192 = tpu.memref_slice %arg7[%dma_start3A_190, %dma_start3A_191] : memref<5x128xi32, #tpu.memory_space<vmem>> -> memref<1x128xi32, #tpu.memory_space<vmem>>
        %dma_start3A_193 = arith.constant 0 : i32
        %dma_start3A_194 = arith.constant 0 : i32
        %dma_start3A_195 = tpu.memref_slice %arg3[%run_scoped3A_158, %dma_start3A_193, %dma_start3A_194] : memref<2x12500x128xi32, #tpu.memory_space<hbm>> -> memref<1x12500x128xi32, #tpu.memory_space<hbm>>
        %dma_start3A_196 = tpu.memref_squeeze %dma_start3A_195 : memref<1x12500x128xi32, #tpu.memory_space<hbm>> -> memref<12500x128xi32, #tpu.memory_space<hbm>>
        %dma_start3A_197 = arith.constant 0 : i32
        %dma_start3A_198 = tpu.memref_slice %dma_start3A_196[%add3A_156, %dma_start3A_197] : memref<12500x128xi32, #tpu.memory_space<hbm>> -> memref<1x128xi32, #tpu.memory_space<hbm>>
        tpu.enqueue_dma source(%dma_start3A_198 : memref<1x128xi32, #tpu.memory_space<hbm>>) target(%dma_start3A_192 : memref<1x128xi32, #tpu.memory_space<vmem>>) target_semaphore(%run_scoped3A_180 : memref<!tpu.dma_semaphore, #tpu.memory_space<semaphore_mem>>)
        %dma_wait3A_199 = arith.constant 0 : i32
        %dma_wait3A_200 = arith.constant 0 : i32
        %dma_wait3A_201 = tpu.memref_slice %arg7[%dma_wait3A_199, %dma_wait3A_200] : memref<5x128xi32, #tpu.memory_space<vmem>> -> memref<1x128xi32, #tpu.memory_space<vmem>>
        %dma_wait3A_202 = arith.constant 0 : i32
        %dma_wait3A_203 = arith.constant 0 : i32
        %dma_wait3A_204 = tpu.memref_slice %arg3[%run_scoped3A_158, %dma_wait3A_202, %dma_wait3A_203] : memref<2x12500x128xi32, #tpu.memory_space<hbm>> -> memref<1x12500x128xi32, #tpu.memory_space<hbm>>
        %dma_wait3A_205 = tpu.memref_squeeze %dma_wait3A_204 : memref<1x12500x128xi32, #tpu.memory_space<hbm>> -> memref<12500x128xi32, #tpu.memory_space<hbm>>
        %dma_wait3A_206 = arith.constant 0 : i32
        %dma_wait3A_207 = tpu.memref_slice %dma_wait3A_205[%add3A_156, %dma_wait3A_206] : memref<12500x128xi32, #tpu.memory_space<hbm>> -> memref<1x128xi32, #tpu.memory_space<hbm>>
        %dma_wait3A_208 = arith.constant 0 : i32
        %dma_wait3A_209 = arith.constant 0 : i32
        %dma_wait3A_210 = tpu.memref_slice %arg7[%dma_wait3A_208, %dma_wait3A_209] : memref<5x128xi32, #tpu.memory_space<vmem>> -> memref<1x128xi32, #tpu.memory_space<vmem>>
        %dma_wait3A_211 = arith.constant 0 : i32
        %dma_wait3A_212 = arith.constant 0 : i32
        %dma_wait3A_213 = tpu.memref_slice %arg3[%run_scoped3A_158, %dma_wait3A_211, %dma_wait3A_212] : memref<2x12500x128xi32, #tpu.memory_space<hbm>> -> memref<1x12500x128xi32, #tpu.memory_space<hbm>>
        %dma_wait3A_214 = tpu.memref_squeeze %dma_wait3A_213 : memref<1x12500x128xi32, #tpu.memory_space<hbm>> -> memref<12500x128xi32, #tpu.memory_space<hbm>>
        %dma_wait3A_215 = arith.constant 0 : i32
        %dma_wait3A_216 = tpu.memref_slice %dma_wait3A_214[%add3A_156, %dma_wait3A_215] : memref<12500x128xi32, #tpu.memory_space<hbm>> -> memref<1x128xi32, #tpu.memory_space<hbm>>
        tpu.wait_dma2 semaphore(%run_scoped3A_180 : memref<!tpu.dma_semaphore, #tpu.memory_space<semaphore_mem>>) src(%dma_wait3A_216 : memref<1x128xi32, #tpu.memory_space<hbm>>) dst(%dma_wait3A_210 : memref<1x128xi32, #tpu.memory_space<vmem>>)
        tpu.yield
      }) : () -> ()
      %dma_start3A_159 = arith.constant 0 : i32
      %dma_start3A_160 = arith.constant 0 : i32
      %dma_start3A_161 = arith.constant 0 : i32
      %dma_start3A_162 = tpu.memref_slice %arg10[%dma_start3A_160, %dma_start3A_161] : memref<640x16xf32, #tpu.memory_space<vmem>> -> memref<128x16xf32, #tpu.memory_space<vmem>>
      %dma_start3A_163 = arith.constant 0 : i32
      %dma_start3A_164 = tpu.memref_slice %arg6[%dma_start3A_159, %dma_start3A_163] : memref<5x128xi32, #tpu.memory_space<vmem>> -> memref<1x128xi32, #tpu.memory_space<vmem>>
      %dma_start3A_165 = tpu.memref_squeeze %dma_start3A_164 : memref<1x128xi32, #tpu.memory_space<vmem>> -> memref<128xi32, #tpu.memory_space<vmem>>
      %dma_start3A_166 = arith.constant 0 : i32
      %dma_start3A_167 = arith.constant 0 : i32
      %dma_start3A_168 = tpu.memref_slice %arg2[%dma_start3A_166, %dma_start3A_167] : memref<100000x16xf32, #tpu.memory_space<hbm>> -> memref<100000x16xf32, #tpu.memory_space<hbm>>
      tpu.enqueue_indirect_dma source(%dma_start3A_168 : memref<100000x16xf32, #tpu.memory_space<hbm>>) target(%dma_start3A_162 : memref<128x16xf32, #tpu.memory_space<vmem>>) offsets(%dma_start3A_165 : memref<128xi32, #tpu.memory_space<vmem>>) semaphore(%arg13 : memref<!tpu.dma_semaphore, #tpu.memory_space<semaphore_mem>>)
      %dma_wait3A_169 = arith.constant 0 : i32
      %dma_wait3A_170 = arith.constant 0 : i32
      %dma_wait3A_171 = arith.constant 0 : i32
      %dma_wait3A_172 = tpu.memref_slice %arg10[%dma_wait3A_170, %dma_wait3A_171] : memref<640x16xf32, #tpu.memory_space<vmem>> -> memref<128x16xf32, #tpu.memory_space<vmem>>
      %dma_wait3A_173 = arith.constant 0 : i32
      %dma_wait3A_174 = tpu.memref_slice %arg6[%dma_wait3A_169, %dma_wait3A_173] : memref<5x128xi32, #tpu.memory_space<vmem>> -> memref<1x128xi32, #tpu.memory_space<vmem>>
      %dma_wait3A_175 = tpu.memref_squeeze %dma_wait3A_174 : memref<1x128xi32, #tpu.memory_space<vmem>> -> memref<128xi32, #tpu.memory_space<vmem>>
      %dma_wait3A_176 = arith.constant 0 : i32
      %dma_wait3A_177 = arith.constant 0 : i32
      %dma_wait3A_178 = tpu.memref_slice %arg2[%dma_wait3A_176, %dma_wait3A_177] : memref<100000x16xf32, #tpu.memory_space<hbm>> -> memref<100000x16xf32, #tpu.memory_space<hbm>>
      tpu.wait_indirect_dma semaphore(%arg13 : memref<!tpu.dma_semaphore, #tpu.memory_space<semaphore_mem>>) src(%dma_wait3A_178 : memref<100000x16xf32, #tpu.memory_space<hbm>>) dst(%dma_wait3A_172 : memref<128x16xf32, #tpu.memory_space<vmem>>)
      %run_scoped3A_179 = arith.constant 0 : i32
      "tpu.region"() ({
        %run_scoped3A_180 = tpu.sem_alloc : memref<!tpu.dma_semaphore, #tpu.memory_space<semaphore_mem>>
        %dma_start3A_181 = arith.constant 0 : i32
        %dma_start3A_182 = arith.constant 0 : i32
        %dma_start3A_183 = tpu.memref_slice %arg10[%dma_start3A_181, %dma_start3A_182] : memref<640x16xf32, #tpu.memory_space<vmem>> -> memref<128x16xf32, #tpu.memory_space<vmem>>
        %dma_start3A_184 = arith.constant 0 : i32
        %dma_start3A_185 = tpu.memref_slice %arg7[%run_scoped3A_179, %dma_start3A_184] : memref<5x128xi32, #tpu.memory_space<vmem>> -> memref<1x128xi32, #tpu.memory_space<vmem>>
        %dma_start3A_186 = tpu.memref_squeeze %dma_start3A_185 : memref<1x128xi32, #tpu.memory_space<vmem>> -> memref<128xi32, #tpu.memory_space<vmem>>
        %dma_start3A_187 = arith.constant 0 : i32
        %dma_start3A_188 = arith.constant 0 : i32
        %dma_start3A_189 = tpu.memref_slice %arg5[%dma_start3A_187, %dma_start3A_188] : memref<100096x16xf32, #tpu.memory_space<vmem_shared>> -> memref<100096x16xf32, #tpu.memory_space<vmem_shared>>
        tpu.enqueue_indirect_dma source(%dma_start3A_183 : memref<128x16xf32, #tpu.memory_space<vmem>>) target(%dma_start3A_189 : memref<100096x16xf32, #tpu.memory_space<vmem_shared>>) offsets(%dma_start3A_186 : memref<128xi32, #tpu.memory_space<vmem>>) semaphore(%run_scoped3A_180 : memref<!tpu.dma_semaphore, #tpu.memory_space<semaphore_mem>>) {add = true}
        %dma_wait3A_190 = arith.constant 0 : i32
        %dma_wait3A_191 = arith.constant 0 : i32
        %dma_wait3A_192 = tpu.memref_slice %arg10[%dma_wait3A_190, %dma_wait3A_191] : memref<640x16xf32, #tpu.memory_space<vmem>> -> memref<128x16xf32, #tpu.memory_space<vmem>>
        %dma_wait3A_193 = arith.constant 0 : i32
        %dma_wait3A_194 = tpu.memref_slice %arg7[%run_scoped3A_179, %dma_wait3A_193] : memref<5x128xi32, #tpu.memory_space<vmem>> -> memref<1x128xi32, #tpu.memory_space<vmem>>
        %dma_wait3A_195 = tpu.memref_squeeze %dma_wait3A_194 : memref<1x128xi32, #tpu.memory_space<vmem>> -> memref<128xi32, #tpu.memory_space<vmem>>
        %dma_wait3A_196 = arith.constant 0 : i32
        %dma_wait3A_197 = arith.constant 0 : i32
        %dma_wait3A_198 = tpu.memref_slice %arg5[%dma_wait3A_196, %dma_wait3A_197] : memref<100096x16xf32, #tpu.memory_space<vmem_shared>> -> memref<100096x16xf32, #tpu.memory_space<vmem_shared>>
        tpu.wait_indirect_dma semaphore(%run_scoped3A_180 : memref<!tpu.dma_semaphore, #tpu.memory_space<semaphore_mem>>) src(%dma_wait3A_192 : memref<128x16xf32, #tpu.memory_space<vmem>>) dst(%dma_wait3A_198 : memref<100096x16xf32, #tpu.memory_space<vmem_shared>>)
        tpu.yield
      }) : () -> ()
    }
    %barrier3A_148 = arith.constant 0 : index
    tpu.barrier barrier_id(%barrier3A_148)
    %scan3A_149 = arith.constant 0 : i32
    %scan3A_150 = arith.constant 0 : i32
    %scan3A_151 = arith.constant 17 : i32
    %scan3A_152 = arith.addi %scan3A_150, %scan3A_151 : i32
    %scan3A_153 = arith.constant 1 : i32
    scf.for %scan3A_155 = %scan3A_150 to %scan3A_152 step %scan3A_153  : i32 {
      %mul3A_156 = arith.constant 368 : i32
      %mul3A_157 = arith.muli %scan3A_155, %mul3A_156 : i32
      %add3A_158 = arith.addi %mul3A_7, %mul3A_157 : i32
      "tpu.region"() ({
        %run_scoped3A_170 = tpu.sem_alloc : memref<!tpu.dma_semaphore, #tpu.memory_space<semaphore_mem>>
        %dma_start3A_171 = arith.constant 0 : i32
        %dma_start3A_172 = arith.constant 0 : i32
        %dma_start3A_173 = tpu.memref_slice %arg10[%dma_start3A_171, %dma_start3A_172] : memref<640x16xf32, #tpu.memory_space<vmem>> -> memref<368x16xf32, #tpu.memory_space<vmem>>
        %dma_start3A_174 = arith.constant 0 : i32
        %dma_start3A_175 = tpu.memref_slice %arg5[%add3A_158, %dma_start3A_174] : memref<100096x16xf32, #tpu.memory_space<vmem_shared>> -> memref<368x16xf32, #tpu.memory_space<vmem_shared>>
        %dma_start3A_176 = arith.constant 0 : i32
        %dma_start3A_177 = arith.constant 0 : i32
        %dma_start3A_178 = tpu.memref_slice %arg10[%dma_start3A_176, %dma_start3A_177] : memref<640x16xf32, #tpu.memory_space<vmem>> -> memref<368x16xf32, #tpu.memory_space<vmem>>
        %dma_start3A_179 = arith.constant 0 : i32
        %dma_start3A_180 = tpu.memref_slice %arg5[%add3A_158, %dma_start3A_179] : memref<100096x16xf32, #tpu.memory_space<vmem_shared>> -> memref<368x16xf32, #tpu.memory_space<vmem_shared>>
        tpu.enqueue_dma source(%dma_start3A_180 : memref<368x16xf32, #tpu.memory_space<vmem_shared>>) target(%dma_start3A_178 : memref<368x16xf32, #tpu.memory_space<vmem>>) target_semaphore(%run_scoped3A_170 : memref<!tpu.dma_semaphore, #tpu.memory_space<semaphore_mem>>)
        %dma_wait3A_181 = arith.constant 0 : i32
        %dma_wait3A_182 = arith.constant 0 : i32
        %dma_wait3A_183 = tpu.memref_slice %arg10[%dma_wait3A_181, %dma_wait3A_182] : memref<640x16xf32, #tpu.memory_space<vmem>> -> memref<368x16xf32, #tpu.memory_space<vmem>>
        %dma_wait3A_184 = arith.constant 0 : i32
        %dma_wait3A_185 = tpu.memref_slice %arg5[%add3A_158, %dma_wait3A_184] : memref<100096x16xf32, #tpu.memory_space<vmem_shared>> -> memref<368x16xf32, #tpu.memory_space<vmem_shared>>
        %dma_wait3A_186 = arith.constant 0 : i32
        %dma_wait3A_187 = arith.constant 0 : i32
        %dma_wait3A_188 = tpu.memref_slice %arg10[%dma_wait3A_186, %dma_wait3A_187] : memref<640x16xf32, #tpu.memory_space<vmem>> -> memref<368x16xf32, #tpu.memory_space<vmem>>
        %dma_wait3A_189 = arith.constant 0 : i32
        %dma_wait3A_190 = tpu.memref_slice %arg5[%add3A_158, %dma_wait3A_189] : memref<100096x16xf32, #tpu.memory_space<vmem_shared>> -> memref<368x16xf32, #tpu.memory_space<vmem_shared>>
        tpu.wait_dma2 semaphore(%run_scoped3A_170 : memref<!tpu.dma_semaphore, #tpu.memory_space<semaphore_mem>>) src(%dma_wait3A_190 : memref<368x16xf32, #tpu.memory_space<vmem_shared>>) dst(%dma_wait3A_188 : memref<368x16xf32, #tpu.memory_space<vmem>>)
        tpu.yield
      }) : () -> ()
      %scan3A_159 = arith.constant 0 : i32
      %scan3A_160 = arith.constant 0 : i32
      %scan3A_161 = arith.constant 46 : i32
      %scan3A_162 = arith.addi %scan3A_160, %scan3A_161 : i32
      %scan3A_163 = arith.constant 1 : i32
      scf.for %scan3A_170 = %scan3A_160 to %scan3A_162 step %scan3A_163  : i32 {
        %mul3A_171 = arith.constant 8 : i32
        %mul3A_172 = arith.muli %mul3A_171, %scan3A_170 : i32
        %add3A_173 = arith.constant 0 : i32
        %add3A_174 = arith.addi %mul3A_172, %add3A_173 : i32
        %get3A = arith.index_cast %add3A_174 : i32 to index
        %get3A_175 = arith.constant 0 : index
        %get3A_176 = tpu.vector_load %arg10[%get3A, %get3A_175] {strides = array<i32>} : memref<640x16xf32, #tpu.memory_space<vmem>>, vector<1x16xf32>,
        %get3A_177 = vector.shape_cast %get3A_176 : vector<1x16xf32> to vector<16xf32>
        %swap3A = arith.index_cast %scan3A_170 : i32 to index
        %swap3A_178 = arith.constant 0 : index
        %swap3A_179 = tpu.vector_load %arg12[%swap3A, %swap3A_178] {strides = array<i32>} : memref<46x128xf32, #tpu.memory_space<vmem>>, vector<1x16xf32>,
        %swap3A_180 = vector.shape_cast %swap3A_179 : vector<1x16xf32> to vector<16xf32>
        %swap3A_181 = vector.shape_cast %get3A_177 : vector<16xf32> to vector<1x16xf32>
        tpu.vector_store %arg12[%swap3A, %swap3A_178], %swap3A_181 {strides = array<i32>} : memref<46x128xf32, #tpu.memory_space<vmem>>, vector<1x16xf32>,
        %mul3A_182 = arith.constant 8 : i32
        %mul3A_183 = arith.muli %mul3A_182, %scan3A_170 : i32
        %add3A_184 = arith.constant 1 : i32
        %add3A_185 = arith.addi %mul3A_183, %add3A_184 : i32
        %get3A_186 = arith.index_cast %add3A_185 : i32 to index
        %get3A_187 = arith.constant 0 : index
        %get3A_188 = tpu.vector_load %arg10[%get3A_186, %get3A_187] {strides = array<i32>} : memref<640x16xf32, #tpu.memory_space<vmem>>, vector<1x16xf32>,
        %get3A_189 = vector.shape_cast %get3A_188 : vector<1x16xf32> to vector<16xf32>
        %swap3A_190 = arith.index_cast %scan3A_170 : i32 to index
        %swap3A_191 = arith.constant 16 : index
        %swap3A_192 = tpu.vector_load %arg12[%swap3A_190, %swap3A_191] {strides = array<i32>} : memref<46x128xf32, #tpu.memory_space<vmem>>, vector<1x16xf32>,
        %swap3A_193 = vector.shape_cast %swap3A_192 : vector<1x16xf32> to vector<16xf32>
        %swap3A_194 = vector.shape_cast %get3A_189 : vector<16xf32> to vector<1x16xf32>
        tpu.vector_store %arg12[%swap3A_190, %swap3A_191], %swap3A_194 {strides = array<i32>} : memref<46x128xf32, #tpu.memory_space<vmem>>, vector<1x16xf32>,
        %mul3A_195 = arith.constant 8 : i32
        %mul3A_196 = arith.muli %mul3A_195, %scan3A_170 : i32
        %add3A_197 = arith.constant 2 : i32
        %add3A_198 = arith.addi %mul3A_196, %add3A_197 : i32
        %get3A_199 = arith.index_cast %add3A_198 : i32 to index
        %get3A_200 = arith.constant 0 : index
        %get3A_201 = tpu.vector_load %arg10[%get3A_199, %get3A_200] {strides = array<i32>} : memref<640x16xf32, #tpu.memory_space<vmem>>, vector<1x16xf32>,
        %get3A_202 = vector.shape_cast %get3A_201 : vector<1x16xf32> to vector<16xf32>
        %swap3A_203 = arith.index_cast %scan3A_170 : i32 to index
        %swap3A_204 = arith.constant 32 : index
        %swap3A_205 = tpu.vector_load %arg12[%swap3A_203, %swap3A_204] {strides = array<i32>} : memref<46x128xf32, #tpu.memory_space<vmem>>, vector<1x16xf32>,
        %swap3A_206 = vector.shape_cast %swap3A_205 : vector<1x16xf32> to vector<16xf32>
        %swap3A_207 = vector.shape_cast %get3A_202 : vector<16xf32> to vector<1x16xf32>
        tpu.vector_store %arg12[%swap3A_203, %swap3A_204], %swap3A_207 {strides = array<i32>} : memref<46x128xf32, #tpu.memory_space<vmem>>, vector<1x16xf32>,
        %mul3A_208 = arith.constant 8 : i32
        %mul3A_209 = arith.muli %mul3A_208, %scan3A_170 : i32
        %add3A_210 = arith.constant 3 : i32
        %add3A_211 = arith.addi %mul3A_209, %add3A_210 : i32
        %get3A_212 = arith.index_cast %add3A_211 : i32 to index
        %get3A_213 = arith.constant 0 : index
        %get3A_214 = tpu.vector_load %arg10[%get3A_212, %get3A_213] {strides = array<i32>} : memref<640x16xf32, #tpu.memory_space<vmem>>, vector<1x16xf32>,
        %get3A_215 = vector.shape_cast %get3A_214 : vector<1x16xf32> to vector<16xf32>
        %swap3A_216 = arith.index_cast %scan3A_170 : i32 to index
        %swap3A_217 = arith.constant 48 : index
        %swap3A_218 = tpu.vector_load %arg12[%swap3A_216, %swap3A_217] {strides = array<i32>} : memref<46x128xf32, #tpu.memory_space<vmem>>, vector<1x16xf32>,
        %swap3A_219 = vector.shape_cast %swap3A_218 : vector<1x16xf32> to vector<16xf32>
        %swap3A_220 = vector.shape_cast %get3A_215 : vector<16xf32> to vector<1x16xf32>
        tpu.vector_store %arg12[%swap3A_216, %swap3A_217], %swap3A_220 {strides = array<i32>} : memref<46x128xf32, #tpu.memory_space<vmem>>, vector<1x16xf32>,
        %mul3A_221 = arith.constant 8 : i32
        %mul3A_222 = arith.muli %mul3A_221, %scan3A_170 : i32
        %add3A_223 = arith.constant 4 : i32
        %add3A_224 = arith.addi %mul3A_222, %add3A_223 : i32
        %get3A_225 = arith.index_cast %add3A_224 : i32 to index
        %get3A_226 = arith.constant 0 : index
        %get3A_227 = tpu.vector_load %arg10[%get3A_225, %get3A_226] {strides = array<i32>} : memref<640x16xf32, #tpu.memory_space<vmem>>, vector<1x16xf32>,
        %get3A_228 = vector.shape_cast %get3A_227 : vector<1x16xf32> to vector<16xf32>
        %swap3A_229 = arith.index_cast %scan3A_170 : i32 to index
        %swap3A_230 = arith.constant 64 : index
        %swap3A_231 = tpu.vector_load %arg12[%swap3A_229, %swap3A_230] {strides = array<i32>} : memref<46x128xf32, #tpu.memory_space<vmem>>, vector<1x16xf32>,
        %swap3A_232 = vector.shape_cast %swap3A_231 : vector<1x16xf32> to vector<16xf32>
        %swap3A_233 = vector.shape_cast %get3A_228 : vector<16xf32> to vector<1x16xf32>
        tpu.vector_store %arg12[%swap3A_229, %swap3A_230], %swap3A_233 {strides = array<i32>} : memref<46x128xf32, #tpu.memory_space<vmem>>, vector<1x16xf32>,
        %mul3A_234 = arith.constant 8 : i32
        %mul3A_235 = arith.muli %mul3A_234, %scan3A_170 : i32
        %add3A_236 = arith.constant 5 : i32
        %add3A_237 = arith.addi %mul3A_235, %add3A_236 : i32
        %get3A_238 = arith.index_cast %add3A_237 : i32 to index
        %get3A_239 = arith.constant 0 : index
        %get3A_240 = tpu.vector_load %arg10[%get3A_238, %get3A_239] {strides = array<i32>} : memref<640x16xf32, #tpu.memory_space<vmem>>, vector<1x16xf32>,
        %get3A_241 = vector.shape_cast %get3A_240 : vector<1x16xf32> to vector<16xf32>
        %swap3A_242 = arith.index_cast %scan3A_170 : i32 to index
        %swap3A_243 = arith.constant 80 : index
        %swap3A_244 = tpu.vector_load %arg12[%swap3A_242, %swap3A_243] {strides = array<i32>} : memref<46x128xf32, #tpu.memory_space<vmem>>, vector<1x16xf32>,
        %swap3A_245 = vector.shape_cast %swap3A_244 : vector<1x16xf32> to vector<16xf32>
        %swap3A_246 = vector.shape_cast %get3A_241 : vector<16xf32> to vector<1x16xf32>
        tpu.vector_store %arg12[%swap3A_242, %swap3A_243], %swap3A_246 {strides = array<i32>} : memref<46x128xf32, #tpu.memory_space<vmem>>, vector<1x16xf32>,
        %mul3A_247 = arith.constant 8 : i32
        %mul3A_248 = arith.muli %mul3A_247, %scan3A_170 : i32
        %add3A_249 = arith.constant 6 : i32
        %add3A_250 = arith.addi %mul3A_248, %add3A_249 : i32
        %get3A_251 = arith.index_cast %add3A_250 : i32 to index
        %get3A_252 = arith.constant 0 : index
        %get3A_253 = tpu.vector_load %arg10[%get3A_251, %get3A_252] {strides = array<i32>} : memref<640x16xf32, #tpu.memory_space<vmem>>, vector<1x16xf32>,
        %get3A_254 = vector.shape_cast %get3A_253 : vector<1x16xf32> to vector<16xf32>
        %swap3A_255 = arith.index_cast %scan3A_170 : i32 to index
        %swap3A_256 = arith.constant 96 : index
        %swap3A_257 = tpu.vector_load %arg12[%swap3A_255, %swap3A_256] {strides = array<i32>} : memref<46x128xf32, #tpu.memory_space<vmem>>, vector<1x16xf32>,
        %swap3A_258 = vector.shape_cast %swap3A_257 : vector<1x16xf32> to vector<16xf32>
        %swap3A_259 = vector.shape_cast %get3A_254 : vector<16xf32> to vector<1x16xf32>
        tpu.vector_store %arg12[%swap3A_255, %swap3A_256], %swap3A_259 {strides = array<i32>} : memref<46x128xf32, #tpu.memory_space<vmem>>, vector<1x16xf32>,
        %mul3A_260 = arith.constant 8 : i32
        %mul3A_261 = arith.muli %mul3A_260, %scan3A_170 : i32
        %add3A_262 = arith.constant 7 : i32
        %add3A_263 = arith.addi %mul3A_261, %add3A_262 : i32
        %get3A_264 = arith.index_cast %add3A_263 : i32 to index
        %get3A_265 = arith.constant 0 : index
        %get3A_266 = tpu.vector_load %arg10[%get3A_264, %get3A_265] {strides = array<i32>} : memref<640x16xf32, #tpu.memory_space<vmem>>, vector<1x16xf32>,
        %get3A_267 = vector.shape_cast %get3A_266 : vector<1x16xf32> to vector<16xf32>
        %swap3A_268 = arith.index_cast %scan3A_170 : i32 to index
        %swap3A_269 = arith.constant 112 : index
        %swap3A_270 = tpu.vector_load %arg12[%swap3A_268, %swap3A_269] {strides = array<i32>} : memref<46x128xf32, #tpu.memory_space<vmem>>, vector<1x16xf32>,
        %swap3A_271 = vector.shape_cast %swap3A_270 : vector<1x16xf32> to vector<16xf32>
        %swap3A_272 = vector.shape_cast %get3A_267 : vector<16xf32> to vector<1x16xf32>
        tpu.vector_store %arg12[%swap3A_268, %swap3A_269], %swap3A_272 {strides = array<i32>} : memref<46x128xf32, #tpu.memory_space<vmem>>, vector<1x16xf32>,
      }
      %scan3A_164 = arith.constant 46 : i32
      %mul3A_165 = arith.constant 782 : i32
      %mul3A_166 = arith.muli %arg1, %mul3A_165 : i32
      %mul3A_167 = arith.constant 46 : i32
      %mul3A_168 = arith.muli %scan3A_155, %mul3A_167 : i32
      %add3A_169 = arith.addi %mul3A_166, %mul3A_168 : i32
      "tpu.region"() ({
        %run_scoped3A_170 = tpu.sem_alloc : memref<!tpu.dma_semaphore, #tpu.memory_space<semaphore_mem>>
        %dma_start3A_171 = arith.constant 0 : i32
        %dma_start3A_172 = arith.constant 0 : i32
        %dma_start3A_173 = tpu.memref_slice %arg4[%arg0, %dma_start3A_171, %dma_start3A_172] : memref<2x12512x128xf32, #tpu.memory_space<hbm>> -> memref<1x12512x128xf32, #tpu.memory_space<hbm>>
        %dma_start3A_174 = tpu.memref_squeeze %dma_start3A_173 : memref<1x12512x128xf32, #tpu.memory_space<hbm>> -> memref<12512x128xf32, #tpu.memory_space<hbm>>
        %dma_start3A_175 = arith.constant 0 : i32
        %dma_start3A_176 = tpu.memref_slice %dma_start3A_174[%add3A_169, %dma_start3A_175] : memref<12512x128xf32, #tpu.memory_space<hbm>> -> memref<46x128xf32, #tpu.memory_space<hbm>>
        %dma_start3A_177 = arith.constant 0 : i32
        %dma_start3A_178 = arith.constant 0 : i32
        %dma_start3A_179 = tpu.memref_slice %arg4[%arg0, %dma_start3A_177, %dma_start3A_178] : memref<2x12512x128xf32, #tpu.memory_space<hbm>> -> memref<1x12512x128xf32, #tpu.memory_space<hbm>>
        %dma_start3A_180 = tpu.memref_squeeze %dma_start3A_179 : memref<1x12512x128xf32, #tpu.memory_space<hbm>> -> memref<12512x128xf32, #tpu.memory_space<hbm>>
        %dma_start3A_181 = arith.constant 0 : i32
        %dma_start3A_182 = tpu.memref_slice %dma_start3A_180[%add3A_169, %dma_start3A_181] : memref<12512x128xf32, #tpu.memory_space<hbm>> -> memref<46x128xf32, #tpu.memory_space<hbm>>
        tpu.enqueue_dma source(%arg12 : memref<46x128xf32, #tpu.memory_space<vmem>>) target(%dma_start3A_182 : memref<46x128xf32, #tpu.memory_space<hbm>>) target_semaphore(%run_scoped3A_170 : memref<!tpu.dma_semaphore, #tpu.memory_space<semaphore_mem>>)
        %dma_wait3A_183 = arith.constant 0 : i32
        %dma_wait3A_184 = arith.constant 0 : i32
        %dma_wait3A_185 = tpu.memref_slice %arg4[%arg0, %dma_wait3A_183, %dma_wait3A_184] : memref<2x12512x128xf32, #tpu.memory_space<hbm>> -> memref<1x12512x128xf32, #tpu.memory_space<hbm>>
        %dma_wait3A_186 = tpu.memref_squeeze %dma_wait3A_185 : memref<1x12512x128xf32, #tpu.memory_space<hbm>> -> memref<12512x128xf32, #tpu.memory_space<hbm>>
        %dma_wait3A_187 = arith.constant 0 : i32
        %dma_wait3A_188 = tpu.memref_slice %dma_wait3A_186[%add3A_169, %dma_wait3A_187] : memref<12512x128xf32, #tpu.memory_space<hbm>> -> memref<46x128xf32, #tpu.memory_space<hbm>>
        %dma_wait3A_189 = arith.constant 0 : i32
        %dma_wait3A_190 = arith.constant 0 : i32
        %dma_wait3A_191 = tpu.memref_slice %arg4[%arg0, %dma_wait3A_189, %dma_wait3A_190] : memref<2x12512x128xf32, #tpu.memory_space<hbm>> -> memref<1x12512x128xf32, #tpu.memory_space<hbm>>
        %dma_wait3A_192 = tpu.memref_squeeze %dma_wait3A_191 : memref<1x12512x128xf32, #tpu.memory_space<hbm>> -> memref<12512x128xf32, #tpu.memory_space<hbm>>
        %dma_wait3A_193 = arith.constant 0 : i32
        %dma_wait3A_194 = tpu.memref_slice %dma_wait3A_192[%add3A_169, %dma_wait3A_193] : memref<12512x128xf32, #tpu.memory_space<hbm>> -> memref<46x128xf32, #tpu.memory_space<hbm>>
        tpu.wait_dma2 semaphore(%run_scoped3A_170 : memref<!tpu.dma_semaphore, #tpu.memory_space<semaphore_mem>>) src(%arg12 : memref<46x128xf32, #tpu.memory_space<vmem>>) dst(%dma_wait3A_194 : memref<46x128xf32, #tpu.memory_space<hbm>>)
        tpu.yield
      }) : () -> ()
    }
    %scan3A_154 = arith.constant 17 : i32
    return
  }
}

module attributes {stable_mosaic.version = 14 : i64} {
  func.func @_dense1_body(%arg0: i32, %arg1: memref<2x3128x128xf32, #tpu.memory_space<vmem>>, %arg2: memref<2x3128x128xf32, #tpu.memory_space<vmem>>, %arg3: memref<3128x128xf32, #tpu.memory_space<vmem>>, %arg4: memref<128x256xf32, #tpu.memory_space<vmem>>, %arg5: memref<1x256xf32, #tpu.memory_space<vmem>>, %arg6: memref<128x256xf32, #tpu.memory_space<vmem>>, %arg7: memref<256x128xf32, #tpu.memory_space<vmem>>, %arg8: memref<256x128xf32, #tpu.memory_space<vmem>>, %arg9: memref<1x128xf32, #tpu.memory_space<vmem>>, %arg10: memref<3128x128xf32, #tpu.memory_space<vmem>>, %arg11: memref<3128x128xf32, #tpu.memory_space<vmem>>) attributes {dimension_semantics = [#tpu.dimension_semantics<arbitrary>], iteration_bounds = array<i64: 4>, scalar_prefetch = 0 : i64, scratch_operands = 0 : i64, tpu.core_type = #tpu.core_type<tc>, window_params = [{transform_indices = @transform_0, window_bounds = array<i64: 2, 3128, 128>}, {transform_indices = @transform_1, window_bounds = array<i64: 2, 3128, 128>}, {transform_indices = @transform_2, window_bounds = array<i64: 3128, 128>}, {pipeline_mode = #tpu.pipeline_mode<synchronous>, transform_indices = @transform_3, window_bounds = array<i64: 128, 256>}, {pipeline_mode = #tpu.pipeline_mode<synchronous>, transform_indices = @transform_4, window_bounds = array<i64: 1, 256>}, {pipeline_mode = #tpu.pipeline_mode<synchronous>, transform_indices = @transform_5, window_bounds = array<i64: 128, 256>}, {pipeline_mode = #tpu.pipeline_mode<synchronous>, transform_indices = @transform_6, window_bounds = array<i64: 256, 128>}, {pipeline_mode = #tpu.pipeline_mode<synchronous>, transform_indices = @transform_7, window_bounds = array<i64: 256, 128>}, {pipeline_mode = #tpu.pipeline_mode<synchronous>, transform_indices = @transform_8, window_bounds = array<i64: 1, 128>}, {transform_indices = @transform_9, window_bounds = array<i64: 3128, 128>}, {transform_indices = @transform_10, window_bounds = array<i64: 3128, 128>}]} {
    %get3A = arith.constant 0 : index
    %get3A_0 = arith.constant 0 : index
    %get3A_1 = arith.constant 0 : index
    %get3A_2 = vector.load %arg1[%get3A, %get3A_0, %get3A_1] : memref<2x3128x128xf32, #tpu.memory_space<vmem>>, vector<1x3128x128xf32>
    %get3A_3 = vector.shape_cast %get3A_2 : vector<1x3128x128xf32> to vector<3128x128xf32>
    %get3A_4 = arith.constant 1 : index
    %get3A_5 = arith.constant 0 : index
    %get3A_6 = arith.constant 0 : index
    %get3A_7 = vector.load %arg1[%get3A_4, %get3A_5, %get3A_6] : memref<2x3128x128xf32, #tpu.memory_space<vmem>>, vector<1x3128x128xf32>
    %get3A_8 = vector.shape_cast %get3A_7 : vector<1x3128x128xf32> to vector<3128x128xf32>
    %add3A = arith.addf %get3A_3, %get3A_8 : vector<3128x128xf32>
    %get3A_9 = arith.constant 0 : index
    %get3A_10 = arith.constant 0 : index
    %get3A_11 = arith.constant 0 : index
    %get3A_12 = vector.load %arg2[%get3A_9, %get3A_10, %get3A_11] : memref<2x3128x128xf32, #tpu.memory_space<vmem>>, vector<1x3128x128xf32>
    %get3A_13 = vector.shape_cast %get3A_12 : vector<1x3128x128xf32> to vector<3128x128xf32>
    %get3A_14 = arith.constant 1 : index
    %get3A_15 = arith.constant 0 : index
    %get3A_16 = arith.constant 0 : index
    %get3A_17 = vector.load %arg2[%get3A_14, %get3A_15, %get3A_16] : memref<2x3128x128xf32, #tpu.memory_space<vmem>>, vector<1x3128x128xf32>
    %get3A_18 = vector.shape_cast %get3A_17 : vector<1x3128x128xf32> to vector<3128x128xf32>
    %add3A_19 = arith.addf %get3A_13, %get3A_18 : vector<3128x128xf32>
    %jit3A = arith.constant 1.000000e+00 : f32
    %max3A = vector.broadcast %jit3A : f32 to vector<3128x128xf32>
    %max3A_20 = arith.maximumf %max3A, %add3A_19 : vector<3128x128xf32>
    %div3A = arith.divf %add3A, %max3A_20 : vector<3128x128xf32>
    %get3A_21 = arith.constant 0 : index
    %get3A_22 = arith.constant 0 : index
    %get3A_23 = vector.load %arg4[%get3A_21, %get3A_22] : memref<128x256xf32, #tpu.memory_space<vmem>>, vector<128x256xf32>
    %dot_general3A = arith.constant dense<0.000000e+00> : vector<3128x256xf32>
    %dot_general3A_24 = tpu.matmul %div3A, %get3A_23, %dot_general3A {dimension_numbers = #tpu.dot_dimension_numbers<[1], [0], [0], [1], [0, 0, 1, 1], [], []>, transpose_lhs_hint = false} : vector<3128x128xf32>, vector<128x256xf32>, vector<3128x256xf32> -> vector<3128x256xf32>
    %get3A_25 = arith.constant 0 : index
    %get3A_26 = arith.constant 0 : index
    %get3A_27 = vector.load %arg5[%get3A_25, %get3A_26] : memref<1x256xf32, #tpu.memory_space<vmem>>, vector<1x256xf32>
    %add3A_28 = vector.broadcast %get3A_27 : vector<1x256xf32> to vector<3128x256xf32>
    %add3A_29 = arith.addf %dot_general3A_24, %add3A_28 : vector<3128x256xf32>
    %get3A_30 = arith.constant 0 : index
    %get3A_31 = arith.constant 0 : index
    %get3A_32 = vector.load %arg3[%get3A_30, %get3A_31] : memref<3128x128xf32, #tpu.memory_space<vmem>>, vector<3128x128xf32>
    %get3A_33 = arith.constant 0 : index
    %get3A_34 = arith.constant 0 : index
    %get3A_35 = vector.load %arg6[%get3A_33, %get3A_34] : memref<128x256xf32, #tpu.memory_space<vmem>>, vector<128x256xf32>
    %dot_general3A_36 = arith.constant dense<0.000000e+00> : vector<3128x256xf32>
    %dot_general3A_37 = tpu.matmul %get3A_32, %get3A_35, %dot_general3A_36 {dimension_numbers = #tpu.dot_dimension_numbers<[1], [0], [0], [1], [0, 0, 1, 1], [], []>, transpose_lhs_hint = false} : vector<3128x128xf32>, vector<128x256xf32>, vector<3128x256xf32> -> vector<3128x256xf32>
    %add3A_38 = arith.addf %add3A_29, %dot_general3A_37 : vector<3128x256xf32>
    %max3A_39 = arith.constant 0.000000e+00 : f32
    %max3A_40 = vector.broadcast %max3A_39 : f32 to vector<3128x256xf32>
    %max3A_41 = arith.maximumf %add3A_38, %max3A_40 : vector<3128x256xf32>
    %get3A_42 = arith.constant 0 : index
    %get3A_43 = arith.constant 0 : index
    %get3A_44 = vector.load %arg7[%get3A_42, %get3A_43] : memref<256x128xf32, #tpu.memory_space<vmem>>, vector<256x128xf32>
    %dot_general3A_45 = arith.constant dense<0.000000e+00> : vector<3128x128xf32>
    %dot_general3A_46 = tpu.matmul %max3A_41, %get3A_44, %dot_general3A_45 {dimension_numbers = #tpu.dot_dimension_numbers<[1], [0], [0], [1], [0, 0, 1, 1], [], []>, transpose_lhs_hint = false} : vector<3128x256xf32>, vector<256x128xf32>, vector<3128x128xf32> -> vector<3128x128xf32>
    %swap3A = arith.constant 0 : index
    %swap3A_47 = arith.constant 0 : index
    %swap3A_48 = vector.load %arg10[%swap3A, %swap3A_47] : memref<3128x128xf32, #tpu.memory_space<vmem>>, vector<3128x128xf32>
    tpu.vector_store %arg10[%swap3A, %swap3A_47], %dot_general3A_46 {strides = array<i32>} : memref<3128x128xf32, #tpu.memory_space<vmem>>, vector<3128x128xf32>,
    %get3A_49 = arith.constant 0 : index
    %get3A_50 = arith.constant 0 : index
    %get3A_51 = vector.load %arg8[%get3A_49, %get3A_50] : memref<256x128xf32, #tpu.memory_space<vmem>>, vector<256x128xf32>
    %dot_general3A_52 = arith.constant dense<0.000000e+00> : vector<3128x128xf32>
    %dot_general3A_53 = tpu.matmul %max3A_41, %get3A_51, %dot_general3A_52 {dimension_numbers = #tpu.dot_dimension_numbers<[1], [0], [0], [1], [0, 0, 1, 1], [], []>, transpose_lhs_hint = false} : vector<3128x256xf32>, vector<256x128xf32>, vector<3128x128xf32> -> vector<3128x128xf32>
    %get3A_54 = arith.constant 0 : index
    %get3A_55 = arith.constant 0 : index
    %get3A_56 = vector.load %arg9[%get3A_54, %get3A_55] : memref<1x128xf32, #tpu.memory_space<vmem>>, vector<1x128xf32>
    %add3A_57 = vector.broadcast %get3A_56 : vector<1x128xf32> to vector<3128x128xf32>
    %add3A_58 = arith.addf %dot_general3A_53, %add3A_57 : vector<3128x128xf32>
    %swap3A_59 = arith.constant 0 : index
    %swap3A_60 = arith.constant 0 : index
    %swap3A_61 = vector.load %arg11[%swap3A_59, %swap3A_60] : memref<3128x128xf32, #tpu.memory_space<vmem>>, vector<3128x128xf32>
    tpu.vector_store %arg11[%swap3A_59, %swap3A_60], %add3A_58 {strides = array<i32>} : memref<3128x128xf32, #tpu.memory_space<vmem>>, vector<3128x128xf32>,
    return
  }
  func.func @transform_0(%arg0: i32) -> (i32, i32, i32) {
    %c0_i32 = arith.constant 0 : i32
    %c0_i32_0 = arith.constant 0 : i32
    %c0_i32_1 = arith.constant 0 : i32
    return %c0_i32, %arg0, %c0_i32_0 : i32, i32, i32
  }
  func.func @transform_1(%arg0: i32) -> (i32, i32, i32) {
    %c0_i32 = arith.constant 0 : i32
    %c0_i32_0 = arith.constant 0 : i32
    %c0_i32_1 = arith.constant 0 : i32
    return %c0_i32, %arg0, %c0_i32_0 : i32, i32, i32
  }
  func.func @transform_2(%arg0: i32) -> (i32, i32) {
    %c0_i32 = arith.constant 0 : i32
    %c0_i32_0 = arith.constant 0 : i32
    return %arg0, %c0_i32 : i32, i32
  }
  func.func @transform_3(%arg0: i32) -> (i32, i32) {
    %c0_i32 = arith.constant 0 : i32
    %c0_i32_0 = arith.constant 0 : i32
    %c0_i32_1 = arith.constant 0 : i32
    return %c0_i32, %c0_i32_0 : i32, i32
  }
  func.func @transform_4(%arg0: i32) -> (i32, i32) {
    %c0_i32 = arith.constant 0 : i32
    %c0_i32_0 = arith.constant 0 : i32
    %c0_i32_1 = arith.constant 0 : i32
    return %c0_i32, %c0_i32_0 : i32, i32
  }
  func.func @transform_5(%arg0: i32) -> (i32, i32) {
    %c0_i32 = arith.constant 0 : i32
    %c0_i32_0 = arith.constant 0 : i32
    %c0_i32_1 = arith.constant 0 : i32
    return %c0_i32, %c0_i32_0 : i32, i32
  }
  func.func @transform_6(%arg0: i32) -> (i32, i32) {
    %c0_i32 = arith.constant 0 : i32
    %c0_i32_0 = arith.constant 0 : i32
    %c0_i32_1 = arith.constant 0 : i32
    return %c0_i32, %c0_i32_0 : i32, i32
  }
  func.func @transform_7(%arg0: i32) -> (i32, i32) {
    %c0_i32 = arith.constant 0 : i32
    %c0_i32_0 = arith.constant 0 : i32
    %c0_i32_1 = arith.constant 0 : i32
    return %c0_i32, %c0_i32_0 : i32, i32
  }
  func.func @transform_8(%arg0: i32) -> (i32, i32) {
    %c0_i32 = arith.constant 0 : i32
    %c0_i32_0 = arith.constant 0 : i32
    %c0_i32_1 = arith.constant 0 : i32
    return %c0_i32, %c0_i32_0 : i32, i32
  }
  func.func @transform_9(%arg0: i32) -> (i32, i32) {
    %c0_i32 = arith.constant 0 : i32
    %c0_i32_0 = arith.constant 0 : i32
    return %arg0, %c0_i32 : i32, i32
  }
  func.func @transform_10(%arg0: i32) -> (i32, i32) {
    %c0_i32 = arith.constant 0 : i32
    %c0_i32_0 = arith.constant 0 : i32
    return %arg0, %c0_i32 : i32, i32
  }
}

module attributes {stable_mosaic.version = 14 : i64} {
  func.func @_dense2_body(%arg0: i32, %arg1: memref<2x3128x128xf32, #tpu.memory_space<vmem>>, %arg2: memref<2x3128x128xf32, #tpu.memory_space<vmem>>, %arg3: memref<3128x128xf32, #tpu.memory_space<vmem>>, %arg4: memref<3128x128xf32, #tpu.memory_space<vmem>>) attributes {dimension_semantics = [#tpu.dimension_semantics<arbitrary>], iteration_bounds = array<i64: 4>, scalar_prefetch = 0 : i64, scratch_operands = 0 : i64, tpu.core_type = #tpu.core_type<tc>, window_params = [{transform_indices = @transform_0, window_bounds = array<i64: 2, 3128, 128>}, {transform_indices = @transform_1, window_bounds = array<i64: 2, 3128, 128>}, {transform_indices = @transform_2, window_bounds = array<i64: 3128, 128>}, {transform_indices = @transform_3, window_bounds = array<i64: 3128, 128>}]} {
    %get3A = arith.constant 0 : index
    %get3A_0 = arith.constant 0 : index
    %get3A_1 = arith.constant 0 : index
    %get3A_2 = vector.load %arg1[%get3A, %get3A_0, %get3A_1] : memref<2x3128x128xf32, #tpu.memory_space<vmem>>, vector<1x3128x128xf32>
    %get3A_3 = vector.shape_cast %get3A_2 : vector<1x3128x128xf32> to vector<3128x128xf32>
    %get3A_4 = arith.constant 1 : index
    %get3A_5 = arith.constant 0 : index
    %get3A_6 = arith.constant 0 : index
    %get3A_7 = vector.load %arg1[%get3A_4, %get3A_5, %get3A_6] : memref<2x3128x128xf32, #tpu.memory_space<vmem>>, vector<1x3128x128xf32>
    %get3A_8 = vector.shape_cast %get3A_7 : vector<1x3128x128xf32> to vector<3128x128xf32>
    %add3A = arith.addf %get3A_3, %get3A_8 : vector<3128x128xf32>
    %get3A_9 = arith.constant 0 : index
    %get3A_10 = arith.constant 0 : index
    %get3A_11 = arith.constant 0 : index
    %get3A_12 = vector.load %arg2[%get3A_9, %get3A_10, %get3A_11] : memref<2x3128x128xf32, #tpu.memory_space<vmem>>, vector<1x3128x128xf32>
    %get3A_13 = vector.shape_cast %get3A_12 : vector<1x3128x128xf32> to vector<3128x128xf32>
    %get3A_14 = arith.constant 1 : index
    %get3A_15 = arith.constant 0 : index
    %get3A_16 = arith.constant 0 : index
    %get3A_17 = vector.load %arg2[%get3A_14, %get3A_15, %get3A_16] : memref<2x3128x128xf32, #tpu.memory_space<vmem>>, vector<1x3128x128xf32>
    %get3A_18 = vector.shape_cast %get3A_17 : vector<1x3128x128xf32> to vector<3128x128xf32>
    %add3A_19 = arith.addf %get3A_13, %get3A_18 : vector<3128x128xf32>
    %jit3A = arith.constant 1.000000e+00 : f32
    %max3A = vector.broadcast %jit3A : f32 to vector<3128x128xf32>
    %max3A_20 = arith.maximumf %max3A, %add3A_19 : vector<3128x128xf32>
    %div3A = arith.divf %add3A, %max3A_20 : vector<3128x128xf32>
    %get3A_21 = arith.constant 0 : index
    %get3A_22 = arith.constant 0 : index
    %get3A_23 = vector.load %arg3[%get3A_21, %get3A_22] : memref<3128x128xf32, #tpu.memory_space<vmem>>, vector<3128x128xf32>
    %add3A_24 = arith.addf %div3A, %get3A_23 : vector<3128x128xf32>
    %swap3A = arith.constant 0 : index
    %swap3A_25 = arith.constant 0 : index
    %swap3A_26 = vector.load %arg4[%swap3A, %swap3A_25] : memref<3128x128xf32, #tpu.memory_space<vmem>>, vector<3128x128xf32>
    tpu.vector_store %arg4[%swap3A, %swap3A_25], %add3A_24 {strides = array<i32>} : memref<3128x128xf32, #tpu.memory_space<vmem>>, vector<3128x128xf32>,
    return
  }
  func.func @transform_0(%arg0: i32) -> (i32, i32, i32) {
    %c0_i32 = arith.constant 0 : i32
    %c0_i32_0 = arith.constant 0 : i32
    %c0_i32_1 = arith.constant 0 : i32
    return %c0_i32, %arg0, %c0_i32_0 : i32, i32, i32
  }
  func.func @transform_1(%arg0: i32) -> (i32, i32, i32) {
    %c0_i32 = arith.constant 0 : i32
    %c0_i32_0 = arith.constant 0 : i32
    %c0_i32_1 = arith.constant 0 : i32
    return %c0_i32, %arg0, %c0_i32_0 : i32, i32, i32
  }
  func.func @transform_2(%arg0: i32) -> (i32, i32) {
    %c0_i32 = arith.constant 0 : i32
    %c0_i32_0 = arith.constant 0 : i32
    return %arg0, %c0_i32 : i32, i32
  }
  func.func @transform_3(%arg0: i32) -> (i32, i32) {
    %c0_i32 = arith.constant 0 : i32
    %c0_i32_0 = arith.constant 0 : i32
    return %arg0, %c0_i32 : i32, i32
  }
}

</mosaic_0001>

<sc_bundles>
// kernel: kernel.10.cloned.1.call-start
scs
__scs_entry_jumppad:
0x0: {  	(pc) =	sbr.rel $0x88, $3  }
0x1: {  	(tag) =	ssettag $0x0;
	lr =	simm.s32 $0x1  }
0x2: {  	[smem:$0x3F99] =	sst lr;
	_ =	strace $0xD0000000  }
0x3: {  	_ = 	snop  }
0x4: {  	_ = 	snop  }
0x5: {  	_ = 	snop  }
0x6: {  	_ = 	snop  }
0x7: {  	_ = 	snop  }
__scs_overlays_trampoline_lowered:
0x8: {  	[smem:$0x3FA8] =	sst s0  }
0x9: {  	[smem:$0x3FA9] =	sst s1  }
0xa: {  	[smem:$0x3FAA] =	sst s2  }
0xb: {  	[smem:$0x3FAB] =	sst s3  }
0xc: {  	[smem:$0x3FAC] =	sst s4  }
0xd: {  	[smem:$0x3FAD] =	sst s5  }
0xe: {  	[smem:$0x3FAE] =	sst s6  }
0xf: {  	[smem:$0x3FAF] =	sst s7  }
0x10: {  	[smem:$0x3FB0] =	sst s8  }
0x11: {  	[smem:$0x3FB1] =	sst s9;
	s0 =	simm.s32 @!p0 $0x0  }
0x12: {  	s1 =	sld [smem:$0x3F97];
	s0 =	simm.s32 @p0 $0x1  }
0x13: {  	[smem:$0x3FB2] =	sst s0;
	s0 =	simm.s32 @!p1 $0x0  }
0x14: {  	s2 =	sld [smem:$0x3F96];
	s0 =	simm.s32 @p1 $0x1  }
0x15: {  	[smem:$0x3FB3] =	sst s0;
	s0 =	simm.s32 @!p2 $0x0  }
0x16: {  	s3 =	sld [smem:$0x3FDB];
	s0 =	simm.s32 @p2 $0x1  }
0x17: {  	s4 =	simm.s32 $0x1BF5;
	[smem:$0x3FB5] =	sst s0  }
0x18: {  	s0 =	sld [smem:$0x3F98];
	_ =	swait.ge [sflag:s4], $0x0  }
0x19: {  	s7 =	sld [smem:$0x3F99]  }
0x1a: {  	s8 =	sadd.s32 $0xFFFFE003, lr  }
0x1b: {  	s9 =	sadd.s32 $0xFFFFFEF7, lr;
	s5 =	simm.s32 $0xFFFFFFFF;
	p2 =	slt.u32 s8, $0xFFFFF086  }
0x1c: {  	p1 =	slt.u32 s9, $0xF7A;
	s5 =	simm.s32 @!p2 $0x0  }
0x1d: {  	s5 =	simm.s32 @p1 $0x1;
	p0 =	seq.s32 s7, s2  }
0x1e: {  	s7 =	smul.u32 @!p0 $0xF7A, s2;
	p2 =	seq.s32 @!p0 s5, $0x0  }
0x1f: {  	s9 =	smul.u32 $0xF7A, s1;
	s8 =	simm.s32 @!p0 $0x1BF5;
	p2 =	por !p2, p0  }
0x20: {  	[sflag:s8] =	ssyncset.s32 @!p0 $0xFFFFF086;
	s6 =	sadd.s32 @!p0 s3, s7;
	s7 =	simm.s32 @!p0 $0x108  }
0x21: {  	s3 =	sadd.s32 s3, s9;
	s6 =	sadd.s32 @!p0 $0x88, s6;
	s7 =	simm.s32 @p2 $0x1082  }
0x22: {  	[simem:s7], [sflag:s8] =	dma.local @!p0 [hbm:s6], $0xF7A  }
0x23: {  	s9 =	sor.u32 $0xD0000000, s2;
	s6 =	simm.s32 $0x108;
	_ =	swait.ge @!p0 [sflag:s8], $0x0  }
0x24: {  	s3 =	sadd.s32 $0x88, s3;
	s6 =	simm.s32 @!p1 $0x1082;
	[sflag:s4] =	ssyncset.s32 $0xFFFFF086  }
0x25: {  	[simem:s6], [sflag:s4] =	dma.local [hbm:s3], $0xF7A  }
0x26: {  	[smem:$0x3F99] =	sst s1;
	(tag) =	ssettag s2;
	_ =	strace s9  }
0x27: {  	s1 =	sld [smem:$0x3FA9]  }
0x28: {  	s2 =	sld [smem:$0x3FAA]  }
0x29: {  	s4 =	sld [smem:$0x3FAC]  }
0x2a: {  	p0 =	seq.s32 s5, $0x0;
	s5 =	sld [smem:$0x3FAD]  }
0x2b: {  	s6 =	sld [smem:$0x3FAE]  }
0x2c: {  	s7 =	sld [smem:$0x3FAF]  }
0x2d: {  	s3 =	simm.s32 $0x108;
	s8 =	sld [smem:$0x3FB0]  }
0x2e: {  	s3 =	simm.s32 @!p0 $0x1082;
	s9 =	sld [smem:$0x3FB1]  }
0x2f: {  	lr =	sadd.s32 s0, s3;
	s0 =	sld [smem:$0x3FA8]  }
0x30: {  	s3 =	sld [smem:$0x3FAB]  }
0x31: {  	[smem:$0x3FB4] =	sst s10  }
0x32: {  	s10 =	sld [smem:$0x3FB2];
	_ =	sdelay $0x3  }
0x33: {  	p0 =	seq.s32 s10, $0x1;
	s10 =	sld [smem:$0x3FB4];
	_ =	sdelay $0x3  }
0x34: {  	[smem:$0x3FB4] =	sst s10  }
0x35: {  	s10 =	sld [smem:$0x3FB3];
	_ =	sdelay $0x3  }
0x36: {  	p1 =	seq.s32 s10, $0x1;
	s10 =	sld [smem:$0x3FB4];
	_ =	sdelay $0x3  }
0x37: {  	[smem:$0x3FB4] =	sst s10  }
0x38: {  	s10 =	sld [smem:$0x3FB5]  }
0x39: {  	_ = 	snop;
	(pc) =	sbr.ind lr, $3  }
0x3a: {  	_ = 	snop  }
0x3b: {  	_ = 	snop  }
0x3c: {  	p2 =	seq.s32 s10, $0x1;
	s10 =	sld [smem:$0x3FB4]  }
0x3d: {  	_ =	shalt  }
0x3e: {  	_ =	shalt  }
0x3f: {  	_ =	shalt  }
0x40: {  	_ =	shalt  }
0x41: {  	_ =	shalt  }
0x42: {  	_ =	shalt  }
0x43: {  	_ =	shalt  }
0x44: {  	_ =	shalt  }
0x45: {  	_ =	shalt  }
0x46: {  	_ =	shalt  }
0x47: {  	_ =	shalt  }
0x48: {  	_ =	shalt  }
0x49: {  	_ =	shalt  }
0x4a: {  	_ =	shalt  }
0x4b: {  	_ =	shalt  }
0x4c: {  	_ =	shalt  }
0x4d: {  	_ =	shalt  }
0x4e: {  	_ =	shalt  }
0x4f: {  	_ =	shalt  }
0x50: {  	_ =	shalt  }
0x51: {  	_ =	shalt  }
0x52: {  	_ =	shalt  }
0x53: {  	_ =	shalt  }
0x54: {  	_ =	shalt  }
0x55: {  	_ =	shalt  }
0x56: {  	_ =	shalt  }
0x57: {  	_ =	shalt  }
0x58: {  	_ =	shalt  }
0x59: {  	_ =	shalt  }
0x5a: {  	_ =	shalt  }
0x5b: {  	_ =	shalt  }
0x5c: {  	_ =	shalt  }
0x5d: {  	_ =	shalt  }
0x5e: {  	_ =	shalt  }
0x5f: {  	_ =	shalt  }
0x60: {  	_ =	shalt  }
0x61: {  	_ =	shalt  }
0x62: {  	_ =	shalt  }
0x63: {  	_ =	shalt  }
0x64: {  	_ =	shalt  }
0x65: {  	_ =	shalt  }
0x66: {  	_ =	shalt  }
0x67: {  	_ =	shalt  }
0x68: {  	_ =	shalt  }
0x69: {  	_ =	shalt  }
0x6a: {  	_ =	shalt  }
0x6b: {  	_ =	shalt  }
0x6c: {  	_ =	shalt  }
0x6d: {  	_ =	shalt  }
0x6e: {  	_ =	shalt  }
0x6f: {  	_ =	shalt  }
0x70: {  	_ =	shalt  }
0x71: {  	_ =	shalt  }
0x72: {  	_ =	shalt  }
0x73: {  	_ =	shalt  }
0x74: {  	_ =	shalt  }
0x75: {  	_ =	shalt  }
0x76: {  	_ =	shalt  }
0x77: {  	_ =	shalt  }
0x78: {  	_ =	shalt  }
0x79: {  	_ =	shalt  }
0x7a: {  	_ =	shalt  }
0x7b: {  	_ =	shalt  }
0x7c: {  	_ =	shalt  }
0x7d: {  	_ =	shalt  }
0x7e: {  	_ =	shalt  }
0x7f: {  	_ =	shalt  }
0x80: {  	_ =	shalt  }
0x81: {  	_ =	shalt  }
0x82: {  	_ =	shalt  }
0x83: {  	_ =	shalt  }
0x84: {  	_ =	shalt  }
0x85: {  	_ =	shalt  }
0x86: {  	_ =	shalt  }
0x87: {  	_ =	shalt  }
.Lfunc_end0:
.L_simem_size_0:
called_computation.1_lowered:
.L_overlay_start_0:
0x88: {  	s2 =	sld [smem:$0x3FD9]  }
0x89: {  	s3 =	sld [smem:$0x3FFE];
	_ =	sdelay $0x1  }
0x8a: {  	s1 =	srdreg.scid  }
0x8b: {  	s0 =	sand.u32 $0x1, s1  }
0x8c: {  	s16 =	sshll.u32 s0, $0xA;
	s2 =	sadd.s32 s3, s2  }
0x8d: {  	s2 =	sadd.s32 s2, s16  }
0x8e: {  	[smem:$0x3FC0] =	sst s2  }
0x8f: {  	_ = 	snop  }
0x90: {  	(tm) =	ssettm $0x1  }
0x91: {  	s17 =	sld [smem:$0x3FFB];
	_ =	sdelay $0x3  }
0x92: {  	_ =	strace s17  }
0x93: {  	s2 =	sld [smem:$0x3FFC];
	_ =	sdelay $0x3  }
0x94: {  	_ =	strace s2  }
0x95: {  	s2 =	sld [smem:$0x3FFD];
	_ =	sdelay $0x3  }
0x96: {  	_ =	strace s2  }
0x97: {  	_ =	strace $0x8FFFFFFF  }
0x98: {  	s18 =	sld [smem:$0x3FDB];
	_ =	sdelay $0x1  }
0x99: {  	s19 =	simm.s32 $_scs_section_size  }
0x9a: {  	s4 =	simm.s32 $_size__tile_overlayer_lowered;
	s5 =	simm.s32 $_tile_overlayer_lowered  }
0x9b: {  	s22 =	simm.s32 $0x1BFF;
	s21 =	sshll.u32 s5, $0x1;
	s2 =	sadd.s32 s19, s18  }
0x9c: {  	s6 =	simm.s32 $0x0;
	s20 =	sshll.u32 s4, $0x1;
	s4 =	sadd.s32 s21, s2  }
0x9d: {  	[timem:s6], [sflag:s22] =	dma.local [hbm:s4], s20  }
0x9e: {  	_ =	swait.ge [sflag:s22], s20  }
0x9f: {  	s3 =	ssub.s32 $0x0, s20;
	[sflag:s22] =	ssyncset.done $0x0  }
0xa0: {  	[sflag:s22] =	ssyncadd.s32 s3;
	_ =	sdelay $0x1  }
0xa1: {  	s23 =	simm.s32 $0x1B8B  }
0xa2: {  	_ =	swait.ge [sflag:s23], $0x1  }
0xa3: {  	[sflag:s23] =	ssyncset.done $0x0  }
0xa4: {  	s25 =	simm.s32 $0x1B8E;
	s24 =	sld [smem:$0x3FFE];
	[sflag:s23] =	ssyncadd.s32 $0xFFFFFFFF  }
0xa5: {  	s26 =	simm.s32 $execute0_lowered;
	[smem:$0x3FD2] =	sst s25  }
0xa6: {  	s4 =	sshll.u32 s26, $0x1;
	_ =	strace $0x80000046;
	[dreg:$0x1] =	wrdreg $0xFFFFFFFF  }
0xa7: {  	s28 =	simm.s32 $_size_execute0_lowered;
	s2 =	sadd.s32 s2, s4;
	[dreg:$0x0] =	wrdreg $0x0  }
0xa8: {  	s4 =	sshll.u32 s28, $0x1;
	[dreg:$0x2] =	wrdreg s2  }
0xa9: {  	[dreg:$0x3] =	wrdreg s4  }
0xaa: {  	[dreg:$0x4] =	wrdreg $0xC0  }
0xab: {  	_ =	task [dreg:s6], $0x5FFFF  }
0xac: {  	[dreg:$0x1] =	wrdreg $0xFFFFFFFF  }
0xad: {  	[dreg:$0x0] =	wrdreg $0x60  }
0xae: {  	[dreg:$0x2] =	wrdreg s24  }
0xaf: {  	[dreg:$0x3] =	wrdreg $0x0  }
0xb0: {  	[dreg:$0x4] =	wrdreg $0xA  }
0xb1: {  	_ =	task.clear_ibuf [dreg:s6], $0x5FFFF;
	_ =	strace $0x90000046  }
0xb2: {  	s29 =	simm.s32 $0xA;
	_ =	strace $0x80000048  }
0xb3: {  	_ =	swait.ge [sflag:s29], $0x1  }
0xb4: {  	[sflag:s29] =	ssyncadd.s32 $0xFFFFFFFF  }
0xb5: {  	_ =	strace $0x90000048  }
0xb6: {  	_ =	sfence  }
0xb7: {  	s30 =	sld [smem:$0x0];
	_ =	sdelay $0x2  }
0xb8: {  	s31 =	sshll.u32 s1, $0xD;
	s1 =	sshrl.u32 s1, $0x2  }
0xb9: {  	s3 =	sand.u32 $0x4000, s31;
	s1 =	sadd.s32 s1, s30  }
0xba: {  	s0 =	sor.u32 s3, s0;
	s1 =	sshll.u32 s1, $0x11  }
0xbb: {  	s0 =	sor.u32 s1, s0  }
0xbc: {  	s0 =	sadd.s32 $0x8F2B, s0  }
0xbd: {  	[sflag:s0] =	ssyncadd.remote.s32 $0x1  }
0xbe: {  	_ =	sfence.sel $0xFFFF  }
0xbf: {  	[dreg:$0x0] =	wrdreg $0xFFFFFFFF;
	(pc) =	sbr.abs _section_cstart, $3  }
0xc0: {  	[dreg:$0x1] =	wrdreg $0xFFFFFFFF  }
0xc1: {  	_ =	task.clear_ibuf [dreg:s6], $0x2FFFF;
	_ =	strace $0x9FFFFFFF  }
0xc2: {  	(tm) =	ssettm $0x7FFFFFFF  }
0xc3: {  	_ =	shalt  }
tec
execute0_lowered:
.L_overlay_start_1:
0x0: {  	(tag) =	ssettag $0x1  }
0x1: {  	s0 =	rddreg [dreg:$0x0]  }
0x2: {  	s1 =	rddreg [dreg:$0x1];
	s3 =	simm.s32 $0x0;
	s2 =	srdreg.scid  }
0x3: {  	s14 =	simm.s32 $0x1AF0;
	s15 =	simm.s32 $0x1;
	s16 =	simm.s32 $0x2  }
0x4: {  	s17 =	simm.s32 $0x80;
	s18 =	simm.s32 $0x1D70;
	s4 =	sand.u32 $0x1, s2  }
0x5: {  	s19 =	simm.s32 $0x1B70;
	s2 =	stileid.u32;
	s5 =	smul.u32 $0x30E00, s4  }
0x6: {  	s20 =	simm.s32 $0x1BF0;
	s21 =	simm.s32 $0x1C70;
	s8 =	smul.u32 $0x61C0, s2  }
0x7: {  	s22 =	simm.s32 $0x1CF0;
	[smem:$0x7FF] =	sst s3;
	s26 =	smul.u32 $0x30C, s2  }
0x8: {  	s24 =	simm.s32 $0x4ED0;
	_ =	strace $0x80000047;
	s11 =	smul.u32 $0x186, s4  }
0x9: {  	s6 =	sshll.u32 s2, $0x1;
	s7 =	ssub.s32 $0x2, s4;
	s12 =	smul.u32 $0x18700, s2  }
0xa: {  	p0 =	sgt.u32 s2, $0x9;
	s6 =	sor.u32 s4, s6;
	s9 =	sshrl.u32 s7, $0x1  }
0xb: {  	s5 =	sadd.s32 s5, s0;
	s10 =	smul.u32 $0x186, s6;
	s7 =	ssub.s32 s7, s9  }
0xc: {  	s6 =	smin.u32 s6, $0x14;
	s8 =	sshrl.u32 s8, $0x2;
	s0 =	sadd.s32 $0x33540, s0  }
0xd: {  	s9 =	sadd.s32 s11, s26;
	s30 =	sshrl.u32 s12, $0x3;
	s11 =	simm.s32 $0x1870  }
0xe: {  	s26 =	simm.s32 $0x0;
	s4 =	sadd.s32 s8, s1;
	s5 =	sadd.s32 $0x64400, s5  }
0xf: {  	s29 =	sadd.s32 s6, s9;
	s25 =	sadd.s32 $0x2EC0, s30;
	s7 =	smax.u32 s7, $0x1  }
0x10: {  	s9 =	simm.s32 $0x3;
	s10 =	sadd.s32 s6, s10;
	s6 =	smul.u32 $0x30E, s2  }
0x11: {  	s8 =	sshll.u32 s29, $0x4;
	s25 =	sadd.s32 s25, s5;
	s10 =	sshll.u32 s10, $0x4  }
0x12: {  	s31 =	sadd.s32 $0xA0, s8;
	s13 =	sadd.s32 $0x50, s8;
	s28 =	sadd.s32 $0x1860, s10  }
0x13: {  	s8 =	simm.s32 $0x1DF0;
	s10 =	sadd.s32 s10, s0;
	s23 =	sand.u32 $0x1FFFFFF0, s28  }
0x14: {  	v0 =	vimm.f32 $0.0e+00;
	v1 =	vimm.f32 $1.000000000e+00;
	s12 =	sadd.s32 s0, s31;
	s13 =	sadd.s32 s0, s13;
	s23 =	sadd.s32 @!p0 s23, s0  }
.LBB2_1:
0x15: {  	s28 =	simm.s32 $0x40;
	s0 =	simm.s32 $0x0  }
.LBB2_2:
0x16: {  	p1 =	sne.s32 s28, $0x6180;
	[tilespmem:s0+$0x1DF0] =	vst v0;
	s0 =	smov.u32 s28;
	s28 =	sadd.s32 $0x40, s28  }
.Ltmp0:
0x17: {  	(pc) =	sbr.rel @p1 .LBB2_2-.Ltmp0, $2  }
0x18: {  	_ =	sdelay $0x2  }
0x19: {  	s0 =	sshra.s32 s0, $0x2  }
0x1a: {  	[tilespmem:s0+$0x1DF0] =	vst v0  }
0x1b: {  	[spmem:s4] =	stream.linear.scatter [tilespmem:s8], [sflag:$0x3], $0x1870, $0x38;
	[tilespmem:$0x64D0] =	vst v63  }
0x1c: {  	_ =	swait.ge [sflag:s9], $0x1870  }
0x1d: {  	[sflag:s9] =	ssyncset.done $0x0  }
0x1e: {  	[sflag:s9] =	ssyncadd.s32 $0xFFFFE790  }
0x1f: {  	[tilespmem:$0x1D70] =	vst v1  }
0x20: {  	[tilespmem:$0x1D80] =	vst v1  }
0x21: {  	[tilespmem:$0x1D90] =	vst v1  }
0x22: {  	[tilespmem:$0x1DA0] =	vst v1  }
0x23: {  	[tilespmem:$0x1DB0] =	vst v1  }
0x24: {  	[tilespmem:$0x1DC0] =	vst v1  }
0x25: {  	[tilespmem:$0x1DD0] =	vst v1  }
0x26: {  	[tilespmem:$0x1DE0] =	vst v1  }
0x27: {  	s28 =	simm.s32 $0x0;
	[bflag:$0x0] =	sbarrier.arrive $0xFFFF  }
0x28: {  	[tilespmem:s11], [sflag:$0x3] =	stream.linear.gather [hbm4b:s10+s28], $0x280, $0x38;
	[tilespmem:$0x64D0] =	vst v63  }
0x29: {  	_ =	swait.ge [sflag:s9], $0x280  }
0x2a: {  	[sflag:s9] =	ssyncset.done $0x0  }
0x2b: {  	[sflag:s9] =	ssyncadd.s32 $0xFFFFFD80  }
.LBB2_4:
0x2c: {  	p1 =	seq.s32 s28, $0x0  }
0x2d: {  	s0 =	simm.s32 @p1 $0x80;
	s29 =	simm.s32 @p1 $0x1870;
	s30 =	simm.s32 @p1 $0x1D70  }
0x2e: {  	[spmem:s1] =	stream.indirect.scatter.add.f32 @p1 [tilespmem:s30], [sflag:$0x1], $0x1, s29, s0, $0xb8;
	[tilespmem:$0x64D0] =	vst v63  }
0x2f: {  	s29 =	simm.s32 @p1 $0x18F0  }
0x30: {  	[spmem:s1] =	stream.indirect.scatter.add.f32 @p1 [tilespmem:s30], [sflag:$0x1], $0x1, s29, s0, $0xb8;
	[tilespmem:$0x64D0] =	vst v63  }
0x31: {  	s29 =	simm.s32 @p1 $0x1970  }
0x32: {  	[spmem:s1] =	stream.indirect.scatter.add.f32 @p1 [tilespmem:s30], [sflag:$0x1], $0x1, s29, s0, $0xb8;
	[tilespmem:$0x64D0] =	vst v63  }
0x33: {  	s29 =	simm.s32 @p1 $0x19F0  }
0x34: {  	[spmem:s1] =	stream.indirect.scatter.add.f32 @p1 [tilespmem:s30], [sflag:$0x1], $0x1, s29, s0, $0xb8;
	[tilespmem:$0x64D0] =	vst v63  }
0x35: {  	s29 =	simm.s32 @p1 $0x1A70  }
0x36: {  	[spmem:s1] =	stream.indirect.scatter.add.f32 @p1 [tilespmem:s30], [sflag:$0x1], $0x1, s29, s0, $0xb8;
	[tilespmem:$0x64D0] =	vst v63  }
0x37: {  	s0 =	simm.s32 @!p1 $0x2  }
0x38: {  	_ =	swait.ge @!p1 [sflag:s0], $0x280  }
0x39: {  	s29 =	simm.s32 @!p1 $0x1870;
	[sflag:s0] =	ssyncset.done @!p1 $0x0  }
0x3a: {  	s30 =	simm.s32 @!p1 $0x1D70;
	[sflag:s0] =	ssyncadd.s32 @!p1 $0xFFFFFD80;
	s0 =	simm.s32 @!p1 $0x80  }
0x3b: {  	[spmem:s1] =	stream.indirect.scatter.add.f32 @!p1 [tilespmem:s30], [sflag:$0x1], $0x1, s29, s0, $0xb8;
	[tilespmem:$0x64D0] =	vst v63  }
0x3c: {  	s29 =	simm.s32 @!p1 $0x18F0  }
0x3d: {  	[spmem:s1] =	stream.indirect.scatter.add.f32 @!p1 [tilespmem:s30], [sflag:$0x1], $0x1, s29, s0, $0xb8;
	[tilespmem:$0x64D0] =	vst v63  }
0x3e: {  	s29 =	simm.s32 @!p1 $0x1970  }
0x3f: {  	[spmem:s1] =	stream.indirect.scatter.add.f32 @!p1 [tilespmem:s30], [sflag:$0x1], $0x1, s29, s0, $0xb8;
	[tilespmem:$0x64D0] =	vst v63  }
0x40: {  	s29 =	simm.s32 @!p1 $0x19F0  }
0x41: {  	[spmem:s1] =	stream.indirect.scatter.add.f32 @!p1 [tilespmem:s30], [sflag:$0x1], $0x1, s29, s0, $0xb8;
	[tilespmem:$0x64D0] =	vst v63  }
0x42: {  	s29 =	simm.s32 @!p1 $0x1A70  }
0x43: {  	[spmem:s1] =	stream.indirect.scatter.add.f32 @!p1 [tilespmem:s30], [sflag:$0x1], $0x1, s29, s0, $0xb8;
	[tilespmem:$0x64D0] =	vst v63  }
0x44: {  	s0 =	simm.s32 @!p1 $0x1  }
0x45: {  	_ =	swait.ge @!p1 [sflag:s0], $0x80  }
0x46: {  	[sflag:s0] =	ssyncset.done @!p1 $0x0  }
0x47: {  	[sflag:s0] =	ssyncadd.s32 @!p1 $0xFFFFFF80  }
0x48: {  	_ =	swait.ge @!p1 [sflag:s0], $0x80  }
0x49: {  	[sflag:s0] =	ssyncset.done @!p1 $0x0  }
0x4a: {  	[sflag:s0] =	ssyncadd.s32 @!p1 $0xFFFFFF80  }
0x4b: {  	_ =	swait.ge @!p1 [sflag:s0], $0x80  }
0x4c: {  	[sflag:s0] =	ssyncset.done @!p1 $0x0  }
0x4d: {  	[sflag:s0] =	ssyncadd.s32 @!p1 $0xFFFFFF80  }
0x4e: {  	_ =	swait.ge @!p1 [sflag:s0], $0x80  }
0x4f: {  	[sflag:s0] =	ssyncset.done @!p1 $0x0  }
0x50: {  	[sflag:s0] =	ssyncadd.s32 @!p1 $0xFFFFFF80  }
0x51: {  	_ =	swait.ge @!p1 [sflag:s0], $0x80  }
0x52: {  	[sflag:s0] =	ssyncset.done @!p1 $0x0  }
0x53: {  	s31 =	sadd.s32 s28, s13;
	[sflag:s0] =	ssyncadd.s32 @!p1 $0xFFFFFF80  }
0x54: {  	[tilespmem:s14], [sflag:$0x2] =	stream.linear.gather [hbm4b:s31+s3], $0x280, $0x38;
	[tilespmem:$0x64D0] =	vst v63  }
0x55: {  	_ =	swait.ge [sflag:s15], $0x80  }
0x56: {  	[sflag:s15] =	ssyncset.done $0x0  }
0x57: {  	[sflag:s15] =	ssyncadd.s32 $0xFFFFFF80  }
0x58: {  	_ =	swait.ge [sflag:s15], $0x80  }
0x59: {  	[sflag:s15] =	ssyncset.done $0x0  }
0x5a: {  	[sflag:s15] =	ssyncadd.s32 $0xFFFFFF80  }
0x5b: {  	_ =	swait.ge [sflag:s15], $0x80  }
0x5c: {  	[sflag:s15] =	ssyncset.done $0x0  }
0x5d: {  	[sflag:s15] =	ssyncadd.s32 $0xFFFFFF80  }
0x5e: {  	_ =	swait.ge [sflag:s15], $0x80  }
0x5f: {  	[sflag:s15] =	ssyncset.done $0x0  }
0x60: {  	[sflag:s15] =	ssyncadd.s32 $0xFFFFFF80  }
0x61: {  	_ =	swait.ge [sflag:s15], $0x80  }
0x62: {  	[sflag:s15] =	ssyncset.done $0x0  }
0x63: {  	[sflag:s15] =	ssyncadd.s32 $0xFFFFFF80  }
0x64: {  	_ =	swait.ge [sflag:s16], $0x280  }
0x65: {  	[sflag:s16] =	ssyncset.done $0x0  }
0x66: {  	[sflag:s16] =	ssyncadd.s32 $0xFFFFFD80  }
0x67: {  	[spmem:s1] =	stream.indirect.scatter.add.f32 [tilespmem:s18], [sflag:$0x1], $0x1, s14, s17, $0xb8;
	[tilespmem:$0x64D0] =	vst v63  }
0x68: {  	_ = 	snop  }
0x69: {  	[spmem:s1] =	stream.indirect.scatter.add.f32 [tilespmem:s18], [sflag:$0x1], $0x1, s19, s17, $0xb8;
	[tilespmem:$0x64D0] =	vst v63  }
0x6a: {  	p1 =	seq.s32 s28, $0x17C0  }
0x6b: {  	[spmem:s1] =	stream.indirect.scatter.add.f32 [tilespmem:s18], [sflag:$0x1], $0x1, s20, s17, $0xb8;
	[tilespmem:$0x64D0] =	vst v63  }
.Ltmp1:
0x6c: {  	_ = 	snop;
	(pc) =	sbr.rel @p1 .LBB2_6-.Ltmp1, $4  }
0x6d: {  	_ = 	snop  }
0x6e: {  	[spmem:s1] =	stream.indirect.scatter.add.f32 [tilespmem:s18], [sflag:$0x1], $0x1, s21, s17, $0xb8;
	[tilespmem:$0x64D0] =	vst v63  }
0x6f: {  	_ = 	snop  }
0x70: {  	[spmem:s1] =	stream.indirect.scatter.add.f32 [tilespmem:s18], [sflag:$0x1], $0x1, s22, s17, $0xb8;
	[tilespmem:$0x64D0] =	vst v63  }
.Ltmp2:
0x71: {  	(pc) =	sbr.rel .LBB2_4-.Ltmp2, $3  }
0x72: {  	_ =	sdelay $0x1  }
0x73: {  	s0 =	sadd.s32 s28, s12;
	s28 =	sadd.s32 $0xA0, s28  }
0x74: {  	[tilespmem:s11], [sflag:$0x2] =	stream.linear.gather [hbm4b:s0+s3], $0x280, $0x38;
	[tilespmem:$0x64D0] =	vst v63  }
.LBB2_6:
0x75: {  	_ =	swait.ge [sflag:s15], $0x80  }
0x76: {  	[sflag:s15] =	ssyncset.done $0x0  }
0x77: {  	[sflag:s15] =	ssyncadd.s32 $0xFFFFFF80  }
0x78: {  	_ =	swait.ge [sflag:s15], $0x80  }
0x79: {  	[sflag:s15] =	ssyncset.done $0x0  }
0x7a: {  	[sflag:s15] =	ssyncadd.s32 $0xFFFFFF80  }
0x7b: {  	_ =	swait.ge [sflag:s15], $0x80  }
0x7c: {  	[sflag:s15] =	ssyncset.done $0x0  }
0x7d: {  	[sflag:s15] =	ssyncadd.s32 $0xFFFFFF80  }
0x7e: {  	_ =	swait.ge [sflag:s15], $0x80  }
0x7f: {  	[sflag:s15] =	ssyncset.done $0x0  }
0x80: {  	[sflag:s15] =	ssyncadd.s32 $0xFFFFFF80  }
0x81: {  	_ =	swait.ge [sflag:s15], $0x80  }
0x82: {  	[sflag:s15] =	ssyncset.done $0x0  }
0x83: {  	s0 =	simm.s32 @!p0 $0x0;
	s28 =	simm.s32 @!p0 $0x1870;
	[sflag:s15] =	ssyncadd.s32 $0xFFFFFF80  }
0x84: {  	[tilespmem:s28], [sflag:$0x3] =	stream.linear.gather @!p0 [hbm4b:s23+s0], $0x80, $0x38;
	[tilespmem:$0x64D0] =	vst v63  }
0x85: {  	s0 =	simm.s32 @!p0 $0x3  }
0x86: {  	_ =	swait.ge @!p0 [sflag:s0], $0x80  }
0x87: {  	[sflag:s0] =	ssyncset.done @!p0 $0x0  }
0x88: {  	s29 =	simm.s32 @!p0 $0x80;
	s30 =	simm.s32 @!p0 $0x1D70;
	[sflag:s0] =	ssyncadd.s32 @!p0 $0xFFFFFF80  }
0x89: {  	[spmem:s1] =	stream.indirect.scatter.add.f32 @!p0 [tilespmem:s30], [sflag:$0x3], $0x1, s28, s29, $0xb8;
	[tilespmem:$0x64D0] =	vst v63  }
0x8a: {  	_ =	swait.ge @!p0 [sflag:s0], $0x80  }
0x8b: {  	[sflag:s0] =	ssyncset.done @!p0 $0x0  }
0x8c: {  	[sflag:s0] =	ssyncadd.s32 @!p0 $0xFFFFFF80  }
0x8d: {  	s28 =	simm.s32 $0x3660;
	[bflag:$0x0] =	sbarrier.arrive $0xFFFF  }
0x8e: {  	[tilespmem:s28], [sflag:$0x3] =	stream.linear.gather [spmem:s4], $0x1870, $0x38;
	[tilespmem:$0x64D0] =	vst v63  }
0x8f: {  	_ =	swait.ge [sflag:s9], $0x1870  }
0x90: {  	[sflag:s9] =	ssyncset.done $0x0  }
0x91: {  	s29 =	simm.s32 $0x0;
	[sflag:s9] =	ssyncadd.s32 $0xFFFFE790  }
.LBB2_7:
0x92: {  	v2 =	vmov s28;
	_ =	sdelay $0x3  }
0x93: {  	s0 =	simm.s32 $0x0  }
0x94: {  	v3 =	vld.idx.msk [tilespmem:v2+s0+$0x0 ss:$0x1], $0xffff;
	_ =	sdelay $0x4  }
0x95: {  	v4 =	vbroadcast v3, $0x0  }
0x96: {  	s30 =	simm.s32 $0x4F50;
	v5 =	vbroadcast v3, $0x1  }
0x97: {  	v6 =	vbroadcast v3, $0x2;
	[tilespmem:s30+$0xFFFFFF80] =	vst v4  }
0x98: {  	v52 =	vbroadcast v3, $0x3;
	[tilespmem:s30+$0xFFFFFF90] =	vst v5  }
0x99: {  	v53 =	vbroadcast v3, $0x4;
	[tilespmem:s30+$0xFFFFFFA0] =	vst v6  }
0x9a: {  	v54 =	vbroadcast v3, $0x5;
	[tilespmem:s30+$0xFFFFFFB0] =	vst v52  }
0x9b: {  	v55 =	vbroadcast v3, $0x6;
	[tilespmem:s30+$0xFFFFFFC0] =	vst v53  }
0x9c: {  	v56 =	vbroadcast v3, $0x7;
	[tilespmem:s30+$0xFFFFFFD0] =	vst v54  }
0x9d: {  	v57 =	vbroadcast v3, $0x8;
	[tilespmem:s30+$0xFFFFFFE0] =	vst v55  }
0x9e: {  	v58 =	vbroadcast v3, $0x9;
	[tilespmem:s30+$0xFFFFFFF0] =	vst v56  }
0x9f: {  	v59 =	vbroadcast v3, $0xA;
	[tilespmem:s30+$0x0] =	vst v57  }
0xa0: {  	v60 =	vbroadcast v3, $0xB;
	[tilespmem:s30+$0x10] =	vst v58  }
0xa1: {  	v61 =	vbroadcast v3, $0xC;
	[tilespmem:s30+$0x20] =	vst v59  }
0xa2: {  	v62 =	vbroadcast v3, $0xD;
	[tilespmem:s30+$0x30] =	vst v60  }
0xa3: {  	v63 =	vbroadcast v3, $0xE;
	[tilespmem:s30+$0x40] =	vst v61  }
0xa4: {  	v3 =	vbroadcast v3, $0xF;
	[tilespmem:s30+$0x50] =	vst v62  }
0xa5: {  	[tilespmem:s30+$0x60] =	vst v63  }
0xa6: {  	s31 =	simm.s32 $0x80;
	s0 =	simm.s32 $0x10;
	[tilespmem:s30+$0x70] =	vst v3  }
.LBB2_8:
0xa7: {  	p1 =	sne.s32 s31, $0x540;
	v3 =	vld.idx.msk [tilespmem:v2+s0+$0x0 ss:$0x1], $0xffff;
	_ =	sdelay $0x5  }
0xa8: {  	v4 =	vbroadcast v3, $0x0;
	v5 =	vbroadcast v3, $0x1  }
0xa9: {  	s30 =	sadd.s32 $0x100, s30;
	v6 =	vbroadcast v3, $0x2;
	v7 =	vbroadcast v3, $0x3  }
0xaa: {  	v8 =	vbroadcast v3, $0x5;
	[tilespmem:s30+$0xFFFFFF80] =	vst v4;
	v4 =	vbroadcast v3, $0x4  }
0xab: {  	v9 =	vbroadcast v3, $0x7;
	[tilespmem:s30+$0xFFFFFF90] =	vst v5;
	v5 =	vbroadcast v3, $0x6  }
0xac: {  	v10 =	vbroadcast v3, $0x9;
	[tilespmem:s30+$0xFFFFFFA0] =	vst v6;
	v6 =	vbroadcast v3, $0x8  }
0xad: {  	v11 =	vbroadcast v3, $0xB;
	[tilespmem:s30+$0xFFFFFFB0] =	vst v7;
	v7 =	vbroadcast v3, $0xA  }
0xae: {  	v12 =	vbroadcast v3, $0xD;
	[tilespmem:s30+$0xFFFFFFC0] =	vst v4;
	v4 =	vbroadcast v3, $0xC  }
0xaf: {  	[tilespmem:s30+$0xFFFFFFD0] =	vst v8;
	v8 =	vbroadcast v3, $0xE;
	v3 =	vbroadcast v3, $0xF  }
0xb0: {  	[tilespmem:s30+$0xFFFFFFE0] =	vst v5  }
0xb1: {  	[tilespmem:s30+$0xFFFFFFF0] =	vst v9  }
0xb2: {  	[tilespmem:s30+$0x0] =	vst v6  }
0xb3: {  	[tilespmem:s30+$0x10] =	vst v10  }
0xb4: {  	[tilespmem:s30+$0x20] =	vst v7  }
.Ltmp3:
0xb5: {  	[tilespmem:s30+$0x30] =	vst v11;
	(pc) =	sbr.rel @p1 .LBB2_8-.Ltmp3, $4  }
0xb6: {  	[tilespmem:s30+$0x40] =	vst v4  }
0xb7: {  	[tilespmem:s30+$0x50] =	vst v12  }
0xb8: {  	[tilespmem:s30+$0x60] =	vst v8  }
0xb9: {  	s0 =	sshra.s32 s31, $0x2;
	s31 =	sadd.s32 $0x40, s31;
	[tilespmem:s30+$0x70] =	vst v3  }
0xba: {  	_ =	sdelay $0x3  }
0xbb: {  	v2 =	vld.idx.msk [tilespmem:v2+s0+$0x0 ss:$0x1], $0xffff;
	_ =	sdelay $0x4  }
0xbc: {  	v3 =	vbroadcast v2, $0x0  }
0xbd: {  	s0 =	sadd.s32 $0x100, s30;
	v4 =	vbroadcast v2, $0x1  }
0xbe: {  	v5 =	vbroadcast v2, $0x2;
	[tilespmem:s0+$0xFFFFFF80] =	vst v3  }
0xbf: {  	v56 =	vbroadcast v2, $0x4;
	[tilespmem:s0+$0xFFFFFF90] =	vst v4  }
0xc0: {  	v57 =	vbroadcast v2, $0x5;
	[tilespmem:s0+$0xFFFFFFA0] =	vst v5  }
0xc1: {  	v58 =	vbroadcast v2, $0x7;
	[tilespmem:s0+$0xFFFFFFC0] =	vst v56  }
0xc2: {  	v59 =	vbroadcast v2, $0x8;
	[tilespmem:s0+$0xFFFFFFD0] =	vst v57  }
0xc3: {  	v60 =	vbroadcast v2, $0xA;
	[tilespmem:s0+$0xFFFFFFF0] =	vst v58  }
0xc4: {  	v3 =	vbroadcast v2, $0x3;
	[tilespmem:s0+$0x0] =	vst v59  }
0xc5: {  	v61 =	vbroadcast v2, $0xB;
	[tilespmem:s0+$0x20] =	vst v60  }
0xc6: {  	[tilespmem:s0+$0xFFFFFFB0] =	vst v3;
	v3 =	vbroadcast v2, $0x6  }
0xc7: {  	v62 =	vbroadcast v2, $0xD;
	[tilespmem:s0+$0x30] =	vst v61  }
0xc8: {  	[tilespmem:s0+$0xFFFFFFE0] =	vst v3;
	v3 =	vbroadcast v2, $0x9  }
0xc9: {  	s31 =	smul.u32 $0x2C, s29;
	v63 =	vbroadcast v2, $0xE;
	[tilespmem:s0+$0x50] =	vst v62  }
0xca: {  	[tilespmem:s0+$0x10] =	vst v3;
	v3 =	vbroadcast v2, $0xC  }
0xcb: {  	s29 =	sadd.s32 $0x1, s29;
	s30 =	sadd.s32 s6, s31;
	[tilespmem:s0+$0x60] =	vst v63;
	v2 =	vbroadcast v2, $0xF  }
0xcc: {  	p1 =	sne.s32 s29, $0x11;
	s30 =	sshll.u32 s30, $0x4;
	[tilespmem:s0+$0x40] =	vst v3  }
.Ltmp4:
0xcd: {  	s31 =	simm.s32 $0x0;
	[tilespmem:s0+$0x70] =	vst v2;
	s0 =	sadd.s32 s30, s5;
	(pc) =	sbr.rel @p1 .LBB2_7-.Ltmp4, $4  }
0xce: {  	[hbm4b:s0+s31] =	stream.linear.scatter [tilespmem:s24], [sflag:$0x3], $0x1600, $0x38;
	[tilespmem:$0x64D0] =	vst v63  }
0xcf: {  	_ =	swait.ge [sflag:s9], $0x1600  }
0xd0: {  	[sflag:s9] =	ssyncset.done $0x0  }
0xd1: {  	s28 =	sadd.s32 $0x160, s28;
	[sflag:s9] =	ssyncadd.s32 $0xFFFFEA00  }
0xd2: {  	s0 =	simm.s32 $0x0  }
0xd3: {  	v2 =	vld [tilespmem:s0+$0x4DC0];
	_ =	sdelay $0x4  }
0xd4: {  	v3 =	vbroadcast v2, $0x0  }
0xd5: {  	s28 =	simm.s32 $0x4F50;
	v4 =	vbroadcast v2, $0x1  }
0xd6: {  	v5 =	vbroadcast v2, $0x2;
	[tilespmem:s28+$0xFFFFFF80] =	vst v3  }
0xd7: {  	v56 =	vbroadcast v2, $0x4;
	[tilespmem:s28+$0xFFFFFF90] =	vst v4  }
0xd8: {  	v57 =	vbroadcast v2, $0x5;
	[tilespmem:s28+$0xFFFFFFA0] =	vst v5  }
0xd9: {  	v58 =	vbroadcast v2, $0x7;
	[tilespmem:s28+$0xFFFFFFC0] =	vst v56  }
0xda: {  	v59 =	vbroadcast v2, $0x8;
	[tilespmem:s28+$0xFFFFFFD0] =	vst v57  }
0xdb: {  	v60 =	vbroadcast v2, $0xA;
	[tilespmem:s28+$0xFFFFFFF0] =	vst v58  }
0xdc: {  	v3 =	vbroadcast v2, $0x3;
	[tilespmem:s28+$0x0] =	vst v59  }
0xdd: {  	v61 =	vbroadcast v2, $0xB;
	[tilespmem:s28+$0x20] =	vst v60  }
0xde: {  	[tilespmem:s28+$0xFFFFFFB0] =	vst v3;
	v3 =	vbroadcast v2, $0x6  }
0xdf: {  	v62 =	vbroadcast v2, $0xD;
	[tilespmem:s28+$0x30] =	vst v61  }
0xe0: {  	[tilespmem:s28+$0xFFFFFFE0] =	vst v3;
	v3 =	vbroadcast v2, $0x9  }
0xe1: {  	v63 =	vbroadcast v2, $0xE;
	[tilespmem:s28+$0x50] =	vst v62  }
0xe2: {  	[tilespmem:s28+$0x10] =	vst v3;
	v3 =	vbroadcast v2, $0xC  }
0xe3: {  	[tilespmem:s28+$0x60] =	vst v63;
	v2 =	vbroadcast v2, $0xF  }
0xe4: {  	[tilespmem:s28+$0x40] =	vst v3  }
0xe5: {  	s29 =	simm.s32 $0x80;
	s0 =	simm.s32 $0x10;
	[tilespmem:s28+$0x70] =	vst v2  }
.LBB2_11:
0xe6: {  	p1 =	sne.s32 s29, $0x400;
	v2 =	vld [tilespmem:s0+$0x4DC0];
	_ =	sdelay $0x4  }
0xe7: {  	v3 =	vbroadcast v2, $0x0;
	v4 =	vbroadcast v2, $0x1  }
0xe8: {  	s28 =	sadd.s32 $0x100, s28;
	v5 =	vbroadcast v2, $0x2;
	v6 =	vbroadcast v2, $0x3  }
0xe9: {  	v7 =	vbroadcast v2, $0x5;
	[tilespmem:s28+$0xFFFFFF80] =	vst v3;
	v3 =	vbroadcast v2, $0x4  }
0xea: {  	v8 =	vbroadcast v2, $0x7;
	[tilespmem:s28+$0xFFFFFF90] =	vst v4;
	v4 =	vbroadcast v2, $0x6  }
0xeb: {  	v9 =	vbroadcast v2, $0x9;
	[tilespmem:s28+$0xFFFFFFA0] =	vst v5;
	v5 =	vbroadcast v2, $0x8  }
0xec: {  	v10 =	vbroadcast v2, $0xB;
	[tilespmem:s28+$0xFFFFFFB0] =	vst v6;
	v6 =	vbroadcast v2, $0xA  }
0xed: {  	v11 =	vbroadcast v2, $0xD;
	[tilespmem:s28+$0xFFFFFFC0] =	vst v3;
	v3 =	vbroadcast v2, $0xC  }
0xee: {  	[tilespmem:s28+$0xFFFFFFD0] =	vst v7;
	v7 =	vbroadcast v2, $0xE;
	v2 =	vbroadcast v2, $0xF  }
0xef: {  	[tilespmem:s28+$0xFFFFFFE0] =	vst v4  }
0xf0: {  	[tilespmem:s28+$0xFFFFFFF0] =	vst v8  }
0xf1: {  	[tilespmem:s28+$0x0] =	vst v5  }
0xf2: {  	[tilespmem:s28+$0x10] =	vst v9  }
0xf3: {  	[tilespmem:s28+$0x20] =	vst v6  }
.Ltmp5:
0xf4: {  	[tilespmem:s28+$0x30] =	vst v10;
	(pc) =	sbr.rel @p1 .LBB2_11-.Ltmp5, $4  }
0xf5: {  	[tilespmem:s28+$0x40] =	vst v3  }
0xf6: {  	[tilespmem:s28+$0x50] =	vst v11  }
0xf7: {  	[tilespmem:s28+$0x60] =	vst v7  }
0xf8: {  	s0 =	sshra.s32 s29, $0x2;
	s29 =	sadd.s32 $0x40, s29;
	[tilespmem:s28+$0x70] =	vst v2  }
0xf9: {  	v2 =	vld [tilespmem:s0+$0x4DC0];
	_ =	sdelay $0x4  }
0xfa: {  	v3 =	vbroadcast v2, $0x0  }
0xfb: {  	s31 =	sadd.s32 $0x100, s28;
	v4 =	vbroadcast v2, $0x1  }
0xfc: {  	v5 =	vbroadcast v2, $0x2;
	[tilespmem:s31+$0xFFFFFF80] =	vst v3  }
0xfd: {  	v56 =	vbroadcast v2, $0x4;
	[tilespmem:s31+$0xFFFFFF90] =	vst v4  }
0xfe: {  	v57 =	vbroadcast v2, $0x5;
	[tilespmem:s31+$0xFFFFFFA0] =	vst v5  }
0xff: {  	v58 =	vbroadcast v2, $0x7;
	[tilespmem:s31+$0xFFFFFFC0] =	vst v56  }
0x100: {  	v59 =	vbroadcast v2, $0x8;
	[tilespmem:s31+$0xFFFFFFD0] =	vst v57  }
0x101: {  	v60 =	vbroadcast v2, $0xA;
	[tilespmem:s31+$0xFFFFFFF0] =	vst v58  }
0x102: {  	v3 =	vbroadcast v2, $0x3;
	[tilespmem:s31+$0x0] =	vst v59  }
0x103: {  	v61 =	vbroadcast v2, $0xB;
	[tilespmem:s31+$0x20] =	vst v60  }
0x104: {  	[tilespmem:s31+$0xFFFFFFB0] =	vst v3;
	v3 =	vbroadcast v2, $0x6  }
0x105: {  	v62 =	vbroadcast v2, $0xD;
	[tilespmem:s31+$0x30] =	vst v61  }
0x106: {  	[tilespmem:s31+$0xFFFFFFE0] =	vst v3;
	v3 =	vbroadcast v2, $0x9  }
0x107: {  	v63 =	vbroadcast v2, $0xE;
	[tilespmem:s31+$0x50] =	vst v62  }
0x108: {  	[tilespmem:s31+$0x10] =	vst v3;
	v3 =	vbroadcast v2, $0xC  }
0x109: {  	s26 =	sadd.s32 $0x1, s26;
	[tilespmem:s31+$0x60] =	vst v63;
	v2 =	vbroadcast v2, $0xF  }
0x10a: {  	p1 =	sne.s32 s26, s7;
	[tilespmem:s31+$0x40] =	vst v3  }
.Ltmp6:
0x10b: {  	[tilespmem:s31+$0x70] =	vst v2;
	(pc) =	sbr.rel @p1 .LBB2_1-.Ltmp6, $4  }
0x10c: {  	[hbm4b:s25+s3] =	stream.linear.scatter [tilespmem:s24], [sflag:$0x3], $0x1100, $0x38;
	[tilespmem:$0x64D0] =	vst v63  }
0x10d: {  	_ =	swait.ge [sflag:s9], $0x1100  }
0x10e: {  	[sflag:s9] =	ssyncset.done $0x0  }
0x10f: {  	[sflag:s9] =	ssyncadd.s32 $0xFFFFEF00  }
0x110: {  	_ =	sfence.sel $0x180000  }
0x111: {  	[bflag:$0x0] =	sbarrier.arrive $0xFFFF  }
0x112: {  	_ =	strace $0x90000047  }
0x113: {  	[bflag:$0x2] =	sbarrier.arrive $0xFFFF  }
0x114: {  	p0 =	sne.s32 s2, $0x0;
	s0 =	rddreg [dreg:$0x2]  }
0x115: {  	s0 =	sadd.s32 @!p0 $0x100000, s0  }
0x116: {  	[sflag:s0] =	ssyncadd.tile.s32 @!p0 $0x1;
	_ =	shalt  }
.Lfunc_end2:
_tile_overlayer_lowered:
.L_overlay_start_2:
0x117: {  	(tag) =	ssettag $0x2  }
0x118: {  	s0 =	rddreg [dreg:$0x0];
	s2 =	stileid.u32  }
0x119: {  	s1 =	rddreg [dreg:$0x1];
	p0 =	sne.s32 s2, $0x0  }
0x11a: {  	s3 =	rddreg [dreg:$0x2];
	[bflag:$0x3] =	sbarrier.arrive $0xFFFF;
	s2 =	simm.s32 @!p0 $0x1C03  }
0x11b: {  	[timem:s3], [sflag:s2] =	dma.local @!p0 [hbm:s0], s1  }
0x11c: {  	s0 =	simm.s32 @!p0 $0x3  }
0x11d: {  	_ =	swait.ge @!p0 [sflag:s0], s1  }
0x11e: {  	s1 =	ssub.s32 @!p0 $0x0, s1;
	[sflag:s0] =	ssyncset.done @!p0 $0x0  }
0x11f: {  	[sflag:s0] =	ssyncadd.s32 @!p0 s1  }
0x120: {  	[bflag:$0x3] =	sbarrier.arrive $0xFFFF  }
0x121: {  	_ =	shalt  }

// kernel: kernel.13.cloned.1.call-start
scs
__scs_entry_jumppad:
0x0: {  	(pc) =	sbr.rel $0x88, $3  }
0x1: {  	(tag) =	ssettag $0x0;
	lr =	simm.s32 $0x1  }
0x2: {  	[smem:$0x3F99] =	sst lr;
	_ =	strace $0xD0000000  }
0x3: {  	_ = 	snop  }
0x4: {  	_ = 	snop  }
0x5: {  	_ = 	snop  }
0x6: {  	_ = 	snop  }
0x7: {  	_ = 	snop  }
__scs_overlays_trampoline_lowered:
0x8: {  	[smem:$0x3FA8] =	sst s0  }
0x9: {  	[smem:$0x3FA9] =	sst s1  }
0xa: {  	[smem:$0x3FAA] =	sst s2  }
0xb: {  	[smem:$0x3FAB] =	sst s3  }
0xc: {  	[smem:$0x3FAC] =	sst s4  }
0xd: {  	[smem:$0x3FAD] =	sst s5  }
0xe: {  	[smem:$0x3FAE] =	sst s6  }
0xf: {  	[smem:$0x3FAF] =	sst s7  }
0x10: {  	[smem:$0x3FB0] =	sst s8  }
0x11: {  	[smem:$0x3FB1] =	sst s9;
	s0 =	simm.s32 @!p0 $0x0  }
0x12: {  	s1 =	sld [smem:$0x3F97];
	s0 =	simm.s32 @p0 $0x1  }
0x13: {  	[smem:$0x3FB2] =	sst s0;
	s0 =	simm.s32 @!p1 $0x0  }
0x14: {  	s2 =	sld [smem:$0x3F96];
	s0 =	simm.s32 @p1 $0x1  }
0x15: {  	[smem:$0x3FB3] =	sst s0;
	s0 =	simm.s32 @!p2 $0x0  }
0x16: {  	s3 =	sld [smem:$0x3FDB];
	s0 =	simm.s32 @p2 $0x1  }
0x17: {  	s4 =	simm.s32 $0x1BF5;
	[smem:$0x3FB5] =	sst s0  }
0x18: {  	s0 =	sld [smem:$0x3F98];
	_ =	swait.ge [sflag:s4], $0x0  }
0x19: {  	s7 =	sld [smem:$0x3F99]  }
0x1a: {  	s8 =	sadd.s32 $0xFFFFE003, lr  }
0x1b: {  	s9 =	sadd.s32 $0xFFFFFEF7, lr;
	s5 =	simm.s32 $0xFFFFFFFF;
	p2 =	slt.u32 s8, $0xFFFFF086  }
0x1c: {  	p1 =	slt.u32 s9, $0xF7A;
	s5 =	simm.s32 @!p2 $0x0  }
0x1d: {  	s5 =	simm.s32 @p1 $0x1;
	p0 =	seq.s32 s7, s2  }
0x1e: {  	s7 =	smul.u32 @!p0 $0xF7A, s2;
	p2 =	seq.s32 @!p0 s5, $0x0  }
0x1f: {  	s9 =	smul.u32 $0xF7A, s1;
	s8 =	simm.s32 @!p0 $0x1BF5;
	p2 =	por !p2, p0  }
0x20: {  	[sflag:s8] =	ssyncset.s32 @!p0 $0xFFFFF086;
	s6 =	sadd.s32 @!p0 s3, s7;
	s7 =	simm.s32 @!p0 $0x108  }
0x21: {  	s3 =	sadd.s32 s3, s9;
	s6 =	sadd.s32 @!p0 $0x88, s6;
	s7 =	simm.s32 @p2 $0x1082  }
0x22: {  	[simem:s7], [sflag:s8] =	dma.local @!p0 [hbm:s6], $0xF7A  }
0x23: {  	s9 =	sor.u32 $0xD0000000, s2;
	s6 =	simm.s32 $0x108;
	_ =	swait.ge @!p0 [sflag:s8], $0x0  }
0x24: {  	s3 =	sadd.s32 $0x88, s3;
	s6 =	simm.s32 @!p1 $0x1082;
	[sflag:s4] =	ssyncset.s32 $0xFFFFF086  }
0x25: {  	[simem:s6], [sflag:s4] =	dma.local [hbm:s3], $0xF7A  }
0x26: {  	[smem:$0x3F99] =	sst s1;
	(tag) =	ssettag s2;
	_ =	strace s9  }
0x27: {  	s1 =	sld [smem:$0x3FA9]  }
0x28: {  	s2 =	sld [smem:$0x3FAA]  }
0x29: {  	s4 =	sld [smem:$0x3FAC]  }
0x2a: {  	p0 =	seq.s32 s5, $0x0;
	s5 =	sld [smem:$0x3FAD]  }
0x2b: {  	s6 =	sld [smem:$0x3FAE]  }
0x2c: {  	s7 =	sld [smem:$0x3FAF]  }
0x2d: {  	s3 =	simm.s32 $0x108;
	s8 =	sld [smem:$0x3FB0]  }
0x2e: {  	s3 =	simm.s32 @!p0 $0x1082;
	s9 =	sld [smem:$0x3FB1]  }
0x2f: {  	lr =	sadd.s32 s0, s3;
	s0 =	sld [smem:$0x3FA8]  }
0x30: {  	s3 =	sld [smem:$0x3FAB]  }
0x31: {  	[smem:$0x3FB4] =	sst s10  }
0x32: {  	s10 =	sld [smem:$0x3FB2];
	_ =	sdelay $0x3  }
0x33: {  	p0 =	seq.s32 s10, $0x1;
	s10 =	sld [smem:$0x3FB4];
	_ =	sdelay $0x3  }
0x34: {  	[smem:$0x3FB4] =	sst s10  }
0x35: {  	s10 =	sld [smem:$0x3FB3];
	_ =	sdelay $0x3  }
0x36: {  	p1 =	seq.s32 s10, $0x1;
	s10 =	sld [smem:$0x3FB4];
	_ =	sdelay $0x3  }
0x37: {  	[smem:$0x3FB4] =	sst s10  }
0x38: {  	s10 =	sld [smem:$0x3FB5]  }
0x39: {  	_ = 	snop;
	(pc) =	sbr.ind lr, $3  }
0x3a: {  	_ = 	snop  }
0x3b: {  	_ = 	snop  }
0x3c: {  	p2 =	seq.s32 s10, $0x1;
	s10 =	sld [smem:$0x3FB4]  }
0x3d: {  	_ =	shalt  }
0x3e: {  	_ =	shalt  }
0x3f: {  	_ =	shalt  }
0x40: {  	_ =	shalt  }
0x41: {  	_ =	shalt  }
0x42: {  	_ =	shalt  }
0x43: {  	_ =	shalt  }
0x44: {  	_ =	shalt  }
0x45: {  	_ =	shalt  }
0x46: {  	_ =	shalt  }
0x47: {  	_ =	shalt  }
0x48: {  	_ =	shalt  }
0x49: {  	_ =	shalt  }
0x4a: {  	_ =	shalt  }
0x4b: {  	_ =	shalt  }
0x4c: {  	_ =	shalt  }
0x4d: {  	_ =	shalt  }
0x4e: {  	_ =	shalt  }
0x4f: {  	_ =	shalt  }
0x50: {  	_ =	shalt  }
0x51: {  	_ =	shalt  }
0x52: {  	_ =	shalt  }
0x53: {  	_ =	shalt  }
0x54: {  	_ =	shalt  }
0x55: {  	_ =	shalt  }
0x56: {  	_ =	shalt  }
0x57: {  	_ =	shalt  }
0x58: {  	_ =	shalt  }
0x59: {  	_ =	shalt  }
0x5a: {  	_ =	shalt  }
0x5b: {  	_ =	shalt  }
0x5c: {  	_ =	shalt  }
0x5d: {  	_ =	shalt  }
0x5e: {  	_ =	shalt  }
0x5f: {  	_ =	shalt  }
0x60: {  	_ =	shalt  }
0x61: {  	_ =	shalt  }
0x62: {  	_ =	shalt  }
0x63: {  	_ =	shalt  }
0x64: {  	_ =	shalt  }
0x65: {  	_ =	shalt  }
0x66: {  	_ =	shalt  }
0x67: {  	_ =	shalt  }
0x68: {  	_ =	shalt  }
0x69: {  	_ =	shalt  }
0x6a: {  	_ =	shalt  }
0x6b: {  	_ =	shalt  }
0x6c: {  	_ =	shalt  }
0x6d: {  	_ =	shalt  }
0x6e: {  	_ =	shalt  }
0x6f: {  	_ =	shalt  }
0x70: {  	_ =	shalt  }
0x71: {  	_ =	shalt  }
0x72: {  	_ =	shalt  }
0x73: {  	_ =	shalt  }
0x74: {  	_ =	shalt  }
0x75: {  	_ =	shalt  }
0x76: {  	_ =	shalt  }
0x77: {  	_ =	shalt  }
0x78: {  	_ =	shalt  }
0x79: {  	_ =	shalt  }
0x7a: {  	_ =	shalt  }
0x7b: {  	_ =	shalt  }
0x7c: {  	_ =	shalt  }
0x7d: {  	_ =	shalt  }
0x7e: {  	_ =	shalt  }
0x7f: {  	_ =	shalt  }
0x80: {  	_ =	shalt  }
0x81: {  	_ =	shalt  }
0x82: {  	_ =	shalt  }
0x83: {  	_ =	shalt  }
0x84: {  	_ =	shalt  }
0x85: {  	_ =	shalt  }
0x86: {  	_ =	shalt  }
0x87: {  	_ =	shalt  }
.Lfunc_end0:
.L_simem_size_0:
called_computation.2_lowered:
.L_overlay_start_0:
0x88: {  	s2 =	sld [smem:$0x3FD9]  }
0x89: {  	s3 =	sld [smem:$0x3FFE];
	_ =	sdelay $0x1  }
0x8a: {  	s1 =	srdreg.scid  }
0x8b: {  	s0 =	sand.u32 $0x1, s1  }
0x8c: {  	s17 =	sshll.u32 s0, $0xA;
	s2 =	sadd.s32 s3, s2  }
0x8d: {  	s2 =	sadd.s32 s2, s17  }
0x8e: {  	[smem:$0x3FC0] =	sst s2  }
0x8f: {  	_ = 	snop  }
0x90: {  	s2 =	sld [smem:$0x3FD0];
	(tm) =	ssettm $0x1  }
0x91: {  	s18 =	sld [smem:$0x3FFB];
	_ =	sdelay $0x3  }
0x92: {  	_ =	strace s18  }
0x93: {  	s3 =	sld [smem:$0x3FFC];
	_ =	sdelay $0x3  }
0x94: {  	_ =	strace s3  }
0x95: {  	s3 =	sld [smem:$0x3FFD];
	_ =	sdelay $0x3  }
0x96: {  	_ =	strace s3  }
0x97: {  	_ =	strace $0x8FFFFFFF  }
0x98: {  	s19 =	sld [smem:$0x3FDB];
	_ =	sdelay $0x1  }
0x99: {  	s4 =	simm.s32 $_scs_section_size  }
0x9a: {  	s5 =	simm.s32 $_size__tile_overlayer_lowered;
	s6 =	simm.s32 $_tile_overlayer_lowered  }
0x9b: {  	s22 =	simm.s32 $0x1BFF;
	s21 =	sshll.u32 s6, $0x1;
	s3 =	sadd.s32 s4, s19  }
0x9c: {  	s7 =	simm.s32 $0x0;
	s20 =	sshll.u32 s5, $0x1;
	s5 =	sadd.s32 s21, s3  }
0x9d: {  	[timem:s7], [sflag:s22] =	dma.local [hbm:s5], s20  }
0x9e: {  	_ =	swait.ge [sflag:s22], s20  }
0x9f: {  	s4 =	ssub.s32 $0x0, s20;
	[sflag:s22] =	ssyncset.done $0x0  }
0xa0: {  	[sflag:s22] =	ssyncadd.s32 s4;
	_ =	sdelay $0x1  }
0xa1: {  	s23 =	simm.s32 $0x1B8B  }
0xa2: {  	_ =	swait.ge [sflag:s23], $0x1  }
0xa3: {  	[sflag:s23] =	ssyncset.done $0x0  }
0xa4: {  	s25 =	simm.s32 $0x1B8E;
	s24 =	sld [smem:$0x3FFE];
	[sflag:s23] =	ssyncadd.s32 $0xFFFFFFFF  }
0xa5: {  	s26 =	simm.s32 $execute0_lowered;
	[smem:$0x3FD2] =	sst s25  }
0xa6: {  	s5 =	sshll.u32 s26, $0x1;
	_ =	strace $0x8000004C;
	[dreg:$0x1] =	wrdreg $0xFFFFFFFF  }
0xa7: {  	s28 =	simm.s32 $_size_execute0_lowered;
	s3 =	sadd.s32 s3, s5;
	[dreg:$0x0] =	wrdreg $0x0  }
0xa8: {  	s5 =	sshll.u32 s28, $0x1;
	[dreg:$0x2] =	wrdreg s3  }
0xa9: {  	[dreg:$0x3] =	wrdreg s5  }
0xaa: {  	[dreg:$0x4] =	wrdreg $0xC0  }
0xab: {  	_ =	task [dreg:s7], $0x5FFFF  }
0xac: {  	[dreg:$0x1] =	wrdreg $0xFFFFFFFF  }
0xad: {  	[dreg:$0x0] =	wrdreg $0x60  }
0xae: {  	[dreg:$0x2] =	wrdreg s2  }
0xaf: {  	[dreg:$0x3] =	wrdreg s24  }
0xb0: {  	[dreg:$0x4] =	wrdreg $0x0  }
0xb1: {  	[dreg:$0x5] =	wrdreg $0x9  }
0xb2: {  	_ =	task.clear_ibuf [dreg:s7], $0x6FFFF;
	_ =	strace $0x9000004C  }
0xb3: {  	s29 =	simm.s32 $0x9;
	_ =	strace $0x8000004E  }
0xb4: {  	_ =	swait.ge [sflag:s29], $0x1  }
0xb5: {  	[sflag:s29] =	ssyncadd.s32 $0xFFFFFFFF  }
0xb6: {  	_ =	strace $0x9000004E  }
0xb7: {  	_ =	sfence  }
0xb8: {  	s30 =	sld [smem:$0x0];
	_ =	sdelay $0x2  }
0xb9: {  	s31 =	sshll.u32 s1, $0xD;
	s1 =	sshrl.u32 s1, $0x2  }
0xba: {  	s3 =	sand.u32 $0x4000, s31;
	s1 =	sadd.s32 s1, s30  }
0xbb: {  	s0 =	sor.u32 s3, s0;
	s1 =	sshll.u32 s1, $0x11  }
0xbc: {  	s0 =	sor.u32 s1, s0  }
0xbd: {  	s0 =	sadd.s32 $0x8F2B, s0  }
0xbe: {  	[sflag:s0] =	ssyncadd.remote.s32 $0x1  }
0xbf: {  	_ =	sfence.sel $0xFFFF  }
0xc0: {  	[dreg:$0x0] =	wrdreg $0xFFFFFFFF;
	(pc) =	sbr.abs _section_cstart, $3  }
0xc1: {  	[dreg:$0x1] =	wrdreg $0xFFFFFFFF  }
0xc2: {  	_ =	task.clear_ibuf [dreg:s7], $0x2FFFF;
	_ =	strace $0x9FFFFFFF  }
0xc3: {  	(tm) =	ssettm $0x7FFFFFFF  }
tec
execute0_lowered:
.L_overlay_start_1:
0x0: {  	(tag) =	ssettag $0x1  }
0x1: {  	s1 =	rddreg [dreg:$0x0]  }
0x2: {  	s0 =	rddreg [dreg:$0x1]  }
0x3: {  	s2 =	rddreg [dreg:$0x2];
	s4 =	simm.s32 $0x0;
	s15 =	stileid.u32  }
0x4: {  	s3 =	srdreg.scid;
	s29 =	simm.s32 $0x19100;
	s8 =	smul.u32 $0x61C00, s15  }
0x5: {  	s30 =	simm.s32 $0x4;
	s31 =	simm.s32 $0x1D100;
	s28 =	smul.u32 $0x30C, s15  }
0x6: {  	[smem:$0x7FF] =	sst s4;
	s3 =	sand.u32 $0x1, s3;
	s13 =	smul.u32 $0x30E0, s15  }
0x7: {  	s6 =	sshll.u32 s15, $0x1;
	s7 =	sadd.s32 $0x2800, s0;
	s5 =	smul.u32 $0x30E00, s3  }
0x8: {  	p0 =	sgt.u32 s15, $0x9;
	s6 =	sor.u32 s3, s6;
	s16 =	smul.u32 $0x186, s3  }
0x9: {  	_ =	strace $0x8000004D;
	s9 =	ssub.s32 $0x2, s3;
	s10 =	smul.u32 $0x186, s6  }
0xa: {  	s11 =	sshrl.u32 s9, $0x1;
	s8 =	sshrl.u32 s8, $0x2;
	s12 =	smin.u32 s6, $0x14  }
0xb: {  	s6 =	smul.u32 $0x1870, s15;
	s5 =	sadd.s32 s5, s0;
	s0 =	sadd.s32 $0x33540, s0  }
0xc: {  	s9 =	ssub.s32 s9, s11;
	s11 =	sadd.s32 s8, s2;
	[dreg:$0x8] =	wrdreg s0  }
0xd: {  	s3 =	simm.s32 $0x80;
	s15 =	simm.s32 $0x1A100;
	[dreg:$0x4] =	wrdreg s11  }
0xe: {  	s24 =	sadd.s32 s12, s10;
	s25 =	sadd.s32 $0x16800, s11;
	[dreg:$0x16] =	wrdreg s6  }
0xf: {  	s14 =	sadd.s32 $0xC6000, s5;
	s18 =	smax.u32 s9, $0x1;
	[dreg:$0x5] =	wrdreg s25  }
0x10: {  	s19 =	sadd.s32 $0x2800, s11;
	s0 =	sadd.s32 s16, s28;
	[dreg:$0xb] =	wrdreg s18  }
0x11: {  	s20 =	sadd.s32 $0x5000, s11;
	s21 =	sadd.s32 $0x7800, s11;
	[dreg:$0xc] =	wrdreg s19  }
0x12: {  	s22 =	sadd.s32 $0xA000, s11;
	s23 =	sadd.s32 $0xC800, s11;
	[dreg:$0xd] =	wrdreg s20  }
0x13: {  	s28 =	sadd.s32 $0x14000, s11;
	s9 =	simm.s32 $0x19900;
	[dreg:$0xe] =	wrdreg s21  }
0x14: {  	s5 =	simm.s32 $0x1B900;
	s16 =	simm.s32 $0x1C900;
	[dreg:$0xf] =	wrdreg s22  }
0x15: {  	s10 =	simm.s32 $0x0;
	s8 =	sshll.u32 s24, $0x4;
	[dreg:$0x10] =	wrdreg s23  }
0x16: {  	s0 =	sadd.s32 s12, s0;
	s24 =	sadd.s32 $0xF000, s11;
	[dreg:$0x15] =	wrdreg s28  }
0x17: {  	s19 =	simm.s32 $0x1B100;
	s20 =	simm.s32 $0x18C00;
	s21 =	simm.s32 $0x1  }
0x18: {  	s23 =	simm.s32 $0x3;
	s26 =	sadd.s32 s7, s8;
	[dreg:$0x6] =	wrdreg s8  }
0x19: {  	s8 =	sadd.s32 $0x1860, s8;
	s0 =	sshll.u32 s0, $0x4;
	[dreg:$0x11] =	wrdreg s24  }
0x1a: {  	[dreg:$0x7] =	wrdreg s26;
	s8 =	sand.u32 $0x1FFFFFF0, s8;
	s25 =	sadd.s32 $0xA0, s0  }
0x1b: {  	s0 =	sadd.s32 $0x50, s0;
	s26 =	sadd.s32 $0x11800, s11;
	[dreg:$0x9] =	wrdreg s8  }
0x1c: {  	s11 =	simm.s32 $0x18E80;
	s17 =	sadd.s32 s7, s8;
	[dreg:$0x12] =	wrdreg s25  }
0x1d: {  	s24 =	sadd.s32 s7, s25;
	[dreg:$0x13] =	wrdreg s0;
	s25 =	sadd.s32 s0, s7  }
0x1e: {  	[dreg:$0x14] =	wrdreg s26;
	s7 =	simm.s32 $0x1C100;
	s8 =	simm.s32 $0x1D900  }
0x1f: {  	v0 =	vimm.f32 $0.0e+00;
	s26 =	simm.s32 $0x2;
	[dreg:$0xa] =	wrdreg s17;
	s17 =	simm.s32 $0x1A900  }
.LBB2_1:
0x20: {  	[dreg:$0x17] =	wrdreg s10;
	s0 =	simm.s32 $0x40;
	s10 =	simm.s32 $0x0  }
.LBB2_2:
0x21: {  	p1 =	sne.s32 s0, $0x9FC0;
	[tilespmem:s10+$0x19100] =	vst v0;
	s10 =	smov.u32 s0;
	s0 =	sadd.s32 $0x40, s0  }
.Ltmp0:
0x22: {  	(pc) =	sbr.rel @p1 .LBB2_2-.Ltmp0, $2  }
0x23: {  	_ =	sdelay $0x2  }
0x24: {  	s10 =	sshra.s32 s10, $0x2  }
0x25: {  	[tilespmem:s10+$0x19100] =	vst v0;
	s0 =	rddreg [dreg:$0x4]  }
0x26: {  	[spmem:s0] =	stream.linear.scatter [tilespmem:s29], [sflag:$0x4], $0x2800, $0x38;
	[tilespmem:$0x1F800] =	vst v63  }
0x27: {  	_ =	swait.ge [sflag:s30], $0x2800  }
0x28: {  	[sflag:s30] =	ssyncset.done $0x0  }
0x29: {  	s6 =	rddreg [dreg:$0xc];
	[sflag:s30] =	ssyncadd.s32 $0xFFFFD800  }
0x2a: {  	[spmem:s6] =	stream.linear.scatter [tilespmem:s29], [sflag:$0x4], $0x2800, $0x38;
	[tilespmem:$0x1F800] =	vst v63  }
0x2b: {  	_ =	swait.ge [sflag:s30], $0x2800  }
0x2c: {  	[sflag:s30] =	ssyncset.done $0x0  }
0x2d: {  	s10 =	rddreg [dreg:$0xd];
	[sflag:s30] =	ssyncadd.s32 $0xFFFFD800  }
0x2e: {  	[spmem:s10] =	stream.linear.scatter [tilespmem:s29], [sflag:$0x4], $0x2800, $0x38;
	[tilespmem:$0x1F800] =	vst v63  }
0x2f: {  	_ =	swait.ge [sflag:s30], $0x2800  }
0x30: {  	[sflag:s30] =	ssyncset.done $0x0  }
0x31: {  	s12 =	rddreg [dreg:$0xe];
	[sflag:s30] =	ssyncadd.s32 $0xFFFFD800  }
0x32: {  	[spmem:s12] =	stream.linear.scatter [tilespmem:s29], [sflag:$0x4], $0x2800, $0x38;
	[tilespmem:$0x1F800] =	vst v63  }
0x33: {  	_ =	swait.ge [sflag:s30], $0x2800  }
0x34: {  	[sflag:s30] =	ssyncset.done $0x0  }
0x35: {  	s18 =	rddreg [dreg:$0xf];
	[sflag:s30] =	ssyncadd.s32 $0xFFFFD800  }
0x36: {  	[spmem:s18] =	stream.linear.scatter [tilespmem:s29], [sflag:$0x4], $0x2800, $0x38;
	[tilespmem:$0x1F800] =	vst v63  }
0x37: {  	_ =	swait.ge [sflag:s30], $0x2800  }
0x38: {  	[sflag:s30] =	ssyncset.done $0x0  }
0x39: {  	s22 =	rddreg [dreg:$0x10];
	[sflag:s30] =	ssyncadd.s32 $0xFFFFD800  }
0x3a: {  	[spmem:s22] =	stream.linear.scatter [tilespmem:s29], [sflag:$0x4], $0x2800, $0x38;
	[tilespmem:$0x1F800] =	vst v63  }
0x3b: {  	_ =	swait.ge [sflag:s30], $0x2800  }
0x3c: {  	[sflag:s30] =	ssyncset.done $0x0  }
0x3d: {  	s6 =	rddreg [dreg:$0x11];
	[sflag:s30] =	ssyncadd.s32 $0xFFFFD800  }
0x3e: {  	[spmem:s6] =	stream.linear.scatter [tilespmem:s29], [sflag:$0x4], $0x2800, $0x38;
	[tilespmem:$0x1F800] =	vst v63  }
0x3f: {  	_ =	swait.ge [sflag:s30], $0x2800  }
0x40: {  	[sflag:s30] =	ssyncset.done $0x0  }
0x41: {  	s10 =	rddreg [dreg:$0x14];
	[sflag:s30] =	ssyncadd.s32 $0xFFFFD800  }
0x42: {  	[spmem:s10] =	stream.linear.scatter [tilespmem:s29], [sflag:$0x4], $0x2800, $0x38;
	[tilespmem:$0x1F800] =	vst v63  }
0x43: {  	_ =	swait.ge [sflag:s30], $0x2800  }
0x44: {  	[sflag:s30] =	ssyncset.done $0x0  }
0x45: {  	s12 =	rddreg [dreg:$0x15];
	[sflag:s30] =	ssyncadd.s32 $0xFFFFD800  }
0x46: {  	[spmem:s12] =	stream.linear.scatter [tilespmem:s29], [sflag:$0x4], $0x2800, $0x38;
	[tilespmem:$0x1F800] =	vst v63  }
0x47: {  	_ =	swait.ge [sflag:s30], $0x2800  }
0x48: {  	[sflag:s30] =	ssyncset.done $0x0  }
0x49: {  	s18 =	rddreg [dreg:$0x5];
	[sflag:s30] =	ssyncadd.s32 $0xFFFFD800  }
0x4a: {  	[spmem:s18] =	stream.linear.scatter [tilespmem:s29], [sflag:$0x4], $0x1F00, $0x38;
	[tilespmem:$0x1F800] =	vst v63  }
0x4b: {  	_ =	swait.ge [sflag:s30], $0x1F00  }
0x4c: {  	[sflag:s30] =	ssyncset.done $0x0  }
0x4d: {  	[sflag:s30] =	ssyncadd.s32 $0xFFFFE100  }
0x4e: {  	[bflag:$0x0] =	sbarrier.arrive $0xFFFF  }
0x4f: {  	s0 =	simm.s32 $0x0;
	s18 =	simm.s32 $0x18700;
	s22 =	rddreg [dreg:$0x7]  }
0x50: {  	[tilespmem:s18], [sflag:$0x4] =	stream.linear.gather [hbm4b:s22+s0], $0x280, $0x38;
	[tilespmem:$0x1F800] =	vst v63  }
0x51: {  	_ =	swait.ge [sflag:s30], $0x280  }
0x52: {  	s6 =	rddreg [dreg:$0x6]  }
0x53: {  	[sflag:s30] =	ssyncset.done $0x0;
	s12 =	rddreg [dreg:$0x8]  }
0x54: {  	[sflag:s30] =	ssyncadd.s32 $0xFFFFFD80;
	s10 =	sadd.s32 s6, s12;
	s6 =	simm.s32 $0x18980  }
0x55: {  	[tilespmem:s6], [sflag:$0x4] =	stream.linear.gather [hbm4b:s10+s0], $0x280, $0x38;
	[tilespmem:$0x1F800] =	vst v63  }
0x56: {  	_ =	swait.ge [sflag:s30], $0x280  }
0x57: {  	[sflag:s30] =	ssyncset.done $0x0  }
0x58: {  	[sflag:s30] =	ssyncadd.s32 $0xFFFFFD80  }
0x59: {  	[tilespmem:s29], [sflag:$0x1] =	stream.indirect.gather [hbm4b:s1+s3], $0x10, s18, s3, $0xb8;
	[tilespmem:$0x1F800] =	vst v63  }
0x5a: {  	s18 =	simm.s32 $0x18780  }
0x5b: {  	[tilespmem:s9], [sflag:$0x1] =	stream.indirect.gather [hbm4b:s1+s3], $0x10, s18, s3, $0xb8;
	[tilespmem:$0x1F800] =	vst v63  }
0x5c: {  	s22 =	simm.s32 $0x18800  }
0x5d: {  	[tilespmem:s15], [sflag:$0x1] =	stream.indirect.gather [hbm4b:s1+s3], $0x10, s22, s3, $0xb8;
	[tilespmem:$0x1F800] =	vst v63  }
0x5e: {  	s18 =	simm.s32 $0x18880  }
0x5f: {  	[tilespmem:s17], [sflag:$0x1] =	stream.indirect.gather [hbm4b:s1+s3], $0x10, s18, s3, $0xb8;
	[tilespmem:$0x1F800] =	vst v63  }
0x60: {  	s22 =	simm.s32 $0x18900;
	s18 =	rddreg [dreg:$0x12]  }
0x61: {  	[tilespmem:s19], [sflag:$0x1] =	stream.indirect.gather [hbm4b:s1+s3], $0x10, s22, s3, $0xb8;
	[tilespmem:$0x1F800] =	vst v63  }
0x62: {  	s22 =	rddreg [dreg:$0x13]  }
0x63: {  	s6 =	simm.s32 $0x18700;
	s28 =	sadd.s32 s12, s18;
	s22 =	sadd.s32 s12, s22  }
.LBB2_4:
0x64: {  	p1 =	seq.s32 s0, $0x0  }
0x65: {  	s10 =	simm.s32 @!p1 $0x2  }
0x66: {  	_ =	swait.ge @!p1 [sflag:s10], $0x800  }
0x67: {  	[sflag:s10] =	ssyncset.done @!p1 $0x0  }
0x68: {  	[sflag:s10] =	ssyncadd.s32 @!p1 $0xFFFFF800  }
0x69: {  	_ =	swait.ge @!p1 [sflag:s10], $0x800  }
0x6a: {  	[sflag:s10] =	ssyncset.done @!p1 $0x0  }
0x6b: {  	[sflag:s10] =	ssyncadd.s32 @!p1 $0xFFFFF800  }
0x6c: {  	_ =	swait.ge @!p1 [sflag:s10], $0x800  }
0x6d: {  	[sflag:s10] =	ssyncset.done @!p1 $0x0  }
0x6e: {  	[sflag:s10] =	ssyncadd.s32 @!p1 $0xFFFFF800  }
0x6f: {  	_ =	swait.ge @!p1 [sflag:s10], $0x800  }
0x70: {  	[sflag:s10] =	ssyncset.done @!p1 $0x0  }
0x71: {  	[sflag:s10] =	ssyncadd.s32 @!p1 $0xFFFFF800  }
0x72: {  	_ =	swait.ge @!p1 [sflag:s10], $0x800  }
0x73: {  	[sflag:s10] =	ssyncset.done @!p1 $0x0  }
0x74: {  	s18 =	sadd.s32 s0, s25;
	[sflag:s10] =	ssyncadd.s32 @!p1 $0xFFFFF800  }
0x75: {  	[tilespmem:s20], [sflag:$0x3] =	stream.linear.gather [hbm4b:s18+s4], $0x280, $0x38;
	[tilespmem:$0x1F800] =	vst v63  }
0x76: {  	s12 =	sadd.s32 s0, s22  }
0x77: {  	[tilespmem:s11], [sflag:$0x3] =	stream.linear.gather [hbm4b:s12+s4], $0x280, $0x38;
	[tilespmem:$0x1F800] =	vst v63  }
0x78: {  	_ =	swait.ge [sflag:s21], $0x800  }
0x79: {  	[sflag:s21] =	ssyncset.done $0x0  }
0x7a: {  	[sflag:s21] =	ssyncadd.s32 $0xFFFFF800  }
0x7b: {  	_ =	swait.ge [sflag:s21], $0x800  }
0x7c: {  	[sflag:s21] =	ssyncset.done $0x0  }
0x7d: {  	[sflag:s21] =	ssyncadd.s32 $0xFFFFF800  }
0x7e: {  	_ =	swait.ge [sflag:s21], $0x800  }
0x7f: {  	[sflag:s21] =	ssyncset.done $0x0  }
0x80: {  	[sflag:s21] =	ssyncadd.s32 $0xFFFFF800  }
0x81: {  	_ =	swait.ge [sflag:s21], $0x800  }
0x82: {  	[sflag:s21] =	ssyncset.done $0x0  }
0x83: {  	[sflag:s21] =	ssyncadd.s32 $0xFFFFF800  }
0x84: {  	_ =	swait.ge [sflag:s21], $0x800  }
0x85: {  	[sflag:s21] =	ssyncset.done $0x0  }
0x86: {  	s18 =	simm.s32 $0x18980;
	[sflag:s21] =	ssyncadd.s32 $0xFFFFF800  }
0x87: {  	[spmem:s2] =	stream.indirect.scatter.add.f32 [tilespmem:s29], [sflag:$0x2], $0x10, s18, s3, $0xb8;
	[tilespmem:$0x1F800] =	vst v63  }
0x88: {  	s12 =	simm.s32 $0x18A00  }
0x89: {  	[spmem:s2] =	stream.indirect.scatter.add.f32 [tilespmem:s9], [sflag:$0x2], $0x10, s12, s3, $0xb8;
	[tilespmem:$0x1F800] =	vst v63  }
0x8a: {  	s18 =	simm.s32 $0x18A80  }
0x8b: {  	[spmem:s2] =	stream.indirect.scatter.add.f32 [tilespmem:s15], [sflag:$0x2], $0x10, s18, s3, $0xb8;
	[tilespmem:$0x1F800] =	vst v63  }
0x8c: {  	s12 =	simm.s32 $0x18B00  }
0x8d: {  	[spmem:s2] =	stream.indirect.scatter.add.f32 [tilespmem:s17], [sflag:$0x2], $0x10, s12, s3, $0xb8;
	[tilespmem:$0x1F800] =	vst v63  }
0x8e: {  	s18 =	simm.s32 $0x18B80  }
0x8f: {  	[spmem:s2] =	stream.indirect.scatter.add.f32 [tilespmem:s19], [sflag:$0x2], $0x10, s18, s3, $0xb8;
	[tilespmem:$0x1F800] =	vst v63  }
0x90: {  	_ =	swait.ge [sflag:s23], $0x280  }
0x91: {  	[sflag:s23] =	ssyncset.done $0x0  }
0x92: {  	[sflag:s23] =	ssyncadd.s32 $0xFFFFFD80  }
0x93: {  	_ =	swait.ge [sflag:s23], $0x280  }
0x94: {  	[sflag:s23] =	ssyncset.done $0x0  }
0x95: {  	[sflag:s23] =	ssyncadd.s32 $0xFFFFFD80  }
0x96: {  	[tilespmem:s5], [sflag:$0x1] =	stream.indirect.gather [hbm4b:s1+s3], $0x10, s20, s3, $0xb8;
	[tilespmem:$0x1F800] =	vst v63  }
0x97: {  	s12 =	simm.s32 $0x18C80  }
0x98: {  	[tilespmem:s7], [sflag:$0x1] =	stream.indirect.gather [hbm4b:s1+s3], $0x10, s12, s3, $0xb8;
	[tilespmem:$0x1F800] =	vst v63  }
0x99: {  	s18 =	simm.s32 $0x18D00  }
0x9a: {  	[tilespmem:s16], [sflag:$0x1] =	stream.indirect.gather [hbm4b:s1+s3], $0x10, s18, s3, $0xb8;
	[tilespmem:$0x1F800] =	vst v63  }
0x9b: {  	s12 =	simm.s32 $0x18D80  }
0x9c: {  	[tilespmem:s31], [sflag:$0x1] =	stream.indirect.gather [hbm4b:s1+s3], $0x10, s12, s3, $0xb8;
	[tilespmem:$0x1F800] =	vst v63  }
0x9d: {  	s18 =	simm.s32 $0x18E00  }
0x9e: {  	[tilespmem:s8], [sflag:$0x1] =	stream.indirect.gather [hbm4b:s1+s3], $0x10, s18, s3, $0xb8;
	[tilespmem:$0x1F800] =	vst v63  }
0x9f: {  	_ =	swait.ge [sflag:s26], $0x800  }
0xa0: {  	[sflag:s26] =	ssyncset.done $0x0  }
0xa1: {  	[sflag:s26] =	ssyncadd.s32 $0xFFFFF800  }
0xa2: {  	_ =	swait.ge [sflag:s26], $0x800  }
0xa3: {  	[sflag:s26] =	ssyncset.done $0x0  }
0xa4: {  	[sflag:s26] =	ssyncadd.s32 $0xFFFFF800  }
0xa5: {  	_ =	swait.ge [sflag:s26], $0x800  }
0xa6: {  	[sflag:s26] =	ssyncset.done $0x0  }
0xa7: {  	[sflag:s26] =	ssyncadd.s32 $0xFFFFF800  }
0xa8: {  	_ =	swait.ge [sflag:s26], $0x800  }
0xa9: {  	[sflag:s26] =	ssyncset.done $0x0  }
0xaa: {  	[sflag:s26] =	ssyncadd.s32 $0xFFFFF800  }
0xab: {  	p1 =	seq.s32 s0, $0x17C0;
	_ =	swait.ge [sflag:s26], $0x800  }
0xac: {  	s10 =	sadd.s32 @!p1 s0, s24;
	[sflag:s26] =	ssyncset.done $0x0  }
0xad: {  	s12 =	simm.s32 @!p1 $0x0;
	s18 =	simm.s32 @!p1 $0x18700;
	[sflag:s26] =	ssyncadd.s32 $0xFFFFF800  }
0xae: {  	[tilespmem:s18], [sflag:$0x3] =	stream.linear.gather @!p1 [hbm4b:s10+s12], $0x280, $0x38;
	[tilespmem:$0x1F800] =	vst v63  }
0xaf: {  	s10 =	sadd.s32 @!p1 s0, s28;
	s18 =	simm.s32 @!p1 $0x18980  }
0xb0: {  	[tilespmem:s18], [sflag:$0x3] =	stream.linear.gather @!p1 [hbm4b:s10+s12], $0x280, $0x38;
	[tilespmem:$0x1F800] =	vst v63  }
0xb1: {  	_ =	swait.ge [sflag:s21], $0x800  }
0xb2: {  	[sflag:s21] =	ssyncset.done $0x0  }
0xb3: {  	[sflag:s21] =	ssyncadd.s32 $0xFFFFF800  }
0xb4: {  	_ =	swait.ge [sflag:s21], $0x800  }
0xb5: {  	[sflag:s21] =	ssyncset.done $0x0  }
0xb6: {  	[sflag:s21] =	ssyncadd.s32 $0xFFFFF800  }
0xb7: {  	_ =	swait.ge [sflag:s21], $0x800  }
0xb8: {  	[sflag:s21] =	ssyncset.done $0x0  }
0xb9: {  	[sflag:s21] =	ssyncadd.s32 $0xFFFFF800  }
0xba: {  	_ =	swait.ge [sflag:s21], $0x800  }
0xbb: {  	[sflag:s21] =	ssyncset.done $0x0  }
0xbc: {  	[sflag:s21] =	ssyncadd.s32 $0xFFFFF800  }
0xbd: {  	_ =	swait.ge [sflag:s21], $0x800  }
0xbe: {  	[sflag:s21] =	ssyncset.done $0x0  }
0xbf: {  	[sflag:s21] =	ssyncadd.s32 $0xFFFFF800  }
0xc0: {  	[spmem:s2] =	stream.indirect.scatter.add.f32 [tilespmem:s5], [sflag:$0x2], $0x10, s11, s3, $0xb8;
	[tilespmem:$0x1F800] =	vst v63  }
0xc1: {  	s12 =	simm.s32 $0x18F00  }
0xc2: {  	[spmem:s2] =	stream.indirect.scatter.add.f32 [tilespmem:s7], [sflag:$0x2], $0x10, s12, s3, $0xb8;
	[tilespmem:$0x1F800] =	vst v63  }
0xc3: {  	s18 =	simm.s32 $0x18F80  }
0xc4: {  	[spmem:s2] =	stream.indirect.scatter.add.f32 [tilespmem:s16], [sflag:$0x2], $0x10, s18, s3, $0xb8;
	[tilespmem:$0x1F800] =	vst v63  }
.Ltmp1:
0xc5: {  	_ = 	snop;
	(pc) =	sbr.rel @p1 .LBB2_6-.Ltmp1, $4  }
0xc6: {  	s12 =	simm.s32 $0x19000  }
0xc7: {  	[spmem:s2] =	stream.indirect.scatter.add.f32 [tilespmem:s31], [sflag:$0x2], $0x10, s12, s3, $0xb8;
	[tilespmem:$0x1F800] =	vst v63  }
0xc8: {  	s18 =	simm.s32 $0x19080  }
0xc9: {  	[spmem:s2] =	stream.indirect.scatter.add.f32 [tilespmem:s8], [sflag:$0x2], $0x10, s18, s3, $0xb8;
	[tilespmem:$0x1F800] =	vst v63  }
0xca: {  	_ =	swait.ge [sflag:s23], $0x280  }
0xcb: {  	[sflag:s23] =	ssyncset.done $0x0  }
0xcc: {  	[sflag:s23] =	ssyncadd.s32 $0xFFFFFD80  }
0xcd: {  	_ =	swait.ge [sflag:s23], $0x280  }
0xce: {  	[sflag:s23] =	ssyncset.done $0x0  }
0xcf: {  	[sflag:s23] =	ssyncadd.s32 $0xFFFFFD80  }
0xd0: {  	[tilespmem:s29], [sflag:$0x1] =	stream.indirect.gather [hbm4b:s1+s3], $0x10, s6, s3, $0xb8;
	[tilespmem:$0x1F800] =	vst v63  }
0xd1: {  	s10 =	simm.s32 $0x18780  }
0xd2: {  	[tilespmem:s9], [sflag:$0x1] =	stream.indirect.gather [hbm4b:s1+s3], $0x10, s10, s3, $0xb8;
	[tilespmem:$0x1F800] =	vst v63  }
0xd3: {  	s18 =	simm.s32 $0x18800  }
0xd4: {  	[tilespmem:s15], [sflag:$0x1] =	stream.indirect.gather [hbm4b:s1+s3], $0x10, s18, s3, $0xb8;
	[tilespmem:$0x1F800] =	vst v63  }
.Ltmp2:
0xd5: {  	_ = 	snop;
	(pc) =	sbr.rel .LBB2_4-.Ltmp2, $4  }
0xd6: {  	s12 =	simm.s32 $0x18880  }
0xd7: {  	[tilespmem:s17], [sflag:$0x1] =	stream.indirect.gather [hbm4b:s1+s3], $0x10, s12, s3, $0xb8;
	[tilespmem:$0x1F800] =	vst v63  }
0xd8: {  	s0 =	sadd.s32 $0xA0, s0;
	s18 =	simm.s32 $0x18900  }
0xd9: {  	[tilespmem:s19], [sflag:$0x1] =	stream.indirect.gather [hbm4b:s1+s3], $0x10, s18, s3, $0xb8;
	[tilespmem:$0x1F800] =	vst v63  }
.LBB2_6:
0xda: {  	_ =	swait.ge [sflag:s26], $0x800  }
0xdb: {  	[sflag:s26] =	ssyncset.done $0x0  }
0xdc: {  	[sflag:s26] =	ssyncadd.s32 $0xFFFFF800  }
0xdd: {  	_ =	swait.ge [sflag:s26], $0x800  }
0xde: {  	[sflag:s26] =	ssyncset.done $0x0  }
0xdf: {  	[sflag:s26] =	ssyncadd.s32 $0xFFFFF800  }
0xe0: {  	_ =	swait.ge [sflag:s26], $0x800  }
0xe1: {  	[sflag:s26] =	ssyncset.done $0x0  }
0xe2: {  	[sflag:s26] =	ssyncadd.s32 $0xFFFFF800  }
0xe3: {  	_ =	swait.ge [sflag:s26], $0x800  }
0xe4: {  	[sflag:s26] =	ssyncset.done $0x0  }
0xe5: {  	[sflag:s26] =	ssyncadd.s32 $0xFFFFF800  }
0xe6: {  	_ =	swait.ge [sflag:s26], $0x800  }
0xe7: {  	s0 =	simm.s32 @!p0 $0x0;
	[sflag:s26] =	ssyncset.done $0x0  }
0xe8: {  	s10 =	simm.s32 @!p0 $0x18700;
	s12 =	rddreg [dreg:$0xa];
	[sflag:s26] =	ssyncadd.s32 $0xFFFFF800  }
0xe9: {  	[tilespmem:s10], [sflag:$0x4] =	stream.linear.gather @!p0 [hbm4b:s12+s0], $0x80, $0x38;
	[tilespmem:$0x1F800] =	vst v63  }
0xea: {  	s12 =	simm.s32 @!p0 $0x4  }
0xeb: {  	_ =	swait.ge @!p0 [sflag:s12], $0x80  }
0xec: {  	s18 =	rddreg [dreg:$0x8]  }
0xed: {  	[sflag:s12] =	ssyncset.done @!p0 $0x0;
	s22 =	rddreg [dreg:$0x9]  }
0xee: {  	s18 =	sadd.s32 @!p0 s22, s18;
	[sflag:s12] =	ssyncadd.s32 @!p0 $0xFFFFFF80;
	s22 =	simm.s32 @!p0 $0x18980  }
0xef: {  	[tilespmem:s22], [sflag:$0x4] =	stream.linear.gather @!p0 [hbm4b:s18+s0], $0x80, $0x38;
	[tilespmem:$0x1F800] =	vst v63  }
0xf0: {  	_ =	swait.ge @!p0 [sflag:s12], $0x80  }
0xf1: {  	[sflag:s12] =	ssyncset.done @!p0 $0x0  }
0xf2: {  	s0 =	simm.s32 @!p0 $0x80;
	s18 =	simm.s32 @!p0 $0x19100;
	[sflag:s12] =	ssyncadd.s32 @!p0 $0xFFFFFF80  }
0xf3: {  	[tilespmem:s18], [sflag:$0x1] =	stream.indirect.gather @!p0 [hbm4b:s1+s0], $0x10, s10, s0, $0xb8;
	[tilespmem:$0x1F800] =	vst v63  }
0xf4: {  	s10 =	simm.s32 @!p0 $0x1  }
0xf5: {  	_ =	swait.ge @!p0 [sflag:s10], $0x800  }
0xf6: {  	[sflag:s10] =	ssyncset.done @!p0 $0x0  }
0xf7: {  	[sflag:s10] =	ssyncadd.s32 @!p0 $0xFFFFF800  }
0xf8: {  	[spmem:s2] =	stream.indirect.scatter.add.f32 @!p0 [tilespmem:s18], [sflag:$0x4], $0x10, s22, s0, $0xb8;
	[tilespmem:$0x1F800] =	vst v63  }
0xf9: {  	_ =	swait.ge @!p0 [sflag:s12], $0x800  }
0xfa: {  	[sflag:s12] =	ssyncset.done @!p0 $0x0  }
0xfb: {  	[sflag:s12] =	ssyncadd.s32 @!p0 $0xFFFFF800  }
0xfc: {  	[bflag:$0x0] =	sbarrier.arrive $0xFFFF  }
0xfd: {  	s0 =	simm.s32 $0x0;
	s12 =	simm.s32 $0x1E100;
	s6 =	rddreg [dreg:$0x16]  }
.LBB2_7:
0xfe: {  	s10 =	smul.u32 $0x170, s0;
	_ =	sdelay $0x1  }
0xff: {  	s10 =	sadd.s32 s6, s10  }
0x100: {  	s10 =	sshll.u32 s10, $0x4  }
0x101: {  	s10 =	sand.u32 $0x3FFFFFF0, s10  }
0x102: {  	s10 =	sadd.s32 s10, s2  }
0x103: {  	[tilespmem:s29], [sflag:$0x4] =	stream.linear.gather [spmem:s10], $0x1700, $0x38;
	[tilespmem:$0x1F800] =	vst v63  }
0x104: {  	_ =	swait.ge [sflag:s30], $0x1700  }
0x105: {  	[sflag:s30] =	ssyncset.done $0x0  }
0x106: {  	s22 =	simm.s32 $0x0;
	[sflag:s30] =	ssyncadd.s32 $0xFFFFE900  }
0x107: {  	v4 =	vld [tilespmem:s22+$0x19170]  }
0x108: {  	v5 =	vld [tilespmem:s22+$0x19100]  }
0x109: {  	v6 =	vld [tilespmem:s22+$0x19110]  }
0x10a: {  	v3 =	vld [tilespmem:s22+$0x19120]  }
0x10b: {  	v1 =	vld [tilespmem:s22+$0x19130]  }
0x10c: {  	v2 =	vld [tilespmem:s22+$0x19140];
	[tilespmem:s22+$0x1E170] =	vst v4  }
0x10d: {  	[tilespmem:s22+$0x1E100] =	vst v5;
	v4 =	vld [tilespmem:s22+$0x19150]  }
0x10e: {  	s28 =	simm.s32 $0x80;
	s10 =	simm.s32 $0x400;
	[tilespmem:s22+$0x1E110] =	vst v6;
	v5 =	vld [tilespmem:s22+$0x19160]  }
.LBB2_8:
0x10f: {  	p1 =	sne.s32 s10, $0x5A00;
	v6 =	vld [tilespmem:s28+$0x19170];
	[tilespmem:s22+$0x1E120] =	vst v3  }
0x110: {  	v7 =	vld [tilespmem:s28+$0x19100];
	[tilespmem:s22+$0x1E130] =	vst v1  }
0x111: {  	v8 =	vld [tilespmem:s28+$0x19110];
	[tilespmem:s22+$0x1E140] =	vst v2  }
.Ltmp3:
0x112: {  	v3 =	vld [tilespmem:s28+$0x19120];
	[tilespmem:s22+$0x1E150] =	vst v4;
	(pc) =	sbr.rel @p1 .LBB2_8-.Ltmp3, $4  }
0x113: {  	v1 =	vld [tilespmem:s28+$0x19130];
	[tilespmem:s22+$0x1E160] =	vst v5;
	s22 =	smov.u32 s28  }
0x114: {  	v2 =	vld [tilespmem:s22+$0x19140];
	[tilespmem:s22+$0x1E170] =	vst v6  }
0x115: {  	[tilespmem:s22+$0x1E100] =	vst v7;
	v4 =	vld [tilespmem:s22+$0x19150]  }
0x116: {  	s28 =	sshra.s32 s10, $0x2;
	s10 =	sadd.s32 $0x200, s10;
	[tilespmem:s22+$0x1E110] =	vst v8;
	v5 =	vld [tilespmem:s22+$0x19160]  }
0x117: {  	v6 =	vld [tilespmem:s28+$0x19170];
	[tilespmem:s22+$0x1E120] =	vst v3  }
0x118: {  	v3 =	vld [tilespmem:s28+$0x19100];
	[tilespmem:s22+$0x1E130] =	vst v1  }
0x119: {  	v1 =	vld [tilespmem:s28+$0x19110];
	[tilespmem:s22+$0x1E140] =	vst v2  }
0x11a: {  	v2 =	vld [tilespmem:s28+$0x19120];
	[tilespmem:s22+$0x1E150] =	vst v4  }
0x11b: {  	v4 =	vld [tilespmem:s28+$0x19130];
	[tilespmem:s22+$0x1E160] =	vst v5  }
0x11c: {  	v5 =	vld [tilespmem:s28+$0x19140];
	[tilespmem:s28+$0x1E170] =	vst v6  }
0x11d: {  	[tilespmem:s28+$0x1E100] =	vst v3;
	v3 =	vld [tilespmem:s28+$0x19150]  }
0x11e: {  	[tilespmem:s28+$0x1E110] =	vst v1;
	v1 =	vld [tilespmem:s28+$0x19160]  }
0x11f: {  	[tilespmem:s28+$0x1E120] =	vst v2  }
0x120: {  	s10 =	smul.u32 $0x2E0, s0;
	[tilespmem:s28+$0x1E130] =	vst v4  }
0x121: {  	s0 =	sadd.s32 $0x1, s0;
	[tilespmem:s28+$0x1E140] =	vst v5  }
0x122: {  	p1 =	sne.s32 s0, $0x11;
	s10 =	sadd.s32 s13, s10;
	[tilespmem:s28+$0x1E150] =	vst v3  }
.Ltmp4:
0x123: {  	s10 =	sadd.s32 s10, s14;
	[tilespmem:s28+$0x1E160] =	vst v1;
	(pc) =	sbr.rel @p1 .LBB2_7-.Ltmp4, $4  }
0x124: {  	[hbm4b:s10+s4] =	stream.linear.scatter [tilespmem:s12], [sflag:$0x4], $0x1700, $0x38;
	[tilespmem:$0x1F800] =	vst v63  }
0x125: {  	_ =	swait.ge [sflag:s30], $0x1700  }
0x126: {  	[sflag:s30] =	ssyncset.done $0x0  }
0x127: {  	[sflag:s30] =	ssyncadd.s32 $0xFFFFE900  }
0x128: {  	s10 =	rddreg [dreg:$0x17]  }
0x129: {  	s0 =	rddreg [dreg:$0xb];
	s10 =	sadd.s32 $0x1, s10  }
0x12a: {  	p1 =	sne.s32 s10, s0  }
.Ltmp5:
0x12b: {  	_ = 	snop;
	(pc) =	sbr.rel @p1 .LBB2_1-.Ltmp5, $1  }
0x12c: {  	_ =	sdelay $0x3  }
0x12d: {  	_ =	sfence.sel $0x180000  }
0x12e: {  	[bflag:$0x0] =	sbarrier.arrive $0xFFFF  }
0x12f: {  	_ =	strace $0x9000004D  }
0x130: {  	s0 =	stileid.u32;
	[bflag:$0x2] =	sbarrier.arrive $0xFFFF  }
0x131: {  	p0 =	sne.s32 s0, $0x0;
	s0 =	rddreg [dreg:$0x3]  }
0x132: {  	s0 =	sadd.s32 @!p0 $0x100000, s0  }
0x133: {  	[sflag:s0] =	ssyncadd.tile.s32 @!p0 $0x1;
	_ =	shalt  }
.Lfunc_end2:
_tile_overlayer_lowered:
.L_overlay_start_2:
0x134: {  	(tag) =	ssettag $0x2  }
0x135: {  	s0 =	rddreg [dreg:$0x0];
	s2 =	stileid.u32  }
0x136: {  	s1 =	rddreg [dreg:$0x1];
	p0 =	sne.s32 s2, $0x0  }
0x137: {  	s3 =	rddreg [dreg:$0x2];
	[bflag:$0x3] =	sbarrier.arrive $0xFFFF;
	s2 =	simm.s32 @!p0 $0x1C04  }
0x138: {  	[timem:s3], [sflag:s2] =	dma.local @!p0 [hbm:s0], s1  }
0x139: {  	s0 =	simm.s32 @!p0 $0x4  }
0x13a: {  	_ =	swait.ge @!p0 [sflag:s0], s1  }
0x13b: {  	s1 =	ssub.s32 @!p0 $0x0, s1;
	[sflag:s0] =	ssyncset.done @!p0 $0x0  }
0x13c: {  	[sflag:s0] =	ssyncadd.s32 @!p0 s1  }
0x13d: {  	[bflag:$0x3] =	sbarrier.arrive $0xFFFF  }
0x13e: {  	_ =	shalt  }

// kernel: kernel.7.cloned.1.call-start
scs
__scs_entry_jumppad:
0x0: {  	(pc) =	sbr.rel $0x88, $3  }
0x1: {  	(tag) =	ssettag $0x0;
	lr =	simm.s32 $0x1  }
0x2: {  	[smem:$0x3F99] =	sst lr;
	_ =	strace $0xD0000000  }
0x3: {  	_ = 	snop  }
0x4: {  	_ = 	snop  }
0x5: {  	_ = 	snop  }
0x6: {  	_ = 	snop  }
0x7: {  	_ = 	snop  }
__scs_overlays_trampoline_lowered:
0x8: {  	[smem:$0x3FA8] =	sst s0  }
0x9: {  	[smem:$0x3FA9] =	sst s1  }
0xa: {  	[smem:$0x3FAA] =	sst s2  }
0xb: {  	[smem:$0x3FAB] =	sst s3  }
0xc: {  	[smem:$0x3FAC] =	sst s4  }
0xd: {  	[smem:$0x3FAD] =	sst s5  }
0xe: {  	[smem:$0x3FAE] =	sst s6  }
0xf: {  	[smem:$0x3FAF] =	sst s7  }
0x10: {  	[smem:$0x3FB0] =	sst s8  }
0x11: {  	[smem:$0x3FB1] =	sst s9;
	s0 =	simm.s32 @!p0 $0x0  }
0x12: {  	s1 =	sld [smem:$0x3F97];
	s0 =	simm.s32 @p0 $0x1  }
0x13: {  	[smem:$0x3FB2] =	sst s0;
	s0 =	simm.s32 @!p1 $0x0  }
0x14: {  	s2 =	sld [smem:$0x3F96];
	s0 =	simm.s32 @p1 $0x1  }
0x15: {  	[smem:$0x3FB3] =	sst s0;
	s0 =	simm.s32 @!p2 $0x0  }
0x16: {  	s3 =	sld [smem:$0x3FDB];
	s0 =	simm.s32 @p2 $0x1  }
0x17: {  	s4 =	simm.s32 $0x1BF5;
	[smem:$0x3FB5] =	sst s0  }
0x18: {  	s0 =	sld [smem:$0x3F98];
	_ =	swait.ge [sflag:s4], $0x0  }
0x19: {  	s7 =	sld [smem:$0x3F99]  }
0x1a: {  	s8 =	sadd.s32 $0xFFFFE003, lr  }
0x1b: {  	s9 =	sadd.s32 $0xFFFFFEF7, lr;
	s5 =	simm.s32 $0xFFFFFFFF;
	p2 =	slt.u32 s8, $0xFFFFF086  }
0x1c: {  	p1 =	slt.u32 s9, $0xF7A;
	s5 =	simm.s32 @!p2 $0x0  }
0x1d: {  	s5 =	simm.s32 @p1 $0x1;
	p0 =	seq.s32 s7, s2  }
0x1e: {  	s7 =	smul.u32 @!p0 $0xF7A, s2;
	p2 =	seq.s32 @!p0 s5, $0x0  }
0x1f: {  	s9 =	smul.u32 $0xF7A, s1;
	s8 =	simm.s32 @!p0 $0x1BF5;
	p2 =	por !p2, p0  }
0x20: {  	[sflag:s8] =	ssyncset.s32 @!p0 $0xFFFFF086;
	s6 =	sadd.s32 @!p0 s3, s7;
	s7 =	simm.s32 @!p0 $0x108  }
0x21: {  	s3 =	sadd.s32 s3, s9;
	s6 =	sadd.s32 @!p0 $0x88, s6;
	s7 =	simm.s32 @p2 $0x1082  }
0x22: {  	[simem:s7], [sflag:s8] =	dma.local @!p0 [hbm:s6], $0xF7A  }
0x23: {  	s9 =	sor.u32 $0xD0000000, s2;
	s6 =	simm.s32 $0x108;
	_ =	swait.ge @!p0 [sflag:s8], $0x0  }
0x24: {  	s3 =	sadd.s32 $0x88, s3;
	s6 =	simm.s32 @!p1 $0x1082;
	[sflag:s4] =	ssyncset.s32 $0xFFFFF086  }
0x25: {  	[simem:s6], [sflag:s4] =	dma.local [hbm:s3], $0xF7A  }
0x26: {  	[smem:$0x3F99] =	sst s1;
	(tag) =	ssettag s2;
	_ =	strace s9  }
0x27: {  	s1 =	sld [smem:$0x3FA9]  }
0x28: {  	s2 =	sld [smem:$0x3FAA]  }
0x29: {  	s4 =	sld [smem:$0x3FAC]  }
0x2a: {  	p0 =	seq.s32 s5, $0x0;
	s5 =	sld [smem:$0x3FAD]  }
0x2b: {  	s6 =	sld [smem:$0x3FAE]  }
0x2c: {  	s7 =	sld [smem:$0x3FAF]  }
0x2d: {  	s3 =	simm.s32 $0x108;
	s8 =	sld [smem:$0x3FB0]  }
0x2e: {  	s3 =	simm.s32 @!p0 $0x1082;
	s9 =	sld [smem:$0x3FB1]  }
0x2f: {  	lr =	sadd.s32 s0, s3;
	s0 =	sld [smem:$0x3FA8]  }
0x30: {  	s3 =	sld [smem:$0x3FAB]  }
0x31: {  	[smem:$0x3FB4] =	sst s10  }
0x32: {  	s10 =	sld [smem:$0x3FB2];
	_ =	sdelay $0x3  }
0x33: {  	p0 =	seq.s32 s10, $0x1;
	s10 =	sld [smem:$0x3FB4];
	_ =	sdelay $0x3  }
0x34: {  	[smem:$0x3FB4] =	sst s10  }
0x35: {  	s10 =	sld [smem:$0x3FB3];
	_ =	sdelay $0x3  }
0x36: {  	p1 =	seq.s32 s10, $0x1;
	s10 =	sld [smem:$0x3FB4];
	_ =	sdelay $0x3  }
0x37: {  	[smem:$0x3FB4] =	sst s10  }
0x38: {  	s10 =	sld [smem:$0x3FB5]  }
0x39: {  	_ = 	snop;
	(pc) =	sbr.ind lr, $3  }
0x3a: {  	_ = 	snop  }
0x3b: {  	_ = 	snop  }
0x3c: {  	p2 =	seq.s32 s10, $0x1;
	s10 =	sld [smem:$0x3FB4]  }
0x3d: {  	_ =	shalt  }
0x3e: {  	_ =	shalt  }
0x3f: {  	_ =	shalt  }
0x40: {  	_ =	shalt  }
0x41: {  	_ =	shalt  }
0x42: {  	_ =	shalt  }
0x43: {  	_ =	shalt  }
0x44: {  	_ =	shalt  }
0x45: {  	_ =	shalt  }
0x46: {  	_ =	shalt  }
0x47: {  	_ =	shalt  }
0x48: {  	_ =	shalt  }
0x49: {  	_ =	shalt  }
0x4a: {  	_ =	shalt  }
0x4b: {  	_ =	shalt  }
0x4c: {  	_ =	shalt  }
0x4d: {  	_ =	shalt  }
0x4e: {  	_ =	shalt  }
0x4f: {  	_ =	shalt  }
0x50: {  	_ =	shalt  }
0x51: {  	_ =	shalt  }
0x52: {  	_ =	shalt  }
0x53: {  	_ =	shalt  }
0x54: {  	_ =	shalt  }
0x55: {  	_ =	shalt  }
0x56: {  	_ =	shalt  }
0x57: {  	_ =	shalt  }
0x58: {  	_ =	shalt  }
0x59: {  	_ =	shalt  }
0x5a: {  	_ =	shalt  }
0x5b: {  	_ =	shalt  }
0x5c: {  	_ =	shalt  }
0x5d: {  	_ =	shalt  }
0x5e: {  	_ =	shalt  }
0x5f: {  	_ =	shalt  }
0x60: {  	_ =	shalt  }
0x61: {  	_ =	shalt  }
0x62: {  	_ =	shalt  }
0x63: {  	_ =	shalt  }
0x64: {  	_ =	shalt  }
0x65: {  	_ =	shalt  }
0x66: {  	_ =	shalt  }
0x67: {  	_ =	shalt  }
0x68: {  	_ =	shalt  }
0x69: {  	_ =	shalt  }
0x6a: {  	_ =	shalt  }
0x6b: {  	_ =	shalt  }
0x6c: {  	_ =	shalt  }
0x6d: {  	_ =	shalt  }
0x6e: {  	_ =	shalt  }
0x6f: {  	_ =	shalt  }
0x70: {  	_ =	shalt  }
0x71: {  	_ =	shalt  }
0x72: {  	_ =	shalt  }
0x73: {  	_ =	shalt  }
0x74: {  	_ =	shalt  }
0x75: {  	_ =	shalt  }
0x76: {  	_ =	shalt  }
0x77: {  	_ =	shalt  }
0x78: {  	_ =	shalt  }
0x79: {  	_ =	shalt  }
0x7a: {  	_ =	shalt  }
0x7b: {  	_ =	shalt  }
0x7c: {  	_ =	shalt  }
0x7d: {  	_ =	shalt  }
0x7e: {  	_ =	shalt  }
0x7f: {  	_ =	shalt  }
0x80: {  	_ =	shalt  }
0x81: {  	_ =	shalt  }
0x82: {  	_ =	shalt  }
0x83: {  	_ =	shalt  }
0x84: {  	_ =	shalt  }
0x85: {  	_ =	shalt  }
0x86: {  	_ =	shalt  }
0x87: {  	_ =	shalt  }
.Lfunc_end0:
.L_simem_size_0:
called_computation_lowered:
.L_overlay_start_0:
0x88: {  	s2 =	sld [smem:$0x3FD9]  }
0x89: {  	s3 =	sld [smem:$0x3FFE];
	_ =	sdelay $0x1  }
0x8a: {  	s1 =	srdreg.scid  }
0x8b: {  	s0 =	sand.u32 $0x1, s1  }
0x8c: {  	s17 =	sshll.u32 s0, $0xA;
	s2 =	sadd.s32 s3, s2  }
0x8d: {  	s2 =	sadd.s32 s2, s17  }
0x8e: {  	[smem:$0x3FC0] =	sst s2  }
0x8f: {  	_ = 	snop  }
0x90: {  	s18 =	sld [smem:$0x3FD0];
	(tm) =	ssettm $0x1  }
0x91: {  	s19 =	sld [smem:$0x3FFB];
	_ =	sdelay $0x3  }
0x92: {  	_ =	strace s19  }
0x93: {  	s2 =	sld [smem:$0x3FFC];
	_ =	sdelay $0x3  }
0x94: {  	_ =	strace s2  }
0x95: {  	s2 =	sld [smem:$0x3FFD];
	_ =	sdelay $0x3  }
0x96: {  	_ =	strace s2  }
0x97: {  	_ =	strace $0x8FFFFFFF  }
0x98: {  	s20 =	sld [smem:$0x3FDB];
	_ =	sdelay $0x1  }
0x99: {  	s4 =	simm.s32 $_scs_section_size  }
0x9a: {  	s5 =	simm.s32 $_size__tile_overlayer_lowered;
	s6 =	simm.s32 $_tile_overlayer_lowered  }
0x9b: {  	s7 =	simm.s32 $0x1BFF;
	s21 =	sshll.u32 s6, $0x1;
	s4 =	sadd.s32 s4, s20  }
0x9c: {  	s22 =	simm.s32 $0x0;
	s5 =	sshll.u32 s5, $0x1;
	s6 =	sadd.s32 s21, s4  }
0x9d: {  	[timem:s22], [sflag:s7] =	dma.local [hbm:s6], s5  }
0x9e: {  	_ =	swait.ge [sflag:s7], s5  }
0x9f: {  	s5 =	ssub.s32 $0x0, s5;
	[sflag:s7] =	ssyncset.done $0x0  }
0xa0: {  	[sflag:s7] =	ssyncadd.s32 s5;
	_ =	sdelay $0x1  }
0xa1: {  	s23 =	simm.s32 $0x1B8B  }
0xa2: {  	_ =	swait.ge [sflag:s23], $0x1  }
0xa3: {  	[sflag:s23] =	ssyncset.done $0x0  }
0xa4: {  	[sflag:s23] =	ssyncadd.s32 $0xFFFFFFFF  }
0xa5: {  	s5 =	sld [smem:$0x0]  }
0xa6: {  	s6 =	sand.u32 $0xFFFFFFFE, s1  }
0xa7: {  	p0 =	sne.s32 s1, s6  }
0xa8: {  	s6 =	sshll.u32 @p0 s6, $0xE  }
0xa9: {  	s6 =	sadd.s32 @p0 $0x11B8D, s6;
	s7 =	sshll.u32 @p0 s5, $0x11  }
0xaa: {  	s6 =	sor.u32 @p0 s7, s6  }
0xab: {  	[sflag:s6] =	ssyncadd.remote.s32 @p0 $0x1;
	_ =	sdelay $0x1  }
0xac: {  	s6 =	simm.s32 @p0 $0x1B8D  }
0xad: {  	_ =	swait.eq @p0 [sflag:s6], $0x1  }
0xae: {  	[sflag:s6] =	ssyncadd.s32 @p0 $0xFFFFFFFF  }
0xaf: {  	s7 =	sshll.u32 @!p0 s1, $0xE  }
0xb0: {  	s7 =	sor.u32 @!p0 $0x4000, s7;
	s6 =	simm.s32 @!p0 $0x1B8D  }
0xb1: {  	s5 =	sshll.u32 @!p0 s5, $0x11;
	s7 =	sadd.s32 @!p0 $0x11B8D, s7;
	_ =	swait.eq @!p0 [sflag:s6], $0x1  }
0xb2: {  	s5 =	sor.u32 @!p0 s5, s7;
	[sflag:s6] =	ssyncadd.s32 @!p0 $0xFFFFFFFF  }
0xb3: {  	s25 =	simm.s32 $0x1B8E;
	s24 =	sld [smem:$0x3FFE];
	[sflag:s5] =	ssyncadd.remote.s32 @!p0 $0x1  }
0xb4: {  	s26 =	simm.s32 $execute0_lowered;
	[smem:$0x3FD2] =	sst s25  }
0xb5: {  	s6 =	sshll.u32 s26, $0x1;
	_ =	strace $0x80000049;
	[dreg:$0x1] =	wrdreg $0xFFFFFFFF  }
0xb6: {  	s28 =	simm.s32 $_size_execute0_lowered;
	s4 =	sadd.s32 s4, s6;
	[dreg:$0x0] =	wrdreg $0x0  }
0xb7: {  	s6 =	sshll.u32 s28, $0x1;
	[dreg:$0x2] =	wrdreg s4  }
0xb8: {  	[dreg:$0x3] =	wrdreg s6  }
0xb9: {  	[dreg:$0x4] =	wrdreg $0xC0  }
0xba: {  	_ =	task [dreg:s22], $0x5FFFF  }
0xbb: {  	[dreg:$0x1] =	wrdreg $0xFFFFFFFF  }
0xbc: {  	[dreg:$0x0] =	wrdreg $0x60  }
0xbd: {  	[dreg:$0x2] =	wrdreg s18  }
0xbe: {  	[dreg:$0x3] =	wrdreg s24  }
0xbf: {  	[dreg:$0x4] =	wrdreg $0x0  }
0xc0: {  	[dreg:$0x5] =	wrdreg $0x9  }
0xc1: {  	_ =	task.clear_ibuf [dreg:s22], $0x6FFFF;
	_ =	strace $0x90000049  }
0xc2: {  	s29 =	simm.s32 $0x9;
	_ =	strace $0x8000004B  }
0xc3: {  	_ =	swait.ge [sflag:s29], $0x1  }
0xc4: {  	[sflag:s29] =	ssyncadd.s32 $0xFFFFFFFF  }
0xc5: {  	_ =	strace $0x9000004B  }
0xc6: {  	_ =	sfence  }
0xc7: {  	s30 =	sld [smem:$0x0];
	_ =	sdelay $0x2  }
0xc8: {  	s31 =	sshll.u32 s1, $0xD;
	s1 =	sshrl.u32 s1, $0x2  }
0xc9: {  	s4 =	sand.u32 $0x4000, s31;
	s1 =	sadd.s32 s1, s30  }
0xca: {  	s0 =	sor.u32 s4, s0;
	s1 =	sshll.u32 s1, $0x11  }
0xcb: {  	s0 =	sor.u32 s1, s0  }
0xcc: {  	s0 =	sadd.s32 $0x8F2B, s0  }
0xcd: {  	[sflag:s0] =	ssyncadd.remote.s32 $0x1  }
0xce: {  	_ =	sfence.sel $0xFFFF  }
0xcf: {  	[dreg:$0x0] =	wrdreg $0xFFFFFFFF;
	(pc) =	sbr.abs _section_cstart, $3  }
0xd0: {  	[dreg:$0x1] =	wrdreg $0xFFFFFFFF  }
0xd1: {  	_ =	task.clear_ibuf [dreg:s22], $0x2FFFF;
	_ =	strace $0x9FFFFFFF  }
0xd2: {  	(tm) =	ssettm $0x7FFFFFFF  }
0xd3: {  	_ =	shalt  }
tec
execute0_lowered:
.L_overlay_start_1:
0x0: {  	(tag) =	ssettag $0x1  }
0x1: {  	s1 =	rddreg [dreg:$0x0]  }
0x2: {  	s0 =	rddreg [dreg:$0x1]  }
0x3: {  	s2 =	rddreg [dreg:$0x2];
	s4 =	simm.s32 $0x0;
	s15 =	stileid.u32  }
0x4: {  	s3 =	srdreg.scid;
	s29 =	simm.s32 $0x19100;
	s8 =	smul.u32 $0x61C00, s15  }
0x5: {  	s30 =	simm.s32 $0x4;
	s31 =	simm.s32 $0x1D100;
	s28 =	smul.u32 $0x30C, s15  }
0x6: {  	[smem:$0x7FF] =	sst s4;
	s3 =	sand.u32 $0x1, s3;
	s13 =	smul.u32 $0x30E0, s15  }
0x7: {  	s6 =	sshll.u32 s15, $0x1;
	s7 =	sadd.s32 $0x2800, s0;
	s5 =	smul.u32 $0x30E00, s3  }
0x8: {  	p0 =	sgt.u32 s15, $0x9;
	s6 =	sor.u32 s3, s6;
	s16 =	smul.u32 $0x186, s3  }
0x9: {  	_ =	strace $0x8000004A;
	s9 =	ssub.s32 $0x2, s3;
	s10 =	smul.u32 $0x186, s6  }
0xa: {  	s11 =	sshrl.u32 s9, $0x1;
	s8 =	sshrl.u32 s8, $0x2;
	s12 =	smin.u32 s6, $0x14  }
0xb: {  	s6 =	smul.u32 $0x1870, s15;
	s5 =	sadd.s32 s5, s0;
	s0 =	sadd.s32 $0x33540, s0  }
0xc: {  	s9 =	ssub.s32 s9, s11;
	s11 =	sadd.s32 s8, s2;
	[dreg:$0x8] =	wrdreg s0  }
0xd: {  	s3 =	simm.s32 $0x80;
	s15 =	simm.s32 $0x1A100;
	[dreg:$0x4] =	wrdreg s11  }
0xe: {  	s24 =	sadd.s32 s12, s10;
	s25 =	sadd.s32 $0x16800, s11;
	[dreg:$0x16] =	wrdreg s6  }
0xf: {  	s14 =	sadd.s32 $0x24CA00, s5;
	s18 =	smax.u32 s9, $0x1;
	[dreg:$0x5] =	wrdreg s25  }
0x10: {  	s19 =	sadd.s32 $0x2800, s11;
	s0 =	sadd.s32 s16, s28;
	[dreg:$0xb] =	wrdreg s18  }
0x11: {  	s20 =	sadd.s32 $0x5000, s11;
	s21 =	sadd.s32 $0x7800, s11;
	[dreg:$0xc] =	wrdreg s19  }
0x12: {  	s22 =	sadd.s32 $0xA000, s11;
	s23 =	sadd.s32 $0xC800, s11;
	[dreg:$0xd] =	wrdreg s20  }
0x13: {  	s28 =	sadd.s32 $0x14000, s11;
	s9 =	simm.s32 $0x19900;
	[dreg:$0xe] =	wrdreg s21  }
0x14: {  	s5 =	simm.s32 $0x1B900;
	s16 =	simm.s32 $0x1C900;
	[dreg:$0xf] =	wrdreg s22  }
0x15: {  	s10 =	simm.s32 $0x0;
	s8 =	sshll.u32 s24, $0x4;
	[dreg:$0x10] =	wrdreg s23  }
0x16: {  	s0 =	sadd.s32 s12, s0;
	s24 =	sadd.s32 $0xF000, s11;
	[dreg:$0x15] =	wrdreg s28  }
0x17: {  	s19 =	simm.s32 $0x1B100;
	s20 =	simm.s32 $0x18C00;
	s21 =	simm.s32 $0x1  }
0x18: {  	s23 =	simm.s32 $0x3;
	s26 =	sadd.s32 s7, s8;
	[dreg:$0x6] =	wrdreg s8  }
0x19: {  	s8 =	sadd.s32 $0x1860, s8;
	s0 =	sshll.u32 s0, $0x4;
	[dreg:$0x11] =	wrdreg s24  }
0x1a: {  	[dreg:$0x7] =	wrdreg s26;
	s8 =	sand.u32 $0x1FFFFFF0, s8;
	s25 =	sadd.s32 $0xA0, s0  }
0x1b: {  	s0 =	sadd.s32 $0x50, s0;
	s26 =	sadd.s32 $0x11800, s11;
	[dreg:$0x9] =	wrdreg s8  }
0x1c: {  	s11 =	simm.s32 $0x18E80;
	s17 =	sadd.s32 s7, s8;
	[dreg:$0x12] =	wrdreg s25  }
0x1d: {  	s24 =	sadd.s32 s7, s25;
	[dreg:$0x13] =	wrdreg s0;
	s25 =	sadd.s32 s0, s7  }
0x1e: {  	[dreg:$0x14] =	wrdreg s26;
	s7 =	simm.s32 $0x1C100;
	s8 =	simm.s32 $0x1D900  }
0x1f: {  	v0 =	vimm.f32 $0.0e+00;
	s26 =	simm.s32 $0x2;
	[dreg:$0xa] =	wrdreg s17;
	s17 =	simm.s32 $0x1A900  }
.LBB2_1:
0x20: {  	[dreg:$0x17] =	wrdreg s10;
	s0 =	simm.s32 $0x40;
	s10 =	simm.s32 $0x0  }
.LBB2_2:
0x21: {  	p1 =	sne.s32 s0, $0x9FC0;
	[tilespmem:s10+$0x19100] =	vst v0;
	s10 =	smov.u32 s0;
	s0 =	sadd.s32 $0x40, s0  }
.Ltmp0:
0x22: {  	(pc) =	sbr.rel @p1 .LBB2_2-.Ltmp0, $2  }
0x23: {  	_ =	sdelay $0x2  }
0x24: {  	s10 =	sshra.s32 s10, $0x2  }
0x25: {  	[tilespmem:s10+$0x19100] =	vst v0;
	s0 =	rddreg [dreg:$0x4]  }
0x26: {  	[spmem:s0] =	stream.linear.scatter [tilespmem:s29], [sflag:$0x4], $0x2800, $0x38;
	[tilespmem:$0x1F800] =	vst v63  }
0x27: {  	_ =	swait.ge [sflag:s30], $0x2800  }
0x28: {  	[sflag:s30] =	ssyncset.done $0x0  }
0x29: {  	s6 =	rddreg [dreg:$0xc];
	[sflag:s30] =	ssyncadd.s32 $0xFFFFD800  }
0x2a: {  	[spmem:s6] =	stream.linear.scatter [tilespmem:s29], [sflag:$0x4], $0x2800, $0x38;
	[tilespmem:$0x1F800] =	vst v63  }
0x2b: {  	_ =	swait.ge [sflag:s30], $0x2800  }
0x2c: {  	[sflag:s30] =	ssyncset.done $0x0  }
0x2d: {  	s10 =	rddreg [dreg:$0xd];
	[sflag:s30] =	ssyncadd.s32 $0xFFFFD800  }
0x2e: {  	[spmem:s10] =	stream.linear.scatter [tilespmem:s29], [sflag:$0x4], $0x2800, $0x38;
	[tilespmem:$0x1F800] =	vst v63  }
0x2f: {  	_ =	swait.ge [sflag:s30], $0x2800  }
0x30: {  	[sflag:s30] =	ssyncset.done $0x0  }
0x31: {  	s12 =	rddreg [dreg:$0xe];
	[sflag:s30] =	ssyncadd.s32 $0xFFFFD800  }
0x32: {  	[spmem:s12] =	stream.linear.scatter [tilespmem:s29], [sflag:$0x4], $0x2800, $0x38;
	[tilespmem:$0x1F800] =	vst v63  }
0x33: {  	_ =	swait.ge [sflag:s30], $0x2800  }
0x34: {  	[sflag:s30] =	ssyncset.done $0x0  }
0x35: {  	s18 =	rddreg [dreg:$0xf];
	[sflag:s30] =	ssyncadd.s32 $0xFFFFD800  }
0x36: {  	[spmem:s18] =	stream.linear.scatter [tilespmem:s29], [sflag:$0x4], $0x2800, $0x38;
	[tilespmem:$0x1F800] =	vst v63  }
0x37: {  	_ =	swait.ge [sflag:s30], $0x2800  }
0x38: {  	[sflag:s30] =	ssyncset.done $0x0  }
0x39: {  	s22 =	rddreg [dreg:$0x10];
	[sflag:s30] =	ssyncadd.s32 $0xFFFFD800  }
0x3a: {  	[spmem:s22] =	stream.linear.scatter [tilespmem:s29], [sflag:$0x4], $0x2800, $0x38;
	[tilespmem:$0x1F800] =	vst v63  }
0x3b: {  	_ =	swait.ge [sflag:s30], $0x2800  }
0x3c: {  	[sflag:s30] =	ssyncset.done $0x0  }
0x3d: {  	s6 =	rddreg [dreg:$0x11];
	[sflag:s30] =	ssyncadd.s32 $0xFFFFD800  }
0x3e: {  	[spmem:s6] =	stream.linear.scatter [tilespmem:s29], [sflag:$0x4], $0x2800, $0x38;
	[tilespmem:$0x1F800] =	vst v63  }
0x3f: {  	_ =	swait.ge [sflag:s30], $0x2800  }
0x40: {  	[sflag:s30] =	ssyncset.done $0x0  }
0x41: {  	s10 =	rddreg [dreg:$0x14];
	[sflag:s30] =	ssyncadd.s32 $0xFFFFD800  }
0x42: {  	[spmem:s10] =	stream.linear.scatter [tilespmem:s29], [sflag:$0x4], $0x2800, $0x38;
	[tilespmem:$0x1F800] =	vst v63  }
0x43: {  	_ =	swait.ge [sflag:s30], $0x2800  }
0x44: {  	[sflag:s30] =	ssyncset.done $0x0  }
0x45: {  	s12 =	rddreg [dreg:$0x15];
	[sflag:s30] =	ssyncadd.s32 $0xFFFFD800  }
0x46: {  	[spmem:s12] =	stream.linear.scatter [tilespmem:s29], [sflag:$0x4], $0x2800, $0x38;
	[tilespmem:$0x1F800] =	vst v63  }
0x47: {  	_ =	swait.ge [sflag:s30], $0x2800  }
0x48: {  	[sflag:s30] =	ssyncset.done $0x0  }
0x49: {  	s18 =	rddreg [dreg:$0x5];
	[sflag:s30] =	ssyncadd.s32 $0xFFFFD800  }
0x4a: {  	[spmem:s18] =	stream.linear.scatter [tilespmem:s29], [sflag:$0x4], $0x1F00, $0x38;
	[tilespmem:$0x1F800] =	vst v63  }
0x4b: {  	_ =	swait.ge [sflag:s30], $0x1F00  }
0x4c: {  	[sflag:s30] =	ssyncset.done $0x0  }
0x4d: {  	[sflag:s30] =	ssyncadd.s32 $0xFFFFE100  }
0x4e: {  	[bflag:$0x0] =	sbarrier.arrive $0xFFFF  }
0x4f: {  	s0 =	simm.s32 $0x0;
	s18 =	simm.s32 $0x18700;
	s22 =	rddreg [dreg:$0x7]  }
0x50: {  	[tilespmem:s18], [sflag:$0x4] =	stream.linear.gather [hbm4b:s22+s0], $0x280, $0x38;
	[tilespmem:$0x1F800] =	vst v63  }
0x51: {  	_ =	swait.ge [sflag:s30], $0x280  }
0x52: {  	s6 =	rddreg [dreg:$0x6]  }
0x53: {  	[sflag:s30] =	ssyncset.done $0x0;
	s12 =	rddreg [dreg:$0x8]  }
0x54: {  	[sflag:s30] =	ssyncadd.s32 $0xFFFFFD80;
	s10 =	sadd.s32 s6, s12;
	s6 =	simm.s32 $0x18980  }
0x55: {  	[tilespmem:s6], [sflag:$0x4] =	stream.linear.gather [hbm4b:s10+s0], $0x280, $0x38;
	[tilespmem:$0x1F800] =	vst v63  }
0x56: {  	_ =	swait.ge [sflag:s30], $0x280  }
0x57: {  	[sflag:s30] =	ssyncset.done $0x0  }
0x58: {  	[sflag:s30] =	ssyncadd.s32 $0xFFFFFD80  }
0x59: {  	[tilespmem:s29], [sflag:$0x1] =	stream.indirect.gather [hbm4b:s1+s3], $0x10, s18, s3, $0xb8;
	[tilespmem:$0x1F800] =	vst v63  }
0x5a: {  	s18 =	simm.s32 $0x18780  }
0x5b: {  	[tilespmem:s9], [sflag:$0x1] =	stream.indirect.gather [hbm4b:s1+s3], $0x10, s18, s3, $0xb8;
	[tilespmem:$0x1F800] =	vst v63  }
0x5c: {  	s22 =	simm.s32 $0x18800  }
0x5d: {  	[tilespmem:s15], [sflag:$0x1] =	stream.indirect.gather [hbm4b:s1+s3], $0x10, s22, s3, $0xb8;
	[tilespmem:$0x1F800] =	vst v63  }
0x5e: {  	s18 =	simm.s32 $0x18880  }
0x5f: {  	[tilespmem:s17], [sflag:$0x1] =	stream.indirect.gather [hbm4b:s1+s3], $0x10, s18, s3, $0xb8;
	[tilespmem:$0x1F800] =	vst v63  }
0x60: {  	s22 =	simm.s32 $0x18900;
	s18 =	rddreg [dreg:$0x12]  }
0x61: {  	[tilespmem:s19], [sflag:$0x1] =	stream.indirect.gather [hbm4b:s1+s3], $0x10, s22, s3, $0xb8;
	[tilespmem:$0x1F800] =	vst v63  }
0x62: {  	s22 =	rddreg [dreg:$0x13]  }
0x63: {  	s6 =	simm.s32 $0x18700;
	s28 =	sadd.s32 s12, s18;
	s22 =	sadd.s32 s12, s22  }
.LBB2_4:
0x64: {  	p1 =	seq.s32 s0, $0x0  }
0x65: {  	s10 =	simm.s32 @!p1 $0x2  }
0x66: {  	_ =	swait.ge @!p1 [sflag:s10], $0x800  }
0x67: {  	[sflag:s10] =	ssyncset.done @!p1 $0x0  }
0x68: {  	[sflag:s10] =	ssyncadd.s32 @!p1 $0xFFFFF800  }
0x69: {  	_ =	swait.ge @!p1 [sflag:s10], $0x800  }
0x6a: {  	[sflag:s10] =	ssyncset.done @!p1 $0x0  }
0x6b: {  	[sflag:s10] =	ssyncadd.s32 @!p1 $0xFFFFF800  }
0x6c: {  	_ =	swait.ge @!p1 [sflag:s10], $0x800  }
0x6d: {  	[sflag:s10] =	ssyncset.done @!p1 $0x0  }
0x6e: {  	[sflag:s10] =	ssyncadd.s32 @!p1 $0xFFFFF800  }
0x6f: {  	_ =	swait.ge @!p1 [sflag:s10], $0x800  }
0x70: {  	[sflag:s10] =	ssyncset.done @!p1 $0x0  }
0x71: {  	[sflag:s10] =	ssyncadd.s32 @!p1 $0xFFFFF800  }
0x72: {  	_ =	swait.ge @!p1 [sflag:s10], $0x800  }
0x73: {  	[sflag:s10] =	ssyncset.done @!p1 $0x0  }
0x74: {  	s18 =	sadd.s32 s0, s25;
	[sflag:s10] =	ssyncadd.s32 @!p1 $0xFFFFF800  }
0x75: {  	[tilespmem:s20], [sflag:$0x3] =	stream.linear.gather [hbm4b:s18+s4], $0x280, $0x38;
	[tilespmem:$0x1F800] =	vst v63  }
0x76: {  	s12 =	sadd.s32 s0, s22  }
0x77: {  	[tilespmem:s11], [sflag:$0x3] =	stream.linear.gather [hbm4b:s12+s4], $0x280, $0x38;
	[tilespmem:$0x1F800] =	vst v63  }
0x78: {  	_ =	swait.ge [sflag:s21], $0x800  }
0x79: {  	[sflag:s21] =	ssyncset.done $0x0  }
0x7a: {  	[sflag:s21] =	ssyncadd.s32 $0xFFFFF800  }
0x7b: {  	_ =	swait.ge [sflag:s21], $0x800  }
0x7c: {  	[sflag:s21] =	ssyncset.done $0x0  }
0x7d: {  	[sflag:s21] =	ssyncadd.s32 $0xFFFFF800  }
0x7e: {  	_ =	swait.ge [sflag:s21], $0x800  }
0x7f: {  	[sflag:s21] =	ssyncset.done $0x0  }
0x80: {  	[sflag:s21] =	ssyncadd.s32 $0xFFFFF800  }
0x81: {  	_ =	swait.ge [sflag:s21], $0x800  }
0x82: {  	[sflag:s21] =	ssyncset.done $0x0  }
0x83: {  	[sflag:s21] =	ssyncadd.s32 $0xFFFFF800  }
0x84: {  	_ =	swait.ge [sflag:s21], $0x800  }
0x85: {  	[sflag:s21] =	ssyncset.done $0x0  }
0x86: {  	s18 =	simm.s32 $0x18980;
	[sflag:s21] =	ssyncadd.s32 $0xFFFFF800  }
0x87: {  	[spmem:s2] =	stream.indirect.scatter.add.f32 [tilespmem:s29], [sflag:$0x2], $0x10, s18, s3, $0xb8;
	[tilespmem:$0x1F800] =	vst v63  }
0x88: {  	s12 =	simm.s32 $0x18A00  }
0x89: {  	[spmem:s2] =	stream.indirect.scatter.add.f32 [tilespmem:s9], [sflag:$0x2], $0x10, s12, s3, $0xb8;
	[tilespmem:$0x1F800] =	vst v63  }
0x8a: {  	s18 =	simm.s32 $0x18A80  }
0x8b: {  	[spmem:s2] =	stream.indirect.scatter.add.f32 [tilespmem:s15], [sflag:$0x2], $0x10, s18, s3, $0xb8;
	[tilespmem:$0x1F800] =	vst v63  }
0x8c: {  	s12 =	simm.s32 $0x18B00  }
0x8d: {  	[spmem:s2] =	stream.indirect.scatter.add.f32 [tilespmem:s17], [sflag:$0x2], $0x10, s12, s3, $0xb8;
	[tilespmem:$0x1F800] =	vst v63  }
0x8e: {  	s18 =	simm.s32 $0x18B80  }
0x8f: {  	[spmem:s2] =	stream.indirect.scatter.add.f32 [tilespmem:s19], [sflag:$0x2], $0x10, s18, s3, $0xb8;
	[tilespmem:$0x1F800] =	vst v63  }
0x90: {  	_ =	swait.ge [sflag:s23], $0x280  }
0x91: {  	[sflag:s23] =	ssyncset.done $0x0  }
0x92: {  	[sflag:s23] =	ssyncadd.s32 $0xFFFFFD80  }
0x93: {  	_ =	swait.ge [sflag:s23], $0x280  }
0x94: {  	[sflag:s23] =	ssyncset.done $0x0  }
0x95: {  	[sflag:s23] =	ssyncadd.s32 $0xFFFFFD80  }
0x96: {  	[tilespmem:s5], [sflag:$0x1] =	stream.indirect.gather [hbm4b:s1+s3], $0x10, s20, s3, $0xb8;
	[tilespmem:$0x1F800] =	vst v63  }
0x97: {  	s12 =	simm.s32 $0x18C80  }
0x98: {  	[tilespmem:s7], [sflag:$0x1] =	stream.indirect.gather [hbm4b:s1+s3], $0x10, s12, s3, $0xb8;
	[tilespmem:$0x1F800] =	vst v63  }
0x99: {  	s18 =	simm.s32 $0x18D00  }
0x9a: {  	[tilespmem:s16], [sflag:$0x1] =	stream.indirect.gather [hbm4b:s1+s3], $0x10, s18, s3, $0xb8;
	[tilespmem:$0x1F800] =	vst v63  }
0x9b: {  	s12 =	simm.s32 $0x18D80  }
0x9c: {  	[tilespmem:s31], [sflag:$0x1] =	stream.indirect.gather [hbm4b:s1+s3], $0x10, s12, s3, $0xb8;
	[tilespmem:$0x1F800] =	vst v63  }
0x9d: {  	s18 =	simm.s32 $0x18E00  }
0x9e: {  	[tilespmem:s8], [sflag:$0x1] =	stream.indirect.gather [hbm4b:s1+s3], $0x10, s18, s3, $0xb8;
	[tilespmem:$0x1F800] =	vst v63  }
0x9f: {  	_ =	swait.ge [sflag:s26], $0x800  }
0xa0: {  	[sflag:s26] =	ssyncset.done $0x0  }
0xa1: {  	[sflag:s26] =	ssyncadd.s32 $0xFFFFF800  }
0xa2: {  	_ =	swait.ge [sflag:s26], $0x800  }
0xa3: {  	[sflag:s26] =	ssyncset.done $0x0  }
0xa4: {  	[sflag:s26] =	ssyncadd.s32 $0xFFFFF800  }
0xa5: {  	_ =	swait.ge [sflag:s26], $0x800  }
0xa6: {  	[sflag:s26] =	ssyncset.done $0x0  }
0xa7: {  	[sflag:s26] =	ssyncadd.s32 $0xFFFFF800  }
0xa8: {  	_ =	swait.ge [sflag:s26], $0x800  }
0xa9: {  	[sflag:s26] =	ssyncset.done $0x0  }
0xaa: {  	[sflag:s26] =	ssyncadd.s32 $0xFFFFF800  }
0xab: {  	p1 =	seq.s32 s0, $0x17C0;
	_ =	swait.ge [sflag:s26], $0x800  }
0xac: {  	s10 =	sadd.s32 @!p1 s0, s24;
	[sflag:s26] =	ssyncset.done $0x0  }
0xad: {  	s12 =	simm.s32 @!p1 $0x0;
	s18 =	simm.s32 @!p1 $0x18700;
	[sflag:s26] =	ssyncadd.s32 $0xFFFFF800  }
0xae: {  	[tilespmem:s18], [sflag:$0x3] =	stream.linear.gather @!p1 [hbm4b:s10+s12], $0x280, $0x38;
	[tilespmem:$0x1F800] =	vst v63  }
0xaf: {  	s10 =	sadd.s32 @!p1 s0, s28;
	s18 =	simm.s32 @!p1 $0x18980  }
0xb0: {  	[tilespmem:s18], [sflag:$0x3] =	stream.linear.gather @!p1 [hbm4b:s10+s12], $0x280, $0x38;
	[tilespmem:$0x1F800] =	vst v63  }
0xb1: {  	_ =	swait.ge [sflag:s21], $0x800  }
0xb2: {  	[sflag:s21] =	ssyncset.done $0x0  }
0xb3: {  	[sflag:s21] =	ssyncadd.s32 $0xFFFFF800  }
0xb4: {  	_ =	swait.ge [sflag:s21], $0x800  }
0xb5: {  	[sflag:s21] =	ssyncset.done $0x0  }
0xb6: {  	[sflag:s21] =	ssyncadd.s32 $0xFFFFF800  }
0xb7: {  	_ =	swait.ge [sflag:s21], $0x800  }
0xb8: {  	[sflag:s21] =	ssyncset.done $0x0  }
0xb9: {  	[sflag:s21] =	ssyncadd.s32 $0xFFFFF800  }
0xba: {  	_ =	swait.ge [sflag:s21], $0x800  }
0xbb: {  	[sflag:s21] =	ssyncset.done $0x0  }
0xbc: {  	[sflag:s21] =	ssyncadd.s32 $0xFFFFF800  }
0xbd: {  	_ =	swait.ge [sflag:s21], $0x800  }
0xbe: {  	[sflag:s21] =	ssyncset.done $0x0  }
0xbf: {  	[sflag:s21] =	ssyncadd.s32 $0xFFFFF800  }
0xc0: {  	[spmem:s2] =	stream.indirect.scatter.add.f32 [tilespmem:s5], [sflag:$0x2], $0x10, s11, s3, $0xb8;
	[tilespmem:$0x1F800] =	vst v63  }
0xc1: {  	s12 =	simm.s32 $0x18F00  }
0xc2: {  	[spmem:s2] =	stream.indirect.scatter.add.f32 [tilespmem:s7], [sflag:$0x2], $0x10, s12, s3, $0xb8;
	[tilespmem:$0x1F800] =	vst v63  }
0xc3: {  	s18 =	simm.s32 $0x18F80  }
0xc4: {  	[spmem:s2] =	stream.indirect.scatter.add.f32 [tilespmem:s16], [sflag:$0x2], $0x10, s18, s3, $0xb8;
	[tilespmem:$0x1F800] =	vst v63  }
.Ltmp1:
0xc5: {  	_ = 	snop;
	(pc) =	sbr.rel @p1 .LBB2_6-.Ltmp1, $4  }
0xc6: {  	s12 =	simm.s32 $0x19000  }
0xc7: {  	[spmem:s2] =	stream.indirect.scatter.add.f32 [tilespmem:s31], [sflag:$0x2], $0x10, s12, s3, $0xb8;
	[tilespmem:$0x1F800] =	vst v63  }
0xc8: {  	s18 =	simm.s32 $0x19080  }
0xc9: {  	[spmem:s2] =	stream.indirect.scatter.add.f32 [tilespmem:s8], [sflag:$0x2], $0x10, s18, s3, $0xb8;
	[tilespmem:$0x1F800] =	vst v63  }
0xca: {  	_ =	swait.ge [sflag:s23], $0x280  }
0xcb: {  	[sflag:s23] =	ssyncset.done $0x0  }
0xcc: {  	[sflag:s23] =	ssyncadd.s32 $0xFFFFFD80  }
0xcd: {  	_ =	swait.ge [sflag:s23], $0x280  }
0xce: {  	[sflag:s23] =	ssyncset.done $0x0  }
0xcf: {  	[sflag:s23] =	ssyncadd.s32 $0xFFFFFD80  }
0xd0: {  	[tilespmem:s29], [sflag:$0x1] =	stream.indirect.gather [hbm4b:s1+s3], $0x10, s6, s3, $0xb8;
	[tilespmem:$0x1F800] =	vst v63  }
0xd1: {  	s10 =	simm.s32 $0x18780  }
0xd2: {  	[tilespmem:s9], [sflag:$0x1] =	stream.indirect.gather [hbm4b:s1+s3], $0x10, s10, s3, $0xb8;
	[tilespmem:$0x1F800] =	vst v63  }
0xd3: {  	s18 =	simm.s32 $0x18800  }
0xd4: {  	[tilespmem:s15], [sflag:$0x1] =	stream.indirect.gather [hbm4b:s1+s3], $0x10, s18, s3, $0xb8;
	[tilespmem:$0x1F800] =	vst v63  }
.Ltmp2:
0xd5: {  	_ = 	snop;
	(pc) =	sbr.rel .LBB2_4-.Ltmp2, $4  }
0xd6: {  	s12 =	simm.s32 $0x18880  }
0xd7: {  	[tilespmem:s17], [sflag:$0x1] =	stream.indirect.gather [hbm4b:s1+s3], $0x10, s12, s3, $0xb8;
	[tilespmem:$0x1F800] =	vst v63  }
0xd8: {  	s0 =	sadd.s32 $0xA0, s0;
	s18 =	simm.s32 $0x18900  }
0xd9: {  	[tilespmem:s19], [sflag:$0x1] =	stream.indirect.gather [hbm4b:s1+s3], $0x10, s18, s3, $0xb8;
	[tilespmem:$0x1F800] =	vst v63  }
.LBB2_6:
0xda: {  	_ =	swait.ge [sflag:s26], $0x800  }
0xdb: {  	[sflag:s26] =	ssyncset.done $0x0  }
0xdc: {  	[sflag:s26] =	ssyncadd.s32 $0xFFFFF800  }
0xdd: {  	_ =	swait.ge [sflag:s26], $0x800  }
0xde: {  	[sflag:s26] =	ssyncset.done $0x0  }
0xdf: {  	[sflag:s26] =	ssyncadd.s32 $0xFFFFF800  }
0xe0: {  	_ =	swait.ge [sflag:s26], $0x800  }
0xe1: {  	[sflag:s26] =	ssyncset.done $0x0  }
0xe2: {  	[sflag:s26] =	ssyncadd.s32 $0xFFFFF800  }
0xe3: {  	_ =	swait.ge [sflag:s26], $0x800  }
0xe4: {  	[sflag:s26] =	ssyncset.done $0x0  }
0xe5: {  	[sflag:s26] =	ssyncadd.s32 $0xFFFFF800  }
0xe6: {  	_ =	swait.ge [sflag:s26], $0x800  }
0xe7: {  	s0 =	simm.s32 @!p0 $0x0;
	[sflag:s26] =	ssyncset.done $0x0  }
0xe8: {  	s10 =	simm.s32 @!p0 $0x18700;
	s12 =	rddreg [dreg:$0xa];
	[sflag:s26] =	ssyncadd.s32 $0xFFFFF800  }
0xe9: {  	[tilespmem:s10], [sflag:$0x4] =	stream.linear.gather @!p0 [hbm4b:s12+s0], $0x80, $0x38;
	[tilespmem:$0x1F800] =	vst v63  }
0xea: {  	s12 =	simm.s32 @!p0 $0x4  }
0xeb: {  	_ =	swait.ge @!p0 [sflag:s12], $0x80  }
0xec: {  	s18 =	rddreg [dreg:$0x8]  }
0xed: {  	[sflag:s12] =	ssyncset.done @!p0 $0x0;
	s22 =	rddreg [dreg:$0x9]  }
0xee: {  	s18 =	sadd.s32 @!p0 s22, s18;
	[sflag:s12] =	ssyncadd.s32 @!p0 $0xFFFFFF80;
	s22 =	simm.s32 @!p0 $0x18980  }
0xef: {  	[tilespmem:s22], [sflag:$0x4] =	stream.linear.gather @!p0 [hbm4b:s18+s0], $0x80, $0x38;
	[tilespmem:$0x1F800] =	vst v63  }
0xf0: {  	_ =	swait.ge @!p0 [sflag:s12], $0x80  }
0xf1: {  	[sflag:s12] =	ssyncset.done @!p0 $0x0  }
0xf2: {  	s0 =	simm.s32 @!p0 $0x80;
	s18 =	simm.s32 @!p0 $0x19100;
	[sflag:s12] =	ssyncadd.s32 @!p0 $0xFFFFFF80  }
0xf3: {  	[tilespmem:s18], [sflag:$0x1] =	stream.indirect.gather @!p0 [hbm4b:s1+s0], $0x10, s10, s0, $0xb8;
	[tilespmem:$0x1F800] =	vst v63  }
0xf4: {  	s10 =	simm.s32 @!p0 $0x1  }
0xf5: {  	_ =	swait.ge @!p0 [sflag:s10], $0x800  }
0xf6: {  	[sflag:s10] =	ssyncset.done @!p0 $0x0  }
0xf7: {  	[sflag:s10] =	ssyncadd.s32 @!p0 $0xFFFFF800  }
0xf8: {  	[spmem:s2] =	stream.indirect.scatter.add.f32 @!p0 [tilespmem:s18], [sflag:$0x4], $0x10, s22, s0, $0xb8;
	[tilespmem:$0x1F800] =	vst v63  }
0xf9: {  	_ =	swait.ge @!p0 [sflag:s12], $0x800  }
0xfa: {  	[sflag:s12] =	ssyncset.done @!p0 $0x0  }
0xfb: {  	[sflag:s12] =	ssyncadd.s32 @!p0 $0xFFFFF800  }
0xfc: {  	[bflag:$0x0] =	sbarrier.arrive $0xFFFF  }
0xfd: {  	s0 =	simm.s32 $0x0;
	s12 =	simm.s32 $0x1E100;
	s6 =	rddreg [dreg:$0x16]  }
.LBB2_7:
0xfe: {  	s10 =	smul.u32 $0x170, s0;
	_ =	sdelay $0x1  }
0xff: {  	s10 =	sadd.s32 s6, s10  }
0x100: {  	s10 =	sshll.u32 s10, $0x4  }
0x101: {  	s10 =	sand.u32 $0x3FFFFFF0, s10  }
0x102: {  	s10 =	sadd.s32 s10, s2  }
0x103: {  	[tilespmem:s29], [sflag:$0x4] =	stream.linear.gather [spmem:s10], $0x1700, $0x38;
	[tilespmem:$0x1F800] =	vst v63  }
0x104: {  	_ =	swait.ge [sflag:s30], $0x1700  }
0x105: {  	[sflag:s30] =	ssyncset.done $0x0  }
0x106: {  	s22 =	simm.s32 $0x0;
	[sflag:s30] =	ssyncadd.s32 $0xFFFFE900  }
0x107: {  	v4 =	vld [tilespmem:s22+$0x19170]  }
0x108: {  	v5 =	vld [tilespmem:s22+$0x19100]  }
0x109: {  	v6 =	vld [tilespmem:s22+$0x19110]  }
0x10a: {  	v3 =	vld [tilespmem:s22+$0x19120]  }
0x10b: {  	v1 =	vld [tilespmem:s22+$0x19130]  }
0x10c: {  	v2 =	vld [tilespmem:s22+$0x19140];
	[tilespmem:s22+$0x1E170] =	vst v4  }
0x10d: {  	[tilespmem:s22+$0x1E100] =	vst v5;
	v4 =	vld [tilespmem:s22+$0x19150]  }
0x10e: {  	s28 =	simm.s32 $0x80;
	s10 =	simm.s32 $0x400;
	[tilespmem:s22+$0x1E110] =	vst v6;
	v5 =	vld [tilespmem:s22+$0x19160]  }
.LBB2_8:
0x10f: {  	p1 =	sne.s32 s10, $0x5A00;
	v6 =	vld [tilespmem:s28+$0x19170];
	[tilespmem:s22+$0x1E120] =	vst v3  }
0x110: {  	v7 =	vld [tilespmem:s28+$0x19100];
	[tilespmem:s22+$0x1E130] =	vst v1  }
0x111: {  	v8 =	vld [tilespmem:s28+$0x19110];
	[tilespmem:s22+$0x1E140] =	vst v2  }
.Ltmp3:
0x112: {  	v3 =	vld [tilespmem:s28+$0x19120];
	[tilespmem:s22+$0x1E150] =	vst v4;
	(pc) =	sbr.rel @p1 .LBB2_8-.Ltmp3, $4  }
0x113: {  	v1 =	vld [tilespmem:s28+$0x19130];
	[tilespmem:s22+$0x1E160] =	vst v5;
	s22 =	smov.u32 s28  }
0x114: {  	v2 =	vld [tilespmem:s22+$0x19140];
	[tilespmem:s22+$0x1E170] =	vst v6  }
0x115: {  	[tilespmem:s22+$0x1E100] =	vst v7;
	v4 =	vld [tilespmem:s22+$0x19150]  }
0x116: {  	s28 =	sshra.s32 s10, $0x2;
	s10 =	sadd.s32 $0x200, s10;
	[tilespmem:s22+$0x1E110] =	vst v8;
	v5 =	vld [tilespmem:s22+$0x19160]  }
0x117: {  	v6 =	vld [tilespmem:s28+$0x19170];
	[tilespmem:s22+$0x1E120] =	vst v3  }
0x118: {  	v3 =	vld [tilespmem:s28+$0x19100];
	[tilespmem:s22+$0x1E130] =	vst v1  }
0x119: {  	v1 =	vld [tilespmem:s28+$0x19110];
	[tilespmem:s22+$0x1E140] =	vst v2  }
0x11a: {  	v2 =	vld [tilespmem:s28+$0x19120];
	[tilespmem:s22+$0x1E150] =	vst v4  }
0x11b: {  	v4 =	vld [tilespmem:s28+$0x19130];
	[tilespmem:s22+$0x1E160] =	vst v5  }
0x11c: {  	v5 =	vld [tilespmem:s28+$0x19140];
	[tilespmem:s28+$0x1E170] =	vst v6  }
0x11d: {  	[tilespmem:s28+$0x1E100] =	vst v3;
	v3 =	vld [tilespmem:s28+$0x19150]  }
0x11e: {  	[tilespmem:s28+$0x1E110] =	vst v1;
	v1 =	vld [tilespmem:s28+$0x19160]  }
0x11f: {  	[tilespmem:s28+$0x1E120] =	vst v2  }
0x120: {  	s10 =	smul.u32 $0x2E0, s0;
	[tilespmem:s28+$0x1E130] =	vst v4  }
0x121: {  	s0 =	sadd.s32 $0x1, s0;
	[tilespmem:s28+$0x1E140] =	vst v5  }
0x122: {  	p1 =	sne.s32 s0, $0x11;
	s10 =	sadd.s32 s13, s10;
	[tilespmem:s28+$0x1E150] =	vst v3  }
.Ltmp4:
0x123: {  	s10 =	sadd.s32 s10, s14;
	[tilespmem:s28+$0x1E160] =	vst v1;
	(pc) =	sbr.rel @p1 .LBB2_7-.Ltmp4, $4  }
0x124: {  	[hbm4b:s10+s4] =	stream.linear.scatter [tilespmem:s12], [sflag:$0x4], $0x1700, $0x38;
	[tilespmem:$0x1F800] =	vst v63  }
0x125: {  	_ =	swait.ge [sflag:s30], $0x1700  }
0x126: {  	[sflag:s30] =	ssyncset.done $0x0  }
0x127: {  	[sflag:s30] =	ssyncadd.s32 $0xFFFFE900  }
0x128: {  	s10 =	rddreg [dreg:$0x17]  }
0x129: {  	s0 =	rddreg [dreg:$0xb];
	s10 =	sadd.s32 $0x1, s10  }
0x12a: {  	p1 =	sne.s32 s10, s0  }
.Ltmp5:
0x12b: {  	_ = 	snop;
	(pc) =	sbr.rel @p1 .LBB2_1-.Ltmp5, $1  }
0x12c: {  	_ =	sdelay $0x3  }
0x12d: {  	_ =	sfence.sel $0x180000  }
0x12e: {  	[bflag:$0x0] =	sbarrier.arrive $0xFFFF  }
0x12f: {  	_ =	strace $0x9000004A  }
0x130: {  	s0 =	stileid.u32;
	[bflag:$0x2] =	sbarrier.arrive $0xFFFF  }
0x131: {  	p0 =	sne.s32 s0, $0x0;
	s0 =	rddreg [dreg:$0x3]  }
0x132: {  	s0 =	sadd.s32 @!p0 $0x100000, s0  }
0x133: {  	[sflag:s0] =	ssyncadd.tile.s32 @!p0 $0x1;
	_ =	shalt  }
.Lfunc_end2:
_tile_overlayer_lowered:
.L_overlay_start_2:
0x134: {  	(tag) =	ssettag $0x2  }
0x135: {  	s0 =	rddreg [dreg:$0x0];
	s2 =	stileid.u32  }
0x136: {  	s1 =	rddreg [dreg:$0x1];
	p0 =	sne.s32 s2, $0x0  }
0x137: {  	s3 =	rddreg [dreg:$0x2];
	[bflag:$0x3] =	sbarrier.arrive $0xFFFF;
	s2 =	simm.s32 @!p0 $0x1C04  }
0x138: {  	[timem:s3], [sflag:s2] =	dma.local @!p0 [hbm:s0], s1  }
0x139: {  	s0 =	simm.s32 @!p0 $0x4  }
0x13a: {  	_ =	swait.ge @!p0 [sflag:s0], s1  }
0x13b: {  	s1 =	ssub.s32 @!p0 $0x0, s1;
	[sflag:s0] =	ssyncset.done @!p0 $0x0  }
0x13c: {  	[sflag:s0] =	ssyncadd.s32 @!p0 s1  }
0x13d: {  	[bflag:$0x3] =	sbarrier.arrive $0xFFFF  }
0x13e: {  	_ =	shalt  }

</sc_bundles>
